<compile_context>
chip_gen: v7x
topology: tpu7x:2x2x1
jax: 0.10.2.dev20260603
libtpu: 0.0.44.dev20260713+nightly
codegen_flags: <defaults>
</compile_context>

<pallas_src>
import functools
import math

import jax
import jax.numpy as jnp
from jax import lax
from jax.experimental import pallas as pl
from jax.experimental.pallas import tpu as pltpu
from jax.experimental.pallas import tpu_sc as plsc

B = 2048
D = 1024
H = 1024
E = 8
K = 2
P = B * K
BMG = 256
NR = P + E * BMG
NBLK = NR // BMG
NT = 16
PT = P // NT
NRT = NR // NT
NW = 32
GR = NR // NW
GC = 96

CNT_OFF = 0
GIX_OFF = 256
ROW_OFF = 256 + NR
WRW_OFF = 256 + 2 * NR
SHM_LEN = 256 + 3 * NR


def _rank_and_last(v):
    cum = jnp.zeros((16,), jnp.int32)
    lastm = jnp.zeros((16,), jnp.bool_)
    for e in range(E):
        m = v == e
        mi = m.astype(jnp.int32)
        ci = plsc.cumsum(mi)
        rc = lax.rev(plsc.cumsum(lax.rev(mi, (0,))), (0,))
        cum = cum + jnp.where(m, ci, 0)
        lastm = lastm | (m & (rc == 1))
    return cum, lastm


def _routing_body(idxf, hwf, x_hbm, wrow, rowp, bexp, xs,
                  shm, idx_v, hw_v, hwi_v, cnt_v, cmat_v, base_v, cumb_v,
                  posb, tokb, pb, pwb, zb_i, zb_f, bexp_b, idxg_v, rows_v, sem):
    c = lax.axis_index("c")
    s = lax.axis_index("s")
    lane = lax.broadcasted_iota(jnp.int32, (16,), 0)

    base = s * PT
    pltpu.sync_copy(idxf.at[pl.ds(base, PT)], idx_v)
    pltpu.sync_copy(hwf.at[pl.ds(base, PT)], hw_v)

    cnt_v[...] = jnp.zeros((16,), jnp.int32)

    def _hist(ch, _):
        v = idx_v[pl.ds(ch * 16, 16)]
        cum, lastm = _rank_and_last(v)
        g0 = plsc.load_gather(cnt_v, [v])
        plsc.store_scatter(cnt_v, [v], g0 + cum, mask=lastm)
        hwi_v[pl.ds(ch * 16, 16)] = plsc.bitcast(hw_v[pl.ds(ch * 16, 16)], jnp.int32)
        return 0

    lax.fori_loop(0, PT // 16, _hist, 0)
    pltpu.sync_copy(cnt_v, shm.at[pl.ds(CNT_OFF + s * 16, 16)])

    def _zfill(ch, _):
        zb_i[pl.ds(ch * 16, 16)] = jnp.zeros((16,), jnp.int32)
        return 0

    lax.fori_loop(0, NRT // 16, _zfill, 0)
    pltpu.sync_copy(zb_i, shm.at[pl.ds(GIX_OFF + s * NRT, NRT)])
    pltpu.sync_copy(zb_i, shm.at[pl.ds(WRW_OFF + s * NRT, NRT)])

    def _zfill2(ch, _):
        zb_i[pl.ds(ch * 16, 16)] = jnp.full((16,), P, jnp.int32)
        return 0

    lax.fori_loop(0, NRT // 16, _zfill2, 0)
    pltpu.sync_copy(zb_i, shm.at[pl.ds(ROW_OFF + s * NRT, NRT)])

    plsc.subcore_barrier()

    pltpu.sync_copy(shm.at[pl.ds(CNT_OFF, NT * 16)], cmat_v)
    total = jnp.zeros((16,), jnp.int32)
    before = jnp.zeros((16,), jnp.int32)
    for t in range(NT):
        row = cmat_v[pl.ds(t * 16, 16)]
        total = total + row
        before = before + row * (s > t).astype(jnp.int32)
    padded = ((total + (BMG - 1)) // BMG) * BMG
    startv = plsc.cumsum(padded) - padded
    base_v[...] = startv + before

    nb_v = padded // BMG
    startb = plsc.cumsum(nb_v) - nb_v
    bexp_b[pl.ds(0, 16)] = jnp.full((16,), -1, jnp.int32)
    bexp_b[pl.ds(16, 16)] = jnp.full((16,), -1, jnp.int32)

    def _bexp(j, _):
        m = (nb_v > j) & (lane < E)
        plsc.store_scatter(bexp_b, [startb + j], lane, mask=m)
        return 0

    lax.fori_loop(0, 16, _bexp, 0)

    @pl.when(s == 0)
    def _():
        pltpu.sync_copy(bexp_b, bexp)

    for g in range(4):
        def _scan(ch2, _):
            ch = g * 4 + ch2
            v = idx_v[pl.ds(ch * 16, 16)]
            p_vec = (base + ch * 16) + lane
            tok = p_vec // K
            cum, lastm = _rank_and_last(v)
            g0 = plsc.load_gather(base_v, [v])
            plsc.store_scatter(base_v, [v], g0 + cum, mask=lastm)
            pos = g0 + cum - 1
            posb[g, pl.ds(ch2 * 16, 16)] = pos + GIX_OFF
            pb[g, pl.ds(ch2 * 16, 16)] = pos + ROW_OFF
            pwb[g, pl.ds(ch2 * 16, 16)] = pos + WRW_OFF
            tokb[g, pl.ds(ch2 * 16, 16)] = tok
            return 0

        lax.fori_loop(0, 4, _scan, 0)

    plsc.subcore_barrier()

    for g in range(4):
        pltpu.sync_copy(tokb.at[g], shm.at[posb.at[g]])
        pltpu.sync_copy(hwi_v.at[pl.ds(g * 64, 64)], shm.at[pwb.at[g]])

    for g in range(4):
        def _pfill(ch2, _):
            tokb[g, pl.ds(ch2 * 16, 16)] = (base + g * 64 + ch2 * 16) + lane
            return 0
        lax.fori_loop(0, 4, _pfill, 0)
        pltpu.sync_copy(tokb.at[g], shm.at[pb.at[g]])

    plsc.subcore_barrier()

    @pl.when(c == 0)
    def _():
        pltpu.sync_copy(shm.at[pl.ds(WRW_OFF + s * NRT, NRT)], zb_i)

        def _bc(ch, _):
            zb_f[pl.ds(ch * 16, 16)] = plsc.bitcast(zb_i[pl.ds(ch * 16, 16)], jnp.float32)
            return 0

        lax.fori_loop(0, NRT // 16, _bc, 0)
        pltpu.sync_copy(zb_f, wrow.at[pl.ds(s * NRT, NRT)])
        pltpu.sync_copy(shm.at[pl.ds(ROW_OFF + s * NRT, NRT)], zb_i)
        pltpu.sync_copy(zb_i, rowp.at[pl.ds(s * NRT, NRT)])

    w = s * 2 + c
    for j in range(GR // GC):
        o = w * GR + j * GC
        pltpu.sync_copy(shm.at[pl.ds(GIX_OFF + o, GC)], idxg_v)
        pltpu.async_copy(x_hbm.at[idxg_v], rows_v, sem).wait()
        pltpu.sync_copy(rows_v, xs.at[pl.ds(o, GC)])


_routing = pl.kernel(
    _routing_body,
    mesh=plsc.VectorSubcoreMesh(core_axis_name="c", subcore_axis_name="s"),
    out_type=[
        jax.ShapeDtypeStruct((NR,), jnp.float32),
        jax.ShapeDtypeStruct((NR,), jnp.int32),
        jax.ShapeDtypeStruct((32,), jnp.int32),
        jax.ShapeDtypeStruct((NR, D), jnp.float32),
    ],
    scratch_types=[
        pltpu.VMEM_SHARED((SHM_LEN,), jnp.int32),
        pltpu.VMEM((PT,), jnp.int32),
        pltpu.VMEM((PT,), jnp.float32),
        pltpu.VMEM((PT,), jnp.int32),
        pltpu.VMEM((16,), jnp.int32),
        pltpu.VMEM((NT * 16,), jnp.int32),
        pltpu.VMEM((16,), jnp.int32),
        pltpu.VMEM((16,), jnp.int32),
        pltpu.VMEM((4, 64), jnp.int32),
        pltpu.VMEM((4, 64), jnp.int32),
        pltpu.VMEM((4, 64), jnp.int32),
        pltpu.VMEM((4, 64), jnp.int32),
        pltpu.VMEM((NRT,), jnp.int32),
        pltpu.VMEM((NRT,), jnp.float32),
        pltpu.VMEM((32,), jnp.int32),
        pltpu.VMEM((GC,), jnp.int32),
        pltpu.VMEM((GC, D), jnp.float32),
        pltpu.SemaphoreType.DMA,
    ],
    compiler_params=pltpu.CompilerParams(needs_layout_passes=False),
)


def _gmm_body(bexp_ref, xs_ref, w_ref, W1_ref, b1_ref, W2_ref, b2_ref, out_ref):
    i = pl.program_id(0)
    be = bexp_ref[i]

    @pl.when(be >= 0)
    def _():
        x = xs_ref[...].astype(jnp.bfloat16)
        h = jnp.dot(x, W1_ref[0].astype(jnp.bfloat16),
                    preferred_element_type=jnp.float32) + b1_ref[0]
        h = 0.5 * h * (1.0 + jax.lax.erf(h * (1.0 / math.sqrt(2.0))))
        y = jnp.dot(h.astype(jnp.bfloat16), W2_ref[0].astype(jnp.bfloat16),
                    preferred_element_type=jnp.float32) + b2_ref[0]
        out_ref[...] = y * w_ref[...]


def _scatter_body(ys, rowp_h, yflat, iv, rv, sem):
    c = lax.axis_index("c")
    s = lax.axis_index("s")
    w = s * 2 + c
    for j in range(GR // GC):
        o = w * GR + j * GC
        pltpu.sync_copy(rowp_h.at[pl.ds(o, GC)], iv)
        pltpu.sync_copy(ys.at[pl.ds(o, GC)], rv)
        pltpu.sync_copy(rv, yflat.at[iv])


_scatter = pl.kernel(
    _scatter_body,
    mesh=plsc.VectorSubcoreMesh(core_axis_name="c", subcore_axis_name="s"),
    out_type=[jax.ShapeDtypeStruct((P + 2, D), jnp.float32)],
    scratch_types=[
        pltpu.VMEM((GC,), jnp.int32),
        pltpu.VMEM((GC, D), jnp.float32),
        pltpu.SemaphoreType.DMA,
    ],
    compiler_params=pltpu.CompilerParams(needs_layout_passes=False),
)


def _comb_body(y_ref, o_ref):
    y = y_ref[...]
    o_ref[...] = y[:, :D] + y[:, D:]


def kernel(x_modality, expert_indices, hard_weights, W1, b1, W2, b2):
    idxf = expert_indices.astype(jnp.int32).reshape(P)
    hwf = hard_weights.reshape(P)
    b1r = b1.reshape(E, 1, H)
    b2r = b2.reshape(E, 1, D)

    wrowv, rowp, bexp, xs = _routing(idxf, hwf, x_modality)

    ys = pl.pallas_call(
        _gmm_body,
        grid_spec=pltpu.PrefetchScalarGridSpec(
            num_scalar_prefetch=1,
            grid=(NBLK,),
            in_specs=[
                pl.BlockSpec((BMG, D), lambda i, be: (i, 0)),
                pl.BlockSpec((BMG, 1), lambda i, be: (i, 0)),
                pl.BlockSpec((1, D, H), lambda i, be: (jnp.maximum(be[i], 0), 0, 0)),
                pl.BlockSpec((1, 1, H), lambda i, be: (jnp.maximum(be[i], 0), 0, 0)),
                pl.BlockSpec((1, H, D), lambda i, be: (jnp.maximum(be[i], 0), 0, 0)),
                pl.BlockSpec((1, 1, D), lambda i, be: (jnp.maximum(be[i], 0), 0, 0)),
            ],
            out_specs=pl.BlockSpec((BMG, D), lambda i, be: (i, 0)),
        ),
        out_shape=jax.ShapeDtypeStruct((NR, D), jnp.float32),
        compiler_params=pltpu.CompilerParams(
            dimension_semantics=("arbitrary",),
        ),
    )(bexp[:NBLK], xs, wrowv.reshape(NR, 1), W1, b1r, W2, b2r)

    yflat = _scatter(ys, rowp)[0]
    yr = yflat.reshape((P + 2) // 2, 2 * D)

    BMC = 256
    return pl.pallas_call(
        _comb_body,
        grid=(B // BMC,),
        in_specs=[pl.BlockSpec((BMC, 2 * D), lambda i: (i, 0))],
        out_specs=pl.BlockSpec((BMC, D), lambda i: (i, 0)),
        out_shape=jax.ShapeDtypeStruct((B, D), jnp.float32),
    )(yr)

# --- scband reference (transcript-rebuilt; emitter-appended) ---
"""Pipeline reference for scband-sparse-expert-application-24068996727035 (READ-ONLY COPY).

The authoritative reference and input builder live on the scoring server;
editing this copy changes nothing except your own understanding.
"""

import jax, jax.numpy as jnp
import numpy as np

B = 2048
D = 1024
H = 1024
E = 8
TOP_K = 2


def setup_inputs(seed: int = 0) -> dict:
    key = jax.random.key(seed)
    k1, k2, k3, k4, k5, k6, k7 = jax.random.split(key, 7)
    x_modality = jax.random.normal(k1, (B, D), dtype=jnp.float32)
    expert_indices = jax.random.randint(k2, (B, TOP_K), 0, E, dtype=jnp.int64)
    hard_weights = jax.random.uniform(k3, (B, TOP_K), dtype=jnp.float32)
    # Expert parameters: experts[e] = Linear(D,H) -> GELU -> Linear(H,D)
    lim1 = 1.0 / np.sqrt(D)
    lim2 = 1.0 / np.sqrt(H)
    W1 = jax.random.uniform(k4, (E, D, H), dtype=jnp.float32, minval=-lim1, maxval=lim1)
    b1 = jax.random.uniform(k5, (E, H), dtype=jnp.float32, minval=-lim1, maxval=lim1)
    W2 = jax.random.uniform(k6, (E, H, D), dtype=jnp.float32, minval=-lim2, maxval=lim2)
    b2 = jax.random.uniform(k7, (E, D), dtype=jnp.float32, minval=-lim2, maxval=lim2)
    return {"x_modality": x_modality, "expert_indices": expert_indices,
            "hard_weights": hard_weights, "W1": W1, "b1": b1, "W2": W2, "b2": b2}


def reference(x_modality, expert_indices, hard_weights, W1, b1, W2, b2):
    # Faithful to the torch module: for each of top_k slots, run the selected
    # expert MLP on each token and accumulate with the hard routing weight.
    # Per-token expert weights are gathered (SparseCore-friendly gather), then
    # applied via batched matmul so math matches expert(x[j:j+1]) exactly.
    top_k = expert_indices.shape[1]
    output = jnp.zeros_like(x_modality)
    for i in range(top_k):
        idx = expert_indices[:, i]                      # [B]
        w = hard_weights[:, i]                          # [B]
        W1s = jnp.take(W1, idx, axis=0)                 # [B, D, H]
        b1s = jnp.take(b1, idx, axis=0)                 # [B, H]
        W2s = jnp.take(W2, idx, axis=0)                 # [B, H, D]
        b2s = jnp.take(b2, idx, axis=0)                 # [B, D]
        h = jnp.einsum('bd,bdh->bh', x_modality, W1s) + b1s
        h = jax.nn.gelu(h, approximate=False)           # torch GELU is exact erf
        expert_output = jnp.einsum('bh,bhd->bd', h, W2s) + b2s
        output = output + w[:, None] * expert_output
    return output

if __name__ == "__main__":
    import jax
    _d = setup_inputs()
    print(jax.jit(kernel)(*tuple(_d.values())))

</pallas_src>

<mosaic_0001>
#map = affine_map<(d0, d1) -> (0, 0)>
#map1 = affine_map<(d0, d1) -> (0)>
module attributes {stable_mosaic.version = 14 : i64} {
  func.func @_scatter_body(%arg0: i32, %arg1: i32, %arg2: memref<6144x1024xf32, #tpu.memory_space<hbm>>, %arg3: memref<6144xi32, #tpu.memory_space<hbm>>, %arg4: memref<4098x1024xf32, #tpu.memory_space<hbm>>, %arg5: memref<96xi32, #tpu.memory_space<vmem>>, %arg6: memref<96x1024xf32, #tpu.memory_space<vmem>>, %arg7: memref<!tpu.dma_semaphore, #tpu.memory_space<semaphore_mem>>) attributes {dimension_semantics = [#tpu.dimension_semantics<core_parallel>, #tpu.dimension_semantics<subcore_parallel>], iteration_bounds = array<i64: 2, 16>, scalar_prefetch = 0 : i64, scratch_operands = 3 : i64, tpu.core_type = #tpu.core_type<sc_vector_subcore>, window_params = [{transform_indices = #map}, {transform_indices = #map1}, {transform_indices = #map}]} {
    %mul3A = arith.constant 2 : i32
    %mul3A_0 = arith.muli %arg1, %mul3A : i32
    %add3A = arith.addi %mul3A_0, %arg0 : i32
    %mul3A_1 = arith.constant 192 : i32
    %mul3A_2 = arith.muli %add3A, %mul3A_1 : i32
    %add3A_3 = arith.constant 0 : i32
    %add3A_4 = arith.addi %mul3A_2, %add3A_3 : i32
    "tpu.region"() ({
      %run_scoped3A = tpu.sem_alloc : memref<!tpu.dma_semaphore, #tpu.memory_space<semaphore_mem>>
      %dma_start3A = tpu.memref_slice %arg3[%add3A_4] : memref<6144xi32, #tpu.memory_space<hbm>> -> memref<96xi32, #tpu.memory_space<hbm>>
      %dma_start3A_9 = tpu.memref_slice %arg3[%add3A_4] : memref<6144xi32, #tpu.memory_space<hbm>> -> memref<96xi32, #tpu.memory_space<hbm>>
      tpu.enqueue_dma source(%dma_start3A_9 : memref<96xi32, #tpu.memory_space<hbm>>) target(%arg5 : memref<96xi32, #tpu.memory_space<vmem>>) target_semaphore(%run_scoped3A : memref<!tpu.dma_semaphore, #tpu.memory_space<semaphore_mem>>)
      %dma_wait3A = tpu.memref_slice %arg3[%add3A_4] : memref<6144xi32, #tpu.memory_space<hbm>> -> memref<96xi32, #tpu.memory_space<hbm>>
      %dma_wait3A_10 = tpu.memref_slice %arg3[%add3A_4] : memref<6144xi32, #tpu.memory_space<hbm>> -> memref<96xi32, #tpu.memory_space<hbm>>
      tpu.wait_dma2 semaphore(%run_scoped3A : memref<!tpu.dma_semaphore, #tpu.memory_space<semaphore_mem>>) src(%dma_wait3A_10 : memref<96xi32, #tpu.memory_space<hbm>>) dst(%arg5 : memref<96xi32, #tpu.memory_space<vmem>>)
      tpu.yield
    }) : () -> ()
    "tpu.region"() ({
      %run_scoped3A = tpu.sem_alloc : memref<!tpu.dma_semaphore, #tpu.memory_space<semaphore_mem>>
      %dma_start3A = arith.constant 0 : i32
      %dma_start3A_9 = tpu.memref_slice %arg2[%add3A_4, %dma_start3A] : memref<6144x1024xf32, #tpu.memory_space<hbm>> -> memref<96x1024xf32, #tpu.memory_space<hbm>>
      %dma_start3A_10 = arith.constant 0 : i32
      %dma_start3A_11 = tpu.memref_slice %arg2[%add3A_4, %dma_start3A_10] : memref<6144x1024xf32, #tpu.memory_space<hbm>> -> memref<96x1024xf32, #tpu.memory_space<hbm>>
      tpu.enqueue_dma source(%dma_start3A_11 : memref<96x1024xf32, #tpu.memory_space<hbm>>) target(%arg6 : memref<96x1024xf32, #tpu.memory_space<vmem>>) target_semaphore(%run_scoped3A : memref<!tpu.dma_semaphore, #tpu.memory_space<semaphore_mem>>)
      %dma_wait3A = arith.constant 0 : i32
      %dma_wait3A_12 = tpu.memref_slice %arg2[%add3A_4, %dma_wait3A] : memref<6144x1024xf32, #tpu.memory_space<hbm>> -> memref<96x1024xf32, #tpu.memory_space<hbm>>
      %dma_wait3A_13 = arith.constant 0 : i32
      %dma_wait3A_14 = tpu.memref_slice %arg2[%add3A_4, %dma_wait3A_13] : memref<6144x1024xf32, #tpu.memory_space<hbm>> -> memref<96x1024xf32, #tpu.memory_space<hbm>>
      tpu.wait_dma2 semaphore(%run_scoped3A : memref<!tpu.dma_semaphore, #tpu.memory_space<semaphore_mem>>) src(%dma_wait3A_14 : memref<96x1024xf32, #tpu.memory_space<hbm>>) dst(%arg6 : memref<96x1024xf32, #tpu.memory_space<vmem>>)
      tpu.yield
    }) : () -> ()
    "tpu.region"() ({
      %run_scoped3A = tpu.sem_alloc : memref<!tpu.dma_semaphore, #tpu.memory_space<semaphore_mem>>
      %dma_start3A = arith.constant 0 : i32
      %dma_start3A_9 = arith.constant 0 : i32
      %dma_start3A_10 = tpu.memref_slice %arg4[%dma_start3A, %dma_start3A_9] : memref<4098x1024xf32, #tpu.memory_space<hbm>> -> memref<4098x1024xf32, #tpu.memory_space<hbm>>
      tpu.enqueue_indirect_dma source(%arg6 : memref<96x1024xf32, #tpu.memory_space<vmem>>) target(%dma_start3A_10 : memref<4098x1024xf32, #tpu.memory_space<hbm>>) offsets(%arg5 : memref<96xi32, #tpu.memory_space<vmem>>) semaphore(%run_scoped3A : memref<!tpu.dma_semaphore, #tpu.memory_space<semaphore_mem>>)
      %dma_wait3A = arith.constant 0 : i32
      %dma_wait3A_11 = arith.constant 0 : i32
      %dma_wait3A_12 = tpu.memref_slice %arg4[%dma_wait3A, %dma_wait3A_11] : memref<4098x1024xf32, #tpu.memory_space<hbm>> -> memref<4098x1024xf32, #tpu.memory_space<hbm>>
      tpu.wait_indirect_dma semaphore(%run_scoped3A : memref<!tpu.dma_semaphore, #tpu.memory_space<semaphore_mem>>) src(%arg6 : memref<96x1024xf32, #tpu.memory_space<vmem>>) dst(%dma_wait3A_12 : memref<4098x1024xf32, #tpu.memory_space<hbm>>)
      tpu.yield
    }) : () -> ()
    %mul3A_5 = arith.constant 192 : i32
    %mul3A_6 = arith.muli %add3A, %mul3A_5 : i32
    %add3A_7 = arith.constant 96 : i32
    %add3A_8 = arith.addi %mul3A_6, %add3A_7 : i32
    "tpu.region"() ({
      %run_scoped3A = tpu.sem_alloc : memref<!tpu.dma_semaphore, #tpu.memory_space<semaphore_mem>>
      %dma_start3A = tpu.memref_slice %arg3[%add3A_8] : memref<6144xi32, #tpu.memory_space<hbm>> -> memref<96xi32, #tpu.memory_space<hbm>>
      %dma_start3A_9 = tpu.memref_slice %arg3[%add3A_8] : memref<6144xi32, #tpu.memory_space<hbm>> -> memref<96xi32, #tpu.memory_space<hbm>>
      tpu.enqueue_dma source(%dma_start3A_9 : memref<96xi32, #tpu.memory_space<hbm>>) target(%arg5 : memref<96xi32, #tpu.memory_space<vmem>>) target_semaphore(%run_scoped3A : memref<!tpu.dma_semaphore, #tpu.memory_space<semaphore_mem>>)
      %dma_wait3A = tpu.memref_slice %arg3[%add3A_8] : memref<6144xi32, #tpu.memory_space<hbm>> -> memref<96xi32, #tpu.memory_space<hbm>>
      %dma_wait3A_10 = tpu.memref_slice %arg3[%add3A_8] : memref<6144xi32, #tpu.memory_space<hbm>> -> memref<96xi32, #tpu.memory_space<hbm>>
      tpu.wait_dma2 semaphore(%run_scoped3A : memref<!tpu.dma_semaphore, #tpu.memory_space<semaphore_mem>>) src(%dma_wait3A_10 : memref<96xi32, #tpu.memory_space<hbm>>) dst(%arg5 : memref<96xi32, #tpu.memory_space<vmem>>)
      tpu.yield
    }) : () -> ()
    "tpu.region"() ({
      %run_scoped3A = tpu.sem_alloc : memref<!tpu.dma_semaphore, #tpu.memory_space<semaphore_mem>>
      %dma_start3A = arith.constant 0 : i32
      %dma_start3A_9 = tpu.memref_slice %arg2[%add3A_8, %dma_start3A] : memref<6144x1024xf32, #tpu.memory_space<hbm>> -> memref<96x1024xf32, #tpu.memory_space<hbm>>
      %dma_start3A_10 = arith.constant 0 : i32
      %dma_start3A_11 = tpu.memref_slice %arg2[%add3A_8, %dma_start3A_10] : memref<6144x1024xf32, #tpu.memory_space<hbm>> -> memref<96x1024xf32, #tpu.memory_space<hbm>>
      tpu.enqueue_dma source(%dma_start3A_11 : memref<96x1024xf32, #tpu.memory_space<hbm>>) target(%arg6 : memref<96x1024xf32, #tpu.memory_space<vmem>>) target_semaphore(%run_scoped3A : memref<!tpu.dma_semaphore, #tpu.memory_space<semaphore_mem>>)
      %dma_wait3A = arith.constant 0 : i32
      %dma_wait3A_12 = tpu.memref_slice %arg2[%add3A_8, %dma_wait3A] : memref<6144x1024xf32, #tpu.memory_space<hbm>> -> memref<96x1024xf32, #tpu.memory_space<hbm>>
      %dma_wait3A_13 = arith.constant 0 : i32
      %dma_wait3A_14 = tpu.memref_slice %arg2[%add3A_8, %dma_wait3A_13] : memref<6144x1024xf32, #tpu.memory_space<hbm>> -> memref<96x1024xf32, #tpu.memory_space<hbm>>
      tpu.wait_dma2 semaphore(%run_scoped3A : memref<!tpu.dma_semaphore, #tpu.memory_space<semaphore_mem>>) src(%dma_wait3A_14 : memref<96x1024xf32, #tpu.memory_space<hbm>>) dst(%arg6 : memref<96x1024xf32, #tpu.memory_space<vmem>>)
      tpu.yield
    }) : () -> ()
    "tpu.region"() ({
      %run_scoped3A = tpu.sem_alloc : memref<!tpu.dma_semaphore, #tpu.memory_space<semaphore_mem>>
      %dma_start3A = arith.constant 0 : i32
      %dma_start3A_9 = arith.constant 0 : i32
      %dma_start3A_10 = tpu.memref_slice %arg4[%dma_start3A, %dma_start3A_9] : memref<4098x1024xf32, #tpu.memory_space<hbm>> -> memref<4098x1024xf32, #tpu.memory_space<hbm>>
      tpu.enqueue_indirect_dma source(%arg6 : memref<96x1024xf32, #tpu.memory_space<vmem>>) target(%dma_start3A_10 : memref<4098x1024xf32, #tpu.memory_space<hbm>>) offsets(%arg5 : memref<96xi32, #tpu.memory_space<vmem>>) semaphore(%run_scoped3A : memref<!tpu.dma_semaphore, #tpu.memory_space<semaphore_mem>>)
      %dma_wait3A = arith.constant 0 : i32
      %dma_wait3A_11 = arith.constant 0 : i32
      %dma_wait3A_12 = tpu.memref_slice %arg4[%dma_wait3A, %dma_wait3A_11] : memref<4098x1024xf32, #tpu.memory_space<hbm>> -> memref<4098x1024xf32, #tpu.memory_space<hbm>>
      tpu.wait_indirect_dma semaphore(%run_scoped3A : memref<!tpu.dma_semaphore, #tpu.memory_space<semaphore_mem>>) src(%arg6 : memref<96x1024xf32, #tpu.memory_space<vmem>>) dst(%dma_wait3A_12 : memref<4098x1024xf32, #tpu.memory_space<hbm>>)
      tpu.yield
    }) : () -> ()
    return
  }
}

#map = affine_map<(d0, d1) -> (0)>
#map1 = affine_map<(d0, d1) -> (0, 0)>
module attributes {stable_mosaic.version = 14 : i64} {
  func.func @_routing_body(%arg0: i32, %arg1: i32, %arg2: memref<4096xi32, #tpu.memory_space<hbm>>, %arg3: memref<4096xf32, #tpu.memory_space<hbm>>, %arg4: memref<2048x1024xf32, #tpu.memory_space<hbm>>, %arg5: memref<6144xf32, #tpu.memory_space<hbm>>, %arg6: memref<6144xi32, #tpu.memory_space<hbm>>, %arg7: memref<32xi32, #tpu.memory_space<hbm>>, %arg8: memref<6144x1024xf32, #tpu.memory_space<hbm>>, %arg9: memref<18688xi32, #tpu.memory_space<vmem_shared>>, %arg10: memref<256xi32, #tpu.memory_space<vmem>>, %arg11: memref<256xf32, #tpu.memory_space<vmem>>, %arg12: memref<256xi32, #tpu.memory_space<vmem>>, %arg13: memref<16xi32, #tpu.memory_space<vmem>>, %arg14: memref<256xi32, #tpu.memory_space<vmem>>, %arg15: memref<16xi32, #tpu.memory_space<vmem>>, %arg16: memref<16xi32, #tpu.memory_space<vmem>>, %arg17: memref<4x64xi32, #tpu.memory_space<vmem>>, %arg18: memref<4x64xi32, #tpu.memory_space<vmem>>, %arg19: memref<4x64xi32, #tpu.memory_space<vmem>>, %arg20: memref<4x64xi32, #tpu.memory_space<vmem>>, %arg21: memref<384xi32, #tpu.memory_space<vmem>>, %arg22: memref<384xf32, #tpu.memory_space<vmem>>, %arg23: memref<32xi32, #tpu.memory_space<vmem>>, %arg24: memref<96xi32, #tpu.memory_space<vmem>>, %arg25: memref<96x1024xf32, #tpu.memory_space<vmem>>, %arg26: memref<!tpu.dma_semaphore, #tpu.memory_space<semaphore_mem>>) attributes {dimension_semantics = [#tpu.dimension_semantics<core_parallel>, #tpu.dimension_semantics<subcore_parallel>], iteration_bounds = array<i64: 2, 16>, scalar_prefetch = 0 : i64, scratch_operands = 18 : i64, tpu.core_type = #tpu.core_type<sc_vector_subcore>, window_params = [{transform_indices = #map}, {transform_indices = #map}, {transform_indices = #map1}, {transform_indices = #map}, {transform_indices = #map}, {transform_indices = #map}, {transform_indices = #map1}]} {
    %iota3A = tpu.iota {dimensions = array<i32: 0>} : vector<16xi32>
    %mul3A = arith.constant 256 : i32
    %mul3A_0 = arith.muli %arg1, %mul3A : i32
    "tpu.region"() ({
      %run_scoped3A_378 = tpu.sem_alloc : memref<!tpu.dma_semaphore, #tpu.memory_space<semaphore_mem>>
      %dma_start3A_379 = tpu.memref_slice %arg2[%mul3A_0] : memref<4096xi32, #tpu.memory_space<hbm>> -> memref<256xi32, #tpu.memory_space<hbm>>
      %dma_start3A_380 = tpu.memref_slice %arg2[%mul3A_0] : memref<4096xi32, #tpu.memory_space<hbm>> -> memref<256xi32, #tpu.memory_space<hbm>>
      tpu.enqueue_dma source(%dma_start3A_380 : memref<256xi32, #tpu.memory_space<hbm>>) target(%arg10 : memref<256xi32, #tpu.memory_space<vmem>>) target_semaphore(%run_scoped3A_378 : memref<!tpu.dma_semaphore, #tpu.memory_space<semaphore_mem>>)
      %dma_wait3A_381 = tpu.memref_slice %arg2[%mul3A_0] : memref<4096xi32, #tpu.memory_space<hbm>> -> memref<256xi32, #tpu.memory_space<hbm>>
      %dma_wait3A_382 = tpu.memref_slice %arg2[%mul3A_0] : memref<4096xi32, #tpu.memory_space<hbm>> -> memref<256xi32, #tpu.memory_space<hbm>>
      tpu.wait_dma2 semaphore(%run_scoped3A_378 : memref<!tpu.dma_semaphore, #tpu.memory_space<semaphore_mem>>) src(%dma_wait3A_382 : memref<256xi32, #tpu.memory_space<hbm>>) dst(%arg10 : memref<256xi32, #tpu.memory_space<vmem>>)
      tpu.yield
    }) : () -> ()
    "tpu.region"() ({
      %run_scoped3A_378 = tpu.sem_alloc : memref<!tpu.dma_semaphore, #tpu.memory_space<semaphore_mem>>
      %dma_start3A_379 = tpu.memref_slice %arg3[%mul3A_0] : memref<4096xf32, #tpu.memory_space<hbm>> -> memref<256xf32, #tpu.memory_space<hbm>>
      %dma_start3A_380 = tpu.memref_slice %arg3[%mul3A_0] : memref<4096xf32, #tpu.memory_space<hbm>> -> memref<256xf32, #tpu.memory_space<hbm>>
      tpu.enqueue_dma source(%dma_start3A_380 : memref<256xf32, #tpu.memory_space<hbm>>) target(%arg11 : memref<256xf32, #tpu.memory_space<vmem>>) target_semaphore(%run_scoped3A_378 : memref<!tpu.dma_semaphore, #tpu.memory_space<semaphore_mem>>)
      %dma_wait3A_381 = tpu.memref_slice %arg3[%mul3A_0] : memref<4096xf32, #tpu.memory_space<hbm>> -> memref<256xf32, #tpu.memory_space<hbm>>
      %dma_wait3A_382 = tpu.memref_slice %arg3[%mul3A_0] : memref<4096xf32, #tpu.memory_space<hbm>> -> memref<256xf32, #tpu.memory_space<hbm>>
      tpu.wait_dma2 semaphore(%run_scoped3A_378 : memref<!tpu.dma_semaphore, #tpu.memory_space<semaphore_mem>>) src(%dma_wait3A_382 : memref<256xf32, #tpu.memory_space<hbm>>) dst(%arg11 : memref<256xf32, #tpu.memory_space<vmem>>)
      tpu.yield
    }) : () -> ()
    %broadcast_in_dim3A = arith.constant 0 : i32
    %broadcast_in_dim3A_1 = vector.broadcast %broadcast_in_dim3A : i32 to vector<16xi32>
    %swap3A = arith.constant 0 : index
    %swap3A_2 = tpu.vector_load %arg13[%swap3A] {strides = array<i32>} : memref<16xi32, #tpu.memory_space<vmem>>, vector<16xi32>,
    tpu.vector_store %arg13[%swap3A], %broadcast_in_dim3A_1 {strides = array<i32>} : memref<16xi32, #tpu.memory_space<vmem>>, vector<16xi32>,
    %scan3A = arith.constant 0 : i32
    %scan3A_3 = arith.constant 0 : i32
    %scan3A_4 = arith.constant 16 : i32
    %scan3A_5 = arith.addi %scan3A_3, %scan3A_4 : i32
    %scan3A_6 = arith.constant 1 : i32
    %scan3A_7 = scf.for %scan3A_378 = %scan3A_3 to %scan3A_5 step %scan3A_6 iter_args(%scan3A_379 = %scan3A) -> (i32)  : i32 {
      %mul3A_380 = arith.constant 16 : i32
      %mul3A_381 = arith.muli %scan3A_378, %mul3A_380 : i32
      %get3A_382 = arith.index_cast %mul3A_381 : i32 to index
      %get3A_383 = tpu.vector_load %arg10[%get3A_382] {strides = array<i32>} : memref<256xi32, #tpu.memory_space<vmem>>, vector<16xi32>,
      %broadcast_in_dim3A_384 = arith.constant 0 : i32
      %broadcast_in_dim3A_385 = vector.broadcast %broadcast_in_dim3A_384 : i32 to vector<16xi32>
      %broadcast_in_dim3A_386 = arith.constant false
      %broadcast_in_dim3A_387 = vector.broadcast %broadcast_in_dim3A_386 : i1 to vector<16xi1>
      %eq3A_388 = arith.constant 0 : i32
      %eq3A_389 = vector.broadcast %eq3A_388 : i32 to vector<16xi32>
      %eq3A_390 = arith.cmpi eq, %get3A_383, %eq3A_389 : vector<16xi32>
      %convert_element_type3A_391 = arith.extui %eq3A_390 : vector<16xi1> to vector<16xi32>
      %broadcast_in_dim3A_392 = arith.constant true
      %broadcast_in_dim3A_393 = vector.broadcast %broadcast_in_dim3A_392 : i1 to vector<16xi1>
      %masked_cumsum3A_394 = tpu.scan <sum>, %convert_element_type3A_391 masked %broadcast_in_dim3A_393 : vector<16xi32>, vector<16xi1> -> vector<16xi32>
      %rev3A = arith.constant 15 : i32
      %rev3A_395 = vector.broadcast %rev3A : i32 to vector<16xi32>
      %rev3A_396 = tpu.iota {dimensions = array<i32: 0>} : vector<16xi32>
      %rev3A_397 = arith.subi %rev3A_395, %rev3A_396 : vector<16xi32>
      %rev3A_398 = tpu.dynamic_gather %convert_element_type3A_391[%rev3A_397] in [0] : vector<16xi32>, vector<16xi32> -> vector<16xi32>
      %broadcast_in_dim3A_399 = arith.constant true
      %broadcast_in_dim3A_400 = vector.broadcast %broadcast_in_dim3A_399 : i1 to vector<16xi1>
      %masked_cumsum3A_401 = tpu.scan <sum>, %rev3A_398 masked %broadcast_in_dim3A_400 : vector<16xi32>, vector<16xi1> -> vector<16xi32>
      %rev3A_402 = arith.constant 15 : i32
      %rev3A_403 = vector.broadcast %rev3A_402 : i32 to vector<16xi32>
      %rev3A_404 = tpu.iota {dimensions = array<i32: 0>} : vector<16xi32>
      %rev3A_405 = arith.subi %rev3A_403, %rev3A_404 : vector<16xi32>
      %rev3A_406 = tpu.dynamic_gather %masked_cumsum3A_401[%rev3A_405] in [0] : vector<16xi32>, vector<16xi32> -> vector<16xi32>
      %jit3A_407 = arith.constant 0 : i32
      %broadcast_in_dim3A_408 = vector.broadcast %jit3A_407 : i32 to vector<16xi32>
      %select_n3A_409 = arith.select %eq3A_390, %masked_cumsum3A_394, %broadcast_in_dim3A_408 : vector<16xi1>, vector<16xi32>
      %add3A_410 = arith.addi %broadcast_in_dim3A_385, %select_n3A_409 : vector<16xi32>
      %eq3A_411 = arith.constant 1 : i32
      %eq3A_412 = vector.broadcast %eq3A_411 : i32 to vector<16xi32>
      %eq3A_413 = arith.cmpi eq, %rev3A_406, %eq3A_412 : vector<16xi32>
      %and3A_414 = arith.andi %eq3A_390, %eq3A_413 : vector<16xi1>
      %or3A = arith.ori %broadcast_in_dim3A_387, %and3A_414 : vector<16xi1>
      %eq3A_415 = arith.constant 1 : i32
      %eq3A_416 = vector.broadcast %eq3A_415 : i32 to vector<16xi32>
      %eq3A_417 = arith.cmpi eq, %get3A_383, %eq3A_416 : vector<16xi32>
      %convert_element_type3A_418 = arith.extui %eq3A_417 : vector<16xi1> to vector<16xi32>
      %broadcast_in_dim3A_419 = arith.constant true
      %broadcast_in_dim3A_420 = vector.broadcast %broadcast_in_dim3A_419 : i1 to vector<16xi1>
      %masked_cumsum3A_421 = tpu.scan <sum>, %convert_element_type3A_418 masked %broadcast_in_dim3A_420 : vector<16xi32>, vector<16xi1> -> vector<16xi32>
      %rev3A_422 = arith.constant 15 : i32
      %rev3A_423 = vector.broadcast %rev3A_422 : i32 to vector<16xi32>
      %rev3A_424 = tpu.iota {dimensions = array<i32: 0>} : vector<16xi32>
      %rev3A_425 = arith.subi %rev3A_423, %rev3A_424 : vector<16xi32>
      %rev3A_426 = tpu.dynamic_gather %convert_element_type3A_418[%rev3A_425] in [0] : vector<16xi32>, vector<16xi32> -> vector<16xi32>
      %broadcast_in_dim3A_427 = arith.constant true
      %broadcast_in_dim3A_428 = vector.broadcast %broadcast_in_dim3A_427 : i1 to vector<16xi1>
      %masked_cumsum3A_429 = tpu.scan <sum>, %rev3A_426 masked %broadcast_in_dim3A_428 : vector<16xi32>, vector<16xi1> -> vector<16xi32>
      %rev3A_430 = arith.constant 15 : i32
      %rev3A_431 = vector.broadcast %rev3A_430 : i32 to vector<16xi32>
      %rev3A_432 = tpu.iota {dimensions = array<i32: 0>} : vector<16xi32>
      %rev3A_433 = arith.subi %rev3A_431, %rev3A_432 : vector<16xi32>
      %rev3A_434 = tpu.dynamic_gather %masked_cumsum3A_429[%rev3A_433] in [0] : vector<16xi32>, vector<16xi32> -> vector<16xi32>
      %jit3A_435 = arith.constant 0 : i32
      %broadcast_in_dim3A_436 = vector.broadcast %jit3A_435 : i32 to vector<16xi32>
      %select_n3A_437 = arith.select %eq3A_417, %masked_cumsum3A_421, %broadcast_in_dim3A_436 : vector<16xi1>, vector<16xi32>
      %add3A_438 = arith.addi %add3A_410, %select_n3A_437 : vector<16xi32>
      %eq3A_439 = arith.constant 1 : i32
      %eq3A_440 = vector.broadcast %eq3A_439 : i32 to vector<16xi32>
      %eq3A_441 = arith.cmpi eq, %rev3A_434, %eq3A_440 : vector<16xi32>
      %and3A_442 = arith.andi %eq3A_417, %eq3A_441 : vector<16xi1>
      %or3A_443 = arith.ori %or3A, %and3A_442 : vector<16xi1>
      %eq3A_444 = arith.constant 2 : i32
      %eq3A_445 = vector.broadcast %eq3A_444 : i32 to vector<16xi32>
      %eq3A_446 = arith.cmpi eq, %get3A_383, %eq3A_445 : vector<16xi32>
      %convert_element_type3A_447 = arith.extui %eq3A_446 : vector<16xi1> to vector<16xi32>
      %broadcast_in_dim3A_448 = arith.constant true
      %broadcast_in_dim3A_449 = vector.broadcast %broadcast_in_dim3A_448 : i1 to vector<16xi1>
      %masked_cumsum3A_450 = tpu.scan <sum>, %convert_element_type3A_447 masked %broadcast_in_dim3A_449 : vector<16xi32>, vector<16xi1> -> vector<16xi32>
      %rev3A_451 = arith.constant 15 : i32
      %rev3A_452 = vector.broadcast %rev3A_451 : i32 to vector<16xi32>
      %rev3A_453 = tpu.iota {dimensions = array<i32: 0>} : vector<16xi32>
      %rev3A_454 = arith.subi %rev3A_452, %rev3A_453 : vector<16xi32>
      %rev3A_455 = tpu.dynamic_gather %convert_element_type3A_447[%rev3A_454] in [0] : vector<16xi32>, vector<16xi32> -> vector<16xi32>
      %broadcast_in_dim3A_456 = arith.constant true
      %broadcast_in_dim3A_457 = vector.broadcast %broadcast_in_dim3A_456 : i1 to vector<16xi1>
      %masked_cumsum3A_458 = tpu.scan <sum>, %rev3A_455 masked %broadcast_in_dim3A_457 : vector<16xi32>, vector<16xi1> -> vector<16xi32>
      %rev3A_459 = arith.constant 15 : i32
      %rev3A_460 = vector.broadcast %rev3A_459 : i32 to vector<16xi32>
      %rev3A_461 = tpu.iota {dimensions = array<i32: 0>} : vector<16xi32>
      %rev3A_462 = arith.subi %rev3A_460, %rev3A_461 : vector<16xi32>
      %rev3A_463 = tpu.dynamic_gather %masked_cumsum3A_458[%rev3A_462] in [0] : vector<16xi32>, vector<16xi32> -> vector<16xi32>
      %jit3A_464 = arith.constant 0 : i32
      %broadcast_in_dim3A_465 = vector.broadcast %jit3A_464 : i32 to vector<16xi32>
      %select_n3A_466 = arith.select %eq3A_446, %masked_cumsum3A_450, %broadcast_in_dim3A_465 : vector<16xi1>, vector<16xi32>
      %add3A_467 = arith.addi %add3A_438, %select_n3A_466 : vector<16xi32>
      %eq3A_468 = arith.constant 1 : i32
      %eq3A_469 = vector.broadcast %eq3A_468 : i32 to vector<16xi32>
      %eq3A_470 = arith.cmpi eq, %rev3A_463, %eq3A_469 : vector<16xi32>
      %and3A_471 = arith.andi %eq3A_446, %eq3A_470 : vector<16xi1>
      %or3A_472 = arith.ori %or3A_443, %and3A_471 : vector<16xi1>
      %eq3A_473 = arith.constant 3 : i32
      %eq3A_474 = vector.broadcast %eq3A_473 : i32 to vector<16xi32>
      %eq3A_475 = arith.cmpi eq, %get3A_383, %eq3A_474 : vector<16xi32>
      %convert_element_type3A_476 = arith.extui %eq3A_475 : vector<16xi1> to vector<16xi32>
      %broadcast_in_dim3A_477 = arith.constant true
      %broadcast_in_dim3A_478 = vector.broadcast %broadcast_in_dim3A_477 : i1 to vector<16xi1>
      %masked_cumsum3A_479 = tpu.scan <sum>, %convert_element_type3A_476 masked %broadcast_in_dim3A_478 : vector<16xi32>, vector<16xi1> -> vector<16xi32>
      %rev3A_480 = arith.constant 15 : i32
      %rev3A_481 = vector.broadcast %rev3A_480 : i32 to vector<16xi32>
      %rev3A_482 = tpu.iota {dimensions = array<i32: 0>} : vector<16xi32>
      %rev3A_483 = arith.subi %rev3A_481, %rev3A_482 : vector<16xi32>
      %rev3A_484 = tpu.dynamic_gather %convert_element_type3A_476[%rev3A_483] in [0] : vector<16xi32>, vector<16xi32> -> vector<16xi32>
      %broadcast_in_dim3A_485 = arith.constant true
      %broadcast_in_dim3A_486 = vector.broadcast %broadcast_in_dim3A_485 : i1 to vector<16xi1>
      %masked_cumsum3A_487 = tpu.scan <sum>, %rev3A_484 masked %broadcast_in_dim3A_486 : vector<16xi32>, vector<16xi1> -> vector<16xi32>
      %rev3A_488 = arith.constant 15 : i32
      %rev3A_489 = vector.broadcast %rev3A_488 : i32 to vector<16xi32>
      %rev3A_490 = tpu.iota {dimensions = array<i32: 0>} : vector<16xi32>
      %rev3A_491 = arith.subi %rev3A_489, %rev3A_490 : vector<16xi32>
      %rev3A_492 = tpu.dynamic_gather %masked_cumsum3A_487[%rev3A_491] in [0] : vector<16xi32>, vector<16xi32> -> vector<16xi32>
      %jit3A_493 = arith.constant 0 : i32
      %broadcast_in_dim3A_494 = vector.broadcast %jit3A_493 : i32 to vector<16xi32>
      %select_n3A_495 = arith.select %eq3A_475, %masked_cumsum3A_479, %broadcast_in_dim3A_494 : vector<16xi1>, vector<16xi32>
      %add3A_496 = arith.addi %add3A_467, %select_n3A_495 : vector<16xi32>
      %eq3A_497 = arith.constant 1 : i32
      %eq3A_498 = vector.broadcast %eq3A_497 : i32 to vector<16xi32>
      %eq3A_499 = arith.cmpi eq, %rev3A_492, %eq3A_498 : vector<16xi32>
      %and3A_500 = arith.andi %eq3A_475, %eq3A_499 : vector<16xi1>
      %or3A_501 = arith.ori %or3A_472, %and3A_500 : vector<16xi1>
      %eq3A_502 = arith.constant 4 : i32
      %eq3A_503 = vector.broadcast %eq3A_502 : i32 to vector<16xi32>
      %eq3A_504 = arith.cmpi eq, %get3A_383, %eq3A_503 : vector<16xi32>
      %convert_element_type3A_505 = arith.extui %eq3A_504 : vector<16xi1> to vector<16xi32>
      %broadcast_in_dim3A_506 = arith.constant true
      %broadcast_in_dim3A_507 = vector.broadcast %broadcast_in_dim3A_506 : i1 to vector<16xi1>
      %masked_cumsum3A_508 = tpu.scan <sum>, %convert_element_type3A_505 masked %broadcast_in_dim3A_507 : vector<16xi32>, vector<16xi1> -> vector<16xi32>
      %rev3A_509 = arith.constant 15 : i32
      %rev3A_510 = vector.broadcast %rev3A_509 : i32 to vector<16xi32>
      %rev3A_511 = tpu.iota {dimensions = array<i32: 0>} : vector<16xi32>
      %rev3A_512 = arith.subi %rev3A_510, %rev3A_511 : vector<16xi32>
      %rev3A_513 = tpu.dynamic_gather %convert_element_type3A_505[%rev3A_512] in [0] : vector<16xi32>, vector<16xi32> -> vector<16xi32>
      %broadcast_in_dim3A_514 = arith.constant true
      %broadcast_in_dim3A_515 = vector.broadcast %broadcast_in_dim3A_514 : i1 to vector<16xi1>
      %masked_cumsum3A_516 = tpu.scan <sum>, %rev3A_513 masked %broadcast_in_dim3A_515 : vector<16xi32>, vector<16xi1> -> vector<16xi32>
      %rev3A_517 = arith.constant 15 : i32
      %rev3A_518 = vector.broadcast %rev3A_517 : i32 to vector<16xi32>
      %rev3A_519 = tpu.iota {dimensions = array<i32: 0>} : vector<16xi32>
      %rev3A_520 = arith.subi %rev3A_518, %rev3A_519 : vector<16xi32>
      %rev3A_521 = tpu.dynamic_gather %masked_cumsum3A_516[%rev3A_520] in [0] : vector<16xi32>, vector<16xi32> -> vector<16xi32>
      %jit3A_522 = arith.constant 0 : i32
      %broadcast_in_dim3A_523 = vector.broadcast %jit3A_522 : i32 to vector<16xi32>
      %select_n3A_524 = arith.select %eq3A_504, %masked_cumsum3A_508, %broadcast_in_dim3A_523 : vector<16xi1>, vector<16xi32>
      %add3A_525 = arith.addi %add3A_496, %select_n3A_524 : vector<16xi32>
      %eq3A_526 = arith.constant 1 : i32
      %eq3A_527 = vector.broadcast %eq3A_526 : i32 to vector<16xi32>
      %eq3A_528 = arith.cmpi eq, %rev3A_521, %eq3A_527 : vector<16xi32>
      %and3A_529 = arith.andi %eq3A_504, %eq3A_528 : vector<16xi1>
      %or3A_530 = arith.ori %or3A_501, %and3A_529 : vector<16xi1>
      %eq3A_531 = arith.constant 5 : i32
      %eq3A_532 = vector.broadcast %eq3A_531 : i32 to vector<16xi32>
      %eq3A_533 = arith.cmpi eq, %get3A_383, %eq3A_532 : vector<16xi32>
      %convert_element_type3A_534 = arith.extui %eq3A_533 : vector<16xi1> to vector<16xi32>
      %broadcast_in_dim3A_535 = arith.constant true
      %broadcast_in_dim3A_536 = vector.broadcast %broadcast_in_dim3A_535 : i1 to vector<16xi1>
      %masked_cumsum3A_537 = tpu.scan <sum>, %convert_element_type3A_534 masked %broadcast_in_dim3A_536 : vector<16xi32>, vector<16xi1> -> vector<16xi32>
      %rev3A_538 = arith.constant 15 : i32
      %rev3A_539 = vector.broadcast %rev3A_538 : i32 to vector<16xi32>
      %rev3A_540 = tpu.iota {dimensions = array<i32: 0>} : vector<16xi32>
      %rev3A_541 = arith.subi %rev3A_539, %rev3A_540 : vector<16xi32>
      %rev3A_542 = tpu.dynamic_gather %convert_element_type3A_534[%rev3A_541] in [0] : vector<16xi32>, vector<16xi32> -> vector<16xi32>
      %broadcast_in_dim3A_543 = arith.constant true
      %broadcast_in_dim3A_544 = vector.broadcast %broadcast_in_dim3A_543 : i1 to vector<16xi1>
      %masked_cumsum3A_545 = tpu.scan <sum>, %rev3A_542 masked %broadcast_in_dim3A_544 : vector<16xi32>, vector<16xi1> -> vector<16xi32>
      %rev3A_546 = arith.constant 15 : i32
      %rev3A_547 = vector.broadcast %rev3A_546 : i32 to vector<16xi32>
      %rev3A_548 = tpu.iota {dimensions = array<i32: 0>} : vector<16xi32>
      %rev3A_549 = arith.subi %rev3A_547, %rev3A_548 : vector<16xi32>
      %rev3A_550 = tpu.dynamic_gather %masked_cumsum3A_545[%rev3A_549] in [0] : vector<16xi32>, vector<16xi32> -> vector<16xi32>
      %jit3A_551 = arith.constant 0 : i32
      %broadcast_in_dim3A_552 = vector.broadcast %jit3A_551 : i32 to vector<16xi32>
      %select_n3A_553 = arith.select %eq3A_533, %masked_cumsum3A_537, %broadcast_in_dim3A_552 : vector<16xi1>, vector<16xi32>
      %add3A_554 = arith.addi %add3A_525, %select_n3A_553 : vector<16xi32>
      %eq3A_555 = arith.constant 1 : i32
      %eq3A_556 = vector.broadcast %eq3A_555 : i32 to vector<16xi32>
      %eq3A_557 = arith.cmpi eq, %rev3A_550, %eq3A_556 : vector<16xi32>
      %and3A_558 = arith.andi %eq3A_533, %eq3A_557 : vector<16xi1>
      %or3A_559 = arith.ori %or3A_530, %and3A_558 : vector<16xi1>
      %eq3A_560 = arith.constant 6 : i32
      %eq3A_561 = vector.broadcast %eq3A_560 : i32 to vector<16xi32>
      %eq3A_562 = arith.cmpi eq, %get3A_383, %eq3A_561 : vector<16xi32>
      %convert_element_type3A_563 = arith.extui %eq3A_562 : vector<16xi1> to vector<16xi32>
      %broadcast_in_dim3A_564 = arith.constant true
      %broadcast_in_dim3A_565 = vector.broadcast %broadcast_in_dim3A_564 : i1 to vector<16xi1>
      %masked_cumsum3A_566 = tpu.scan <sum>, %convert_element_type3A_563 masked %broadcast_in_dim3A_565 : vector<16xi32>, vector<16xi1> -> vector<16xi32>
      %rev3A_567 = arith.constant 15 : i32
      %rev3A_568 = vector.broadcast %rev3A_567 : i32 to vector<16xi32>
      %rev3A_569 = tpu.iota {dimensions = array<i32: 0>} : vector<16xi32>
      %rev3A_570 = arith.subi %rev3A_568, %rev3A_569 : vector<16xi32>
      %rev3A_571 = tpu.dynamic_gather %convert_element_type3A_563[%rev3A_570] in [0] : vector<16xi32>, vector<16xi32> -> vector<16xi32>
      %broadcast_in_dim3A_572 = arith.constant true
      %broadcast_in_dim3A_573 = vector.broadcast %broadcast_in_dim3A_572 : i1 to vector<16xi1>
      %masked_cumsum3A_574 = tpu.scan <sum>, %rev3A_571 masked %broadcast_in_dim3A_573 : vector<16xi32>, vector<16xi1> -> vector<16xi32>
      %rev3A_575 = arith.constant 15 : i32
      %rev3A_576 = vector.broadcast %rev3A_575 : i32 to vector<16xi32>
      %rev3A_577 = tpu.iota {dimensions = array<i32: 0>} : vector<16xi32>
      %rev3A_578 = arith.subi %rev3A_576, %rev3A_577 : vector<16xi32>
      %rev3A_579 = tpu.dynamic_gather %masked_cumsum3A_574[%rev3A_578] in [0] : vector<16xi32>, vector<16xi32> -> vector<16xi32>
      %jit3A_580 = arith.constant 0 : i32
      %broadcast_in_dim3A_581 = vector.broadcast %jit3A_580 : i32 to vector<16xi32>
      %select_n3A_582 = arith.select %eq3A_562, %masked_cumsum3A_566, %broadcast_in_dim3A_581 : vector<16xi1>, vector<16xi32>
      %add3A_583 = arith.addi %add3A_554, %select_n3A_582 : vector<16xi32>
      %eq3A_584 = arith.constant 1 : i32
      %eq3A_585 = vector.broadcast %eq3A_584 : i32 to vector<16xi32>
      %eq3A_586 = arith.cmpi eq, %rev3A_579, %eq3A_585 : vector<16xi32>
      %and3A_587 = arith.andi %eq3A_562, %eq3A_586 : vector<16xi1>
      %or3A_588 = arith.ori %or3A_559, %and3A_587 : vector<16xi1>
      %eq3A_589 = arith.constant 7 : i32
      %eq3A_590 = vector.broadcast %eq3A_589 : i32 to vector<16xi32>
      %eq3A_591 = arith.cmpi eq, %get3A_383, %eq3A_590 : vector<16xi32>
      %convert_element_type3A_592 = arith.extui %eq3A_591 : vector<16xi1> to vector<16xi32>
      %broadcast_in_dim3A_593 = arith.constant true
      %broadcast_in_dim3A_594 = vector.broadcast %broadcast_in_dim3A_593 : i1 to vector<16xi1>
      %masked_cumsum3A_595 = tpu.scan <sum>, %convert_element_type3A_592 masked %broadcast_in_dim3A_594 : vector<16xi32>, vector<16xi1> -> vector<16xi32>
      %rev3A_596 = arith.constant 15 : i32
      %rev3A_597 = vector.broadcast %rev3A_596 : i32 to vector<16xi32>
      %rev3A_598 = tpu.iota {dimensions = array<i32: 0>} : vector<16xi32>
      %rev3A_599 = arith.subi %rev3A_597, %rev3A_598 : vector<16xi32>
      %rev3A_600 = tpu.dynamic_gather %convert_element_type3A_592[%rev3A_599] in [0] : vector<16xi32>, vector<16xi32> -> vector<16xi32>
      %broadcast_in_dim3A_601 = arith.constant true
      %broadcast_in_dim3A_602 = vector.broadcast %broadcast_in_dim3A_601 : i1 to vector<16xi1>
      %masked_cumsum3A_603 = tpu.scan <sum>, %rev3A_600 masked %broadcast_in_dim3A_602 : vector<16xi32>, vector<16xi1> -> vector<16xi32>
      %rev3A_604 = arith.constant 15 : i32
      %rev3A_605 = vector.broadcast %rev3A_604 : i32 to vector<16xi32>
      %rev3A_606 = tpu.iota {dimensions = array<i32: 0>} : vector<16xi32>
      %rev3A_607 = arith.subi %rev3A_605, %rev3A_606 : vector<16xi32>
      %rev3A_608 = tpu.dynamic_gather %masked_cumsum3A_603[%rev3A_607] in [0] : vector<16xi32>, vector<16xi32> -> vector<16xi32>
      %jit3A_609 = arith.constant 0 : i32
      %broadcast_in_dim3A_610 = vector.broadcast %jit3A_609 : i32 to vector<16xi32>
      %select_n3A_611 = arith.select %eq3A_591, %masked_cumsum3A_595, %broadcast_in_dim3A_610 : vector<16xi1>, vector<16xi32>
      %add3A_612 = arith.addi %add3A_583, %select_n3A_611 : vector<16xi32>
      %eq3A_613 = arith.constant 1 : i32
      %eq3A_614 = vector.broadcast %eq3A_613 : i32 to vector<16xi32>
      %eq3A_615 = arith.cmpi eq, %rev3A_608, %eq3A_614 : vector<16xi32>
      %and3A_616 = arith.andi %eq3A_591, %eq3A_615 : vector<16xi1>
      %or3A_617 = arith.ori %or3A_588, %and3A_616 : vector<16xi1>
      %gather3A = tpu.vector_load_idx %arg13[%get3A_383] : memref<16xi32, #tpu.memory_space<vmem>>[vector<16xi32>], vector<16xi32>,
      %add3A_618 = arith.addi %gather3A, %add3A_612 : vector<16xi32>
      tpu.vector_store_idx %arg13[%get3A_383], %add3A_618 masked %or3A_617 : memref<16xi32, #tpu.memory_space<vmem>>[vector<16xi32>], vector<16xi32>, vector<16xi1>
      %mul3A_619 = arith.constant 16 : i32
      %mul3A_620 = arith.muli %scan3A_378, %mul3A_619 : i32
      %get3A_621 = arith.index_cast %mul3A_620 : i32 to index
      %get3A_622 = tpu.vector_load %arg11[%get3A_621] {strides = array<i32>} : memref<256xf32, #tpu.memory_space<vmem>>, vector<16xf32>,
      %bitcast3A = vector.bitcast %get3A_622 : vector<16xf32> to vector<16xi32>
      %mul3A_623 = arith.constant 16 : i32
      %mul3A_624 = arith.muli %scan3A_378, %mul3A_623 : i32
      %swap3A_625 = arith.index_cast %mul3A_624 : i32 to index
      %swap3A_626 = tpu.vector_load %arg12[%swap3A_625] {strides = array<i32>} : memref<256xi32, #tpu.memory_space<vmem>>, vector<16xi32>,
      tpu.vector_store %arg12[%swap3A_625], %bitcast3A {strides = array<i32>} : memref<256xi32, #tpu.memory_space<vmem>>, vector<16xi32>,
      %scan3A_627 = arith.constant 0 : i32
      scf.yield %scan3A_627 : i32
    }
    %scan3A_8 = arith.constant 16 : i32
    %mul3A_9 = arith.constant 16 : i32
    %mul3A_10 = arith.muli %arg1, %mul3A_9 : i32
    %add3A = arith.constant 0 : i32
    %add3A_11 = arith.addi %add3A, %mul3A_10 : i32
    "tpu.region"() ({
      %run_scoped3A_378 = tpu.sem_alloc : memref<!tpu.dma_semaphore, #tpu.memory_space<semaphore_mem>>
      %dma_start3A_379 = tpu.memref_slice %arg9[%add3A_11] : memref<18688xi32, #tpu.memory_space<vmem_shared>> -> memref<16xi32, #tpu.memory_space<vmem_shared>>
      %dma_start3A_380 = tpu.memref_slice %arg9[%add3A_11] : memref<18688xi32, #tpu.memory_space<vmem_shared>> -> memref<16xi32, #tpu.memory_space<vmem_shared>>
      tpu.enqueue_dma source(%arg13 : memref<16xi32, #tpu.memory_space<vmem>>) target(%dma_start3A_380 : memref<16xi32, #tpu.memory_space<vmem_shared>>) target_semaphore(%run_scoped3A_378 : memref<!tpu.dma_semaphore, #tpu.memory_space<semaphore_mem>>)
      %dma_wait3A_381 = tpu.memref_slice %arg9[%add3A_11] : memref<18688xi32, #tpu.memory_space<vmem_shared>> -> memref<16xi32, #tpu.memory_space<vmem_shared>>
      %dma_wait3A_382 = tpu.memref_slice %arg9[%add3A_11] : memref<18688xi32, #tpu.memory_space<vmem_shared>> -> memref<16xi32, #tpu.memory_space<vmem_shared>>
      tpu.wait_dma2 semaphore(%run_scoped3A_378 : memref<!tpu.dma_semaphore, #tpu.memory_space<semaphore_mem>>) src(%arg13 : memref<16xi32, #tpu.memory_space<vmem>>) dst(%dma_wait3A_382 : memref<16xi32, #tpu.memory_space<vmem_shared>>)
      tpu.yield
    }) : () -> ()
    %scan3A_12 = arith.constant 0 : i32
    %scan3A_13 = arith.constant 0 : i32
    %scan3A_14 = arith.constant 24 : i32
    %scan3A_15 = arith.addi %scan3A_13, %scan3A_14 : i32
    %scan3A_16 = arith.constant 1 : i32
    %scan3A_17 = scf.for %scan3A_378 = %scan3A_13 to %scan3A_15 step %scan3A_16 iter_args(%scan3A_379 = %scan3A_12) -> (i32)  : i32 {
      %broadcast_in_dim3A_380 = arith.constant 0 : i32
      %broadcast_in_dim3A_381 = vector.broadcast %broadcast_in_dim3A_380 : i32 to vector<16xi32>
      %mul3A_382 = arith.constant 16 : i32
      %mul3A_383 = arith.muli %scan3A_378, %mul3A_382 : i32
      %swap3A_384 = arith.index_cast %mul3A_383 : i32 to index
      %swap3A_385 = tpu.vector_load %arg21[%swap3A_384] {strides = array<i32>} : memref<384xi32, #tpu.memory_space<vmem>>, vector<16xi32>,
      tpu.vector_store %arg21[%swap3A_384], %broadcast_in_dim3A_381 {strides = array<i32>} : memref<384xi32, #tpu.memory_space<vmem>>, vector<16xi32>,
      %scan3A_386 = arith.constant 0 : i32
      scf.yield %scan3A_386 : i32
    }
    %scan3A_18 = arith.constant 24 : i32
    %mul3A_19 = arith.constant 384 : i32
    %mul3A_20 = arith.muli %arg1, %mul3A_19 : i32
    %add3A_21 = arith.constant 256 : i32
    %add3A_22 = arith.addi %add3A_21, %mul3A_20 : i32
    "tpu.region"() ({
      %run_scoped3A_378 = tpu.sem_alloc : memref<!tpu.dma_semaphore, #tpu.memory_space<semaphore_mem>>
      %dma_start3A_379 = tpu.memref_slice %arg9[%add3A_22] : memref<18688xi32, #tpu.memory_space<vmem_shared>> -> memref<384xi32, #tpu.memory_space<vmem_shared>>
      %dma_start3A_380 = tpu.memref_slice %arg9[%add3A_22] : memref<18688xi32, #tpu.memory_space<vmem_shared>> -> memref<384xi32, #tpu.memory_space<vmem_shared>>
      tpu.enqueue_dma source(%arg21 : memref<384xi32, #tpu.memory_space<vmem>>) target(%dma_start3A_380 : memref<384xi32, #tpu.memory_space<vmem_shared>>) target_semaphore(%run_scoped3A_378 : memref<!tpu.dma_semaphore, #tpu.memory_space<semaphore_mem>>)
      %dma_wait3A_381 = tpu.memref_slice %arg9[%add3A_22] : memref<18688xi32, #tpu.memory_space<vmem_shared>> -> memref<384xi32, #tpu.memory_space<vmem_shared>>
      %dma_wait3A_382 = tpu.memref_slice %arg9[%add3A_22] : memref<18688xi32, #tpu.memory_space<vmem_shared>> -> memref<384xi32, #tpu.memory_space<vmem_shared>>
      tpu.wait_dma2 semaphore(%run_scoped3A_378 : memref<!tpu.dma_semaphore, #tpu.memory_space<semaphore_mem>>) src(%arg21 : memref<384xi32, #tpu.memory_space<vmem>>) dst(%dma_wait3A_382 : memref<384xi32, #tpu.memory_space<vmem_shared>>)
      tpu.yield
    }) : () -> ()
    %mul3A_23 = arith.constant 384 : i32
    %mul3A_24 = arith.muli %arg1, %mul3A_23 : i32
    %add3A_25 = arith.constant 12544 : i32
    %add3A_26 = arith.addi %add3A_25, %mul3A_24 : i32
    "tpu.region"() ({
      %run_scoped3A_378 = tpu.sem_alloc : memref<!tpu.dma_semaphore, #tpu.memory_space<semaphore_mem>>
      %dma_start3A_379 = tpu.memref_slice %arg9[%add3A_26] : memref<18688xi32, #tpu.memory_space<vmem_shared>> -> memref<384xi32, #tpu.memory_space<vmem_shared>>
      %dma_start3A_380 = tpu.memref_slice %arg9[%add3A_26] : memref<18688xi32, #tpu.memory_space<vmem_shared>> -> memref<384xi32, #tpu.memory_space<vmem_shared>>
      tpu.enqueue_dma source(%arg21 : memref<384xi32, #tpu.memory_space<vmem>>) target(%dma_start3A_380 : memref<384xi32, #tpu.memory_space<vmem_shared>>) target_semaphore(%run_scoped3A_378 : memref<!tpu.dma_semaphore, #tpu.memory_space<semaphore_mem>>)
      %dma_wait3A_381 = tpu.memref_slice %arg9[%add3A_26] : memref<18688xi32, #tpu.memory_space<vmem_shared>> -> memref<384xi32, #tpu.memory_space<vmem_shared>>
      %dma_wait3A_382 = tpu.memref_slice %arg9[%add3A_26] : memref<18688xi32, #tpu.memory_space<vmem_shared>> -> memref<384xi32, #tpu.memory_space<vmem_shared>>
      tpu.wait_dma2 semaphore(%run_scoped3A_378 : memref<!tpu.dma_semaphore, #tpu.memory_space<semaphore_mem>>) src(%arg21 : memref<384xi32, #tpu.memory_space<vmem>>) dst(%dma_wait3A_382 : memref<384xi32, #tpu.memory_space<vmem_shared>>)
      tpu.yield
    }) : () -> ()
    %scan3A_27 = arith.constant 0 : i32
    %scan3A_28 = arith.constant 0 : i32
    %scan3A_29 = arith.constant 24 : i32
    %scan3A_30 = arith.addi %scan3A_28, %scan3A_29 : i32
    %scan3A_31 = arith.constant 1 : i32
    %scan3A_32 = scf.for %scan3A_378 = %scan3A_28 to %scan3A_30 step %scan3A_31 iter_args(%scan3A_379 = %scan3A_27) -> (i32)  : i32 {
      %broadcast_in_dim3A_380 = arith.constant 4096 : i32
      %broadcast_in_dim3A_381 = vector.broadcast %broadcast_in_dim3A_380 : i32 to vector<16xi32>
      %mul3A_382 = arith.constant 16 : i32
      %mul3A_383 = arith.muli %scan3A_378, %mul3A_382 : i32
      %swap3A_384 = arith.index_cast %mul3A_383 : i32 to index
      %swap3A_385 = tpu.vector_load %arg21[%swap3A_384] {strides = array<i32>} : memref<384xi32, #tpu.memory_space<vmem>>, vector<16xi32>,
      tpu.vector_store %arg21[%swap3A_384], %broadcast_in_dim3A_381 {strides = array<i32>} : memref<384xi32, #tpu.memory_space<vmem>>, vector<16xi32>,
      %scan3A_386 = arith.constant 0 : i32
      scf.yield %scan3A_386 : i32
    }
    %scan3A_33 = arith.constant 24 : i32
    %mul3A_34 = arith.constant 384 : i32
    %mul3A_35 = arith.muli %arg1, %mul3A_34 : i32
    %add3A_36 = arith.constant 6400 : i32
    %add3A_37 = arith.addi %add3A_36, %mul3A_35 : i32
    "tpu.region"() ({
      %run_scoped3A_378 = tpu.sem_alloc : memref<!tpu.dma_semaphore, #tpu.memory_space<semaphore_mem>>
      %dma_start3A_379 = tpu.memref_slice %arg9[%add3A_37] : memref<18688xi32, #tpu.memory_space<vmem_shared>> -> memref<384xi32, #tpu.memory_space<vmem_shared>>
      %dma_start3A_380 = tpu.memref_slice %arg9[%add3A_37] : memref<18688xi32, #tpu.memory_space<vmem_shared>> -> memref<384xi32, #tpu.memory_space<vmem_shared>>
      tpu.enqueue_dma source(%arg21 : memref<384xi32, #tpu.memory_space<vmem>>) target(%dma_start3A_380 : memref<384xi32, #tpu.memory_space<vmem_shared>>) target_semaphore(%run_scoped3A_378 : memref<!tpu.dma_semaphore, #tpu.memory_space<semaphore_mem>>)
      %dma_wait3A_381 = tpu.memref_slice %arg9[%add3A_37] : memref<18688xi32, #tpu.memory_space<vmem_shared>> -> memref<384xi32, #tpu.memory_space<vmem_shared>>
      %dma_wait3A_382 = tpu.memref_slice %arg9[%add3A_37] : memref<18688xi32, #tpu.memory_space<vmem_shared>> -> memref<384xi32, #tpu.memory_space<vmem_shared>>
      tpu.wait_dma2 semaphore(%run_scoped3A_378 : memref<!tpu.dma_semaphore, #tpu.memory_space<semaphore_mem>>) src(%arg21 : memref<384xi32, #tpu.memory_space<vmem>>) dst(%dma_wait3A_382 : memref<384xi32, #tpu.memory_space<vmem_shared>>)
      tpu.yield
    }) : () -> ()
    %barrier3A = arith.constant 0 : index
    tpu.barrier barrier_id(%barrier3A)
    "tpu.region"() ({
      %run_scoped3A_378 = tpu.sem_alloc : memref<!tpu.dma_semaphore, #tpu.memory_space<semaphore_mem>>
      %dma_start3A_379 = arith.constant 0 : i32
      %dma_start3A_380 = tpu.memref_slice %arg9[%dma_start3A_379] : memref<18688xi32, #tpu.memory_space<vmem_shared>> -> memref<256xi32, #tpu.memory_space<vmem_shared>>
      %dma_start3A_381 = arith.constant 0 : i32
      %dma_start3A_382 = tpu.memref_slice %arg9[%dma_start3A_381] : memref<18688xi32, #tpu.memory_space<vmem_shared>> -> memref<256xi32, #tpu.memory_space<vmem_shared>>
      tpu.enqueue_dma source(%dma_start3A_382 : memref<256xi32, #tpu.memory_space<vmem_shared>>) target(%arg14 : memref<256xi32, #tpu.memory_space<vmem>>) target_semaphore(%run_scoped3A_378 : memref<!tpu.dma_semaphore, #tpu.memory_space<semaphore_mem>>)
      %dma_wait3A_383 = arith.constant 0 : i32
      %dma_wait3A_384 = tpu.memref_slice %arg9[%dma_wait3A_383] : memref<18688xi32, #tpu.memory_space<vmem_shared>> -> memref<256xi32, #tpu.memory_space<vmem_shared>>
      %dma_wait3A_385 = arith.constant 0 : i32
      %dma_wait3A_386 = tpu.memref_slice %arg9[%dma_wait3A_385] : memref<18688xi32, #tpu.memory_space<vmem_shared>> -> memref<256xi32, #tpu.memory_space<vmem_shared>>
      tpu.wait_dma2 semaphore(%run_scoped3A_378 : memref<!tpu.dma_semaphore, #tpu.memory_space<semaphore_mem>>) src(%dma_wait3A_386 : memref<256xi32, #tpu.memory_space<vmem_shared>>) dst(%arg14 : memref<256xi32, #tpu.memory_space<vmem>>)
      tpu.yield
    }) : () -> ()
    %broadcast_in_dim3A_38 = arith.constant 0 : i32
    %broadcast_in_dim3A_39 = vector.broadcast %broadcast_in_dim3A_38 : i32 to vector<16xi32>
    %broadcast_in_dim3A_40 = arith.constant 0 : i32
    %broadcast_in_dim3A_41 = vector.broadcast %broadcast_in_dim3A_40 : i32 to vector<16xi32>
    %get3A = arith.constant 0 : index
    %get3A_42 = tpu.vector_load %arg14[%get3A] {strides = array<i32>} : memref<256xi32, #tpu.memory_space<vmem>>, vector<16xi32>,
    %add3A_43 = arith.addi %broadcast_in_dim3A_39, %get3A_42 : vector<16xi32>
    %gt3A = arith.constant 0 : i32
    %gt3A_44 = arith.cmpi sgt, %arg1, %gt3A : i32
    %convert_element_type3A = arith.extui %gt3A_44 : i1 to i32
    %mul3A_45 = vector.broadcast %convert_element_type3A : i32 to vector<16xi32>
    %mul3A_46 = arith.muli %get3A_42, %mul3A_45 : vector<16xi32>
    %add3A_47 = arith.addi %broadcast_in_dim3A_41, %mul3A_46 : vector<16xi32>
    %get3A_48 = arith.constant 16 : index
    %get3A_49 = tpu.vector_load %arg14[%get3A_48] {strides = array<i32>} : memref<256xi32, #tpu.memory_space<vmem>>, vector<16xi32>,
    %add3A_50 = arith.addi %add3A_43, %get3A_49 : vector<16xi32>
    %gt3A_51 = arith.constant 1 : i32
    %gt3A_52 = arith.cmpi sgt, %arg1, %gt3A_51 : i32
    %convert_element_type3A_53 = arith.extui %gt3A_52 : i1 to i32
    %mul3A_54 = vector.broadcast %convert_element_type3A_53 : i32 to vector<16xi32>
    %mul3A_55 = arith.muli %get3A_49, %mul3A_54 : vector<16xi32>
    %add3A_56 = arith.addi %add3A_47, %mul3A_55 : vector<16xi32>
    %get3A_57 = arith.constant 32 : index
    %get3A_58 = tpu.vector_load %arg14[%get3A_57] {strides = array<i32>} : memref<256xi32, #tpu.memory_space<vmem>>, vector<16xi32>,
    %add3A_59 = arith.addi %add3A_50, %get3A_58 : vector<16xi32>
    %gt3A_60 = arith.constant 2 : i32
    %gt3A_61 = arith.cmpi sgt, %arg1, %gt3A_60 : i32
    %convert_element_type3A_62 = arith.extui %gt3A_61 : i1 to i32
    %mul3A_63 = vector.broadcast %convert_element_type3A_62 : i32 to vector<16xi32>
    %mul3A_64 = arith.muli %get3A_58, %mul3A_63 : vector<16xi32>
    %add3A_65 = arith.addi %add3A_56, %mul3A_64 : vector<16xi32>
    %get3A_66 = arith.constant 48 : index
    %get3A_67 = tpu.vector_load %arg14[%get3A_66] {strides = array<i32>} : memref<256xi32, #tpu.memory_space<vmem>>, vector<16xi32>,
    %add3A_68 = arith.addi %add3A_59, %get3A_67 : vector<16xi32>
    %gt3A_69 = arith.constant 3 : i32
    %gt3A_70 = arith.cmpi sgt, %arg1, %gt3A_69 : i32
    %convert_element_type3A_71 = arith.extui %gt3A_70 : i1 to i32
    %mul3A_72 = vector.broadcast %convert_element_type3A_71 : i32 to vector<16xi32>
    %mul3A_73 = arith.muli %get3A_67, %mul3A_72 : vector<16xi32>
    %add3A_74 = arith.addi %add3A_65, %mul3A_73 : vector<16xi32>
    %get3A_75 = arith.constant 64 : index
    %get3A_76 = tpu.vector_load %arg14[%get3A_75] {strides = array<i32>} : memref<256xi32, #tpu.memory_space<vmem>>, vector<16xi32>,
    %add3A_77 = arith.addi %add3A_68, %get3A_76 : vector<16xi32>
    %gt3A_78 = arith.constant 4 : i32
    %gt3A_79 = arith.cmpi sgt, %arg1, %gt3A_78 : i32
    %convert_element_type3A_80 = arith.extui %gt3A_79 : i1 to i32
    %mul3A_81 = vector.broadcast %convert_element_type3A_80 : i32 to vector<16xi32>
    %mul3A_82 = arith.muli %get3A_76, %mul3A_81 : vector<16xi32>
    %add3A_83 = arith.addi %add3A_74, %mul3A_82 : vector<16xi32>
    %get3A_84 = arith.constant 80 : index
    %get3A_85 = tpu.vector_load %arg14[%get3A_84] {strides = array<i32>} : memref<256xi32, #tpu.memory_space<vmem>>, vector<16xi32>,
    %add3A_86 = arith.addi %add3A_77, %get3A_85 : vector<16xi32>
    %gt3A_87 = arith.constant 5 : i32
    %gt3A_88 = arith.cmpi sgt, %arg1, %gt3A_87 : i32
    %convert_element_type3A_89 = arith.extui %gt3A_88 : i1 to i32
    %mul3A_90 = vector.broadcast %convert_element_type3A_89 : i32 to vector<16xi32>
    %mul3A_91 = arith.muli %get3A_85, %mul3A_90 : vector<16xi32>
    %add3A_92 = arith.addi %add3A_83, %mul3A_91 : vector<16xi32>
    %get3A_93 = arith.constant 96 : index
    %get3A_94 = tpu.vector_load %arg14[%get3A_93] {strides = array<i32>} : memref<256xi32, #tpu.memory_space<vmem>>, vector<16xi32>,
    %add3A_95 = arith.addi %add3A_86, %get3A_94 : vector<16xi32>
    %gt3A_96 = arith.constant 6 : i32
    %gt3A_97 = arith.cmpi sgt, %arg1, %gt3A_96 : i32
    %convert_element_type3A_98 = arith.extui %gt3A_97 : i1 to i32
    %mul3A_99 = vector.broadcast %convert_element_type3A_98 : i32 to vector<16xi32>
    %mul3A_100 = arith.muli %get3A_94, %mul3A_99 : vector<16xi32>
    %add3A_101 = arith.addi %add3A_92, %mul3A_100 : vector<16xi32>
    %get3A_102 = arith.constant 112 : index
    %get3A_103 = tpu.vector_load %arg14[%get3A_102] {strides = array<i32>} : memref<256xi32, #tpu.memory_space<vmem>>, vector<16xi32>,
    %add3A_104 = arith.addi %add3A_95, %get3A_103 : vector<16xi32>
    %gt3A_105 = arith.constant 7 : i32
    %gt3A_106 = arith.cmpi sgt, %arg1, %gt3A_105 : i32
    %convert_element_type3A_107 = arith.extui %gt3A_106 : i1 to i32
    %mul3A_108 = vector.broadcast %convert_element_type3A_107 : i32 to vector<16xi32>
    %mul3A_109 = arith.muli %get3A_103, %mul3A_108 : vector<16xi32>
    %add3A_110 = arith.addi %add3A_101, %mul3A_109 : vector<16xi32>
    %get3A_111 = arith.constant 128 : index
    %get3A_112 = tpu.vector_load %arg14[%get3A_111] {strides = array<i32>} : memref<256xi32, #tpu.memory_space<vmem>>, vector<16xi32>,
    %add3A_113 = arith.addi %add3A_104, %get3A_112 : vector<16xi32>
    %gt3A_114 = arith.constant 8 : i32
    %gt3A_115 = arith.cmpi sgt, %arg1, %gt3A_114 : i32
    %convert_element_type3A_116 = arith.extui %gt3A_115 : i1 to i32
    %mul3A_117 = vector.broadcast %convert_element_type3A_116 : i32 to vector<16xi32>
    %mul3A_118 = arith.muli %get3A_112, %mul3A_117 : vector<16xi32>
    %add3A_119 = arith.addi %add3A_110, %mul3A_118 : vector<16xi32>
    %get3A_120 = arith.constant 144 : index
    %get3A_121 = tpu.vector_load %arg14[%get3A_120] {strides = array<i32>} : memref<256xi32, #tpu.memory_space<vmem>>, vector<16xi32>,
    %add3A_122 = arith.addi %add3A_113, %get3A_121 : vector<16xi32>
    %gt3A_123 = arith.constant 9 : i32
    %gt3A_124 = arith.cmpi sgt, %arg1, %gt3A_123 : i32
    %convert_element_type3A_125 = arith.extui %gt3A_124 : i1 to i32
    %mul3A_126 = vector.broadcast %convert_element_type3A_125 : i32 to vector<16xi32>
    %mul3A_127 = arith.muli %get3A_121, %mul3A_126 : vector<16xi32>
    %add3A_128 = arith.addi %add3A_119, %mul3A_127 : vector<16xi32>
    %get3A_129 = arith.constant 160 : index
    %get3A_130 = tpu.vector_load %arg14[%get3A_129] {strides = array<i32>} : memref<256xi32, #tpu.memory_space<vmem>>, vector<16xi32>,
    %add3A_131 = arith.addi %add3A_122, %get3A_130 : vector<16xi32>
    %gt3A_132 = arith.constant 10 : i32
    %gt3A_133 = arith.cmpi sgt, %arg1, %gt3A_132 : i32
    %convert_element_type3A_134 = arith.extui %gt3A_133 : i1 to i32
    %mul3A_135 = vector.broadcast %convert_element_type3A_134 : i32 to vector<16xi32>
    %mul3A_136 = arith.muli %get3A_130, %mul3A_135 : vector<16xi32>
    %add3A_137 = arith.addi %add3A_128, %mul3A_136 : vector<16xi32>
    %get3A_138 = arith.constant 176 : index
    %get3A_139 = tpu.vector_load %arg14[%get3A_138] {strides = array<i32>} : memref<256xi32, #tpu.memory_space<vmem>>, vector<16xi32>,
    %add3A_140 = arith.addi %add3A_131, %get3A_139 : vector<16xi32>
    %gt3A_141 = arith.constant 11 : i32
    %gt3A_142 = arith.cmpi sgt, %arg1, %gt3A_141 : i32
    %convert_element_type3A_143 = arith.extui %gt3A_142 : i1 to i32
    %mul3A_144 = vector.broadcast %convert_element_type3A_143 : i32 to vector<16xi32>
    %mul3A_145 = arith.muli %get3A_139, %mul3A_144 : vector<16xi32>
    %add3A_146 = arith.addi %add3A_137, %mul3A_145 : vector<16xi32>
    %get3A_147 = arith.constant 192 : index
    %get3A_148 = tpu.vector_load %arg14[%get3A_147] {strides = array<i32>} : memref<256xi32, #tpu.memory_space<vmem>>, vector<16xi32>,
    %add3A_149 = arith.addi %add3A_140, %get3A_148 : vector<16xi32>
    %gt3A_150 = arith.constant 12 : i32
    %gt3A_151 = arith.cmpi sgt, %arg1, %gt3A_150 : i32
    %convert_element_type3A_152 = arith.extui %gt3A_151 : i1 to i32
    %mul3A_153 = vector.broadcast %convert_element_type3A_152 : i32 to vector<16xi32>
    %mul3A_154 = arith.muli %get3A_148, %mul3A_153 : vector<16xi32>
    %add3A_155 = arith.addi %add3A_146, %mul3A_154 : vector<16xi32>
    %get3A_156 = arith.constant 208 : index
    %get3A_157 = tpu.vector_load %arg14[%get3A_156] {strides = array<i32>} : memref<256xi32, #tpu.memory_space<vmem>>, vector<16xi32>,
    %add3A_158 = arith.addi %add3A_149, %get3A_157 : vector<16xi32>
    %gt3A_159 = arith.constant 13 : i32
    %gt3A_160 = arith.cmpi sgt, %arg1, %gt3A_159 : i32
    %convert_element_type3A_161 = arith.extui %gt3A_160 : i1 to i32
    %mul3A_162 = vector.broadcast %convert_element_type3A_161 : i32 to vector<16xi32>
    %mul3A_163 = arith.muli %get3A_157, %mul3A_162 : vector<16xi32>
    %add3A_164 = arith.addi %add3A_155, %mul3A_163 : vector<16xi32>
    %get3A_165 = arith.constant 224 : index
    %get3A_166 = tpu.vector_load %arg14[%get3A_165] {strides = array<i32>} : memref<256xi32, #tpu.memory_space<vmem>>, vector<16xi32>,
    %add3A_167 = arith.addi %add3A_158, %get3A_166 : vector<16xi32>
    %gt3A_168 = arith.constant 14 : i32
    %gt3A_169 = arith.cmpi sgt, %arg1, %gt3A_168 : i32
    %convert_element_type3A_170 = arith.extui %gt3A_169 : i1 to i32
    %mul3A_171 = vector.broadcast %convert_element_type3A_170 : i32 to vector<16xi32>
    %mul3A_172 = arith.muli %get3A_166, %mul3A_171 : vector<16xi32>
    %add3A_173 = arith.addi %add3A_164, %mul3A_172 : vector<16xi32>
    %get3A_174 = arith.constant 240 : index
    %get3A_175 = tpu.vector_load %arg14[%get3A_174] {strides = array<i32>} : memref<256xi32, #tpu.memory_space<vmem>>, vector<16xi32>,
    %add3A_176 = arith.addi %add3A_167, %get3A_175 : vector<16xi32>
    %gt3A_177 = arith.constant 15 : i32
    %gt3A_178 = arith.cmpi sgt, %arg1, %gt3A_177 : i32
    %convert_element_type3A_179 = arith.extui %gt3A_178 : i1 to i32
    %mul3A_180 = vector.broadcast %convert_element_type3A_179 : i32 to vector<16xi32>
    %mul3A_181 = arith.muli %get3A_175, %mul3A_180 : vector<16xi32>
    %add3A_182 = arith.addi %add3A_173, %mul3A_181 : vector<16xi32>
    %add3A_183 = arith.constant 255 : i32
    %add3A_184 = vector.broadcast %add3A_183 : i32 to vector<16xi32>
    %add3A_185 = arith.addi %add3A_176, %add3A_184 : vector<16xi32>
    %jit3A = arith.constant 256 : i32
    %div3A = vector.broadcast %jit3A : i32 to vector<16xi32>
    %div3A_186 = arith.divsi %add3A_185, %div3A : vector<16xi32>
    %sign3A = arith.constant 0 : i32
    %sign3A_187 = vector.broadcast %sign3A : i32 to vector<16xi32>
    %sign3A_188 = arith.cmpi sgt, %add3A_185, %sign3A_187 : vector<16xi32>
    %sign3A_189 = arith.extui %sign3A_188 : vector<16xi1> to vector<16xi32>
    %sign3A_190 = arith.constant 0 : i32
    %sign3A_191 = vector.broadcast %sign3A_190 : i32 to vector<16xi32>
    %sign3A_192 = arith.cmpi slt, %add3A_185, %sign3A_191 : vector<16xi32>
    %sign3A_193 = arith.extui %sign3A_192 : vector<16xi1> to vector<16xi32>
    %sign3A_194 = arith.subi %sign3A_189, %sign3A_193 : vector<16xi32>
    %sign3A_195 = arith.constant 0 : i32
    %sign3A_196 = arith.cmpi sgt, %jit3A, %sign3A_195 : i32
    %sign3A_197 = arith.extui %sign3A_196 : i1 to i32
    %sign3A_198 = arith.constant 0 : i32
    %sign3A_199 = arith.cmpi slt, %jit3A, %sign3A_198 : i32
    %sign3A_200 = arith.extui %sign3A_199 : i1 to i32
    %sign3A_201 = arith.subi %sign3A_197, %sign3A_200 : i32
    %ne3A = vector.broadcast %sign3A_201 : i32 to vector<16xi32>
    %ne3A_202 = arith.cmpi ne, %sign3A_194, %ne3A : vector<16xi32>
    %rem3A = vector.broadcast %jit3A : i32 to vector<16xi32>
    %rem3A_203 = arith.remsi %add3A_185, %rem3A : vector<16xi32>
    %ne3A_204 = arith.constant 0 : i32
    %ne3A_205 = vector.broadcast %ne3A_204 : i32 to vector<16xi32>
    %ne3A_206 = arith.cmpi ne, %rem3A_203, %ne3A_205 : vector<16xi32>
    %and3A = arith.andi %ne3A_202, %ne3A_206 : vector<16xi1>
    %sub3A = arith.constant 1 : i32
    %sub3A_207 = vector.broadcast %sub3A : i32 to vector<16xi32>
    %sub3A_208 = arith.subi %div3A_186, %sub3A_207 : vector<16xi32>
    %select_n3A = arith.select %and3A, %sub3A_208, %div3A_186 : vector<16xi1>, vector<16xi32>
    %mul3A_209 = arith.constant 256 : i32
    %mul3A_210 = vector.broadcast %mul3A_209 : i32 to vector<16xi32>
    %mul3A_211 = arith.muli %select_n3A, %mul3A_210 : vector<16xi32>
    %broadcast_in_dim3A_212 = arith.constant true
    %broadcast_in_dim3A_213 = vector.broadcast %broadcast_in_dim3A_212 : i1 to vector<16xi1>
    %masked_cumsum3A = tpu.scan <sum>, %mul3A_211 masked %broadcast_in_dim3A_213 : vector<16xi32>, vector<16xi1> -> vector<16xi32>
    %sub3A_214 = arith.subi %masked_cumsum3A, %mul3A_211 : vector<16xi32>
    %add3A_215 = arith.addi %sub3A_214, %add3A_182 : vector<16xi32>
    %swap3A_216 = arith.constant 0 : index
    %swap3A_217 = tpu.vector_load %arg15[%swap3A_216] {strides = array<i32>} : memref<16xi32, #tpu.memory_space<vmem>>, vector<16xi32>,
    tpu.vector_store %arg15[%swap3A_216], %add3A_215 {strides = array<i32>} : memref<16xi32, #tpu.memory_space<vmem>>, vector<16xi32>,
    %jit3A_218 = arith.constant 256 : i32
    %div3A_219 = vector.broadcast %jit3A_218 : i32 to vector<16xi32>
    %div3A_220 = arith.divsi %mul3A_211, %div3A_219 : vector<16xi32>
    %sign3A_221 = arith.constant 0 : i32
    %sign3A_222 = vector.broadcast %sign3A_221 : i32 to vector<16xi32>
    %sign3A_223 = arith.cmpi sgt, %mul3A_211, %sign3A_222 : vector<16xi32>
    %sign3A_224 = arith.extui %sign3A_223 : vector<16xi1> to vector<16xi32>
    %sign3A_225 = arith.constant 0 : i32
    %sign3A_226 = vector.broadcast %sign3A_225 : i32 to vector<16xi32>
    %sign3A_227 = arith.cmpi slt, %mul3A_211, %sign3A_226 : vector<16xi32>
    %sign3A_228 = arith.extui %sign3A_227 : vector<16xi1> to vector<16xi32>
    %sign3A_229 = arith.subi %sign3A_224, %sign3A_228 : vector<16xi32>
    %sign3A_230 = arith.constant 0 : i32
    %sign3A_231 = arith.cmpi sgt, %jit3A_218, %sign3A_230 : i32
    %sign3A_232 = arith.extui %sign3A_231 : i1 to i32
    %sign3A_233 = arith.constant 0 : i32
    %sign3A_234 = arith.cmpi slt, %jit3A_218, %sign3A_233 : i32
    %sign3A_235 = arith.extui %sign3A_234 : i1 to i32
    %sign3A_236 = arith.subi %sign3A_232, %sign3A_235 : i32
    %ne3A_237 = vector.broadcast %sign3A_236 : i32 to vector<16xi32>
    %ne3A_238 = arith.cmpi ne, %sign3A_229, %ne3A_237 : vector<16xi32>
    %rem3A_239 = vector.broadcast %jit3A_218 : i32 to vector<16xi32>
    %rem3A_240 = arith.remsi %mul3A_211, %rem3A_239 : vector<16xi32>
    %ne3A_241 = arith.constant 0 : i32
    %ne3A_242 = vector.broadcast %ne3A_241 : i32 to vector<16xi32>
    %ne3A_243 = arith.cmpi ne, %rem3A_240, %ne3A_242 : vector<16xi32>
    %and3A_244 = arith.andi %ne3A_238, %ne3A_243 : vector<16xi1>
    %sub3A_245 = arith.constant 1 : i32
    %sub3A_246 = vector.broadcast %sub3A_245 : i32 to vector<16xi32>
    %sub3A_247 = arith.subi %div3A_220, %sub3A_246 : vector<16xi32>
    %select_n3A_248 = arith.select %and3A_244, %sub3A_247, %div3A_220 : vector<16xi1>, vector<16xi32>
    %broadcast_in_dim3A_249 = arith.constant true
    %broadcast_in_dim3A_250 = vector.broadcast %broadcast_in_dim3A_249 : i1 to vector<16xi1>
    %masked_cumsum3A_251 = tpu.scan <sum>, %select_n3A_248 masked %broadcast_in_dim3A_250 : vector<16xi32>, vector<16xi1> -> vector<16xi32>
    %sub3A_252 = arith.subi %masked_cumsum3A_251, %select_n3A_248 : vector<16xi32>
    %broadcast_in_dim3A_253 = arith.constant -1 : i32
    %broadcast_in_dim3A_254 = vector.broadcast %broadcast_in_dim3A_253 : i32 to vector<16xi32>
    %swap3A_255 = arith.constant 0 : index
    %swap3A_256 = tpu.vector_load %arg23[%swap3A_255] {strides = array<i32>} : memref<32xi32, #tpu.memory_space<vmem>>, vector<16xi32>,
    tpu.vector_store %arg23[%swap3A_255], %broadcast_in_dim3A_254 {strides = array<i32>} : memref<32xi32, #tpu.memory_space<vmem>>, vector<16xi32>,
    %broadcast_in_dim3A_257 = arith.constant -1 : i32
    %broadcast_in_dim3A_258 = vector.broadcast %broadcast_in_dim3A_257 : i32 to vector<16xi32>
    %swap3A_259 = arith.constant 16 : index
    %swap3A_260 = tpu.vector_load %arg23[%swap3A_259] {strides = array<i32>} : memref<32xi32, #tpu.memory_space<vmem>>, vector<16xi32>,
    tpu.vector_store %arg23[%swap3A_259], %broadcast_in_dim3A_258 {strides = array<i32>} : memref<32xi32, #tpu.memory_space<vmem>>, vector<16xi32>,
    %scan3A_261 = arith.constant 0 : i32
    %scan3A_262 = arith.constant 0 : i32
    %scan3A_263 = arith.constant 16 : i32
    %scan3A_264 = arith.addi %scan3A_262, %scan3A_263 : i32
    %scan3A_265 = arith.constant 1 : i32
    %scan3A_266 = scf.for %scan3A_378 = %scan3A_262 to %scan3A_264 step %scan3A_265 iter_args(%scan3A_379 = %scan3A_261) -> (i32)  : i32 {
      %gt3A_380 = vector.broadcast %scan3A_378 : i32 to vector<16xi32>
      %gt3A_381 = arith.cmpi sgt, %select_n3A_248, %gt3A_380 : vector<16xi32>
      %lt3A = arith.constant 8 : i32
      %lt3A_382 = vector.broadcast %lt3A : i32 to vector<16xi32>
      %lt3A_383 = arith.cmpi slt, %iota3A, %lt3A_382 : vector<16xi32>
      %and3A_384 = arith.andi %gt3A_381, %lt3A_383 : vector<16xi1>
      %add3A_385 = vector.broadcast %scan3A_378 : i32 to vector<16xi32>
      %add3A_386 = arith.addi %sub3A_252, %add3A_385 : vector<16xi32>
      tpu.vector_store_idx %arg23[%add3A_386], %iota3A masked %and3A_384 : memref<32xi32, #tpu.memory_space<vmem>>[vector<16xi32>], vector<16xi32>, vector<16xi1>
      %scan3A_387 = arith.constant 0 : i32
      scf.yield %scan3A_387 : i32
    }
    %scan3A_267 = arith.constant 16 : i32
    %eq3A = arith.constant 0 : i32
    %eq3A_268 = arith.cmpi eq, %arg1, %eq3A : i32
    %convert_element_type3A_269 = arith.extui %eq3A_268 : i1 to i32
    %cond3A = arith.constant 0 : i32
    %cond3A_270 = arith.cmpi ne, %convert_element_type3A_269, %cond3A : i32
    scf.if %cond3A_270 {
      "tpu.region"() ({
        %run_scoped3A_378 = tpu.sem_alloc : memref<!tpu.dma_semaphore, #tpu.memory_space<semaphore_mem>>
        tpu.enqueue_dma source(%arg23 : memref<32xi32, #tpu.memory_space<vmem>>) target(%arg7 : memref<32xi32, #tpu.memory_space<hbm>>) target_semaphore(%run_scoped3A_378 : memref<!tpu.dma_semaphore, #tpu.memory_space<semaphore_mem>>)
        tpu.wait_dma2 semaphore(%run_scoped3A_378 : memref<!tpu.dma_semaphore, #tpu.memory_space<semaphore_mem>>) src(%arg23 : memref<32xi32, #tpu.memory_space<vmem>>) dst(%arg7 : memref<32xi32, #tpu.memory_space<hbm>>)
        tpu.yield
      }) : () -> ()
    } else {
    }
    %scan3A_271 = arith.constant 0 : i32
    %scan3A_272 = arith.constant 0 : i32
    %scan3A_273 = arith.constant 4 : i32
    %scan3A_274 = arith.addi %scan3A_272, %scan3A_273 : i32
    %scan3A_275 = arith.constant 1 : i32
    %scan3A_276 = scf.for %scan3A_378 = %scan3A_272 to %scan3A_274 step %scan3A_275 iter_args(%scan3A_379 = %scan3A_271) -> (i32)  : i32 {
      %add3A_380 = arith.constant 0 : i32
      %add3A_381 = arith.addi %add3A_380, %scan3A_378 : i32
      %mul3A_382 = arith.constant 16 : i32
      %mul3A_383 = arith.muli %add3A_381, %mul3A_382 : i32
      %get3A_384 = arith.index_cast %mul3A_383 : i32 to index
      %get3A_385 = tpu.vector_load %arg10[%get3A_384] {strides = array<i32>} : memref<256xi32, #tpu.memory_space<vmem>>, vector<16xi32>,
      %mul3A_386 = arith.constant 16 : i32
      %mul3A_387 = arith.muli %add3A_381, %mul3A_386 : i32
      %add3A_388 = arith.addi %mul3A_0, %mul3A_387 : i32
      %add3A_389 = vector.broadcast %add3A_388 : i32 to vector<16xi32>
      %add3A_390 = arith.addi %add3A_389, %iota3A : vector<16xi32>
      %jit3A_391 = arith.constant 2 : i32
      %div3A_392 = vector.broadcast %jit3A_391 : i32 to vector<16xi32>
      %div3A_393 = arith.divsi %add3A_390, %div3A_392 : vector<16xi32>
      %sign3A_394 = arith.constant 0 : i32
      %sign3A_395 = vector.broadcast %sign3A_394 : i32 to vector<16xi32>
      %sign3A_396 = arith.cmpi sgt, %add3A_390, %sign3A_395 : vector<16xi32>
      %sign3A_397 = arith.extui %sign3A_396 : vector<16xi1> to vector<16xi32>
      %sign3A_398 = arith.constant 0 : i32
      %sign3A_399 = vector.broadcast %sign3A_398 : i32 to vector<16xi32>
      %sign3A_400 = arith.cmpi slt, %add3A_390, %sign3A_399 : vector<16xi32>
      %sign3A_401 = arith.extui %sign3A_400 : vector<16xi1> to vector<16xi32>
      %sign3A_402 = arith.subi %sign3A_397, %sign3A_401 : vector<16xi32>
      %sign3A_403 = arith.constant 0 : i32
      %sign3A_404 = arith.cmpi sgt, %jit3A_391, %sign3A_403 : i32
      %sign3A_405 = arith.extui %sign3A_404 : i1 to i32
      %sign3A_406 = arith.constant 0 : i32
      %sign3A_407 = arith.cmpi slt, %jit3A_391, %sign3A_406 : i32
      %sign3A_408 = arith.extui %sign3A_407 : i1 to i32
      %sign3A_409 = arith.subi %sign3A_405, %sign3A_408 : i32
      %ne3A_410 = vector.broadcast %sign3A_409 : i32 to vector<16xi32>
      %ne3A_411 = arith.cmpi ne, %sign3A_402, %ne3A_410 : vector<16xi32>
      %rem3A_412 = vector.broadcast %jit3A_391 : i32 to vector<16xi32>
      %rem3A_413 = arith.remsi %add3A_390, %rem3A_412 : vector<16xi32>
      %ne3A_414 = arith.constant 0 : i32
      %ne3A_415 = vector.broadcast %ne3A_414 : i32 to vector<16xi32>
      %ne3A_416 = arith.cmpi ne, %rem3A_413, %ne3A_415 : vector<16xi32>
      %and3A_417 = arith.andi %ne3A_411, %ne3A_416 : vector<16xi1>
      %sub3A_418 = arith.constant 1 : i32
      %sub3A_419 = vector.broadcast %sub3A_418 : i32 to vector<16xi32>
      %sub3A_420 = arith.subi %div3A_393, %sub3A_419 : vector<16xi32>
      %select_n3A_421 = arith.select %and3A_417, %sub3A_420, %div3A_393 : vector<16xi1>, vector<16xi32>
      %broadcast_in_dim3A_422 = arith.constant 0 : i32
      %broadcast_in_dim3A_423 = vector.broadcast %broadcast_in_dim3A_422 : i32 to vector<16xi32>
      %broadcast_in_dim3A_424 = arith.constant false
      %broadcast_in_dim3A_425 = vector.broadcast %broadcast_in_dim3A_424 : i1 to vector<16xi1>
      %eq3A_426 = arith.constant 0 : i32
      %eq3A_427 = vector.broadcast %eq3A_426 : i32 to vector<16xi32>
      %eq3A_428 = arith.cmpi eq, %get3A_385, %eq3A_427 : vector<16xi32>
      %convert_element_type3A_429 = arith.extui %eq3A_428 : vector<16xi1> to vector<16xi32>
      %broadcast_in_dim3A_430 = arith.constant true
      %broadcast_in_dim3A_431 = vector.broadcast %broadcast_in_dim3A_430 : i1 to vector<16xi1>
      %masked_cumsum3A_432 = tpu.scan <sum>, %convert_element_type3A_429 masked %broadcast_in_dim3A_431 : vector<16xi32>, vector<16xi1> -> vector<16xi32>
      %rev3A = arith.constant 15 : i32
      %rev3A_433 = vector.broadcast %rev3A : i32 to vector<16xi32>
      %rev3A_434 = tpu.iota {dimensions = array<i32: 0>} : vector<16xi32>
      %rev3A_435 = arith.subi %rev3A_433, %rev3A_434 : vector<16xi32>
      %rev3A_436 = tpu.dynamic_gather %convert_element_type3A_429[%rev3A_435] in [0] : vector<16xi32>, vector<16xi32> -> vector<16xi32>
      %broadcast_in_dim3A_437 = arith.constant true
      %broadcast_in_dim3A_438 = vector.broadcast %broadcast_in_dim3A_437 : i1 to vector<16xi1>
      %masked_cumsum3A_439 = tpu.scan <sum>, %rev3A_436 masked %broadcast_in_dim3A_438 : vector<16xi32>, vector<16xi1> -> vector<16xi32>
      %rev3A_440 = arith.constant 15 : i32
      %rev3A_441 = vector.broadcast %rev3A_440 : i32 to vector<16xi32>
      %rev3A_442 = tpu.iota {dimensions = array<i32: 0>} : vector<16xi32>
      %rev3A_443 = arith.subi %rev3A_441, %rev3A_442 : vector<16xi32>
      %rev3A_444 = tpu.dynamic_gather %masked_cumsum3A_439[%rev3A_443] in [0] : vector<16xi32>, vector<16xi32> -> vector<16xi32>
      %jit3A_445 = arith.constant 0 : i32
      %broadcast_in_dim3A_446 = vector.broadcast %jit3A_445 : i32 to vector<16xi32>
      %select_n3A_447 = arith.select %eq3A_428, %masked_cumsum3A_432, %broadcast_in_dim3A_446 : vector<16xi1>, vector<16xi32>
      %add3A_448 = arith.addi %broadcast_in_dim3A_423, %select_n3A_447 : vector<16xi32>
      %eq3A_449 = arith.constant 1 : i32
      %eq3A_450 = vector.broadcast %eq3A_449 : i32 to vector<16xi32>
      %eq3A_451 = arith.cmpi eq, %rev3A_444, %eq3A_450 : vector<16xi32>
      %and3A_452 = arith.andi %eq3A_428, %eq3A_451 : vector<16xi1>
      %or3A = arith.ori %broadcast_in_dim3A_425, %and3A_452 : vector<16xi1>
      %eq3A_453 = arith.constant 1 : i32
      %eq3A_454 = vector.broadcast %eq3A_453 : i32 to vector<16xi32>
      %eq3A_455 = arith.cmpi eq, %get3A_385, %eq3A_454 : vector<16xi32>
      %convert_element_type3A_456 = arith.extui %eq3A_455 : vector<16xi1> to vector<16xi32>
      %broadcast_in_dim3A_457 = arith.constant true
      %broadcast_in_dim3A_458 = vector.broadcast %broadcast_in_dim3A_457 : i1 to vector<16xi1>
      %masked_cumsum3A_459 = tpu.scan <sum>, %convert_element_type3A_456 masked %broadcast_in_dim3A_458 : vector<16xi32>, vector<16xi1> -> vector<16xi32>
      %rev3A_460 = arith.constant 15 : i32
      %rev3A_461 = vector.broadcast %rev3A_460 : i32 to vector<16xi32>
      %rev3A_462 = tpu.iota {dimensions = array<i32: 0>} : vector<16xi32>
      %rev3A_463 = arith.subi %rev3A_461, %rev3A_462 : vector<16xi32>
      %rev3A_464 = tpu.dynamic_gather %convert_element_type3A_456[%rev3A_463] in [0] : vector<16xi32>, vector<16xi32> -> vector<16xi32>
      %broadcast_in_dim3A_465 = arith.constant true
      %broadcast_in_dim3A_466 = vector.broadcast %broadcast_in_dim3A_465 : i1 to vector<16xi1>
      %masked_cumsum3A_467 = tpu.scan <sum>, %rev3A_464 masked %broadcast_in_dim3A_466 : vector<16xi32>, vector<16xi1> -> vector<16xi32>
      %rev3A_468 = arith.constant 15 : i32
      %rev3A_469 = vector.broadcast %rev3A_468 : i32 to vector<16xi32>
      %rev3A_470 = tpu.iota {dimensions = array<i32: 0>} : vector<16xi32>
      %rev3A_471 = arith.subi %rev3A_469, %rev3A_470 : vector<16xi32>
      %rev3A_472 = tpu.dynamic_gather %masked_cumsum3A_467[%rev3A_471] in [0] : vector<16xi32>, vector<16xi32> -> vector<16xi32>
      %jit3A_473 = arith.constant 0 : i32
      %broadcast_in_dim3A_474 = vector.broadcast %jit3A_473 : i32 to vector<16xi32>
      %select_n3A_475 = arith.select %eq3A_455, %masked_cumsum3A_459, %broadcast_in_dim3A_474 : vector<16xi1>, vector<16xi32>
      %add3A_476 = arith.addi %add3A_448, %select_n3A_475 : vector<16xi32>
      %eq3A_477 = arith.constant 1 : i32
      %eq3A_478 = vector.broadcast %eq3A_477 : i32 to vector<16xi32>
      %eq3A_479 = arith.cmpi eq, %rev3A_472, %eq3A_478 : vector<16xi32>
      %and3A_480 = arith.andi %eq3A_455, %eq3A_479 : vector<16xi1>
      %or3A_481 = arith.ori %or3A, %and3A_480 : vector<16xi1>
      %eq3A_482 = arith.constant 2 : i32
      %eq3A_483 = vector.broadcast %eq3A_482 : i32 to vector<16xi32>
      %eq3A_484 = arith.cmpi eq, %get3A_385, %eq3A_483 : vector<16xi32>
      %convert_element_type3A_485 = arith.extui %eq3A_484 : vector<16xi1> to vector<16xi32>
      %broadcast_in_dim3A_486 = arith.constant true
      %broadcast_in_dim3A_487 = vector.broadcast %broadcast_in_dim3A_486 : i1 to vector<16xi1>
      %masked_cumsum3A_488 = tpu.scan <sum>, %convert_element_type3A_485 masked %broadcast_in_dim3A_487 : vector<16xi32>, vector<16xi1> -> vector<16xi32>
      %rev3A_489 = arith.constant 15 : i32
      %rev3A_490 = vector.broadcast %rev3A_489 : i32 to vector<16xi32>
      %rev3A_491 = tpu.iota {dimensions = array<i32: 0>} : vector<16xi32>
      %rev3A_492 = arith.subi %rev3A_490, %rev3A_491 : vector<16xi32>
      %rev3A_493 = tpu.dynamic_gather %convert_element_type3A_485[%rev3A_492] in [0] : vector<16xi32>, vector<16xi32> -> vector<16xi32>
      %broadcast_in_dim3A_494 = arith.constant true
      %broadcast_in_dim3A_495 = vector.broadcast %broadcast_in_dim3A_494 : i1 to vector<16xi1>
      %masked_cumsum3A_496 = tpu.scan <sum>, %rev3A_493 masked %broadcast_in_dim3A_495 : vector<16xi32>, vector<16xi1> -> vector<16xi32>
      %rev3A_497 = arith.constant 15 : i32
      %rev3A_498 = vector.broadcast %rev3A_497 : i32 to vector<16xi32>
      %rev3A_499 = tpu.iota {dimensions = array<i32: 0>} : vector<16xi32>
      %rev3A_500 = arith.subi %rev3A_498, %rev3A_499 : vector<16xi32>
      %rev3A_501 = tpu.dynamic_gather %masked_cumsum3A_496[%rev3A_500] in [0] : vector<16xi32>, vector<16xi32> -> vector<16xi32>
      %jit3A_502 = arith.constant 0 : i32
      %broadcast_in_dim3A_503 = vector.broadcast %jit3A_502 : i32 to vector<16xi32>
      %select_n3A_504 = arith.select %eq3A_484, %masked_cumsum3A_488, %broadcast_in_dim3A_503 : vector<16xi1>, vector<16xi32>
      %add3A_505 = arith.addi %add3A_476, %select_n3A_504 : vector<16xi32>
      %eq3A_506 = arith.constant 1 : i32
      %eq3A_507 = vector.broadcast %eq3A_506 : i32 to vector<16xi32>
      %eq3A_508 = arith.cmpi eq, %rev3A_501, %eq3A_507 : vector<16xi32>
      %and3A_509 = arith.andi %eq3A_484, %eq3A_508 : vector<16xi1>
      %or3A_510 = arith.ori %or3A_481, %and3A_509 : vector<16xi1>
      %eq3A_511 = arith.constant 3 : i32
      %eq3A_512 = vector.broadcast %eq3A_511 : i32 to vector<16xi32>
      %eq3A_513 = arith.cmpi eq, %get3A_385, %eq3A_512 : vector<16xi32>
      %convert_element_type3A_514 = arith.extui %eq3A_513 : vector<16xi1> to vector<16xi32>
      %broadcast_in_dim3A_515 = arith.constant true
      %broadcast_in_dim3A_516 = vector.broadcast %broadcast_in_dim3A_515 : i1 to vector<16xi1>
      %masked_cumsum3A_517 = tpu.scan <sum>, %convert_element_type3A_514 masked %broadcast_in_dim3A_516 : vector<16xi32>, vector<16xi1> -> vector<16xi32>
      %rev3A_518 = arith.constant 15 : i32
      %rev3A_519 = vector.broadcast %rev3A_518 : i32 to vector<16xi32>
      %rev3A_520 = tpu.iota {dimensions = array<i32: 0>} : vector<16xi32>
      %rev3A_521 = arith.subi %rev3A_519, %rev3A_520 : vector<16xi32>
      %rev3A_522 = tpu.dynamic_gather %convert_element_type3A_514[%rev3A_521] in [0] : vector<16xi32>, vector<16xi32> -> vector<16xi32>
      %broadcast_in_dim3A_523 = arith.constant true
      %broadcast_in_dim3A_524 = vector.broadcast %broadcast_in_dim3A_523 : i1 to vector<16xi1>
      %masked_cumsum3A_525 = tpu.scan <sum>, %rev3A_522 masked %broadcast_in_dim3A_524 : vector<16xi32>, vector<16xi1> -> vector<16xi32>
      %rev3A_526 = arith.constant 15 : i32
      %rev3A_527 = vector.broadcast %rev3A_526 : i32 to vector<16xi32>
      %rev3A_528 = tpu.iota {dimensions = array<i32: 0>} : vector<16xi32>
      %rev3A_529 = arith.subi %rev3A_527, %rev3A_528 : vector<16xi32>
      %rev3A_530 = tpu.dynamic_gather %masked_cumsum3A_525[%rev3A_529] in [0] : vector<16xi32>, vector<16xi32> -> vector<16xi32>
      %jit3A_531 = arith.constant 0 : i32
      %broadcast_in_dim3A_532 = vector.broadcast %jit3A_531 : i32 to vector<16xi32>
      %select_n3A_533 = arith.select %eq3A_513, %masked_cumsum3A_517, %broadcast_in_dim3A_532 : vector<16xi1>, vector<16xi32>
      %add3A_534 = arith.addi %add3A_505, %select_n3A_533 : vector<16xi32>
      %eq3A_535 = arith.constant 1 : i32
      %eq3A_536 = vector.broadcast %eq3A_535 : i32 to vector<16xi32>
      %eq3A_537 = arith.cmpi eq, %rev3A_530, %eq3A_536 : vector<16xi32>
      %and3A_538 = arith.andi %eq3A_513, %eq3A_537 : vector<16xi1>
      %or3A_539 = arith.ori %or3A_510, %and3A_538 : vector<16xi1>
      %eq3A_540 = arith.constant 4 : i32
      %eq3A_541 = vector.broadcast %eq3A_540 : i32 to vector<16xi32>
      %eq3A_542 = arith.cmpi eq, %get3A_385, %eq3A_541 : vector<16xi32>
      %convert_element_type3A_543 = arith.extui %eq3A_542 : vector<16xi1> to vector<16xi32>
      %broadcast_in_dim3A_544 = arith.constant true
      %broadcast_in_dim3A_545 = vector.broadcast %broadcast_in_dim3A_544 : i1 to vector<16xi1>
      %masked_cumsum3A_546 = tpu.scan <sum>, %convert_element_type3A_543 masked %broadcast_in_dim3A_545 : vector<16xi32>, vector<16xi1> -> vector<16xi32>
      %rev3A_547 = arith.constant 15 : i32
      %rev3A_548 = vector.broadcast %rev3A_547 : i32 to vector<16xi32>
      %rev3A_549 = tpu.iota {dimensions = array<i32: 0>} : vector<16xi32>
      %rev3A_550 = arith.subi %rev3A_548, %rev3A_549 : vector<16xi32>
      %rev3A_551 = tpu.dynamic_gather %convert_element_type3A_543[%rev3A_550] in [0] : vector<16xi32>, vector<16xi32> -> vector<16xi32>
      %broadcast_in_dim3A_552 = arith.constant true
      %broadcast_in_dim3A_553 = vector.broadcast %broadcast_in_dim3A_552 : i1 to vector<16xi1>
      %masked_cumsum3A_554 = tpu.scan <sum>, %rev3A_551 masked %broadcast_in_dim3A_553 : vector<16xi32>, vector<16xi1> -> vector<16xi32>
      %rev3A_555 = arith.constant 15 : i32
      %rev3A_556 = vector.broadcast %rev3A_555 : i32 to vector<16xi32>
      %rev3A_557 = tpu.iota {dimensions = array<i32: 0>} : vector<16xi32>
      %rev3A_558 = arith.subi %rev3A_556, %rev3A_557 : vector<16xi32>
      %rev3A_559 = tpu.dynamic_gather %masked_cumsum3A_554[%rev3A_558] in [0] : vector<16xi32>, vector<16xi32> -> vector<16xi32>
      %jit3A_560 = arith.constant 0 : i32
      %broadcast_in_dim3A_561 = vector.broadcast %jit3A_560 : i32 to vector<16xi32>
      %select_n3A_562 = arith.select %eq3A_542, %masked_cumsum3A_546, %broadcast_in_dim3A_561 : vector<16xi1>, vector<16xi32>
      %add3A_563 = arith.addi %add3A_534, %select_n3A_562 : vector<16xi32>
      %eq3A_564 = arith.constant 1 : i32
      %eq3A_565 = vector.broadcast %eq3A_564 : i32 to vector<16xi32>
      %eq3A_566 = arith.cmpi eq, %rev3A_559, %eq3A_565 : vector<16xi32>
      %and3A_567 = arith.andi %eq3A_542, %eq3A_566 : vector<16xi1>
      %or3A_568 = arith.ori %or3A_539, %and3A_567 : vector<16xi1>
      %eq3A_569 = arith.constant 5 : i32
      %eq3A_570 = vector.broadcast %eq3A_569 : i32 to vector<16xi32>
      %eq3A_571 = arith.cmpi eq, %get3A_385, %eq3A_570 : vector<16xi32>
      %convert_element_type3A_572 = arith.extui %eq3A_571 : vector<16xi1> to vector<16xi32>
      %broadcast_in_dim3A_573 = arith.constant true
      %broadcast_in_dim3A_574 = vector.broadcast %broadcast_in_dim3A_573 : i1 to vector<16xi1>
      %masked_cumsum3A_575 = tpu.scan <sum>, %convert_element_type3A_572 masked %broadcast_in_dim3A_574 : vector<16xi32>, vector<16xi1> -> vector<16xi32>
      %rev3A_576 = arith.constant 15 : i32
      %rev3A_577 = vector.broadcast %rev3A_576 : i32 to vector<16xi32>
      %rev3A_578 = tpu.iota {dimensions = array<i32: 0>} : vector<16xi32>
      %rev3A_579 = arith.subi %rev3A_577, %rev3A_578 : vector<16xi32>
      %rev3A_580 = tpu.dynamic_gather %convert_element_type3A_572[%rev3A_579] in [0] : vector<16xi32>, vector<16xi32> -> vector<16xi32>
      %broadcast_in_dim3A_581 = arith.constant true
      %broadcast_in_dim3A_582 = vector.broadcast %broadcast_in_dim3A_581 : i1 to vector<16xi1>
      %masked_cumsum3A_583 = tpu.scan <sum>, %rev3A_580 masked %broadcast_in_dim3A_582 : vector<16xi32>, vector<16xi1> -> vector<16xi32>
      %rev3A_584 = arith.constant 15 : i32
      %rev3A_585 = vector.broadcast %rev3A_584 : i32 to vector<16xi32>
      %rev3A_586 = tpu.iota {dimensions = array<i32: 0>} : vector<16xi32>
      %rev3A_587 = arith.subi %rev3A_585, %rev3A_586 : vector<16xi32>
      %rev3A_588 = tpu.dynamic_gather %masked_cumsum3A_583[%rev3A_587] in [0] : vector<16xi32>, vector<16xi32> -> vector<16xi32>
      %jit3A_589 = arith.constant 0 : i32
      %broadcast_in_dim3A_590 = vector.broadcast %jit3A_589 : i32 to vector<16xi32>
      %select_n3A_591 = arith.select %eq3A_571, %masked_cumsum3A_575, %broadcast_in_dim3A_590 : vector<16xi1>, vector<16xi32>
      %add3A_592 = arith.addi %add3A_563, %select_n3A_591 : vector<16xi32>
      %eq3A_593 = arith.constant 1 : i32
      %eq3A_594 = vector.broadcast %eq3A_593 : i32 to vector<16xi32>
      %eq3A_595 = arith.cmpi eq, %rev3A_588, %eq3A_594 : vector<16xi32>
      %and3A_596 = arith.andi %eq3A_571, %eq3A_595 : vector<16xi1>
      %or3A_597 = arith.ori %or3A_568, %and3A_596 : vector<16xi1>
      %eq3A_598 = arith.constant 6 : i32
      %eq3A_599 = vector.broadcast %eq3A_598 : i32 to vector<16xi32>
      %eq3A_600 = arith.cmpi eq, %get3A_385, %eq3A_599 : vector<16xi32>
      %convert_element_type3A_601 = arith.extui %eq3A_600 : vector<16xi1> to vector<16xi32>
      %broadcast_in_dim3A_602 = arith.constant true
      %broadcast_in_dim3A_603 = vector.broadcast %broadcast_in_dim3A_602 : i1 to vector<16xi1>
      %masked_cumsum3A_604 = tpu.scan <sum>, %convert_element_type3A_601 masked %broadcast_in_dim3A_603 : vector<16xi32>, vector<16xi1> -> vector<16xi32>
      %rev3A_605 = arith.constant 15 : i32
      %rev3A_606 = vector.broadcast %rev3A_605 : i32 to vector<16xi32>
      %rev3A_607 = tpu.iota {dimensions = array<i32: 0>} : vector<16xi32>
      %rev3A_608 = arith.subi %rev3A_606, %rev3A_607 : vector<16xi32>
      %rev3A_609 = tpu.dynamic_gather %convert_element_type3A_601[%rev3A_608] in [0] : vector<16xi32>, vector<16xi32> -> vector<16xi32>
      %broadcast_in_dim3A_610 = arith.constant true
      %broadcast_in_dim3A_611 = vector.broadcast %broadcast_in_dim3A_610 : i1 to vector<16xi1>
      %masked_cumsum3A_612 = tpu.scan <sum>, %rev3A_609 masked %broadcast_in_dim3A_611 : vector<16xi32>, vector<16xi1> -> vector<16xi32>
      %rev3A_613 = arith.constant 15 : i32
      %rev3A_614 = vector.broadcast %rev3A_613 : i32 to vector<16xi32>
      %rev3A_615 = tpu.iota {dimensions = array<i32: 0>} : vector<16xi32>
      %rev3A_616 = arith.subi %rev3A_614, %rev3A_615 : vector<16xi32>
      %rev3A_617 = tpu.dynamic_gather %masked_cumsum3A_612[%rev3A_616] in [0] : vector<16xi32>, vector<16xi32> -> vector<16xi32>
      %jit3A_618 = arith.constant 0 : i32
      %broadcast_in_dim3A_619 = vector.broadcast %jit3A_618 : i32 to vector<16xi32>
      %select_n3A_620 = arith.select %eq3A_600, %masked_cumsum3A_604, %broadcast_in_dim3A_619 : vector<16xi1>, vector<16xi32>
      %add3A_621 = arith.addi %add3A_592, %select_n3A_620 : vector<16xi32>
      %eq3A_622 = arith.constant 1 : i32
      %eq3A_623 = vector.broadcast %eq3A_622 : i32 to vector<16xi32>
      %eq3A_624 = arith.cmpi eq, %rev3A_617, %eq3A_623 : vector<16xi32>
      %and3A_625 = arith.andi %eq3A_600, %eq3A_624 : vector<16xi1>
      %or3A_626 = arith.ori %or3A_597, %and3A_625 : vector<16xi1>
      %eq3A_627 = arith.constant 7 : i32
      %eq3A_628 = vector.broadcast %eq3A_627 : i32 to vector<16xi32>
      %eq3A_629 = arith.cmpi eq, %get3A_385, %eq3A_628 : vector<16xi32>
      %convert_element_type3A_630 = arith.extui %eq3A_629 : vector<16xi1> to vector<16xi32>
      %broadcast_in_dim3A_631 = arith.constant true
      %broadcast_in_dim3A_632 = vector.broadcast %broadcast_in_dim3A_631 : i1 to vector<16xi1>
      %masked_cumsum3A_633 = tpu.scan <sum>, %convert_element_type3A_630 masked %broadcast_in_dim3A_632 : vector<16xi32>, vector<16xi1> -> vector<16xi32>
      %rev3A_634 = arith.constant 15 : i32
      %rev3A_635 = vector.broadcast %rev3A_634 : i32 to vector<16xi32>
      %rev3A_636 = tpu.iota {dimensions = array<i32: 0>} : vector<16xi32>
      %rev3A_637 = arith.subi %rev3A_635, %rev3A_636 : vector<16xi32>
      %rev3A_638 = tpu.dynamic_gather %convert_element_type3A_630[%rev3A_637] in [0] : vector<16xi32>, vector<16xi32> -> vector<16xi32>
      %broadcast_in_dim3A_639 = arith.constant true
      %broadcast_in_dim3A_640 = vector.broadcast %broadcast_in_dim3A_639 : i1 to vector<16xi1>
      %masked_cumsum3A_641 = tpu.scan <sum>, %rev3A_638 masked %broadcast_in_dim3A_640 : vector<16xi32>, vector<16xi1> -> vector<16xi32>
      %rev3A_642 = arith.constant 15 : i32
      %rev3A_643 = vector.broadcast %rev3A_642 : i32 to vector<16xi32>
      %rev3A_644 = tpu.iota {dimensions = array<i32: 0>} : vector<16xi32>
      %rev3A_645 = arith.subi %rev3A_643, %rev3A_644 : vector<16xi32>
      %rev3A_646 = tpu.dynamic_gather %masked_cumsum3A_641[%rev3A_645] in [0] : vector<16xi32>, vector<16xi32> -> vector<16xi32>
      %jit3A_647 = arith.constant 0 : i32
      %broadcast_in_dim3A_648 = vector.broadcast %jit3A_647 : i32 to vector<16xi32>
      %select_n3A_649 = arith.select %eq3A_629, %masked_cumsum3A_633, %broadcast_in_dim3A_648 : vector<16xi1>, vector<16xi32>
      %add3A_650 = arith.addi %add3A_621, %select_n3A_649 : vector<16xi32>
      %eq3A_651 = arith.constant 1 : i32
      %eq3A_652 = vector.broadcast %eq3A_651 : i32 to vector<16xi32>
      %eq3A_653 = arith.cmpi eq, %rev3A_646, %eq3A_652 : vector<16xi32>
      %and3A_654 = arith.andi %eq3A_629, %eq3A_653 : vector<16xi1>
      %or3A_655 = arith.ori %or3A_626, %and3A_654 : vector<16xi1>
      %gather3A = tpu.vector_load_idx %arg15[%get3A_385] : memref<16xi32, #tpu.memory_space<vmem>>[vector<16xi32>], vector<16xi32>,
      %add3A_656 = arith.addi %gather3A, %add3A_650 : vector<16xi32>
      tpu.vector_store_idx %arg15[%get3A_385], %add3A_656 masked %or3A_655 : memref<16xi32, #tpu.memory_space<vmem>>[vector<16xi32>], vector<16xi32>, vector<16xi1>
      %add3A_657 = arith.addi %gather3A, %add3A_650 : vector<16xi32>
      %sub3A_658 = arith.constant 1 : i32
      %sub3A_659 = vector.broadcast %sub3A_658 : i32 to vector<16xi32>
      %sub3A_660 = arith.subi %add3A_657, %sub3A_659 : vector<16xi32>
      %add3A_661 = arith.constant 256 : i32
      %add3A_662 = vector.broadcast %add3A_661 : i32 to vector<16xi32>
      %add3A_663 = arith.addi %sub3A_660, %add3A_662 : vector<16xi32>
      %mul3A_664 = arith.constant 16 : i32
      %mul3A_665 = arith.muli %scan3A_378, %mul3A_664 : i32
      %swap3A_666 = arith.constant 0 : i32
      %swap3A_667 = arith.index_cast %swap3A_666 : i32 to index
      %swap3A_668 = arith.index_cast %mul3A_665 : i32 to index
      %swap3A_669 = tpu.vector_load %arg17[%swap3A_667, %swap3A_668] {strides = array<i32>} : memref<4x64xi32, #tpu.memory_space<vmem>>, vector<16xi32>,
      tpu.vector_store %arg17[%swap3A_667, %swap3A_668], %add3A_663 {strides = array<i32>} : memref<4x64xi32, #tpu.memory_space<vmem>>, vector<16xi32>,
      %add3A_670 = arith.constant 6400 : i32
      %add3A_671 = vector.broadcast %add3A_670 : i32 to vector<16xi32>
      %add3A_672 = arith.addi %sub3A_660, %add3A_671 : vector<16xi32>
      %mul3A_673 = arith.constant 16 : i32
      %mul3A_674 = arith.muli %scan3A_378, %mul3A_673 : i32
      %swap3A_675 = arith.constant 0 : i32
      %swap3A_676 = arith.index_cast %swap3A_675 : i32 to index
      %swap3A_677 = arith.index_cast %mul3A_674 : i32 to index
      %swap3A_678 = tpu.vector_load %arg19[%swap3A_676, %swap3A_677] {strides = array<i32>} : memref<4x64xi32, #tpu.memory_space<vmem>>, vector<16xi32>,
      tpu.vector_store %arg19[%swap3A_676, %swap3A_677], %add3A_672 {strides = array<i32>} : memref<4x64xi32, #tpu.memory_space<vmem>>, vector<16xi32>,
      %add3A_679 = arith.constant 12544 : i32
      %add3A_680 = vector.broadcast %add3A_679 : i32 to vector<16xi32>
      %add3A_681 = arith.addi %sub3A_660, %add3A_680 : vector<16xi32>
      %mul3A_682 = arith.constant 16 : i32
      %mul3A_683 = arith.muli %scan3A_378, %mul3A_682 : i32
      %swap3A_684 = arith.constant 0 : i32
      %swap3A_685 = arith.index_cast %swap3A_684 : i32 to index
      %swap3A_686 = arith.index_cast %mul3A_683 : i32 to index
      %swap3A_687 = tpu.vector_load %arg20[%swap3A_685, %swap3A_686] {strides = array<i32>} : memref<4x64xi32, #tpu.memory_space<vmem>>, vector<16xi32>,
      tpu.vector_store %arg20[%swap3A_685, %swap3A_686], %add3A_681 {strides = array<i32>} : memref<4x64xi32, #tpu.memory_space<vmem>>, vector<16xi32>,
      %mul3A_688 = arith.constant 16 : i32
      %mul3A_689 = arith.muli %scan3A_378, %mul3A_688 : i32
      %swap3A_690 = arith.constant 0 : i32
      %swap3A_691 = arith.index_cast %swap3A_690 : i32 to index
      %swap3A_692 = arith.index_cast %mul3A_689 : i32 to index
      %swap3A_693 = tpu.vector_load %arg18[%swap3A_691, %swap3A_692] {strides = array<i32>} : memref<4x64xi32, #tpu.memory_space<vmem>>, vector<16xi32>,
      tpu.vector_store %arg18[%swap3A_691, %swap3A_692], %select_n3A_421 {strides = array<i32>} : memref<4x64xi32, #tpu.memory_space<vmem>>, vector<16xi32>,
      %scan3A_694 = arith.constant 0 : i32
      scf.yield %scan3A_694 : i32
    }
    %scan3A_277 = arith.constant 4 : i32
    %scan3A_278 = arith.constant 0 : i32
    %scan3A_279 = arith.constant 0 : i32
    %scan3A_280 = arith.constant 4 : i32
    %scan3A_281 = arith.addi %scan3A_279, %scan3A_280 : i32
    %scan3A_282 = arith.constant 1 : i32
    %scan3A_283 = scf.for %scan3A_378 = %scan3A_279 to %scan3A_281 step %scan3A_282 iter_args(%scan3A_379 = %scan3A_278) -> (i32)  : i32 {
      %add3A_380 = arith.constant 4 : i32
      %add3A_381 = arith.addi %add3A_380, %scan3A_378 : i32
      %mul3A_382 = arith.constant 16 : i32
      %mul3A_383 = arith.muli %add3A_381, %mul3A_382 : i32
      %get3A_384 = arith.index_cast %mul3A_383 : i32 to index
      %get3A_385 = tpu.vector_load %arg10[%get3A_384] {strides = array<i32>} : memref<256xi32, #tpu.memory_space<vmem>>, vector<16xi32>,
      %mul3A_386 = arith.constant 16 : i32
      %mul3A_387 = arith.muli %add3A_381, %mul3A_386 : i32
      %add3A_388 = arith.addi %mul3A_0, %mul3A_387 : i32
      %add3A_389 = vector.broadcast %add3A_388 : i32 to vector<16xi32>
      %add3A_390 = arith.addi %add3A_389, %iota3A : vector<16xi32>
      %jit3A_391 = arith.constant 2 : i32
      %div3A_392 = vector.broadcast %jit3A_391 : i32 to vector<16xi32>
      %div3A_393 = arith.divsi %add3A_390, %div3A_392 : vector<16xi32>
      %sign3A_394 = arith.constant 0 : i32
      %sign3A_395 = vector.broadcast %sign3A_394 : i32 to vector<16xi32>
      %sign3A_396 = arith.cmpi sgt, %add3A_390, %sign3A_395 : vector<16xi32>
      %sign3A_397 = arith.extui %sign3A_396 : vector<16xi1> to vector<16xi32>
      %sign3A_398 = arith.constant 0 : i32
      %sign3A_399 = vector.broadcast %sign3A_398 : i32 to vector<16xi32>
      %sign3A_400 = arith.cmpi slt, %add3A_390, %sign3A_399 : vector<16xi32>
      %sign3A_401 = arith.extui %sign3A_400 : vector<16xi1> to vector<16xi32>
      %sign3A_402 = arith.subi %sign3A_397, %sign3A_401 : vector<16xi32>
      %sign3A_403 = arith.constant 0 : i32
      %sign3A_404 = arith.cmpi sgt, %jit3A_391, %sign3A_403 : i32
      %sign3A_405 = arith.extui %sign3A_404 : i1 to i32
      %sign3A_406 = arith.constant 0 : i32
      %sign3A_407 = arith.cmpi slt, %jit3A_391, %sign3A_406 : i32
      %sign3A_408 = arith.extui %sign3A_407 : i1 to i32
      %sign3A_409 = arith.subi %sign3A_405, %sign3A_408 : i32
      %ne3A_410 = vector.broadcast %sign3A_409 : i32 to vector<16xi32>
      %ne3A_411 = arith.cmpi ne, %sign3A_402, %ne3A_410 : vector<16xi32>
      %rem3A_412 = vector.broadcast %jit3A_391 : i32 to vector<16xi32>
      %rem3A_413 = arith.remsi %add3A_390, %rem3A_412 : vector<16xi32>
      %ne3A_414 = arith.constant 0 : i32
      %ne3A_415 = vector.broadcast %ne3A_414 : i32 to vector<16xi32>
      %ne3A_416 = arith.cmpi ne, %rem3A_413, %ne3A_415 : vector<16xi32>
      %and3A_417 = arith.andi %ne3A_411, %ne3A_416 : vector<16xi1>
      %sub3A_418 = arith.constant 1 : i32
      %sub3A_419 = vector.broadcast %sub3A_418 : i32 to vector<16xi32>
      %sub3A_420 = arith.subi %div3A_393, %sub3A_419 : vector<16xi32>
      %select_n3A_421 = arith.select %and3A_417, %sub3A_420, %div3A_393 : vector<16xi1>, vector<16xi32>
      %broadcast_in_dim3A_422 = arith.constant 0 : i32
      %broadcast_in_dim3A_423 = vector.broadcast %broadcast_in_dim3A_422 : i32 to vector<16xi32>
      %broadcast_in_dim3A_424 = arith.constant false
      %broadcast_in_dim3A_425 = vector.broadcast %broadcast_in_dim3A_424 : i1 to vector<16xi1>
      %eq3A_426 = arith.constant 0 : i32
      %eq3A_427 = vector.broadcast %eq3A_426 : i32 to vector<16xi32>
      %eq3A_428 = arith.cmpi eq, %get3A_385, %eq3A_427 : vector<16xi32>
      %convert_element_type3A_429 = arith.extui %eq3A_428 : vector<16xi1> to vector<16xi32>
      %broadcast_in_dim3A_430 = arith.constant true
      %broadcast_in_dim3A_431 = vector.broadcast %broadcast_in_dim3A_430 : i1 to vector<16xi1>
      %masked_cumsum3A_432 = tpu.scan <sum>, %convert_element_type3A_429 masked %broadcast_in_dim3A_431 : vector<16xi32>, vector<16xi1> -> vector<16xi32>
      %rev3A = arith.constant 15 : i32
      %rev3A_433 = vector.broadcast %rev3A : i32 to vector<16xi32>
      %rev3A_434 = tpu.iota {dimensions = array<i32: 0>} : vector<16xi32>
      %rev3A_435 = arith.subi %rev3A_433, %rev3A_434 : vector<16xi32>
      %rev3A_436 = tpu.dynamic_gather %convert_element_type3A_429[%rev3A_435] in [0] : vector<16xi32>, vector<16xi32> -> vector<16xi32>
      %broadcast_in_dim3A_437 = arith.constant true
      %broadcast_in_dim3A_438 = vector.broadcast %broadcast_in_dim3A_437 : i1 to vector<16xi1>
      %masked_cumsum3A_439 = tpu.scan <sum>, %rev3A_436 masked %broadcast_in_dim3A_438 : vector<16xi32>, vector<16xi1> -> vector<16xi32>
      %rev3A_440 = arith.constant 15 : i32
      %rev3A_441 = vector.broadcast %rev3A_440 : i32 to vector<16xi32>
      %rev3A_442 = tpu.iota {dimensions = array<i32: 0>} : vector<16xi32>
      %rev3A_443 = arith.subi %rev3A_441, %rev3A_442 : vector<16xi32>
      %rev3A_444 = tpu.dynamic_gather %masked_cumsum3A_439[%rev3A_443] in [0] : vector<16xi32>, vector<16xi32> -> vector<16xi32>
      %jit3A_445 = arith.constant 0 : i32
      %broadcast_in_dim3A_446 = vector.broadcast %jit3A_445 : i32 to vector<16xi32>
      %select_n3A_447 = arith.select %eq3A_428, %masked_cumsum3A_432, %broadcast_in_dim3A_446 : vector<16xi1>, vector<16xi32>
      %add3A_448 = arith.addi %broadcast_in_dim3A_423, %select_n3A_447 : vector<16xi32>
      %eq3A_449 = arith.constant 1 : i32
      %eq3A_450 = vector.broadcast %eq3A_449 : i32 to vector<16xi32>
      %eq3A_451 = arith.cmpi eq, %rev3A_444, %eq3A_450 : vector<16xi32>
      %and3A_452 = arith.andi %eq3A_428, %eq3A_451 : vector<16xi1>
      %or3A = arith.ori %broadcast_in_dim3A_425, %and3A_452 : vector<16xi1>
      %eq3A_453 = arith.constant 1 : i32
      %eq3A_454 = vector.broadcast %eq3A_453 : i32 to vector<16xi32>
      %eq3A_455 = arith.cmpi eq, %get3A_385, %eq3A_454 : vector<16xi32>
      %convert_element_type3A_456 = arith.extui %eq3A_455 : vector<16xi1> to vector<16xi32>
      %broadcast_in_dim3A_457 = arith.constant true
      %broadcast_in_dim3A_458 = vector.broadcast %broadcast_in_dim3A_457 : i1 to vector<16xi1>
      %masked_cumsum3A_459 = tpu.scan <sum>, %convert_element_type3A_456 masked %broadcast_in_dim3A_458 : vector<16xi32>, vector<16xi1> -> vector<16xi32>
      %rev3A_460 = arith.constant 15 : i32
      %rev3A_461 = vector.broadcast %rev3A_460 : i32 to vector<16xi32>
      %rev3A_462 = tpu.iota {dimensions = array<i32: 0>} : vector<16xi32>
      %rev3A_463 = arith.subi %rev3A_461, %rev3A_462 : vector<16xi32>
      %rev3A_464 = tpu.dynamic_gather %convert_element_type3A_456[%rev3A_463] in [0] : vector<16xi32>, vector<16xi32> -> vector<16xi32>
      %broadcast_in_dim3A_465 = arith.constant true
      %broadcast_in_dim3A_466 = vector.broadcast %broadcast_in_dim3A_465 : i1 to vector<16xi1>
      %masked_cumsum3A_467 = tpu.scan <sum>, %rev3A_464 masked %broadcast_in_dim3A_466 : vector<16xi32>, vector<16xi1> -> vector<16xi32>
      %rev3A_468 = arith.constant 15 : i32
      %rev3A_469 = vector.broadcast %rev3A_468 : i32 to vector<16xi32>
      %rev3A_470 = tpu.iota {dimensions = array<i32: 0>} : vector<16xi32>
      %rev3A_471 = arith.subi %rev3A_469, %rev3A_470 : vector<16xi32>
      %rev3A_472 = tpu.dynamic_gather %masked_cumsum3A_467[%rev3A_471] in [0] : vector<16xi32>, vector<16xi32> -> vector<16xi32>
      %jit3A_473 = arith.constant 0 : i32
      %broadcast_in_dim3A_474 = vector.broadcast %jit3A_473 : i32 to vector<16xi32>
      %select_n3A_475 = arith.select %eq3A_455, %masked_cumsum3A_459, %broadcast_in_dim3A_474 : vector<16xi1>, vector<16xi32>
      %add3A_476 = arith.addi %add3A_448, %select_n3A_475 : vector<16xi32>
      %eq3A_477 = arith.constant 1 : i32
      %eq3A_478 = vector.broadcast %eq3A_477 : i32 to vector<16xi32>
      %eq3A_479 = arith.cmpi eq, %rev3A_472, %eq3A_478 : vector<16xi32>
      %and3A_480 = arith.andi %eq3A_455, %eq3A_479 : vector<16xi1>
      %or3A_481 = arith.ori %or3A, %and3A_480 : vector<16xi1>
      %eq3A_482 = arith.constant 2 : i32
      %eq3A_483 = vector.broadcast %eq3A_482 : i32 to vector<16xi32>
      %eq3A_484 = arith.cmpi eq, %get3A_385, %eq3A_483 : vector<16xi32>
      %convert_element_type3A_485 = arith.extui %eq3A_484 : vector<16xi1> to vector<16xi32>
      %broadcast_in_dim3A_486 = arith.constant true
      %broadcast_in_dim3A_487 = vector.broadcast %broadcast_in_dim3A_486 : i1 to vector<16xi1>
      %masked_cumsum3A_488 = tpu.scan <sum>, %convert_element_type3A_485 masked %broadcast_in_dim3A_487 : vector<16xi32>, vector<16xi1> -> vector<16xi32>
      %rev3A_489 = arith.constant 15 : i32
      %rev3A_490 = vector.broadcast %rev3A_489 : i32 to vector<16xi32>
      %rev3A_491 = tpu.iota {dimensions = array<i32: 0>} : vector<16xi32>
      %rev3A_492 = arith.subi %rev3A_490, %rev3A_491 : vector<16xi32>
      %rev3A_493 = tpu.dynamic_gather %convert_element_type3A_485[%rev3A_492] in [0] : vector<16xi32>, vector<16xi32> -> vector<16xi32>
      %broadcast_in_dim3A_494 = arith.constant true
      %broadcast_in_dim3A_495 = vector.broadcast %broadcast_in_dim3A_494 : i1 to vector<16xi1>
      %masked_cumsum3A_496 = tpu.scan <sum>, %rev3A_493 masked %broadcast_in_dim3A_495 : vector<16xi32>, vector<16xi1> -> vector<16xi32>
      %rev3A_497 = arith.constant 15 : i32
      %rev3A_498 = vector.broadcast %rev3A_497 : i32 to vector<16xi32>
      %rev3A_499 = tpu.iota {dimensions = array<i32: 0>} : vector<16xi32>
      %rev3A_500 = arith.subi %rev3A_498, %rev3A_499 : vector<16xi32>
      %rev3A_501 = tpu.dynamic_gather %masked_cumsum3A_496[%rev3A_500] in [0] : vector<16xi32>, vector<16xi32> -> vector<16xi32>
      %jit3A_502 = arith.constant 0 : i32
      %broadcast_in_dim3A_503 = vector.broadcast %jit3A_502 : i32 to vector<16xi32>
      %select_n3A_504 = arith.select %eq3A_484, %masked_cumsum3A_488, %broadcast_in_dim3A_503 : vector<16xi1>, vector<16xi32>
      %add3A_505 = arith.addi %add3A_476, %select_n3A_504 : vector<16xi32>
      %eq3A_506 = arith.constant 1 : i32
      %eq3A_507 = vector.broadcast %eq3A_506 : i32 to vector<16xi32>
      %eq3A_508 = arith.cmpi eq, %rev3A_501, %eq3A_507 : vector<16xi32>
      %and3A_509 = arith.andi %eq3A_484, %eq3A_508 : vector<16xi1>
      %or3A_510 = arith.ori %or3A_481, %and3A_509 : vector<16xi1>
      %eq3A_511 = arith.constant 3 : i32
      %eq3A_512 = vector.broadcast %eq3A_511 : i32 to vector<16xi32>
      %eq3A_513 = arith.cmpi eq, %get3A_385, %eq3A_512 : vector<16xi32>
      %convert_element_type3A_514 = arith.extui %eq3A_513 : vector<16xi1> to vector<16xi32>
      %broadcast_in_dim3A_515 = arith.constant true
      %broadcast_in_dim3A_516 = vector.broadcast %broadcast_in_dim3A_515 : i1 to vector<16xi1>
      %masked_cumsum3A_517 = tpu.scan <sum>, %convert_element_type3A_514 masked %broadcast_in_dim3A_516 : vector<16xi32>, vector<16xi1> -> vector<16xi32>
      %rev3A_518 = arith.constant 15 : i32
      %rev3A_519 = vector.broadcast %rev3A_518 : i32 to vector<16xi32>
      %rev3A_520 = tpu.iota {dimensions = array<i32: 0>} : vector<16xi32>
      %rev3A_521 = arith.subi %rev3A_519, %rev3A_520 : vector<16xi32>
      %rev3A_522 = tpu.dynamic_gather %convert_element_type3A_514[%rev3A_521] in [0] : vector<16xi32>, vector<16xi32> -> vector<16xi32>
      %broadcast_in_dim3A_523 = arith.constant true
      %broadcast_in_dim3A_524 = vector.broadcast %broadcast_in_dim3A_523 : i1 to vector<16xi1>
      %masked_cumsum3A_525 = tpu.scan <sum>, %rev3A_522 masked %broadcast_in_dim3A_524 : vector<16xi32>, vector<16xi1> -> vector<16xi32>
      %rev3A_526 = arith.constant 15 : i32
      %rev3A_527 = vector.broadcast %rev3A_526 : i32 to vector<16xi32>
      %rev3A_528 = tpu.iota {dimensions = array<i32: 0>} : vector<16xi32>
      %rev3A_529 = arith.subi %rev3A_527, %rev3A_528 : vector<16xi32>
      %rev3A_530 = tpu.dynamic_gather %masked_cumsum3A_525[%rev3A_529] in [0] : vector<16xi32>, vector<16xi32> -> vector<16xi32>
      %jit3A_531 = arith.constant 0 : i32
      %broadcast_in_dim3A_532 = vector.broadcast %jit3A_531 : i32 to vector<16xi32>
      %select_n3A_533 = arith.select %eq3A_513, %masked_cumsum3A_517, %broadcast_in_dim3A_532 : vector<16xi1>, vector<16xi32>
      %add3A_534 = arith.addi %add3A_505, %select_n3A_533 : vector<16xi32>
      %eq3A_535 = arith.constant 1 : i32
      %eq3A_536 = vector.broadcast %eq3A_535 : i32 to vector<16xi32>
      %eq3A_537 = arith.cmpi eq, %rev3A_530, %eq3A_536 : vector<16xi32>
      %and3A_538 = arith.andi %eq3A_513, %eq3A_537 : vector<16xi1>
      %or3A_539 = arith.ori %or3A_510, %and3A_538 : vector<16xi1>
      %eq3A_540 = arith.constant 4 : i32
      %eq3A_541 = vector.broadcast %eq3A_540 : i32 to vector<16xi32>
      %eq3A_542 = arith.cmpi eq, %get3A_385, %eq3A_541 : vector<16xi32>
      %convert_element_type3A_543 = arith.extui %eq3A_542 : vector<16xi1> to vector<16xi32>
      %broadcast_in_dim3A_544 = arith.constant true
      %broadcast_in_dim3A_545 = vector.broadcast %broadcast_in_dim3A_544 : i1 to vector<16xi1>
      %masked_cumsum3A_546 = tpu.scan <sum>, %convert_element_type3A_543 masked %broadcast_in_dim3A_545 : vector<16xi32>, vector<16xi1> -> vector<16xi32>
      %rev3A_547 = arith.constant 15 : i32
      %rev3A_548 = vector.broadcast %rev3A_547 : i32 to vector<16xi32>
      %rev3A_549 = tpu.iota {dimensions = array<i32: 0>} : vector<16xi32>
      %rev3A_550 = arith.subi %rev3A_548, %rev3A_549 : vector<16xi32>
      %rev3A_551 = tpu.dynamic_gather %convert_element_type3A_543[%rev3A_550] in [0] : vector<16xi32>, vector<16xi32> -> vector<16xi32>
      %broadcast_in_dim3A_552 = arith.constant true
      %broadcast_in_dim3A_553 = vector.broadcast %broadcast_in_dim3A_552 : i1 to vector<16xi1>
      %masked_cumsum3A_554 = tpu.scan <sum>, %rev3A_551 masked %broadcast_in_dim3A_553 : vector<16xi32>, vector<16xi1> -> vector<16xi32>
      %rev3A_555 = arith.constant 15 : i32
      %rev3A_556 = vector.broadcast %rev3A_555 : i32 to vector<16xi32>
      %rev3A_557 = tpu.iota {dimensions = array<i32: 0>} : vector<16xi32>
      %rev3A_558 = arith.subi %rev3A_556, %rev3A_557 : vector<16xi32>
      %rev3A_559 = tpu.dynamic_gather %masked_cumsum3A_554[%rev3A_558] in [0] : vector<16xi32>, vector<16xi32> -> vector<16xi32>
      %jit3A_560 = arith.constant 0 : i32
      %broadcast_in_dim3A_561 = vector.broadcast %jit3A_560 : i32 to vector<16xi32>
      %select_n3A_562 = arith.select %eq3A_542, %masked_cumsum3A_546, %broadcast_in_dim3A_561 : vector<16xi1>, vector<16xi32>
      %add3A_563 = arith.addi %add3A_534, %select_n3A_562 : vector<16xi32>
      %eq3A_564 = arith.constant 1 : i32
      %eq3A_565 = vector.broadcast %eq3A_564 : i32 to vector<16xi32>
      %eq3A_566 = arith.cmpi eq, %rev3A_559, %eq3A_565 : vector<16xi32>
      %and3A_567 = arith.andi %eq3A_542, %eq3A_566 : vector<16xi1>
      %or3A_568 = arith.ori %or3A_539, %and3A_567 : vector<16xi1>
      %eq3A_569 = arith.constant 5 : i32
      %eq3A_570 = vector.broadcast %eq3A_569 : i32 to vector<16xi32>
      %eq3A_571 = arith.cmpi eq, %get3A_385, %eq3A_570 : vector<16xi32>
      %convert_element_type3A_572 = arith.extui %eq3A_571 : vector<16xi1> to vector<16xi32>
      %broadcast_in_dim3A_573 = arith.constant true
      %broadcast_in_dim3A_574 = vector.broadcast %broadcast_in_dim3A_573 : i1 to vector<16xi1>
      %masked_cumsum3A_575 = tpu.scan <sum>, %convert_element_type3A_572 masked %broadcast_in_dim3A_574 : vector<16xi32>, vector<16xi1> -> vector<16xi32>
      %rev3A_576 = arith.constant 15 : i32
      %rev3A_577 = vector.broadcast %rev3A_576 : i32 to vector<16xi32>
      %rev3A_578 = tpu.iota {dimensions = array<i32: 0>} : vector<16xi32>
      %rev3A_579 = arith.subi %rev3A_577, %rev3A_578 : vector<16xi32>
      %rev3A_580 = tpu.dynamic_gather %convert_element_type3A_572[%rev3A_579] in [0] : vector<16xi32>, vector<16xi32> -> vector<16xi32>
      %broadcast_in_dim3A_581 = arith.constant true
      %broadcast_in_dim3A_582 = vector.broadcast %broadcast_in_dim3A_581 : i1 to vector<16xi1>
      %masked_cumsum3A_583 = tpu.scan <sum>, %rev3A_580 masked %broadcast_in_dim3A_582 : vector<16xi32>, vector<16xi1> -> vector<16xi32>
      %rev3A_584 = arith.constant 15 : i32
      %rev3A_585 = vector.broadcast %rev3A_584 : i32 to vector<16xi32>
      %rev3A_586 = tpu.iota {dimensions = array<i32: 0>} : vector<16xi32>
      %rev3A_587 = arith.subi %rev3A_585, %rev3A_586 : vector<16xi32>
      %rev3A_588 = tpu.dynamic_gather %masked_cumsum3A_583[%rev3A_587] in [0] : vector<16xi32>, vector<16xi32> -> vector<16xi32>
      %jit3A_589 = arith.constant 0 : i32
      %broadcast_in_dim3A_590 = vector.broadcast %jit3A_589 : i32 to vector<16xi32>
      %select_n3A_591 = arith.select %eq3A_571, %masked_cumsum3A_575, %broadcast_in_dim3A_590 : vector<16xi1>, vector<16xi32>
      %add3A_592 = arith.addi %add3A_563, %select_n3A_591 : vector<16xi32>
      %eq3A_593 = arith.constant 1 : i32
      %eq3A_594 = vector.broadcast %eq3A_593 : i32 to vector<16xi32>
      %eq3A_595 = arith.cmpi eq, %rev3A_588, %eq3A_594 : vector<16xi32>
      %and3A_596 = arith.andi %eq3A_571, %eq3A_595 : vector<16xi1>
      %or3A_597 = arith.ori %or3A_568, %and3A_596 : vector<16xi1>
      %eq3A_598 = arith.constant 6 : i32
      %eq3A_599 = vector.broadcast %eq3A_598 : i32 to vector<16xi32>
      %eq3A_600 = arith.cmpi eq, %get3A_385, %eq3A_599 : vector<16xi32>
      %convert_element_type3A_601 = arith.extui %eq3A_600 : vector<16xi1> to vector<16xi32>
      %broadcast_in_dim3A_602 = arith.constant true
      %broadcast_in_dim3A_603 = vector.broadcast %broadcast_in_dim3A_602 : i1 to vector<16xi1>
      %masked_cumsum3A_604 = tpu.scan <sum>, %convert_element_type3A_601 masked %broadcast_in_dim3A_603 : vector<16xi32>, vector<16xi1> -> vector<16xi32>
      %rev3A_605 = arith.constant 15 : i32
      %rev3A_606 = vector.broadcast %rev3A_605 : i32 to vector<16xi32>
      %rev3A_607 = tpu.iota {dimensions = array<i32: 0>} : vector<16xi32>
      %rev3A_608 = arith.subi %rev3A_606, %rev3A_607 : vector<16xi32>
      %rev3A_609 = tpu.dynamic_gather %convert_element_type3A_601[%rev3A_608] in [0] : vector<16xi32>, vector<16xi32> -> vector<16xi32>
      %broadcast_in_dim3A_610 = arith.constant true
      %broadcast_in_dim3A_611 = vector.broadcast %broadcast_in_dim3A_610 : i1 to vector<16xi1>
      %masked_cumsum3A_612 = tpu.scan <sum>, %rev3A_609 masked %broadcast_in_dim3A_611 : vector<16xi32>, vector<16xi1> -> vector<16xi32>
      %rev3A_613 = arith.constant 15 : i32
      %rev3A_614 = vector.broadcast %rev3A_613 : i32 to vector<16xi32>
      %rev3A_615 = tpu.iota {dimensions = array<i32: 0>} : vector<16xi32>
      %rev3A_616 = arith.subi %rev3A_614, %rev3A_615 : vector<16xi32>
      %rev3A_617 = tpu.dynamic_gather %masked_cumsum3A_612[%rev3A_616] in [0] : vector<16xi32>, vector<16xi32> -> vector<16xi32>
      %jit3A_618 = arith.constant 0 : i32
      %broadcast_in_dim3A_619 = vector.broadcast %jit3A_618 : i32 to vector<16xi32>
      %select_n3A_620 = arith.select %eq3A_600, %masked_cumsum3A_604, %broadcast_in_dim3A_619 : vector<16xi1>, vector<16xi32>
      %add3A_621 = arith.addi %add3A_592, %select_n3A_620 : vector<16xi32>
      %eq3A_622 = arith.constant 1 : i32
      %eq3A_623 = vector.broadcast %eq3A_622 : i32 to vector<16xi32>
      %eq3A_624 = arith.cmpi eq, %rev3A_617, %eq3A_623 : vector<16xi32>
      %and3A_625 = arith.andi %eq3A_600, %eq3A_624 : vector<16xi1>
      %or3A_626 = arith.ori %or3A_597, %and3A_625 : vector<16xi1>
      %eq3A_627 = arith.constant 7 : i32
      %eq3A_628 = vector.broadcast %eq3A_627 : i32 to vector<16xi32>
      %eq3A_629 = arith.cmpi eq, %get3A_385, %eq3A_628 : vector<16xi32>
      %convert_element_type3A_630 = arith.extui %eq3A_629 : vector<16xi1> to vector<16xi32>
      %broadcast_in_dim3A_631 = arith.constant true
      %broadcast_in_dim3A_632 = vector.broadcast %broadcast_in_dim3A_631 : i1 to vector<16xi1>
      %masked_cumsum3A_633 = tpu.scan <sum>, %convert_element_type3A_630 masked %broadcast_in_dim3A_632 : vector<16xi32>, vector<16xi1> -> vector<16xi32>
      %rev3A_634 = arith.constant 15 : i32
      %rev3A_635 = vector.broadcast %rev3A_634 : i32 to vector<16xi32>
      %rev3A_636 = tpu.iota {dimensions = array<i32: 0>} : vector<16xi32>
      %rev3A_637 = arith.subi %rev3A_635, %rev3A_636 : vector<16xi32>
      %rev3A_638 = tpu.dynamic_gather %convert_element_type3A_630[%rev3A_637] in [0] : vector<16xi32>, vector<16xi32> -> vector<16xi32>
      %broadcast_in_dim3A_639 = arith.constant true
      %broadcast_in_dim3A_640 = vector.broadcast %broadcast_in_dim3A_639 : i1 to vector<16xi1>
      %masked_cumsum3A_641 = tpu.scan <sum>, %rev3A_638 masked %broadcast_in_dim3A_640 : vector<16xi32>, vector<16xi1> -> vector<16xi32>
      %rev3A_642 = arith.constant 15 : i32
      %rev3A_643 = vector.broadcast %rev3A_642 : i32 to vector<16xi32>
      %rev3A_644 = tpu.iota {dimensions = array<i32: 0>} : vector<16xi32>
      %rev3A_645 = arith.subi %rev3A_643, %rev3A_644 : vector<16xi32>
      %rev3A_646 = tpu.dynamic_gather %masked_cumsum3A_641[%rev3A_645] in [0] : vector<16xi32>, vector<16xi32> -> vector<16xi32>
      %jit3A_647 = arith.constant 0 : i32
      %broadcast_in_dim3A_648 = vector.broadcast %jit3A_647 : i32 to vector<16xi32>
      %select_n3A_649 = arith.select %eq3A_629, %masked_cumsum3A_633, %broadcast_in_dim3A_648 : vector<16xi1>, vector<16xi32>
      %add3A_650 = arith.addi %add3A_621, %select_n3A_649 : vector<16xi32>
      %eq3A_651 = arith.constant 1 : i32
      %eq3A_652 = vector.broadcast %eq3A_651 : i32 to vector<16xi32>
      %eq3A_653 = arith.cmpi eq, %rev3A_646, %eq3A_652 : vector<16xi32>
      %and3A_654 = arith.andi %eq3A_629, %eq3A_653 : vector<16xi1>
      %or3A_655 = arith.ori %or3A_626, %and3A_654 : vector<16xi1>
      %gather3A = tpu.vector_load_idx %arg15[%get3A_385] : memref<16xi32, #tpu.memory_space<vmem>>[vector<16xi32>], vector<16xi32>,
      %add3A_656 = arith.addi %gather3A, %add3A_650 : vector<16xi32>
      tpu.vector_store_idx %arg15[%get3A_385], %add3A_656 masked %or3A_655 : memref<16xi32, #tpu.memory_space<vmem>>[vector<16xi32>], vector<16xi32>, vector<16xi1>
      %add3A_657 = arith.addi %gather3A, %add3A_650 : vector<16xi32>
      %sub3A_658 = arith.constant 1 : i32
      %sub3A_659 = vector.broadcast %sub3A_658 : i32 to vector<16xi32>
      %sub3A_660 = arith.subi %add3A_657, %sub3A_659 : vector<16xi32>
      %add3A_661 = arith.constant 256 : i32
      %add3A_662 = vector.broadcast %add3A_661 : i32 to vector<16xi32>
      %add3A_663 = arith.addi %sub3A_660, %add3A_662 : vector<16xi32>
      %mul3A_664 = arith.constant 16 : i32
      %mul3A_665 = arith.muli %scan3A_378, %mul3A_664 : i32
      %swap3A_666 = arith.constant 1 : i32
      %swap3A_667 = arith.index_cast %swap3A_666 : i32 to index
      %swap3A_668 = arith.index_cast %mul3A_665 : i32 to index
      %swap3A_669 = tpu.vector_load %arg17[%swap3A_667, %swap3A_668] {strides = array<i32>} : memref<4x64xi32, #tpu.memory_space<vmem>>, vector<16xi32>,
      tpu.vector_store %arg17[%swap3A_667, %swap3A_668], %add3A_663 {strides = array<i32>} : memref<4x64xi32, #tpu.memory_space<vmem>>, vector<16xi32>,
      %add3A_670 = arith.constant 6400 : i32
      %add3A_671 = vector.broadcast %add3A_670 : i32 to vector<16xi32>
      %add3A_672 = arith.addi %sub3A_660, %add3A_671 : vector<16xi32>
      %mul3A_673 = arith.constant 16 : i32
      %mul3A_674 = arith.muli %scan3A_378, %mul3A_673 : i32
      %swap3A_675 = arith.constant 1 : i32
      %swap3A_676 = arith.index_cast %swap3A_675 : i32 to index
      %swap3A_677 = arith.index_cast %mul3A_674 : i32 to index
      %swap3A_678 = tpu.vector_load %arg19[%swap3A_676, %swap3A_677] {strides = array<i32>} : memref<4x64xi32, #tpu.memory_space<vmem>>, vector<16xi32>,
      tpu.vector_store %arg19[%swap3A_676, %swap3A_677], %add3A_672 {strides = array<i32>} : memref<4x64xi32, #tpu.memory_space<vmem>>, vector<16xi32>,
      %add3A_679 = arith.constant 12544 : i32
      %add3A_680 = vector.broadcast %add3A_679 : i32 to vector<16xi32>
      %add3A_681 = arith.addi %sub3A_660, %add3A_680 : vector<16xi32>
      %mul3A_682 = arith.constant 16 : i32
      %mul3A_683 = arith.muli %scan3A_378, %mul3A_682 : i32
      %swap3A_684 = arith.constant 1 : i32
      %swap3A_685 = arith.index_cast %swap3A_684 : i32 to index
      %swap3A_686 = arith.index_cast %mul3A_683 : i32 to index
      %swap3A_687 = tpu.vector_load %arg20[%swap3A_685, %swap3A_686] {strides = array<i32>} : memref<4x64xi32, #tpu.memory_space<vmem>>, vector<16xi32>,
      tpu.vector_store %arg20[%swap3A_685, %swap3A_686], %add3A_681 {strides = array<i32>} : memref<4x64xi32, #tpu.memory_space<vmem>>, vector<16xi32>,
      %mul3A_688 = arith.constant 16 : i32
      %mul3A_689 = arith.muli %scan3A_378, %mul3A_688 : i32
      %swap3A_690 = arith.constant 1 : i32
      %swap3A_691 = arith.index_cast %swap3A_690 : i32 to index
      %swap3A_692 = arith.index_cast %mul3A_689 : i32 to index
      %swap3A_693 = tpu.vector_load %arg18[%swap3A_691, %swap3A_692] {strides = array<i32>} : memref<4x64xi32, #tpu.memory_space<vmem>>, vector<16xi32>,
      tpu.vector_store %arg18[%swap3A_691, %swap3A_692], %select_n3A_421 {strides = array<i32>} : memref<4x64xi32, #tpu.memory_space<vmem>>, vector<16xi32>,
      %scan3A_694 = arith.constant 0 : i32
      scf.yield %scan3A_694 : i32
    }
    %scan3A_284 = arith.constant 4 : i32
    %scan3A_285 = arith.constant 0 : i32
    %scan3A_286 = arith.constant 0 : i32
    %scan3A_287 = arith.constant 4 : i32
    %scan3A_288 = arith.addi %scan3A_286, %scan3A_287 : i32
    %scan3A_289 = arith.constant 1 : i32
    %scan3A_290 = scf.for %scan3A_378 = %scan3A_286 to %scan3A_288 step %scan3A_289 iter_args(%scan3A_379 = %scan3A_285) -> (i32)  : i32 {
      %add3A_380 = arith.constant 8 : i32
      %add3A_381 = arith.addi %add3A_380, %scan3A_378 : i32
      %mul3A_382 = arith.constant 16 : i32
      %mul3A_383 = arith.muli %add3A_381, %mul3A_382 : i32
      %get3A_384 = arith.index_cast %mul3A_383 : i32 to index
      %get3A_385 = tpu.vector_load %arg10[%get3A_384] {strides = array<i32>} : memref<256xi32, #tpu.memory_space<vmem>>, vector<16xi32>,
      %mul3A_386 = arith.constant 16 : i32
      %mul3A_387 = arith.muli %add3A_381, %mul3A_386 : i32
      %add3A_388 = arith.addi %mul3A_0, %mul3A_387 : i32
      %add3A_389 = vector.broadcast %add3A_388 : i32 to vector<16xi32>
      %add3A_390 = arith.addi %add3A_389, %iota3A : vector<16xi32>
      %jit3A_391 = arith.constant 2 : i32
      %div3A_392 = vector.broadcast %jit3A_391 : i32 to vector<16xi32>
      %div3A_393 = arith.divsi %add3A_390, %div3A_392 : vector<16xi32>
      %sign3A_394 = arith.constant 0 : i32
      %sign3A_395 = vector.broadcast %sign3A_394 : i32 to vector<16xi32>
      %sign3A_396 = arith.cmpi sgt, %add3A_390, %sign3A_395 : vector<16xi32>
      %sign3A_397 = arith.extui %sign3A_396 : vector<16xi1> to vector<16xi32>
      %sign3A_398 = arith.constant 0 : i32
      %sign3A_399 = vector.broadcast %sign3A_398 : i32 to vector<16xi32>
      %sign3A_400 = arith.cmpi slt, %add3A_390, %sign3A_399 : vector<16xi32>
      %sign3A_401 = arith.extui %sign3A_400 : vector<16xi1> to vector<16xi32>
      %sign3A_402 = arith.subi %sign3A_397, %sign3A_401 : vector<16xi32>
      %sign3A_403 = arith.constant 0 : i32
      %sign3A_404 = arith.cmpi sgt, %jit3A_391, %sign3A_403 : i32
      %sign3A_405 = arith.extui %sign3A_404 : i1 to i32
      %sign3A_406 = arith.constant 0 : i32
      %sign3A_407 = arith.cmpi slt, %jit3A_391, %sign3A_406 : i32
      %sign3A_408 = arith.extui %sign3A_407 : i1 to i32
      %sign3A_409 = arith.subi %sign3A_405, %sign3A_408 : i32
      %ne3A_410 = vector.broadcast %sign3A_409 : i32 to vector<16xi32>
      %ne3A_411 = arith.cmpi ne, %sign3A_402, %ne3A_410 : vector<16xi32>
      %rem3A_412 = vector.broadcast %jit3A_391 : i32 to vector<16xi32>
      %rem3A_413 = arith.remsi %add3A_390, %rem3A_412 : vector<16xi32>
      %ne3A_414 = arith.constant 0 : i32
      %ne3A_415 = vector.broadcast %ne3A_414 : i32 to vector<16xi32>
      %ne3A_416 = arith.cmpi ne, %rem3A_413, %ne3A_415 : vector<16xi32>
      %and3A_417 = arith.andi %ne3A_411, %ne3A_416 : vector<16xi1>
      %sub3A_418 = arith.constant 1 : i32
      %sub3A_419 = vector.broadcast %sub3A_418 : i32 to vector<16xi32>
      %sub3A_420 = arith.subi %div3A_393, %sub3A_419 : vector<16xi32>
      %select_n3A_421 = arith.select %and3A_417, %sub3A_420, %div3A_393 : vector<16xi1>, vector<16xi32>
      %broadcast_in_dim3A_422 = arith.constant 0 : i32
      %broadcast_in_dim3A_423 = vector.broadcast %broadcast_in_dim3A_422 : i32 to vector<16xi32>
      %broadcast_in_dim3A_424 = arith.constant false
      %broadcast_in_dim3A_425 = vector.broadcast %broadcast_in_dim3A_424 : i1 to vector<16xi1>
      %eq3A_426 = arith.constant 0 : i32
      %eq3A_427 = vector.broadcast %eq3A_426 : i32 to vector<16xi32>
      %eq3A_428 = arith.cmpi eq, %get3A_385, %eq3A_427 : vector<16xi32>
      %convert_element_type3A_429 = arith.extui %eq3A_428 : vector<16xi1> to vector<16xi32>
      %broadcast_in_dim3A_430 = arith.constant true
      %broadcast_in_dim3A_431 = vector.broadcast %broadcast_in_dim3A_430 : i1 to vector<16xi1>
      %masked_cumsum3A_432 = tpu.scan <sum>, %convert_element_type3A_429 masked %broadcast_in_dim3A_431 : vector<16xi32>, vector<16xi1> -> vector<16xi32>
      %rev3A = arith.constant 15 : i32
      %rev3A_433 = vector.broadcast %rev3A : i32 to vector<16xi32>
      %rev3A_434 = tpu.iota {dimensions = array<i32: 0>} : vector<16xi32>
      %rev3A_435 = arith.subi %rev3A_433, %rev3A_434 : vector<16xi32>
      %rev3A_436 = tpu.dynamic_gather %convert_element_type3A_429[%rev3A_435] in [0] : vector<16xi32>, vector<16xi32> -> vector<16xi32>
      %broadcast_in_dim3A_437 = arith.constant true
      %broadcast_in_dim3A_438 = vector.broadcast %broadcast_in_dim3A_437 : i1 to vector<16xi1>
      %masked_cumsum3A_439 = tpu.scan <sum>, %rev3A_436 masked %broadcast_in_dim3A_438 : vector<16xi32>, vector<16xi1> -> vector<16xi32>
      %rev3A_440 = arith.constant 15 : i32
      %rev3A_441 = vector.broadcast %rev3A_440 : i32 to vector<16xi32>
      %rev3A_442 = tpu.iota {dimensions = array<i32: 0>} : vector<16xi32>
      %rev3A_443 = arith.subi %rev3A_441, %rev3A_442 : vector<16xi32>
      %rev3A_444 = tpu.dynamic_gather %masked_cumsum3A_439[%rev3A_443] in [0] : vector<16xi32>, vector<16xi32> -> vector<16xi32>
      %jit3A_445 = arith.constant 0 : i32
      %broadcast_in_dim3A_446 = vector.broadcast %jit3A_445 : i32 to vector<16xi32>
      %select_n3A_447 = arith.select %eq3A_428, %masked_cumsum3A_432, %broadcast_in_dim3A_446 : vector<16xi1>, vector<16xi32>
      %add3A_448 = arith.addi %broadcast_in_dim3A_423, %select_n3A_447 : vector<16xi32>
      %eq3A_449 = arith.constant 1 : i32
      %eq3A_450 = vector.broadcast %eq3A_449 : i32 to vector<16xi32>
      %eq3A_451 = arith.cmpi eq, %rev3A_444, %eq3A_450 : vector<16xi32>
      %and3A_452 = arith.andi %eq3A_428, %eq3A_451 : vector<16xi1>
      %or3A = arith.ori %broadcast_in_dim3A_425, %and3A_452 : vector<16xi1>
      %eq3A_453 = arith.constant 1 : i32
      %eq3A_454 = vector.broadcast %eq3A_453 : i32 to vector<16xi32>
      %eq3A_455 = arith.cmpi eq, %get3A_385, %eq3A_454 : vector<16xi32>
      %convert_element_type3A_456 = arith.extui %eq3A_455 : vector<16xi1> to vector<16xi32>
      %broadcast_in_dim3A_457 = arith.constant true
      %broadcast_in_dim3A_458 = vector.broadcast %broadcast_in_dim3A_457 : i1 to vector<16xi1>
      %masked_cumsum3A_459 = tpu.scan <sum>, %convert_element_type3A_456 masked %broadcast_in_dim3A_458 : vector<16xi32>, vector<16xi1> -> vector<16xi32>
      %rev3A_460 = arith.constant 15 : i32
      %rev3A_461 = vector.broadcast %rev3A_460 : i32 to vector<16xi32>
      %rev3A_462 = tpu.iota {dimensions = array<i32: 0>} : vector<16xi32>
      %rev3A_463 = arith.subi %rev3A_461, %rev3A_462 : vector<16xi32>
      %rev3A_464 = tpu.dynamic_gather %convert_element_type3A_456[%rev3A_463] in [0] : vector<16xi32>, vector<16xi32> -> vector<16xi32>
      %broadcast_in_dim3A_465 = arith.constant true
      %broadcast_in_dim3A_466 = vector.broadcast %broadcast_in_dim3A_465 : i1 to vector<16xi1>
      %masked_cumsum3A_467 = tpu.scan <sum>, %rev3A_464 masked %broadcast_in_dim3A_466 : vector<16xi32>, vector<16xi1> -> vector<16xi32>
      %rev3A_468 = arith.constant 15 : i32
      %rev3A_469 = vector.broadcast %rev3A_468 : i32 to vector<16xi32>
      %rev3A_470 = tpu.iota {dimensions = array<i32: 0>} : vector<16xi32>
      %rev3A_471 = arith.subi %rev3A_469, %rev3A_470 : vector<16xi32>
      %rev3A_472 = tpu.dynamic_gather %masked_cumsum3A_467[%rev3A_471] in [0] : vector<16xi32>, vector<16xi32> -> vector<16xi32>
      %jit3A_473 = arith.constant 0 : i32
      %broadcast_in_dim3A_474 = vector.broadcast %jit3A_473 : i32 to vector<16xi32>
      %select_n3A_475 = arith.select %eq3A_455, %masked_cumsum3A_459, %broadcast_in_dim3A_474 : vector<16xi1>, vector<16xi32>
      %add3A_476 = arith.addi %add3A_448, %select_n3A_475 : vector<16xi32>
      %eq3A_477 = arith.constant 1 : i32
      %eq3A_478 = vector.broadcast %eq3A_477 : i32 to vector<16xi32>
      %eq3A_479 = arith.cmpi eq, %rev3A_472, %eq3A_478 : vector<16xi32>
      %and3A_480 = arith.andi %eq3A_455, %eq3A_479 : vector<16xi1>
      %or3A_481 = arith.ori %or3A, %and3A_480 : vector<16xi1>
      %eq3A_482 = arith.constant 2 : i32
      %eq3A_483 = vector.broadcast %eq3A_482 : i32 to vector<16xi32>
      %eq3A_484 = arith.cmpi eq, %get3A_385, %eq3A_483 : vector<16xi32>
      %convert_element_type3A_485 = arith.extui %eq3A_484 : vector<16xi1> to vector<16xi32>
      %broadcast_in_dim3A_486 = arith.constant true
      %broadcast_in_dim3A_487 = vector.broadcast %broadcast_in_dim3A_486 : i1 to vector<16xi1>
      %masked_cumsum3A_488 = tpu.scan <sum>, %convert_element_type3A_485 masked %broadcast_in_dim3A_487 : vector<16xi32>, vector<16xi1> -> vector<16xi32>
      %rev3A_489 = arith.constant 15 : i32
      %rev3A_490 = vector.broadcast %rev3A_489 : i32 to vector<16xi32>
      %rev3A_491 = tpu.iota {dimensions = array<i32: 0>} : vector<16xi32>
      %rev3A_492 = arith.subi %rev3A_490, %rev3A_491 : vector<16xi32>
      %rev3A_493 = tpu.dynamic_gather %convert_element_type3A_485[%rev3A_492] in [0] : vector<16xi32>, vector<16xi32> -> vector<16xi32>
      %broadcast_in_dim3A_494 = arith.constant true
      %broadcast_in_dim3A_495 = vector.broadcast %broadcast_in_dim3A_494 : i1 to vector<16xi1>
      %masked_cumsum3A_496 = tpu.scan <sum>, %rev3A_493 masked %broadcast_in_dim3A_495 : vector<16xi32>, vector<16xi1> -> vector<16xi32>
      %rev3A_497 = arith.constant 15 : i32
      %rev3A_498 = vector.broadcast %rev3A_497 : i32 to vector<16xi32>
      %rev3A_499 = tpu.iota {dimensions = array<i32: 0>} : vector<16xi32>
      %rev3A_500 = arith.subi %rev3A_498, %rev3A_499 : vector<16xi32>
      %rev3A_501 = tpu.dynamic_gather %masked_cumsum3A_496[%rev3A_500] in [0] : vector<16xi32>, vector<16xi32> -> vector<16xi32>
      %jit3A_502 = arith.constant 0 : i32
      %broadcast_in_dim3A_503 = vector.broadcast %jit3A_502 : i32 to vector<16xi32>
      %select_n3A_504 = arith.select %eq3A_484, %masked_cumsum3A_488, %broadcast_in_dim3A_503 : vector<16xi1>, vector<16xi32>
      %add3A_505 = arith.addi %add3A_476, %select_n3A_504 : vector<16xi32>
      %eq3A_506 = arith.constant 1 : i32
      %eq3A_507 = vector.broadcast %eq3A_506 : i32 to vector<16xi32>
      %eq3A_508 = arith.cmpi eq, %rev3A_501, %eq3A_507 : vector<16xi32>
      %and3A_509 = arith.andi %eq3A_484, %eq3A_508 : vector<16xi1>
      %or3A_510 = arith.ori %or3A_481, %and3A_509 : vector<16xi1>
      %eq3A_511 = arith.constant 3 : i32
      %eq3A_512 = vector.broadcast %eq3A_511 : i32 to vector<16xi32>
      %eq3A_513 = arith.cmpi eq, %get3A_385, %eq3A_512 : vector<16xi32>
      %convert_element_type3A_514 = arith.extui %eq3A_513 : vector<16xi1> to vector<16xi32>
      %broadcast_in_dim3A_515 = arith.constant true
      %broadcast_in_dim3A_516 = vector.broadcast %broadcast_in_dim3A_515 : i1 to vector<16xi1>
      %masked_cumsum3A_517 = tpu.scan <sum>, %convert_element_type3A_514 masked %broadcast_in_dim3A_516 : vector<16xi32>, vector<16xi1> -> vector<16xi32>
      %rev3A_518 = arith.constant 15 : i32
      %rev3A_519 = vector.broadcast %rev3A_518 : i32 to vector<16xi32>
      %rev3A_520 = tpu.iota {dimensions = array<i32: 0>} : vector<16xi32>
      %rev3A_521 = arith.subi %rev3A_519, %rev3A_520 : vector<16xi32>
      %rev3A_522 = tpu.dynamic_gather %convert_element_type3A_514[%rev3A_521] in [0] : vector<16xi32>, vector<16xi32> -> vector<16xi32>
      %broadcast_in_dim3A_523 = arith.constant true
      %broadcast_in_dim3A_524 = vector.broadcast %broadcast_in_dim3A_523 : i1 to vector<16xi1>
      %masked_cumsum3A_525 = tpu.scan <sum>, %rev3A_522 masked %broadcast_in_dim3A_524 : vector<16xi32>, vector<16xi1> -> vector<16xi32>
      %rev3A_526 = arith.constant 15 : i32
      %rev3A_527 = vector.broadcast %rev3A_526 : i32 to vector<16xi32>
      %rev3A_528 = tpu.iota {dimensions = array<i32: 0>} : vector<16xi32>
      %rev3A_529 = arith.subi %rev3A_527, %rev3A_528 : vector<16xi32>
      %rev3A_530 = tpu.dynamic_gather %masked_cumsum3A_525[%rev3A_529] in [0] : vector<16xi32>, vector<16xi32> -> vector<16xi32>
      %jit3A_531 = arith.constant 0 : i32
      %broadcast_in_dim3A_532 = vector.broadcast %jit3A_531 : i32 to vector<16xi32>
      %select_n3A_533 = arith.select %eq3A_513, %masked_cumsum3A_517, %broadcast_in_dim3A_532 : vector<16xi1>, vector<16xi32>
      %add3A_534 = arith.addi %add3A_505, %select_n3A_533 : vector<16xi32>
      %eq3A_535 = arith.constant 1 : i32
      %eq3A_536 = vector.broadcast %eq3A_535 : i32 to vector<16xi32>
      %eq3A_537 = arith.cmpi eq, %rev3A_530, %eq3A_536 : vector<16xi32>
      %and3A_538 = arith.andi %eq3A_513, %eq3A_537 : vector<16xi1>
      %or3A_539 = arith.ori %or3A_510, %and3A_538 : vector<16xi1>
      %eq3A_540 = arith.constant 4 : i32
      %eq3A_541 = vector.broadcast %eq3A_540 : i32 to vector<16xi32>
      %eq3A_542 = arith.cmpi eq, %get3A_385, %eq3A_541 : vector<16xi32>
      %convert_element_type3A_543 = arith.extui %eq3A_542 : vector<16xi1> to vector<16xi32>
      %broadcast_in_dim3A_544 = arith.constant true
      %broadcast_in_dim3A_545 = vector.broadcast %broadcast_in_dim3A_544 : i1 to vector<16xi1>
      %masked_cumsum3A_546 = tpu.scan <sum>, %convert_element_type3A_543 masked %broadcast_in_dim3A_545 : vector<16xi32>, vector<16xi1> -> vector<16xi32>
      %rev3A_547 = arith.constant 15 : i32
      %rev3A_548 = vector.broadcast %rev3A_547 : i32 to vector<16xi32>
      %rev3A_549 = tpu.iota {dimensions = array<i32: 0>} : vector<16xi32>
      %rev3A_550 = arith.subi %rev3A_548, %rev3A_549 : vector<16xi32>
      %rev3A_551 = tpu.dynamic_gather %convert_element_type3A_543[%rev3A_550] in [0] : vector<16xi32>, vector<16xi32> -> vector<16xi32>
      %broadcast_in_dim3A_552 = arith.constant true
      %broadcast_in_dim3A_553 = vector.broadcast %broadcast_in_dim3A_552 : i1 to vector<16xi1>
      %masked_cumsum3A_554 = tpu.scan <sum>, %rev3A_551 masked %broadcast_in_dim3A_553 : vector<16xi32>, vector<16xi1> -> vector<16xi32>
      %rev3A_555 = arith.constant 15 : i32
      %rev3A_556 = vector.broadcast %rev3A_555 : i32 to vector<16xi32>
      %rev3A_557 = tpu.iota {dimensions = array<i32: 0>} : vector<16xi32>
      %rev3A_558 = arith.subi %rev3A_556, %rev3A_557 : vector<16xi32>
      %rev3A_559 = tpu.dynamic_gather %masked_cumsum3A_554[%rev3A_558] in [0] : vector<16xi32>, vector<16xi32> -> vector<16xi32>
      %jit3A_560 = arith.constant 0 : i32
      %broadcast_in_dim3A_561 = vector.broadcast %jit3A_560 : i32 to vector<16xi32>
      %select_n3A_562 = arith.select %eq3A_542, %masked_cumsum3A_546, %broadcast_in_dim3A_561 : vector<16xi1>, vector<16xi32>
      %add3A_563 = arith.addi %add3A_534, %select_n3A_562 : vector<16xi32>
      %eq3A_564 = arith.constant 1 : i32
      %eq3A_565 = vector.broadcast %eq3A_564 : i32 to vector<16xi32>
      %eq3A_566 = arith.cmpi eq, %rev3A_559, %eq3A_565 : vector<16xi32>
      %and3A_567 = arith.andi %eq3A_542, %eq3A_566 : vector<16xi1>
      %or3A_568 = arith.ori %or3A_539, %and3A_567 : vector<16xi1>
      %eq3A_569 = arith.constant 5 : i32
      %eq3A_570 = vector.broadcast %eq3A_569 : i32 to vector<16xi32>
      %eq3A_571 = arith.cmpi eq, %get3A_385, %eq3A_570 : vector<16xi32>
      %convert_element_type3A_572 = arith.extui %eq3A_571 : vector<16xi1> to vector<16xi32>
      %broadcast_in_dim3A_573 = arith.constant true
      %broadcast_in_dim3A_574 = vector.broadcast %broadcast_in_dim3A_573 : i1 to vector<16xi1>
      %masked_cumsum3A_575 = tpu.scan <sum>, %convert_element_type3A_572 masked %broadcast_in_dim3A_574 : vector<16xi32>, vector<16xi1> -> vector<16xi32>
      %rev3A_576 = arith.constant 15 : i32
      %rev3A_577 = vector.broadcast %rev3A_576 : i32 to vector<16xi32>
      %rev3A_578 = tpu.iota {dimensions = array<i32: 0>} : vector<16xi32>
      %rev3A_579 = arith.subi %rev3A_577, %rev3A_578 : vector<16xi32>
      %rev3A_580 = tpu.dynamic_gather %convert_element_type3A_572[%rev3A_579] in [0] : vector<16xi32>, vector<16xi32> -> vector<16xi32>
      %broadcast_in_dim3A_581 = arith.constant true
      %broadcast_in_dim3A_582 = vector.broadcast %broadcast_in_dim3A_581 : i1 to vector<16xi1>
      %masked_cumsum3A_583 = tpu.scan <sum>, %rev3A_580 masked %broadcast_in_dim3A_582 : vector<16xi32>, vector<16xi1> -> vector<16xi32>
      %rev3A_584 = arith.constant 15 : i32
      %rev3A_585 = vector.broadcast %rev3A_584 : i32 to vector<16xi32>
      %rev3A_586 = tpu.iota {dimensions = array<i32: 0>} : vector<16xi32>
      %rev3A_587 = arith.subi %rev3A_585, %rev3A_586 : vector<16xi32>
      %rev3A_588 = tpu.dynamic_gather %masked_cumsum3A_583[%rev3A_587] in [0] : vector<16xi32>, vector<16xi32> -> vector<16xi32>
      %jit3A_589 = arith.constant 0 : i32
      %broadcast_in_dim3A_590 = vector.broadcast %jit3A_589 : i32 to vector<16xi32>
      %select_n3A_591 = arith.select %eq3A_571, %masked_cumsum3A_575, %broadcast_in_dim3A_590 : vector<16xi1>, vector<16xi32>
      %add3A_592 = arith.addi %add3A_563, %select_n3A_591 : vector<16xi32>
      %eq3A_593 = arith.constant 1 : i32
      %eq3A_594 = vector.broadcast %eq3A_593 : i32 to vector<16xi32>
      %eq3A_595 = arith.cmpi eq, %rev3A_588, %eq3A_594 : vector<16xi32>
      %and3A_596 = arith.andi %eq3A_571, %eq3A_595 : vector<16xi1>
      %or3A_597 = arith.ori %or3A_568, %and3A_596 : vector<16xi1>
      %eq3A_598 = arith.constant 6 : i32
      %eq3A_599 = vector.broadcast %eq3A_598 : i32 to vector<16xi32>
      %eq3A_600 = arith.cmpi eq, %get3A_385, %eq3A_599 : vector<16xi32>
      %convert_element_type3A_601 = arith.extui %eq3A_600 : vector<16xi1> to vector<16xi32>
      %broadcast_in_dim3A_602 = arith.constant true
      %broadcast_in_dim3A_603 = vector.broadcast %broadcast_in_dim3A_602 : i1 to vector<16xi1>
      %masked_cumsum3A_604 = tpu.scan <sum>, %convert_element_type3A_601 masked %broadcast_in_dim3A_603 : vector<16xi32>, vector<16xi1> -> vector<16xi32>
      %rev3A_605 = arith.constant 15 : i32
      %rev3A_606 = vector.broadcast %rev3A_605 : i32 to vector<16xi32>
      %rev3A_607 = tpu.iota {dimensions = array<i32: 0>} : vector<16xi32>
      %rev3A_608 = arith.subi %rev3A_606, %rev3A_607 : vector<16xi32>
      %rev3A_609 = tpu.dynamic_gather %convert_element_type3A_601[%rev3A_608] in [0] : vector<16xi32>, vector<16xi32> -> vector<16xi32>
      %broadcast_in_dim3A_610 = arith.constant true
      %broadcast_in_dim3A_611 = vector.broadcast %broadcast_in_dim3A_610 : i1 to vector<16xi1>
      %masked_cumsum3A_612 = tpu.scan <sum>, %rev3A_609 masked %broadcast_in_dim3A_611 : vector<16xi32>, vector<16xi1> -> vector<16xi32>
      %rev3A_613 = arith.constant 15 : i32
      %rev3A_614 = vector.broadcast %rev3A_613 : i32 to vector<16xi32>
      %rev3A_615 = tpu.iota {dimensions = array<i32: 0>} : vector<16xi32>
      %rev3A_616 = arith.subi %rev3A_614, %rev3A_615 : vector<16xi32>
      %rev3A_617 = tpu.dynamic_gather %masked_cumsum3A_612[%rev3A_616] in [0] : vector<16xi32>, vector<16xi32> -> vector<16xi32>
      %jit3A_618 = arith.constant 0 : i32
      %broadcast_in_dim3A_619 = vector.broadcast %jit3A_618 : i32 to vector<16xi32>
      %select_n3A_620 = arith.select %eq3A_600, %masked_cumsum3A_604, %broadcast_in_dim3A_619 : vector<16xi1>, vector<16xi32>
      %add3A_621 = arith.addi %add3A_592, %select_n3A_620 : vector<16xi32>
      %eq3A_622 = arith.constant 1 : i32
      %eq3A_623 = vector.broadcast %eq3A_622 : i32 to vector<16xi32>
      %eq3A_624 = arith.cmpi eq, %rev3A_617, %eq3A_623 : vector<16xi32>
      %and3A_625 = arith.andi %eq3A_600, %eq3A_624 : vector<16xi1>
      %or3A_626 = arith.ori %or3A_597, %and3A_625 : vector<16xi1>
      %eq3A_627 = arith.constant 7 : i32
      %eq3A_628 = vector.broadcast %eq3A_627 : i32 to vector<16xi32>
      %eq3A_629 = arith.cmpi eq, %get3A_385, %eq3A_628 : vector<16xi32>
      %convert_element_type3A_630 = arith.extui %eq3A_629 : vector<16xi1> to vector<16xi32>
      %broadcast_in_dim3A_631 = arith.constant true
      %broadcast_in_dim3A_632 = vector.broadcast %broadcast_in_dim3A_631 : i1 to vector<16xi1>
      %masked_cumsum3A_633 = tpu.scan <sum>, %convert_element_type3A_630 masked %broadcast_in_dim3A_632 : vector<16xi32>, vector<16xi1> -> vector<16xi32>
      %rev3A_634 = arith.constant 15 : i32
      %rev3A_635 = vector.broadcast %rev3A_634 : i32 to vector<16xi32>
      %rev3A_636 = tpu.iota {dimensions = array<i32: 0>} : vector<16xi32>
      %rev3A_637 = arith.subi %rev3A_635, %rev3A_636 : vector<16xi32>
      %rev3A_638 = tpu.dynamic_gather %convert_element_type3A_630[%rev3A_637] in [0] : vector<16xi32>, vector<16xi32> -> vector<16xi32>
      %broadcast_in_dim3A_639 = arith.constant true
      %broadcast_in_dim3A_640 = vector.broadcast %broadcast_in_dim3A_639 : i1 to vector<16xi1>
      %masked_cumsum3A_641 = tpu.scan <sum>, %rev3A_638 masked %broadcast_in_dim3A_640 : vector<16xi32>, vector<16xi1> -> vector<16xi32>
      %rev3A_642 = arith.constant 15 : i32
      %rev3A_643 = vector.broadcast %rev3A_642 : i32 to vector<16xi32>
      %rev3A_644 = tpu.iota {dimensions = array<i32: 0>} : vector<16xi32>
      %rev3A_645 = arith.subi %rev3A_643, %rev3A_644 : vector<16xi32>
      %rev3A_646 = tpu.dynamic_gather %masked_cumsum3A_641[%rev3A_645] in [0] : vector<16xi32>, vector<16xi32> -> vector<16xi32>
      %jit3A_647 = arith.constant 0 : i32
      %broadcast_in_dim3A_648 = vector.broadcast %jit3A_647 : i32 to vector<16xi32>
      %select_n3A_649 = arith.select %eq3A_629, %masked_cumsum3A_633, %broadcast_in_dim3A_648 : vector<16xi1>, vector<16xi32>
      %add3A_650 = arith.addi %add3A_621, %select_n3A_649 : vector<16xi32>
      %eq3A_651 = arith.constant 1 : i32
      %eq3A_652 = vector.broadcast %eq3A_651 : i32 to vector<16xi32>
      %eq3A_653 = arith.cmpi eq, %rev3A_646, %eq3A_652 : vector<16xi32>
      %and3A_654 = arith.andi %eq3A_629, %eq3A_653 : vector<16xi1>
      %or3A_655 = arith.ori %or3A_626, %and3A_654 : vector<16xi1>
      %gather3A = tpu.vector_load_idx %arg15[%get3A_385] : memref<16xi32, #tpu.memory_space<vmem>>[vector<16xi32>], vector<16xi32>,
      %add3A_656 = arith.addi %gather3A, %add3A_650 : vector<16xi32>
      tpu.vector_store_idx %arg15[%get3A_385], %add3A_656 masked %or3A_655 : memref<16xi32, #tpu.memory_space<vmem>>[vector<16xi32>], vector<16xi32>, vector<16xi1>
      %add3A_657 = arith.addi %gather3A, %add3A_650 : vector<16xi32>
      %sub3A_658 = arith.constant 1 : i32
      %sub3A_659 = vector.broadcast %sub3A_658 : i32 to vector<16xi32>
      %sub3A_660 = arith.subi %add3A_657, %sub3A_659 : vector<16xi32>
      %add3A_661 = arith.constant 256 : i32
      %add3A_662 = vector.broadcast %add3A_661 : i32 to vector<16xi32>
      %add3A_663 = arith.addi %sub3A_660, %add3A_662 : vector<16xi32>
      %mul3A_664 = arith.constant 16 : i32
      %mul3A_665 = arith.muli %scan3A_378, %mul3A_664 : i32
      %swap3A_666 = arith.constant 2 : i32
      %swap3A_667 = arith.index_cast %swap3A_666 : i32 to index
      %swap3A_668 = arith.index_cast %mul3A_665 : i32 to index
      %swap3A_669 = tpu.vector_load %arg17[%swap3A_667, %swap3A_668] {strides = array<i32>} : memref<4x64xi32, #tpu.memory_space<vmem>>, vector<16xi32>,
      tpu.vector_store %arg17[%swap3A_667, %swap3A_668], %add3A_663 {strides = array<i32>} : memref<4x64xi32, #tpu.memory_space<vmem>>, vector<16xi32>,
      %add3A_670 = arith.constant 6400 : i32
      %add3A_671 = vector.broadcast %add3A_670 : i32 to vector<16xi32>
      %add3A_672 = arith.addi %sub3A_660, %add3A_671 : vector<16xi32>
      %mul3A_673 = arith.constant 16 : i32
      %mul3A_674 = arith.muli %scan3A_378, %mul3A_673 : i32
      %swap3A_675 = arith.constant 2 : i32
      %swap3A_676 = arith.index_cast %swap3A_675 : i32 to index
      %swap3A_677 = arith.index_cast %mul3A_674 : i32 to index
      %swap3A_678 = tpu.vector_load %arg19[%swap3A_676, %swap3A_677] {strides = array<i32>} : memref<4x64xi32, #tpu.memory_space<vmem>>, vector<16xi32>,
      tpu.vector_store %arg19[%swap3A_676, %swap3A_677], %add3A_672 {strides = array<i32>} : memref<4x64xi32, #tpu.memory_space<vmem>>, vector<16xi32>,
      %add3A_679 = arith.constant 12544 : i32
      %add3A_680 = vector.broadcast %add3A_679 : i32 to vector<16xi32>
      %add3A_681 = arith.addi %sub3A_660, %add3A_680 : vector<16xi32>
      %mul3A_682 = arith.constant 16 : i32
      %mul3A_683 = arith.muli %scan3A_378, %mul3A_682 : i32
      %swap3A_684 = arith.constant 2 : i32
      %swap3A_685 = arith.index_cast %swap3A_684 : i32 to index
      %swap3A_686 = arith.index_cast %mul3A_683 : i32 to index
      %swap3A_687 = tpu.vector_load %arg20[%swap3A_685, %swap3A_686] {strides = array<i32>} : memref<4x64xi32, #tpu.memory_space<vmem>>, vector<16xi32>,
      tpu.vector_store %arg20[%swap3A_685, %swap3A_686], %add3A_681 {strides = array<i32>} : memref<4x64xi32, #tpu.memory_space<vmem>>, vector<16xi32>,
      %mul3A_688 = arith.constant 16 : i32
      %mul3A_689 = arith.muli %scan3A_378, %mul3A_688 : i32
      %swap3A_690 = arith.constant 2 : i32
      %swap3A_691 = arith.index_cast %swap3A_690 : i32 to index
      %swap3A_692 = arith.index_cast %mul3A_689 : i32 to index
      %swap3A_693 = tpu.vector_load %arg18[%swap3A_691, %swap3A_692] {strides = array<i32>} : memref<4x64xi32, #tpu.memory_space<vmem>>, vector<16xi32>,
      tpu.vector_store %arg18[%swap3A_691, %swap3A_692], %select_n3A_421 {strides = array<i32>} : memref<4x64xi32, #tpu.memory_space<vmem>>, vector<16xi32>,
      %scan3A_694 = arith.constant 0 : i32
      scf.yield %scan3A_694 : i32
    }
    %scan3A_291 = arith.constant 4 : i32
    %scan3A_292 = arith.constant 0 : i32
    %scan3A_293 = arith.constant 0 : i32
    %scan3A_294 = arith.constant 4 : i32
    %scan3A_295 = arith.addi %scan3A_293, %scan3A_294 : i32
    %scan3A_296 = arith.constant 1 : i32
    %scan3A_297 = scf.for %scan3A_378 = %scan3A_293 to %scan3A_295 step %scan3A_296 iter_args(%scan3A_379 = %scan3A_292) -> (i32)  : i32 {
      %add3A_380 = arith.constant 12 : i32
      %add3A_381 = arith.addi %add3A_380, %scan3A_378 : i32
      %mul3A_382 = arith.constant 16 : i32
      %mul3A_383 = arith.muli %add3A_381, %mul3A_382 : i32
      %get3A_384 = arith.index_cast %mul3A_383 : i32 to index
      %get3A_385 = tpu.vector_load %arg10[%get3A_384] {strides = array<i32>} : memref<256xi32, #tpu.memory_space<vmem>>, vector<16xi32>,
      %mul3A_386 = arith.constant 16 : i32
      %mul3A_387 = arith.muli %add3A_381, %mul3A_386 : i32
      %add3A_388 = arith.addi %mul3A_0, %mul3A_387 : i32
      %add3A_389 = vector.broadcast %add3A_388 : i32 to vector<16xi32>
      %add3A_390 = arith.addi %add3A_389, %iota3A : vector<16xi32>
      %jit3A_391 = arith.constant 2 : i32
      %div3A_392 = vector.broadcast %jit3A_391 : i32 to vector<16xi32>
      %div3A_393 = arith.divsi %add3A_390, %div3A_392 : vector<16xi32>
      %sign3A_394 = arith.constant 0 : i32
      %sign3A_395 = vector.broadcast %sign3A_394 : i32 to vector<16xi32>
      %sign3A_396 = arith.cmpi sgt, %add3A_390, %sign3A_395 : vector<16xi32>
      %sign3A_397 = arith.extui %sign3A_396 : vector<16xi1> to vector<16xi32>
      %sign3A_398 = arith.constant 0 : i32
      %sign3A_399 = vector.broadcast %sign3A_398 : i32 to vector<16xi32>
      %sign3A_400 = arith.cmpi slt, %add3A_390, %sign3A_399 : vector<16xi32>
      %sign3A_401 = arith.extui %sign3A_400 : vector<16xi1> to vector<16xi32>
      %sign3A_402 = arith.subi %sign3A_397, %sign3A_401 : vector<16xi32>
      %sign3A_403 = arith.constant 0 : i32
      %sign3A_404 = arith.cmpi sgt, %jit3A_391, %sign3A_403 : i32
      %sign3A_405 = arith.extui %sign3A_404 : i1 to i32
      %sign3A_406 = arith.constant 0 : i32
      %sign3A_407 = arith.cmpi slt, %jit3A_391, %sign3A_406 : i32
      %sign3A_408 = arith.extui %sign3A_407 : i1 to i32
      %sign3A_409 = arith.subi %sign3A_405, %sign3A_408 : i32
      %ne3A_410 = vector.broadcast %sign3A_409 : i32 to vector<16xi32>
      %ne3A_411 = arith.cmpi ne, %sign3A_402, %ne3A_410 : vector<16xi32>
      %rem3A_412 = vector.broadcast %jit3A_391 : i32 to vector<16xi32>
      %rem3A_413 = arith.remsi %add3A_390, %rem3A_412 : vector<16xi32>
      %ne3A_414 = arith.constant 0 : i32
      %ne3A_415 = vector.broadcast %ne3A_414 : i32 to vector<16xi32>
      %ne3A_416 = arith.cmpi ne, %rem3A_413, %ne3A_415 : vector<16xi32>
      %and3A_417 = arith.andi %ne3A_411, %ne3A_416 : vector<16xi1>
      %sub3A_418 = arith.constant 1 : i32
      %sub3A_419 = vector.broadcast %sub3A_418 : i32 to vector<16xi32>
      %sub3A_420 = arith.subi %div3A_393, %sub3A_419 : vector<16xi32>
      %select_n3A_421 = arith.select %and3A_417, %sub3A_420, %div3A_393 : vector<16xi1>, vector<16xi32>
      %broadcast_in_dim3A_422 = arith.constant 0 : i32
      %broadcast_in_dim3A_423 = vector.broadcast %broadcast_in_dim3A_422 : i32 to vector<16xi32>
      %broadcast_in_dim3A_424 = arith.constant false
      %broadcast_in_dim3A_425 = vector.broadcast %broadcast_in_dim3A_424 : i1 to vector<16xi1>
      %eq3A_426 = arith.constant 0 : i32
      %eq3A_427 = vector.broadcast %eq3A_426 : i32 to vector<16xi32>
      %eq3A_428 = arith.cmpi eq, %get3A_385, %eq3A_427 : vector<16xi32>
      %convert_element_type3A_429 = arith.extui %eq3A_428 : vector<16xi1> to vector<16xi32>
      %broadcast_in_dim3A_430 = arith.constant true
      %broadcast_in_dim3A_431 = vector.broadcast %broadcast_in_dim3A_430 : i1 to vector<16xi1>
      %masked_cumsum3A_432 = tpu.scan <sum>, %convert_element_type3A_429 masked %broadcast_in_dim3A_431 : vector<16xi32>, vector<16xi1> -> vector<16xi32>
      %rev3A = arith.constant 15 : i32
      %rev3A_433 = vector.broadcast %rev3A : i32 to vector<16xi32>
      %rev3A_434 = tpu.iota {dimensions = array<i32: 0>} : vector<16xi32>
      %rev3A_435 = arith.subi %rev3A_433, %rev3A_434 : vector<16xi32>
      %rev3A_436 = tpu.dynamic_gather %convert_element_type3A_429[%rev3A_435] in [0] : vector<16xi32>, vector<16xi32> -> vector<16xi32>
      %broadcast_in_dim3A_437 = arith.constant true
      %broadcast_in_dim3A_438 = vector.broadcast %broadcast_in_dim3A_437 : i1 to vector<16xi1>
      %masked_cumsum3A_439 = tpu.scan <sum>, %rev3A_436 masked %broadcast_in_dim3A_438 : vector<16xi32>, vector<16xi1> -> vector<16xi32>
      %rev3A_440 = arith.constant 15 : i32
      %rev3A_441 = vector.broadcast %rev3A_440 : i32 to vector<16xi32>
      %rev3A_442 = tpu.iota {dimensions = array<i32: 0>} : vector<16xi32>
      %rev3A_443 = arith.subi %rev3A_441, %rev3A_442 : vector<16xi32>
      %rev3A_444 = tpu.dynamic_gather %masked_cumsum3A_439[%rev3A_443] in [0] : vector<16xi32>, vector<16xi32> -> vector<16xi32>
      %jit3A_445 = arith.constant 0 : i32
      %broadcast_in_dim3A_446 = vector.broadcast %jit3A_445 : i32 to vector<16xi32>
      %select_n3A_447 = arith.select %eq3A_428, %masked_cumsum3A_432, %broadcast_in_dim3A_446 : vector<16xi1>, vector<16xi32>
      %add3A_448 = arith.addi %broadcast_in_dim3A_423, %select_n3A_447 : vector<16xi32>
      %eq3A_449 = arith.constant 1 : i32
      %eq3A_450 = vector.broadcast %eq3A_449 : i32 to vector<16xi32>
      %eq3A_451 = arith.cmpi eq, %rev3A_444, %eq3A_450 : vector<16xi32>
      %and3A_452 = arith.andi %eq3A_428, %eq3A_451 : vector<16xi1>
      %or3A = arith.ori %broadcast_in_dim3A_425, %and3A_452 : vector<16xi1>
      %eq3A_453 = arith.constant 1 : i32
      %eq3A_454 = vector.broadcast %eq3A_453 : i32 to vector<16xi32>
      %eq3A_455 = arith.cmpi eq, %get3A_385, %eq3A_454 : vector<16xi32>
      %convert_element_type3A_456 = arith.extui %eq3A_455 : vector<16xi1> to vector<16xi32>
      %broadcast_in_dim3A_457 = arith.constant true
      %broadcast_in_dim3A_458 = vector.broadcast %broadcast_in_dim3A_457 : i1 to vector<16xi1>
      %masked_cumsum3A_459 = tpu.scan <sum>, %convert_element_type3A_456 masked %broadcast_in_dim3A_458 : vector<16xi32>, vector<16xi1> -> vector<16xi32>
      %rev3A_460 = arith.constant 15 : i32
      %rev3A_461 = vector.broadcast %rev3A_460 : i32 to vector<16xi32>
      %rev3A_462 = tpu.iota {dimensions = array<i32: 0>} : vector<16xi32>
      %rev3A_463 = arith.subi %rev3A_461, %rev3A_462 : vector<16xi32>
      %rev3A_464 = tpu.dynamic_gather %convert_element_type3A_456[%rev3A_463] in [0] : vector<16xi32>, vector<16xi32> -> vector<16xi32>
      %broadcast_in_dim3A_465 = arith.constant true
      %broadcast_in_dim3A_466 = vector.broadcast %broadcast_in_dim3A_465 : i1 to vector<16xi1>
      %masked_cumsum3A_467 = tpu.scan <sum>, %rev3A_464 masked %broadcast_in_dim3A_466 : vector<16xi32>, vector<16xi1> -> vector<16xi32>
      %rev3A_468 = arith.constant 15 : i32
      %rev3A_469 = vector.broadcast %rev3A_468 : i32 to vector<16xi32>
      %rev3A_470 = tpu.iota {dimensions = array<i32: 0>} : vector<16xi32>
      %rev3A_471 = arith.subi %rev3A_469, %rev3A_470 : vector<16xi32>
      %rev3A_472 = tpu.dynamic_gather %masked_cumsum3A_467[%rev3A_471] in [0] : vector<16xi32>, vector<16xi32> -> vector<16xi32>
      %jit3A_473 = arith.constant 0 : i32
      %broadcast_in_dim3A_474 = vector.broadcast %jit3A_473 : i32 to vector<16xi32>
      %select_n3A_475 = arith.select %eq3A_455, %masked_cumsum3A_459, %broadcast_in_dim3A_474 : vector<16xi1>, vector<16xi32>
      %add3A_476 = arith.addi %add3A_448, %select_n3A_475 : vector<16xi32>
      %eq3A_477 = arith.constant 1 : i32
      %eq3A_478 = vector.broadcast %eq3A_477 : i32 to vector<16xi32>
      %eq3A_479 = arith.cmpi eq, %rev3A_472, %eq3A_478 : vector<16xi32>
      %and3A_480 = arith.andi %eq3A_455, %eq3A_479 : vector<16xi1>
      %or3A_481 = arith.ori %or3A, %and3A_480 : vector<16xi1>
      %eq3A_482 = arith.constant 2 : i32
      %eq3A_483 = vector.broadcast %eq3A_482 : i32 to vector<16xi32>
      %eq3A_484 = arith.cmpi eq, %get3A_385, %eq3A_483 : vector<16xi32>
      %convert_element_type3A_485 = arith.extui %eq3A_484 : vector<16xi1> to vector<16xi32>
      %broadcast_in_dim3A_486 = arith.constant true
      %broadcast_in_dim3A_487 = vector.broadcast %broadcast_in_dim3A_486 : i1 to vector<16xi1>
      %masked_cumsum3A_488 = tpu.scan <sum>, %convert_element_type3A_485 masked %broadcast_in_dim3A_487 : vector<16xi32>, vector<16xi1> -> vector<16xi32>
      %rev3A_489 = arith.constant 15 : i32
      %rev3A_490 = vector.broadcast %rev3A_489 : i32 to vector<16xi32>
      %rev3A_491 = tpu.iota {dimensions = array<i32: 0>} : vector<16xi32>
      %rev3A_492 = arith.subi %rev3A_490, %rev3A_491 : vector<16xi32>
      %rev3A_493 = tpu.dynamic_gather %convert_element_type3A_485[%rev3A_492] in [0] : vector<16xi32>, vector<16xi32> -> vector<16xi32>
      %broadcast_in_dim3A_494 = arith.constant true
      %broadcast_in_dim3A_495 = vector.broadcast %broadcast_in_dim3A_494 : i1 to vector<16xi1>
      %masked_cumsum3A_496 = tpu.scan <sum>, %rev3A_493 masked %broadcast_in_dim3A_495 : vector<16xi32>, vector<16xi1> -> vector<16xi32>
      %rev3A_497 = arith.constant 15 : i32
      %rev3A_498 = vector.broadcast %rev3A_497 : i32 to vector<16xi32>
      %rev3A_499 = tpu.iota {dimensions = array<i32: 0>} : vector<16xi32>
      %rev3A_500 = arith.subi %rev3A_498, %rev3A_499 : vector<16xi32>
      %rev3A_501 = tpu.dynamic_gather %masked_cumsum3A_496[%rev3A_500] in [0] : vector<16xi32>, vector<16xi32> -> vector<16xi32>
      %jit3A_502 = arith.constant 0 : i32
      %broadcast_in_dim3A_503 = vector.broadcast %jit3A_502 : i32 to vector<16xi32>
      %select_n3A_504 = arith.select %eq3A_484, %masked_cumsum3A_488, %broadcast_in_dim3A_503 : vector<16xi1>, vector<16xi32>
      %add3A_505 = arith.addi %add3A_476, %select_n3A_504 : vector<16xi32>
      %eq3A_506 = arith.constant 1 : i32
      %eq3A_507 = vector.broadcast %eq3A_506 : i32 to vector<16xi32>
      %eq3A_508 = arith.cmpi eq, %rev3A_501, %eq3A_507 : vector<16xi32>
      %and3A_509 = arith.andi %eq3A_484, %eq3A_508 : vector<16xi1>
      %or3A_510 = arith.ori %or3A_481, %and3A_509 : vector<16xi1>
      %eq3A_511 = arith.constant 3 : i32
      %eq3A_512 = vector.broadcast %eq3A_511 : i32 to vector<16xi32>
      %eq3A_513 = arith.cmpi eq, %get3A_385, %eq3A_512 : vector<16xi32>
      %convert_element_type3A_514 = arith.extui %eq3A_513 : vector<16xi1> to vector<16xi32>
      %broadcast_in_dim3A_515 = arith.constant true
      %broadcast_in_dim3A_516 = vector.broadcast %broadcast_in_dim3A_515 : i1 to vector<16xi1>
      %masked_cumsum3A_517 = tpu.scan <sum>, %convert_element_type3A_514 masked %broadcast_in_dim3A_516 : vector<16xi32>, vector<16xi1> -> vector<16xi32>
      %rev3A_518 = arith.constant 15 : i32
      %rev3A_519 = vector.broadcast %rev3A_518 : i32 to vector<16xi32>
      %rev3A_520 = tpu.iota {dimensions = array<i32: 0>} : vector<16xi32>
      %rev3A_521 = arith.subi %rev3A_519, %rev3A_520 : vector<16xi32>
      %rev3A_522 = tpu.dynamic_gather %convert_element_type3A_514[%rev3A_521] in [0] : vector<16xi32>, vector<16xi32> -> vector<16xi32>
      %broadcast_in_dim3A_523 = arith.constant true
      %broadcast_in_dim3A_524 = vector.broadcast %broadcast_in_dim3A_523 : i1 to vector<16xi1>
      %masked_cumsum3A_525 = tpu.scan <sum>, %rev3A_522 masked %broadcast_in_dim3A_524 : vector<16xi32>, vector<16xi1> -> vector<16xi32>
      %rev3A_526 = arith.constant 15 : i32
      %rev3A_527 = vector.broadcast %rev3A_526 : i32 to vector<16xi32>
      %rev3A_528 = tpu.iota {dimensions = array<i32: 0>} : vector<16xi32>
      %rev3A_529 = arith.subi %rev3A_527, %rev3A_528 : vector<16xi32>
      %rev3A_530 = tpu.dynamic_gather %masked_cumsum3A_525[%rev3A_529] in [0] : vector<16xi32>, vector<16xi32> -> vector<16xi32>
      %jit3A_531 = arith.constant 0 : i32
      %broadcast_in_dim3A_532 = vector.broadcast %jit3A_531 : i32 to vector<16xi32>
      %select_n3A_533 = arith.select %eq3A_513, %masked_cumsum3A_517, %broadcast_in_dim3A_532 : vector<16xi1>, vector<16xi32>
      %add3A_534 = arith.addi %add3A_505, %select_n3A_533 : vector<16xi32>
      %eq3A_535 = arith.constant 1 : i32
      %eq3A_536 = vector.broadcast %eq3A_535 : i32 to vector<16xi32>
      %eq3A_537 = arith.cmpi eq, %rev3A_530, %eq3A_536 : vector<16xi32>
      %and3A_538 = arith.andi %eq3A_513, %eq3A_537 : vector<16xi1>
      %or3A_539 = arith.ori %or3A_510, %and3A_538 : vector<16xi1>
      %eq3A_540 = arith.constant 4 : i32
      %eq3A_541 = vector.broadcast %eq3A_540 : i32 to vector<16xi32>
      %eq3A_542 = arith.cmpi eq, %get3A_385, %eq3A_541 : vector<16xi32>
      %convert_element_type3A_543 = arith.extui %eq3A_542 : vector<16xi1> to vector<16xi32>
      %broadcast_in_dim3A_544 = arith.constant true
      %broadcast_in_dim3A_545 = vector.broadcast %broadcast_in_dim3A_544 : i1 to vector<16xi1>
      %masked_cumsum3A_546 = tpu.scan <sum>, %convert_element_type3A_543 masked %broadcast_in_dim3A_545 : vector<16xi32>, vector<16xi1> -> vector<16xi32>
      %rev3A_547 = arith.constant 15 : i32
      %rev3A_548 = vector.broadcast %rev3A_547 : i32 to vector<16xi32>
      %rev3A_549 = tpu.iota {dimensions = array<i32: 0>} : vector<16xi32>
      %rev3A_550 = arith.subi %rev3A_548, %rev3A_549 : vector<16xi32>
      %rev3A_551 = tpu.dynamic_gather %convert_element_type3A_543[%rev3A_550] in [0] : vector<16xi32>, vector<16xi32> -> vector<16xi32>
      %broadcast_in_dim3A_552 = arith.constant true
      %broadcast_in_dim3A_553 = vector.broadcast %broadcast_in_dim3A_552 : i1 to vector<16xi1>
      %masked_cumsum3A_554 = tpu.scan <sum>, %rev3A_551 masked %broadcast_in_dim3A_553 : vector<16xi32>, vector<16xi1> -> vector<16xi32>
      %rev3A_555 = arith.constant 15 : i32
      %rev3A_556 = vector.broadcast %rev3A_555 : i32 to vector<16xi32>
      %rev3A_557 = tpu.iota {dimensions = array<i32: 0>} : vector<16xi32>
      %rev3A_558 = arith.subi %rev3A_556, %rev3A_557 : vector<16xi32>
      %rev3A_559 = tpu.dynamic_gather %masked_cumsum3A_554[%rev3A_558] in [0] : vector<16xi32>, vector<16xi32> -> vector<16xi32>
      %jit3A_560 = arith.constant 0 : i32
      %broadcast_in_dim3A_561 = vector.broadcast %jit3A_560 : i32 to vector<16xi32>
      %select_n3A_562 = arith.select %eq3A_542, %masked_cumsum3A_546, %broadcast_in_dim3A_561 : vector<16xi1>, vector<16xi32>
      %add3A_563 = arith.addi %add3A_534, %select_n3A_562 : vector<16xi32>
      %eq3A_564 = arith.constant 1 : i32
      %eq3A_565 = vector.broadcast %eq3A_564 : i32 to vector<16xi32>
      %eq3A_566 = arith.cmpi eq, %rev3A_559, %eq3A_565 : vector<16xi32>
      %and3A_567 = arith.andi %eq3A_542, %eq3A_566 : vector<16xi1>
      %or3A_568 = arith.ori %or3A_539, %and3A_567 : vector<16xi1>
      %eq3A_569 = arith.constant 5 : i32
      %eq3A_570 = vector.broadcast %eq3A_569 : i32 to vector<16xi32>
      %eq3A_571 = arith.cmpi eq, %get3A_385, %eq3A_570 : vector<16xi32>
      %convert_element_type3A_572 = arith.extui %eq3A_571 : vector<16xi1> to vector<16xi32>
      %broadcast_in_dim3A_573 = arith.constant true
      %broadcast_in_dim3A_574 = vector.broadcast %broadcast_in_dim3A_573 : i1 to vector<16xi1>
      %masked_cumsum3A_575 = tpu.scan <sum>, %convert_element_type3A_572 masked %broadcast_in_dim3A_574 : vector<16xi32>, vector<16xi1> -> vector<16xi32>
      %rev3A_576 = arith.constant 15 : i32
      %rev3A_577 = vector.broadcast %rev3A_576 : i32 to vector<16xi32>
      %rev3A_578 = tpu.iota {dimensions = array<i32: 0>} : vector<16xi32>
      %rev3A_579 = arith.subi %rev3A_577, %rev3A_578 : vector<16xi32>
      %rev3A_580 = tpu.dynamic_gather %convert_element_type3A_572[%rev3A_579] in [0] : vector<16xi32>, vector<16xi32> -> vector<16xi32>
      %broadcast_in_dim3A_581 = arith.constant true
      %broadcast_in_dim3A_582 = vector.broadcast %broadcast_in_dim3A_581 : i1 to vector<16xi1>
      %masked_cumsum3A_583 = tpu.scan <sum>, %rev3A_580 masked %broadcast_in_dim3A_582 : vector<16xi32>, vector<16xi1> -> vector<16xi32>
      %rev3A_584 = arith.constant 15 : i32
      %rev3A_585 = vector.broadcast %rev3A_584 : i32 to vector<16xi32>
      %rev3A_586 = tpu.iota {dimensions = array<i32: 0>} : vector<16xi32>
      %rev3A_587 = arith.subi %rev3A_585, %rev3A_586 : vector<16xi32>
      %rev3A_588 = tpu.dynamic_gather %masked_cumsum3A_583[%rev3A_587] in [0] : vector<16xi32>, vector<16xi32> -> vector<16xi32>
      %jit3A_589 = arith.constant 0 : i32
      %broadcast_in_dim3A_590 = vector.broadcast %jit3A_589 : i32 to vector<16xi32>
      %select_n3A_591 = arith.select %eq3A_571, %masked_cumsum3A_575, %broadcast_in_dim3A_590 : vector<16xi1>, vector<16xi32>
      %add3A_592 = arith.addi %add3A_563, %select_n3A_591 : vector<16xi32>
      %eq3A_593 = arith.constant 1 : i32
      %eq3A_594 = vector.broadcast %eq3A_593 : i32 to vector<16xi32>
      %eq3A_595 = arith.cmpi eq, %rev3A_588, %eq3A_594 : vector<16xi32>
      %and3A_596 = arith.andi %eq3A_571, %eq3A_595 : vector<16xi1>
      %or3A_597 = arith.ori %or3A_568, %and3A_596 : vector<16xi1>
      %eq3A_598 = arith.constant 6 : i32
      %eq3A_599 = vector.broadcast %eq3A_598 : i32 to vector<16xi32>
      %eq3A_600 = arith.cmpi eq, %get3A_385, %eq3A_599 : vector<16xi32>
      %convert_element_type3A_601 = arith.extui %eq3A_600 : vector<16xi1> to vector<16xi32>
      %broadcast_in_dim3A_602 = arith.constant true
      %broadcast_in_dim3A_603 = vector.broadcast %broadcast_in_dim3A_602 : i1 to vector<16xi1>
      %masked_cumsum3A_604 = tpu.scan <sum>, %convert_element_type3A_601 masked %broadcast_in_dim3A_603 : vector<16xi32>, vector<16xi1> -> vector<16xi32>
      %rev3A_605 = arith.constant 15 : i32
      %rev3A_606 = vector.broadcast %rev3A_605 : i32 to vector<16xi32>
      %rev3A_607 = tpu.iota {dimensions = array<i32: 0>} : vector<16xi32>
      %rev3A_608 = arith.subi %rev3A_606, %rev3A_607 : vector<16xi32>
      %rev3A_609 = tpu.dynamic_gather %convert_element_type3A_601[%rev3A_608] in [0] : vector<16xi32>, vector<16xi32> -> vector<16xi32>
      %broadcast_in_dim3A_610 = arith.constant true
      %broadcast_in_dim3A_611 = vector.broadcast %broadcast_in_dim3A_610 : i1 to vector<16xi1>
      %masked_cumsum3A_612 = tpu.scan <sum>, %rev3A_609 masked %broadcast_in_dim3A_611 : vector<16xi32>, vector<16xi1> -> vector<16xi32>
      %rev3A_613 = arith.constant 15 : i32
      %rev3A_614 = vector.broadcast %rev3A_613 : i32 to vector<16xi32>
      %rev3A_615 = tpu.iota {dimensions = array<i32: 0>} : vector<16xi32>
      %rev3A_616 = arith.subi %rev3A_614, %rev3A_615 : vector<16xi32>
      %rev3A_617 = tpu.dynamic_gather %masked_cumsum3A_612[%rev3A_616] in [0] : vector<16xi32>, vector<16xi32> -> vector<16xi32>
      %jit3A_618 = arith.constant 0 : i32
      %broadcast_in_dim3A_619 = vector.broadcast %jit3A_618 : i32 to vector<16xi32>
      %select_n3A_620 = arith.select %eq3A_600, %masked_cumsum3A_604, %broadcast_in_dim3A_619 : vector<16xi1>, vector<16xi32>
      %add3A_621 = arith.addi %add3A_592, %select_n3A_620 : vector<16xi32>
      %eq3A_622 = arith.constant 1 : i32
      %eq3A_623 = vector.broadcast %eq3A_622 : i32 to vector<16xi32>
      %eq3A_624 = arith.cmpi eq, %rev3A_617, %eq3A_623 : vector<16xi32>
      %and3A_625 = arith.andi %eq3A_600, %eq3A_624 : vector<16xi1>
      %or3A_626 = arith.ori %or3A_597, %and3A_625 : vector<16xi1>
      %eq3A_627 = arith.constant 7 : i32
      %eq3A_628 = vector.broadcast %eq3A_627 : i32 to vector<16xi32>
      %eq3A_629 = arith.cmpi eq, %get3A_385, %eq3A_628 : vector<16xi32>
      %convert_element_type3A_630 = arith.extui %eq3A_629 : vector<16xi1> to vector<16xi32>
      %broadcast_in_dim3A_631 = arith.constant true
      %broadcast_in_dim3A_632 = vector.broadcast %broadcast_in_dim3A_631 : i1 to vector<16xi1>
      %masked_cumsum3A_633 = tpu.scan <sum>, %convert_element_type3A_630 masked %broadcast_in_dim3A_632 : vector<16xi32>, vector<16xi1> -> vector<16xi32>
      %rev3A_634 = arith.constant 15 : i32
      %rev3A_635 = vector.broadcast %rev3A_634 : i32 to vector<16xi32>
      %rev3A_636 = tpu.iota {dimensions = array<i32: 0>} : vector<16xi32>
      %rev3A_637 = arith.subi %rev3A_635, %rev3A_636 : vector<16xi32>
      %rev3A_638 = tpu.dynamic_gather %convert_element_type3A_630[%rev3A_637] in [0] : vector<16xi32>, vector<16xi32> -> vector<16xi32>
      %broadcast_in_dim3A_639 = arith.constant true
      %broadcast_in_dim3A_640 = vector.broadcast %broadcast_in_dim3A_639 : i1 to vector<16xi1>
      %masked_cumsum3A_641 = tpu.scan <sum>, %rev3A_638 masked %broadcast_in_dim3A_640 : vector<16xi32>, vector<16xi1> -> vector<16xi32>
      %rev3A_642 = arith.constant 15 : i32
      %rev3A_643 = vector.broadcast %rev3A_642 : i32 to vector<16xi32>
      %rev3A_644 = tpu.iota {dimensions = array<i32: 0>} : vector<16xi32>
      %rev3A_645 = arith.subi %rev3A_643, %rev3A_644 : vector<16xi32>
      %rev3A_646 = tpu.dynamic_gather %masked_cumsum3A_641[%rev3A_645] in [0] : vector<16xi32>, vector<16xi32> -> vector<16xi32>
      %jit3A_647 = arith.constant 0 : i32
      %broadcast_in_dim3A_648 = vector.broadcast %jit3A_647 : i32 to vector<16xi32>
      %select_n3A_649 = arith.select %eq3A_629, %masked_cumsum3A_633, %broadcast_in_dim3A_648 : vector<16xi1>, vector<16xi32>
      %add3A_650 = arith.addi %add3A_621, %select_n3A_649 : vector<16xi32>
      %eq3A_651 = arith.constant 1 : i32
      %eq3A_652 = vector.broadcast %eq3A_651 : i32 to vector<16xi32>
      %eq3A_653 = arith.cmpi eq, %rev3A_646, %eq3A_652 : vector<16xi32>
      %and3A_654 = arith.andi %eq3A_629, %eq3A_653 : vector<16xi1>
      %or3A_655 = arith.ori %or3A_626, %and3A_654 : vector<16xi1>
      %gather3A = tpu.vector_load_idx %arg15[%get3A_385] : memref<16xi32, #tpu.memory_space<vmem>>[vector<16xi32>], vector<16xi32>,
      %add3A_656 = arith.addi %gather3A, %add3A_650 : vector<16xi32>
      tpu.vector_store_idx %arg15[%get3A_385], %add3A_656 masked %or3A_655 : memref<16xi32, #tpu.memory_space<vmem>>[vector<16xi32>], vector<16xi32>, vector<16xi1>
      %add3A_657 = arith.addi %gather3A, %add3A_650 : vector<16xi32>
      %sub3A_658 = arith.constant 1 : i32
      %sub3A_659 = vector.broadcast %sub3A_658 : i32 to vector<16xi32>
      %sub3A_660 = arith.subi %add3A_657, %sub3A_659 : vector<16xi32>
      %add3A_661 = arith.constant 256 : i32
      %add3A_662 = vector.broadcast %add3A_661 : i32 to vector<16xi32>
      %add3A_663 = arith.addi %sub3A_660, %add3A_662 : vector<16xi32>
      %mul3A_664 = arith.constant 16 : i32
      %mul3A_665 = arith.muli %scan3A_378, %mul3A_664 : i32
      %swap3A_666 = arith.constant 3 : i32
      %swap3A_667 = arith.index_cast %swap3A_666 : i32 to index
      %swap3A_668 = arith.index_cast %mul3A_665 : i32 to index
      %swap3A_669 = tpu.vector_load %arg17[%swap3A_667, %swap3A_668] {strides = array<i32>} : memref<4x64xi32, #tpu.memory_space<vmem>>, vector<16xi32>,
      tpu.vector_store %arg17[%swap3A_667, %swap3A_668], %add3A_663 {strides = array<i32>} : memref<4x64xi32, #tpu.memory_space<vmem>>, vector<16xi32>,
      %add3A_670 = arith.constant 6400 : i32
      %add3A_671 = vector.broadcast %add3A_670 : i32 to vector<16xi32>
      %add3A_672 = arith.addi %sub3A_660, %add3A_671 : vector<16xi32>
      %mul3A_673 = arith.constant 16 : i32
      %mul3A_674 = arith.muli %scan3A_378, %mul3A_673 : i32
      %swap3A_675 = arith.constant 3 : i32
      %swap3A_676 = arith.index_cast %swap3A_675 : i32 to index
      %swap3A_677 = arith.index_cast %mul3A_674 : i32 to index
      %swap3A_678 = tpu.vector_load %arg19[%swap3A_676, %swap3A_677] {strides = array<i32>} : memref<4x64xi32, #tpu.memory_space<vmem>>, vector<16xi32>,
      tpu.vector_store %arg19[%swap3A_676, %swap3A_677], %add3A_672 {strides = array<i32>} : memref<4x64xi32, #tpu.memory_space<vmem>>, vector<16xi32>,
      %add3A_679 = arith.constant 12544 : i32
      %add3A_680 = vector.broadcast %add3A_679 : i32 to vector<16xi32>
      %add3A_681 = arith.addi %sub3A_660, %add3A_680 : vector<16xi32>
      %mul3A_682 = arith.constant 16 : i32
      %mul3A_683 = arith.muli %scan3A_378, %mul3A_682 : i32
      %swap3A_684 = arith.constant 3 : i32
      %swap3A_685 = arith.index_cast %swap3A_684 : i32 to index
      %swap3A_686 = arith.index_cast %mul3A_683 : i32 to index
      %swap3A_687 = tpu.vector_load %arg20[%swap3A_685, %swap3A_686] {strides = array<i32>} : memref<4x64xi32, #tpu.memory_space<vmem>>, vector<16xi32>,
      tpu.vector_store %arg20[%swap3A_685, %swap3A_686], %add3A_681 {strides = array<i32>} : memref<4x64xi32, #tpu.memory_space<vmem>>, vector<16xi32>,
      %mul3A_688 = arith.constant 16 : i32
      %mul3A_689 = arith.muli %scan3A_378, %mul3A_688 : i32
      %swap3A_690 = arith.constant 3 : i32
      %swap3A_691 = arith.index_cast %swap3A_690 : i32 to index
      %swap3A_692 = arith.index_cast %mul3A_689 : i32 to index
      %swap3A_693 = tpu.vector_load %arg18[%swap3A_691, %swap3A_692] {strides = array<i32>} : memref<4x64xi32, #tpu.memory_space<vmem>>, vector<16xi32>,
      tpu.vector_store %arg18[%swap3A_691, %swap3A_692], %select_n3A_421 {strides = array<i32>} : memref<4x64xi32, #tpu.memory_space<vmem>>, vector<16xi32>,
      %scan3A_694 = arith.constant 0 : i32
      scf.yield %scan3A_694 : i32
    }
    %scan3A_298 = arith.constant 4 : i32
    %barrier3A_299 = arith.constant 0 : index
    tpu.barrier barrier_id(%barrier3A_299)
    %run_scoped3A = arith.constant 0 : i32
    %run_scoped3A_300 = arith.constant 0 : i32
    "tpu.region"() ({
      %run_scoped3A_378 = tpu.sem_alloc : memref<!tpu.dma_semaphore, #tpu.memory_space<semaphore_mem>>
      %dma_start3A_379 = arith.constant 0 : i32
      %dma_start3A_380 = tpu.memref_slice %arg18[%run_scoped3A, %dma_start3A_379] : memref<4x64xi32, #tpu.memory_space<vmem>> -> memref<1x64xi32, #tpu.memory_space<vmem>>
      %dma_start3A_381 = tpu.memref_squeeze %dma_start3A_380 : memref<1x64xi32, #tpu.memory_space<vmem>> -> memref<64xi32, #tpu.memory_space<vmem>>
      %dma_start3A_382 = arith.constant 0 : i32
      %dma_start3A_383 = tpu.memref_slice %arg17[%run_scoped3A_300, %dma_start3A_382] : memref<4x64xi32, #tpu.memory_space<vmem>> -> memref<1x64xi32, #tpu.memory_space<vmem>>
      %dma_start3A_384 = tpu.memref_squeeze %dma_start3A_383 : memref<1x64xi32, #tpu.memory_space<vmem>> -> memref<64xi32, #tpu.memory_space<vmem>>
      %dma_start3A_385 = arith.constant 0 : i32
      %dma_start3A_386 = tpu.memref_slice %arg9[%dma_start3A_385] : memref<18688xi32, #tpu.memory_space<vmem_shared>> -> memref<18688xi32, #tpu.memory_space<vmem_shared>>
      tpu.enqueue_indirect_dma source(%dma_start3A_381 : memref<64xi32, #tpu.memory_space<vmem>>) target(%dma_start3A_386 : memref<18688xi32, #tpu.memory_space<vmem_shared>>) offsets(%dma_start3A_384 : memref<64xi32, #tpu.memory_space<vmem>>) semaphore(%run_scoped3A_378 : memref<!tpu.dma_semaphore, #tpu.memory_space<semaphore_mem>>)
      %dma_wait3A_387 = arith.constant 0 : i32
      %dma_wait3A_388 = tpu.memref_slice %arg18[%run_scoped3A, %dma_wait3A_387] : memref<4x64xi32, #tpu.memory_space<vmem>> -> memref<1x64xi32, #tpu.memory_space<vmem>>
      %dma_wait3A_389 = tpu.memref_squeeze %dma_wait3A_388 : memref<1x64xi32, #tpu.memory_space<vmem>> -> memref<64xi32, #tpu.memory_space<vmem>>
      %dma_wait3A_390 = arith.constant 0 : i32
      %dma_wait3A_391 = tpu.memref_slice %arg17[%run_scoped3A_300, %dma_wait3A_390] : memref<4x64xi32, #tpu.memory_space<vmem>> -> memref<1x64xi32, #tpu.memory_space<vmem>>
      %dma_wait3A_392 = tpu.memref_squeeze %dma_wait3A_391 : memref<1x64xi32, #tpu.memory_space<vmem>> -> memref<64xi32, #tpu.memory_space<vmem>>
      %dma_wait3A_393 = arith.constant 0 : i32
      %dma_wait3A_394 = tpu.memref_slice %arg9[%dma_wait3A_393] : memref<18688xi32, #tpu.memory_space<vmem_shared>> -> memref<18688xi32, #tpu.memory_space<vmem_shared>>
      tpu.wait_indirect_dma semaphore(%run_scoped3A_378 : memref<!tpu.dma_semaphore, #tpu.memory_space<semaphore_mem>>) src(%dma_wait3A_389 : memref<64xi32, #tpu.memory_space<vmem>>) dst(%dma_wait3A_394 : memref<18688xi32, #tpu.memory_space<vmem_shared>>)
      tpu.yield
    }) : () -> ()
    %run_scoped3A_301 = arith.constant 0 : i32
    "tpu.region"() ({
      %run_scoped3A_378 = tpu.sem_alloc : memref<!tpu.dma_semaphore, #tpu.memory_space<semaphore_mem>>
      %dma_start3A_379 = arith.constant 0 : i32
      %dma_start3A_380 = tpu.memref_slice %arg12[%dma_start3A_379] : memref<256xi32, #tpu.memory_space<vmem>> -> memref<64xi32, #tpu.memory_space<vmem>>
      %dma_start3A_381 = arith.constant 0 : i32
      %dma_start3A_382 = tpu.memref_slice %arg20[%run_scoped3A_301, %dma_start3A_381] : memref<4x64xi32, #tpu.memory_space<vmem>> -> memref<1x64xi32, #tpu.memory_space<vmem>>
      %dma_start3A_383 = tpu.memref_squeeze %dma_start3A_382 : memref<1x64xi32, #tpu.memory_space<vmem>> -> memref<64xi32, #tpu.memory_space<vmem>>
      %dma_start3A_384 = arith.constant 0 : i32
      %dma_start3A_385 = tpu.memref_slice %arg9[%dma_start3A_384] : memref<18688xi32, #tpu.memory_space<vmem_shared>> -> memref<18688xi32, #tpu.memory_space<vmem_shared>>
      tpu.enqueue_indirect_dma source(%dma_start3A_380 : memref<64xi32, #tpu.memory_space<vmem>>) target(%dma_start3A_385 : memref<18688xi32, #tpu.memory_space<vmem_shared>>) offsets(%dma_start3A_383 : memref<64xi32, #tpu.memory_space<vmem>>) semaphore(%run_scoped3A_378 : memref<!tpu.dma_semaphore, #tpu.memory_space<semaphore_mem>>)
      %dma_wait3A_386 = arith.constant 0 : i32
      %dma_wait3A_387 = tpu.memref_slice %arg12[%dma_wait3A_386] : memref<256xi32, #tpu.memory_space<vmem>> -> memref<64xi32, #tpu.memory_space<vmem>>
      %dma_wait3A_388 = arith.constant 0 : i32
      %dma_wait3A_389 = tpu.memref_slice %arg20[%run_scoped3A_301, %dma_wait3A_388] : memref<4x64xi32, #tpu.memory_space<vmem>> -> memref<1x64xi32, #tpu.memory_space<vmem>>
      %dma_wait3A_390 = tpu.memref_squeeze %dma_wait3A_389 : memref<1x64xi32, #tpu.memory_space<vmem>> -> memref<64xi32, #tpu.memory_space<vmem>>
      %dma_wait3A_391 = arith.constant 0 : i32
      %dma_wait3A_392 = tpu.memref_slice %arg9[%dma_wait3A_391] : memref<18688xi32, #tpu.memory_space<vmem_shared>> -> memref<18688xi32, #tpu.memory_space<vmem_shared>>
      tpu.wait_indirect_dma semaphore(%run_scoped3A_378 : memref<!tpu.dma_semaphore, #tpu.memory_space<semaphore_mem>>) src(%dma_wait3A_387 : memref<64xi32, #tpu.memory_space<vmem>>) dst(%dma_wait3A_392 : memref<18688xi32, #tpu.memory_space<vmem_shared>>)
      tpu.yield
    }) : () -> ()
    %run_scoped3A_302 = arith.constant 1 : i32
    %run_scoped3A_303 = arith.constant 1 : i32
    "tpu.region"() ({
      %run_scoped3A_378 = tpu.sem_alloc : memref<!tpu.dma_semaphore, #tpu.memory_space<semaphore_mem>>
      %dma_start3A_379 = arith.constant 0 : i32
      %dma_start3A_380 = tpu.memref_slice %arg18[%run_scoped3A_302, %dma_start3A_379] : memref<4x64xi32, #tpu.memory_space<vmem>> -> memref<1x64xi32, #tpu.memory_space<vmem>>
      %dma_start3A_381 = tpu.memref_squeeze %dma_start3A_380 : memref<1x64xi32, #tpu.memory_space<vmem>> -> memref<64xi32, #tpu.memory_space<vmem>>
      %dma_start3A_382 = arith.constant 0 : i32
      %dma_start3A_383 = tpu.memref_slice %arg17[%run_scoped3A_303, %dma_start3A_382] : memref<4x64xi32, #tpu.memory_space<vmem>> -> memref<1x64xi32, #tpu.memory_space<vmem>>
      %dma_start3A_384 = tpu.memref_squeeze %dma_start3A_383 : memref<1x64xi32, #tpu.memory_space<vmem>> -> memref<64xi32, #tpu.memory_space<vmem>>
      %dma_start3A_385 = arith.constant 0 : i32
      %dma_start3A_386 = tpu.memref_slice %arg9[%dma_start3A_385] : memref<18688xi32, #tpu.memory_space<vmem_shared>> -> memref<18688xi32, #tpu.memory_space<vmem_shared>>
      tpu.enqueue_indirect_dma source(%dma_start3A_381 : memref<64xi32, #tpu.memory_space<vmem>>) target(%dma_start3A_386 : memref<18688xi32, #tpu.memory_space<vmem_shared>>) offsets(%dma_start3A_384 : memref<64xi32, #tpu.memory_space<vmem>>) semaphore(%run_scoped3A_378 : memref<!tpu.dma_semaphore, #tpu.memory_space<semaphore_mem>>)
      %dma_wait3A_387 = arith.constant 0 : i32
      %dma_wait3A_388 = tpu.memref_slice %arg18[%run_scoped3A_302, %dma_wait3A_387] : memref<4x64xi32, #tpu.memory_space<vmem>> -> memref<1x64xi32, #tpu.memory_space<vmem>>
      %dma_wait3A_389 = tpu.memref_squeeze %dma_wait3A_388 : memref<1x64xi32, #tpu.memory_space<vmem>> -> memref<64xi32, #tpu.memory_space<vmem>>
      %dma_wait3A_390 = arith.constant 0 : i32
      %dma_wait3A_391 = tpu.memref_slice %arg17[%run_scoped3A_303, %dma_wait3A_390] : memref<4x64xi32, #tpu.memory_space<vmem>> -> memref<1x64xi32, #tpu.memory_space<vmem>>
      %dma_wait3A_392 = tpu.memref_squeeze %dma_wait3A_391 : memref<1x64xi32, #tpu.memory_space<vmem>> -> memref<64xi32, #tpu.memory_space<vmem>>
      %dma_wait3A_393 = arith.constant 0 : i32
      %dma_wait3A_394 = tpu.memref_slice %arg9[%dma_wait3A_393] : memref<18688xi32, #tpu.memory_space<vmem_shared>> -> memref<18688xi32, #tpu.memory_space<vmem_shared>>
      tpu.wait_indirect_dma semaphore(%run_scoped3A_378 : memref<!tpu.dma_semaphore, #tpu.memory_space<semaphore_mem>>) src(%dma_wait3A_389 : memref<64xi32, #tpu.memory_space<vmem>>) dst(%dma_wait3A_394 : memref<18688xi32, #tpu.memory_space<vmem_shared>>)
      tpu.yield
    }) : () -> ()
    %run_scoped3A_304 = arith.constant 1 : i32
    "tpu.region"() ({
      %run_scoped3A_378 = tpu.sem_alloc : memref<!tpu.dma_semaphore, #tpu.memory_space<semaphore_mem>>
      %dma_start3A_379 = arith.constant 64 : i32
      %dma_start3A_380 = tpu.memref_slice %arg12[%dma_start3A_379] : memref<256xi32, #tpu.memory_space<vmem>> -> memref<64xi32, #tpu.memory_space<vmem>>
      %dma_start3A_381 = arith.constant 0 : i32
      %dma_start3A_382 = tpu.memref_slice %arg20[%run_scoped3A_304, %dma_start3A_381] : memref<4x64xi32, #tpu.memory_space<vmem>> -> memref<1x64xi32, #tpu.memory_space<vmem>>
      %dma_start3A_383 = tpu.memref_squeeze %dma_start3A_382 : memref<1x64xi32, #tpu.memory_space<vmem>> -> memref<64xi32, #tpu.memory_space<vmem>>
      %dma_start3A_384 = arith.constant 0 : i32
      %dma_start3A_385 = tpu.memref_slice %arg9[%dma_start3A_384] : memref<18688xi32, #tpu.memory_space<vmem_shared>> -> memref<18688xi32, #tpu.memory_space<vmem_shared>>
      tpu.enqueue_indirect_dma source(%dma_start3A_380 : memref<64xi32, #tpu.memory_space<vmem>>) target(%dma_start3A_385 : memref<18688xi32, #tpu.memory_space<vmem_shared>>) offsets(%dma_start3A_383 : memref<64xi32, #tpu.memory_space<vmem>>) semaphore(%run_scoped3A_378 : memref<!tpu.dma_semaphore, #tpu.memory_space<semaphore_mem>>)
      %dma_wait3A_386 = arith.constant 64 : i32
      %dma_wait3A_387 = tpu.memref_slice %arg12[%dma_wait3A_386] : memref<256xi32, #tpu.memory_space<vmem>> -> memref<64xi32, #tpu.memory_space<vmem>>
      %dma_wait3A_388 = arith.constant 0 : i32
      %dma_wait3A_389 = tpu.memref_slice %arg20[%run_scoped3A_304, %dma_wait3A_388] : memref<4x64xi32, #tpu.memory_space<vmem>> -> memref<1x64xi32, #tpu.memory_space<vmem>>
      %dma_wait3A_390 = tpu.memref_squeeze %dma_wait3A_389 : memref<1x64xi32, #tpu.memory_space<vmem>> -> memref<64xi32, #tpu.memory_space<vmem>>
      %dma_wait3A_391 = arith.constant 0 : i32
      %dma_wait3A_392 = tpu.memref_slice %arg9[%dma_wait3A_391] : memref<18688xi32, #tpu.memory_space<vmem_shared>> -> memref<18688xi32, #tpu.memory_space<vmem_shared>>
      tpu.wait_indirect_dma semaphore(%run_scoped3A_378 : memref<!tpu.dma_semaphore, #tpu.memory_space<semaphore_mem>>) src(%dma_wait3A_387 : memref<64xi32, #tpu.memory_space<vmem>>) dst(%dma_wait3A_392 : memref<18688xi32, #tpu.memory_space<vmem_shared>>)
      tpu.yield
    }) : () -> ()
    %run_scoped3A_305 = arith.constant 2 : i32
    %run_scoped3A_306 = arith.constant 2 : i32
    "tpu.region"() ({
      %run_scoped3A_378 = tpu.sem_alloc : memref<!tpu.dma_semaphore, #tpu.memory_space<semaphore_mem>>
      %dma_start3A_379 = arith.constant 0 : i32
      %dma_start3A_380 = tpu.memref_slice %arg18[%run_scoped3A_305, %dma_start3A_379] : memref<4x64xi32, #tpu.memory_space<vmem>> -> memref<1x64xi32, #tpu.memory_space<vmem>>
      %dma_start3A_381 = tpu.memref_squeeze %dma_start3A_380 : memref<1x64xi32, #tpu.memory_space<vmem>> -> memref<64xi32, #tpu.memory_space<vmem>>
      %dma_start3A_382 = arith.constant 0 : i32
      %dma_start3A_383 = tpu.memref_slice %arg17[%run_scoped3A_306, %dma_start3A_382] : memref<4x64xi32, #tpu.memory_space<vmem>> -> memref<1x64xi32, #tpu.memory_space<vmem>>
      %dma_start3A_384 = tpu.memref_squeeze %dma_start3A_383 : memref<1x64xi32, #tpu.memory_space<vmem>> -> memref<64xi32, #tpu.memory_space<vmem>>
      %dma_start3A_385 = arith.constant 0 : i32
      %dma_start3A_386 = tpu.memref_slice %arg9[%dma_start3A_385] : memref<18688xi32, #tpu.memory_space<vmem_shared>> -> memref<18688xi32, #tpu.memory_space<vmem_shared>>
      tpu.enqueue_indirect_dma source(%dma_start3A_381 : memref<64xi32, #tpu.memory_space<vmem>>) target(%dma_start3A_386 : memref<18688xi32, #tpu.memory_space<vmem_shared>>) offsets(%dma_start3A_384 : memref<64xi32, #tpu.memory_space<vmem>>) semaphore(%run_scoped3A_378 : memref<!tpu.dma_semaphore, #tpu.memory_space<semaphore_mem>>)
      %dma_wait3A_387 = arith.constant 0 : i32
      %dma_wait3A_388 = tpu.memref_slice %arg18[%run_scoped3A_305, %dma_wait3A_387] : memref<4x64xi32, #tpu.memory_space<vmem>> -> memref<1x64xi32, #tpu.memory_space<vmem>>
      %dma_wait3A_389 = tpu.memref_squeeze %dma_wait3A_388 : memref<1x64xi32, #tpu.memory_space<vmem>> -> memref<64xi32, #tpu.memory_space<vmem>>
      %dma_wait3A_390 = arith.constant 0 : i32
      %dma_wait3A_391 = tpu.memref_slice %arg17[%run_scoped3A_306, %dma_wait3A_390] : memref<4x64xi32, #tpu.memory_space<vmem>> -> memref<1x64xi32, #tpu.memory_space<vmem>>
      %dma_wait3A_392 = tpu.memref_squeeze %dma_wait3A_391 : memref<1x64xi32, #tpu.memory_space<vmem>> -> memref<64xi32, #tpu.memory_space<vmem>>
      %dma_wait3A_393 = arith.constant 0 : i32
      %dma_wait3A_394 = tpu.memref_slice %arg9[%dma_wait3A_393] : memref<18688xi32, #tpu.memory_space<vmem_shared>> -> memref<18688xi32, #tpu.memory_space<vmem_shared>>
      tpu.wait_indirect_dma semaphore(%run_scoped3A_378 : memref<!tpu.dma_semaphore, #tpu.memory_space<semaphore_mem>>) src(%dma_wait3A_389 : memref<64xi32, #tpu.memory_space<vmem>>) dst(%dma_wait3A_394 : memref<18688xi32, #tpu.memory_space<vmem_shared>>)
      tpu.yield
    }) : () -> ()
    %run_scoped3A_307 = arith.constant 2 : i32
    "tpu.region"() ({
      %run_scoped3A_378 = tpu.sem_alloc : memref<!tpu.dma_semaphore, #tpu.memory_space<semaphore_mem>>
      %dma_start3A_379 = arith.constant 128 : i32
      %dma_start3A_380 = tpu.memref_slice %arg12[%dma_start3A_379] : memref<256xi32, #tpu.memory_space<vmem>> -> memref<64xi32, #tpu.memory_space<vmem>>
      %dma_start3A_381 = arith.constant 0 : i32
      %dma_start3A_382 = tpu.memref_slice %arg20[%run_scoped3A_307, %dma_start3A_381] : memref<4x64xi32, #tpu.memory_space<vmem>> -> memref<1x64xi32, #tpu.memory_space<vmem>>
      %dma_start3A_383 = tpu.memref_squeeze %dma_start3A_382 : memref<1x64xi32, #tpu.memory_space<vmem>> -> memref<64xi32, #tpu.memory_space<vmem>>
      %dma_start3A_384 = arith.constant 0 : i32
      %dma_start3A_385 = tpu.memref_slice %arg9[%dma_start3A_384] : memref<18688xi32, #tpu.memory_space<vmem_shared>> -> memref<18688xi32, #tpu.memory_space<vmem_shared>>
      tpu.enqueue_indirect_dma source(%dma_start3A_380 : memref<64xi32, #tpu.memory_space<vmem>>) target(%dma_start3A_385 : memref<18688xi32, #tpu.memory_space<vmem_shared>>) offsets(%dma_start3A_383 : memref<64xi32, #tpu.memory_space<vmem>>) semaphore(%run_scoped3A_378 : memref<!tpu.dma_semaphore, #tpu.memory_space<semaphore_mem>>)
      %dma_wait3A_386 = arith.constant 128 : i32
      %dma_wait3A_387 = tpu.memref_slice %arg12[%dma_wait3A_386] : memref<256xi32, #tpu.memory_space<vmem>> -> memref<64xi32, #tpu.memory_space<vmem>>
      %dma_wait3A_388 = arith.constant 0 : i32
      %dma_wait3A_389 = tpu.memref_slice %arg20[%run_scoped3A_307, %dma_wait3A_388] : memref<4x64xi32, #tpu.memory_space<vmem>> -> memref<1x64xi32, #tpu.memory_space<vmem>>
      %dma_wait3A_390 = tpu.memref_squeeze %dma_wait3A_389 : memref<1x64xi32, #tpu.memory_space<vmem>> -> memref<64xi32, #tpu.memory_space<vmem>>
      %dma_wait3A_391 = arith.constant 0 : i32
      %dma_wait3A_392 = tpu.memref_slice %arg9[%dma_wait3A_391] : memref<18688xi32, #tpu.memory_space<vmem_shared>> -> memref<18688xi32, #tpu.memory_space<vmem_shared>>
      tpu.wait_indirect_dma semaphore(%run_scoped3A_378 : memref<!tpu.dma_semaphore, #tpu.memory_space<semaphore_mem>>) src(%dma_wait3A_387 : memref<64xi32, #tpu.memory_space<vmem>>) dst(%dma_wait3A_392 : memref<18688xi32, #tpu.memory_space<vmem_shared>>)
      tpu.yield
    }) : () -> ()
    %run_scoped3A_308 = arith.constant 3 : i32
    %run_scoped3A_309 = arith.constant 3 : i32
    "tpu.region"() ({
      %run_scoped3A_378 = tpu.sem_alloc : memref<!tpu.dma_semaphore, #tpu.memory_space<semaphore_mem>>
      %dma_start3A_379 = arith.constant 0 : i32
      %dma_start3A_380 = tpu.memref_slice %arg18[%run_scoped3A_308, %dma_start3A_379] : memref<4x64xi32, #tpu.memory_space<vmem>> -> memref<1x64xi32, #tpu.memory_space<vmem>>
      %dma_start3A_381 = tpu.memref_squeeze %dma_start3A_380 : memref<1x64xi32, #tpu.memory_space<vmem>> -> memref<64xi32, #tpu.memory_space<vmem>>
      %dma_start3A_382 = arith.constant 0 : i32
      %dma_start3A_383 = tpu.memref_slice %arg17[%run_scoped3A_309, %dma_start3A_382] : memref<4x64xi32, #tpu.memory_space<vmem>> -> memref<1x64xi32, #tpu.memory_space<vmem>>
      %dma_start3A_384 = tpu.memref_squeeze %dma_start3A_383 : memref<1x64xi32, #tpu.memory_space<vmem>> -> memref<64xi32, #tpu.memory_space<vmem>>
      %dma_start3A_385 = arith.constant 0 : i32
      %dma_start3A_386 = tpu.memref_slice %arg9[%dma_start3A_385] : memref<18688xi32, #tpu.memory_space<vmem_shared>> -> memref<18688xi32, #tpu.memory_space<vmem_shared>>
      tpu.enqueue_indirect_dma source(%dma_start3A_381 : memref<64xi32, #tpu.memory_space<vmem>>) target(%dma_start3A_386 : memref<18688xi32, #tpu.memory_space<vmem_shared>>) offsets(%dma_start3A_384 : memref<64xi32, #tpu.memory_space<vmem>>) semaphore(%run_scoped3A_378 : memref<!tpu.dma_semaphore, #tpu.memory_space<semaphore_mem>>)
      %dma_wait3A_387 = arith.constant 0 : i32
      %dma_wait3A_388 = tpu.memref_slice %arg18[%run_scoped3A_308, %dma_wait3A_387] : memref<4x64xi32, #tpu.memory_space<vmem>> -> memref<1x64xi32, #tpu.memory_space<vmem>>
      %dma_wait3A_389 = tpu.memref_squeeze %dma_wait3A_388 : memref<1x64xi32, #tpu.memory_space<vmem>> -> memref<64xi32, #tpu.memory_space<vmem>>
      %dma_wait3A_390 = arith.constant 0 : i32
      %dma_wait3A_391 = tpu.memref_slice %arg17[%run_scoped3A_309, %dma_wait3A_390] : memref<4x64xi32, #tpu.memory_space<vmem>> -> memref<1x64xi32, #tpu.memory_space<vmem>>
      %dma_wait3A_392 = tpu.memref_squeeze %dma_wait3A_391 : memref<1x64xi32, #tpu.memory_space<vmem>> -> memref<64xi32, #tpu.memory_space<vmem>>
      %dma_wait3A_393 = arith.constant 0 : i32
      %dma_wait3A_394 = tpu.memref_slice %arg9[%dma_wait3A_393] : memref<18688xi32, #tpu.memory_space<vmem_shared>> -> memref<18688xi32, #tpu.memory_space<vmem_shared>>
      tpu.wait_indirect_dma semaphore(%run_scoped3A_378 : memref<!tpu.dma_semaphore, #tpu.memory_space<semaphore_mem>>) src(%dma_wait3A_389 : memref<64xi32, #tpu.memory_space<vmem>>) dst(%dma_wait3A_394 : memref<18688xi32, #tpu.memory_space<vmem_shared>>)
      tpu.yield
    }) : () -> ()
    %run_scoped3A_310 = arith.constant 3 : i32
    "tpu.region"() ({
      %run_scoped3A_378 = tpu.sem_alloc : memref<!tpu.dma_semaphore, #tpu.memory_space<semaphore_mem>>
      %dma_start3A_379 = arith.constant 192 : i32
      %dma_start3A_380 = tpu.memref_slice %arg12[%dma_start3A_379] : memref<256xi32, #tpu.memory_space<vmem>> -> memref<64xi32, #tpu.memory_space<vmem>>
      %dma_start3A_381 = arith.constant 0 : i32
      %dma_start3A_382 = tpu.memref_slice %arg20[%run_scoped3A_310, %dma_start3A_381] : memref<4x64xi32, #tpu.memory_space<vmem>> -> memref<1x64xi32, #tpu.memory_space<vmem>>
      %dma_start3A_383 = tpu.memref_squeeze %dma_start3A_382 : memref<1x64xi32, #tpu.memory_space<vmem>> -> memref<64xi32, #tpu.memory_space<vmem>>
      %dma_start3A_384 = arith.constant 0 : i32
      %dma_start3A_385 = tpu.memref_slice %arg9[%dma_start3A_384] : memref<18688xi32, #tpu.memory_space<vmem_shared>> -> memref<18688xi32, #tpu.memory_space<vmem_shared>>
      tpu.enqueue_indirect_dma source(%dma_start3A_380 : memref<64xi32, #tpu.memory_space<vmem>>) target(%dma_start3A_385 : memref<18688xi32, #tpu.memory_space<vmem_shared>>) offsets(%dma_start3A_383 : memref<64xi32, #tpu.memory_space<vmem>>) semaphore(%run_scoped3A_378 : memref<!tpu.dma_semaphore, #tpu.memory_space<semaphore_mem>>)
      %dma_wait3A_386 = arith.constant 192 : i32
      %dma_wait3A_387 = tpu.memref_slice %arg12[%dma_wait3A_386] : memref<256xi32, #tpu.memory_space<vmem>> -> memref<64xi32, #tpu.memory_space<vmem>>
      %dma_wait3A_388 = arith.constant 0 : i32
      %dma_wait3A_389 = tpu.memref_slice %arg20[%run_scoped3A_310, %dma_wait3A_388] : memref<4x64xi32, #tpu.memory_space<vmem>> -> memref<1x64xi32, #tpu.memory_space<vmem>>
      %dma_wait3A_390 = tpu.memref_squeeze %dma_wait3A_389 : memref<1x64xi32, #tpu.memory_space<vmem>> -> memref<64xi32, #tpu.memory_space<vmem>>
      %dma_wait3A_391 = arith.constant 0 : i32
      %dma_wait3A_392 = tpu.memref_slice %arg9[%dma_wait3A_391] : memref<18688xi32, #tpu.memory_space<vmem_shared>> -> memref<18688xi32, #tpu.memory_space<vmem_shared>>
      tpu.wait_indirect_dma semaphore(%run_scoped3A_378 : memref<!tpu.dma_semaphore, #tpu.memory_space<semaphore_mem>>) src(%dma_wait3A_387 : memref<64xi32, #tpu.memory_space<vmem>>) dst(%dma_wait3A_392 : memref<18688xi32, #tpu.memory_space<vmem_shared>>)
      tpu.yield
    }) : () -> ()
    %scan3A_311 = arith.constant 0 : i32
    %scan3A_312 = arith.constant 0 : i32
    %scan3A_313 = arith.constant 4 : i32
    %scan3A_314 = arith.addi %scan3A_312, %scan3A_313 : i32
    %scan3A_315 = arith.constant 1 : i32
    %scan3A_316 = scf.for %scan3A_378 = %scan3A_312 to %scan3A_314 step %scan3A_315 iter_args(%scan3A_379 = %scan3A_311) -> (i32)  : i32 {
      %add3A_380 = arith.constant 0 : i32
      %add3A_381 = arith.addi %mul3A_0, %add3A_380 : i32
      %mul3A_382 = arith.constant 16 : i32
      %mul3A_383 = arith.muli %scan3A_378, %mul3A_382 : i32
      %add3A_384 = arith.addi %add3A_381, %mul3A_383 : i32
      %add3A_385 = vector.broadcast %add3A_384 : i32 to vector<16xi32>
      %add3A_386 = arith.addi %add3A_385, %iota3A : vector<16xi32>
      %mul3A_387 = arith.constant 16 : i32
      %mul3A_388 = arith.muli %scan3A_378, %mul3A_387 : i32
      %swap3A_389 = arith.constant 0 : i32
      %swap3A_390 = arith.index_cast %swap3A_389 : i32 to index
      %swap3A_391 = arith.index_cast %mul3A_388 : i32 to index
      %swap3A_392 = tpu.vector_load %arg18[%swap3A_390, %swap3A_391] {strides = array<i32>} : memref<4x64xi32, #tpu.memory_space<vmem>>, vector<16xi32>,
      tpu.vector_store %arg18[%swap3A_390, %swap3A_391], %add3A_386 {strides = array<i32>} : memref<4x64xi32, #tpu.memory_space<vmem>>, vector<16xi32>,
      %scan3A_393 = arith.constant 0 : i32
      scf.yield %scan3A_393 : i32
    }
    %scan3A_317 = arith.constant 4 : i32
    %run_scoped3A_318 = arith.constant 0 : i32
    %run_scoped3A_319 = arith.constant 0 : i32
    "tpu.region"() ({
      %run_scoped3A_378 = tpu.sem_alloc : memref<!tpu.dma_semaphore, #tpu.memory_space<semaphore_mem>>
      %dma_start3A_379 = arith.constant 0 : i32
      %dma_start3A_380 = tpu.memref_slice %arg18[%run_scoped3A_318, %dma_start3A_379] : memref<4x64xi32, #tpu.memory_space<vmem>> -> memref<1x64xi32, #tpu.memory_space<vmem>>
      %dma_start3A_381 = tpu.memref_squeeze %dma_start3A_380 : memref<1x64xi32, #tpu.memory_space<vmem>> -> memref<64xi32, #tpu.memory_space<vmem>>
      %dma_start3A_382 = arith.constant 0 : i32
      %dma_start3A_383 = tpu.memref_slice %arg19[%run_scoped3A_319, %dma_start3A_382] : memref<4x64xi32, #tpu.memory_space<vmem>> -> memref<1x64xi32, #tpu.memory_space<vmem>>
      %dma_start3A_384 = tpu.memref_squeeze %dma_start3A_383 : memref<1x64xi32, #tpu.memory_space<vmem>> -> memref<64xi32, #tpu.memory_space<vmem>>
      %dma_start3A_385 = arith.constant 0 : i32
      %dma_start3A_386 = tpu.memref_slice %arg9[%dma_start3A_385] : memref<18688xi32, #tpu.memory_space<vmem_shared>> -> memref<18688xi32, #tpu.memory_space<vmem_shared>>
      tpu.enqueue_indirect_dma source(%dma_start3A_381 : memref<64xi32, #tpu.memory_space<vmem>>) target(%dma_start3A_386 : memref<18688xi32, #tpu.memory_space<vmem_shared>>) offsets(%dma_start3A_384 : memref<64xi32, #tpu.memory_space<vmem>>) semaphore(%run_scoped3A_378 : memref<!tpu.dma_semaphore, #tpu.memory_space<semaphore_mem>>)
      %dma_wait3A_387 = arith.constant 0 : i32
      %dma_wait3A_388 = tpu.memref_slice %arg18[%run_scoped3A_318, %dma_wait3A_387] : memref<4x64xi32, #tpu.memory_space<vmem>> -> memref<1x64xi32, #tpu.memory_space<vmem>>
      %dma_wait3A_389 = tpu.memref_squeeze %dma_wait3A_388 : memref<1x64xi32, #tpu.memory_space<vmem>> -> memref<64xi32, #tpu.memory_space<vmem>>
      %dma_wait3A_390 = arith.constant 0 : i32
      %dma_wait3A_391 = tpu.memref_slice %arg19[%run_scoped3A_319, %dma_wait3A_390] : memref<4x64xi32, #tpu.memory_space<vmem>> -> memref<1x64xi32, #tpu.memory_space<vmem>>
      %dma_wait3A_392 = tpu.memref_squeeze %dma_wait3A_391 : memref<1x64xi32, #tpu.memory_space<vmem>> -> memref<64xi32, #tpu.memory_space<vmem>>
      %dma_wait3A_393 = arith.constant 0 : i32
      %dma_wait3A_394 = tpu.memref_slice %arg9[%dma_wait3A_393] : memref<18688xi32, #tpu.memory_space<vmem_shared>> -> memref<18688xi32, #tpu.memory_space<vmem_shared>>
      tpu.wait_indirect_dma semaphore(%run_scoped3A_378 : memref<!tpu.dma_semaphore, #tpu.memory_space<semaphore_mem>>) src(%dma_wait3A_389 : memref<64xi32, #tpu.memory_space<vmem>>) dst(%dma_wait3A_394 : memref<18688xi32, #tpu.memory_space<vmem_shared>>)
      tpu.yield
    }) : () -> ()
    %scan3A_320 = arith.constant 0 : i32
    %scan3A_321 = arith.constant 0 : i32
    %scan3A_322 = arith.constant 4 : i32
    %scan3A_323 = arith.addi %scan3A_321, %scan3A_322 : i32
    %scan3A_324 = arith.constant 1 : i32
    %scan3A_325 = scf.for %scan3A_378 = %scan3A_321 to %scan3A_323 step %scan3A_324 iter_args(%scan3A_379 = %scan3A_320) -> (i32)  : i32 {
      %add3A_380 = arith.constant 64 : i32
      %add3A_381 = arith.addi %mul3A_0, %add3A_380 : i32
      %mul3A_382 = arith.constant 16 : i32
      %mul3A_383 = arith.muli %scan3A_378, %mul3A_382 : i32
      %add3A_384 = arith.addi %add3A_381, %mul3A_383 : i32
      %add3A_385 = vector.broadcast %add3A_384 : i32 to vector<16xi32>
      %add3A_386 = arith.addi %add3A_385, %iota3A : vector<16xi32>
      %mul3A_387 = arith.constant 16 : i32
      %mul3A_388 = arith.muli %scan3A_378, %mul3A_387 : i32
      %swap3A_389 = arith.constant 1 : i32
      %swap3A_390 = arith.index_cast %swap3A_389 : i32 to index
      %swap3A_391 = arith.index_cast %mul3A_388 : i32 to index
      %swap3A_392 = tpu.vector_load %arg18[%swap3A_390, %swap3A_391] {strides = array<i32>} : memref<4x64xi32, #tpu.memory_space<vmem>>, vector<16xi32>,
      tpu.vector_store %arg18[%swap3A_390, %swap3A_391], %add3A_386 {strides = array<i32>} : memref<4x64xi32, #tpu.memory_space<vmem>>, vector<16xi32>,
      %scan3A_393 = arith.constant 0 : i32
      scf.yield %scan3A_393 : i32
    }
    %scan3A_326 = arith.constant 4 : i32
    %run_scoped3A_327 = arith.constant 1 : i32
    %run_scoped3A_328 = arith.constant 1 : i32
    "tpu.region"() ({
      %run_scoped3A_378 = tpu.sem_alloc : memref<!tpu.dma_semaphore, #tpu.memory_space<semaphore_mem>>
      %dma_start3A_379 = arith.constant 0 : i32
      %dma_start3A_380 = tpu.memref_slice %arg18[%run_scoped3A_327, %dma_start3A_379] : memref<4x64xi32, #tpu.memory_space<vmem>> -> memref<1x64xi32, #tpu.memory_space<vmem>>
      %dma_start3A_381 = tpu.memref_squeeze %dma_start3A_380 : memref<1x64xi32, #tpu.memory_space<vmem>> -> memref<64xi32, #tpu.memory_space<vmem>>
      %dma_start3A_382 = arith.constant 0 : i32
      %dma_start3A_383 = tpu.memref_slice %arg19[%run_scoped3A_328, %dma_start3A_382] : memref<4x64xi32, #tpu.memory_space<vmem>> -> memref<1x64xi32, #tpu.memory_space<vmem>>
      %dma_start3A_384 = tpu.memref_squeeze %dma_start3A_383 : memref<1x64xi32, #tpu.memory_space<vmem>> -> memref<64xi32, #tpu.memory_space<vmem>>
      %dma_start3A_385 = arith.constant 0 : i32
      %dma_start3A_386 = tpu.memref_slice %arg9[%dma_start3A_385] : memref<18688xi32, #tpu.memory_space<vmem_shared>> -> memref<18688xi32, #tpu.memory_space<vmem_shared>>
      tpu.enqueue_indirect_dma source(%dma_start3A_381 : memref<64xi32, #tpu.memory_space<vmem>>) target(%dma_start3A_386 : memref<18688xi32, #tpu.memory_space<vmem_shared>>) offsets(%dma_start3A_384 : memref<64xi32, #tpu.memory_space<vmem>>) semaphore(%run_scoped3A_378 : memref<!tpu.dma_semaphore, #tpu.memory_space<semaphore_mem>>)
      %dma_wait3A_387 = arith.constant 0 : i32
      %dma_wait3A_388 = tpu.memref_slice %arg18[%run_scoped3A_327, %dma_wait3A_387] : memref<4x64xi32, #tpu.memory_space<vmem>> -> memref<1x64xi32, #tpu.memory_space<vmem>>
      %dma_wait3A_389 = tpu.memref_squeeze %dma_wait3A_388 : memref<1x64xi32, #tpu.memory_space<vmem>> -> memref<64xi32, #tpu.memory_space<vmem>>
      %dma_wait3A_390 = arith.constant 0 : i32
      %dma_wait3A_391 = tpu.memref_slice %arg19[%run_scoped3A_328, %dma_wait3A_390] : memref<4x64xi32, #tpu.memory_space<vmem>> -> memref<1x64xi32, #tpu.memory_space<vmem>>
      %dma_wait3A_392 = tpu.memref_squeeze %dma_wait3A_391 : memref<1x64xi32, #tpu.memory_space<vmem>> -> memref<64xi32, #tpu.memory_space<vmem>>
      %dma_wait3A_393 = arith.constant 0 : i32
      %dma_wait3A_394 = tpu.memref_slice %arg9[%dma_wait3A_393] : memref<18688xi32, #tpu.memory_space<vmem_shared>> -> memref<18688xi32, #tpu.memory_space<vmem_shared>>
      tpu.wait_indirect_dma semaphore(%run_scoped3A_378 : memref<!tpu.dma_semaphore, #tpu.memory_space<semaphore_mem>>) src(%dma_wait3A_389 : memref<64xi32, #tpu.memory_space<vmem>>) dst(%dma_wait3A_394 : memref<18688xi32, #tpu.memory_space<vmem_shared>>)
      tpu.yield
    }) : () -> ()
    %scan3A_329 = arith.constant 0 : i32
    %scan3A_330 = arith.constant 0 : i32
    %scan3A_331 = arith.constant 4 : i32
    %scan3A_332 = arith.addi %scan3A_330, %scan3A_331 : i32
    %scan3A_333 = arith.constant 1 : i32
    %scan3A_334 = scf.for %scan3A_378 = %scan3A_330 to %scan3A_332 step %scan3A_333 iter_args(%scan3A_379 = %scan3A_329) -> (i32)  : i32 {
      %add3A_380 = arith.constant 128 : i32
      %add3A_381 = arith.addi %mul3A_0, %add3A_380 : i32
      %mul3A_382 = arith.constant 16 : i32
      %mul3A_383 = arith.muli %scan3A_378, %mul3A_382 : i32
      %add3A_384 = arith.addi %add3A_381, %mul3A_383 : i32
      %add3A_385 = vector.broadcast %add3A_384 : i32 to vector<16xi32>
      %add3A_386 = arith.addi %add3A_385, %iota3A : vector<16xi32>
      %mul3A_387 = arith.constant 16 : i32
      %mul3A_388 = arith.muli %scan3A_378, %mul3A_387 : i32
      %swap3A_389 = arith.constant 2 : i32
      %swap3A_390 = arith.index_cast %swap3A_389 : i32 to index
      %swap3A_391 = arith.index_cast %mul3A_388 : i32 to index
      %swap3A_392 = tpu.vector_load %arg18[%swap3A_390, %swap3A_391] {strides = array<i32>} : memref<4x64xi32, #tpu.memory_space<vmem>>, vector<16xi32>,
      tpu.vector_store %arg18[%swap3A_390, %swap3A_391], %add3A_386 {strides = array<i32>} : memref<4x64xi32, #tpu.memory_space<vmem>>, vector<16xi32>,
      %scan3A_393 = arith.constant 0 : i32
      scf.yield %scan3A_393 : i32
    }
    %scan3A_335 = arith.constant 4 : i32
    %run_scoped3A_336 = arith.constant 2 : i32
    %run_scoped3A_337 = arith.constant 2 : i32
    "tpu.region"() ({
      %run_scoped3A_378 = tpu.sem_alloc : memref<!tpu.dma_semaphore, #tpu.memory_space<semaphore_mem>>
      %dma_start3A_379 = arith.constant 0 : i32
      %dma_start3A_380 = tpu.memref_slice %arg18[%run_scoped3A_336, %dma_start3A_379] : memref<4x64xi32, #tpu.memory_space<vmem>> -> memref<1x64xi32, #tpu.memory_space<vmem>>
      %dma_start3A_381 = tpu.memref_squeeze %dma_start3A_380 : memref<1x64xi32, #tpu.memory_space<vmem>> -> memref<64xi32, #tpu.memory_space<vmem>>
      %dma_start3A_382 = arith.constant 0 : i32
      %dma_start3A_383 = tpu.memref_slice %arg19[%run_scoped3A_337, %dma_start3A_382] : memref<4x64xi32, #tpu.memory_space<vmem>> -> memref<1x64xi32, #tpu.memory_space<vmem>>
      %dma_start3A_384 = tpu.memref_squeeze %dma_start3A_383 : memref<1x64xi32, #tpu.memory_space<vmem>> -> memref<64xi32, #tpu.memory_space<vmem>>
      %dma_start3A_385 = arith.constant 0 : i32
      %dma_start3A_386 = tpu.memref_slice %arg9[%dma_start3A_385] : memref<18688xi32, #tpu.memory_space<vmem_shared>> -> memref<18688xi32, #tpu.memory_space<vmem_shared>>
      tpu.enqueue_indirect_dma source(%dma_start3A_381 : memref<64xi32, #tpu.memory_space<vmem>>) target(%dma_start3A_386 : memref<18688xi32, #tpu.memory_space<vmem_shared>>) offsets(%dma_start3A_384 : memref<64xi32, #tpu.memory_space<vmem>>) semaphore(%run_scoped3A_378 : memref<!tpu.dma_semaphore, #tpu.memory_space<semaphore_mem>>)
      %dma_wait3A_387 = arith.constant 0 : i32
      %dma_wait3A_388 = tpu.memref_slice %arg18[%run_scoped3A_336, %dma_wait3A_387] : memref<4x64xi32, #tpu.memory_space<vmem>> -> memref<1x64xi32, #tpu.memory_space<vmem>>
      %dma_wait3A_389 = tpu.memref_squeeze %dma_wait3A_388 : memref<1x64xi32, #tpu.memory_space<vmem>> -> memref<64xi32, #tpu.memory_space<vmem>>
      %dma_wait3A_390 = arith.constant 0 : i32
      %dma_wait3A_391 = tpu.memref_slice %arg19[%run_scoped3A_337, %dma_wait3A_390] : memref<4x64xi32, #tpu.memory_space<vmem>> -> memref<1x64xi32, #tpu.memory_space<vmem>>
      %dma_wait3A_392 = tpu.memref_squeeze %dma_wait3A_391 : memref<1x64xi32, #tpu.memory_space<vmem>> -> memref<64xi32, #tpu.memory_space<vmem>>
      %dma_wait3A_393 = arith.constant 0 : i32
      %dma_wait3A_394 = tpu.memref_slice %arg9[%dma_wait3A_393] : memref<18688xi32, #tpu.memory_space<vmem_shared>> -> memref<18688xi32, #tpu.memory_space<vmem_shared>>
      tpu.wait_indirect_dma semaphore(%run_scoped3A_378 : memref<!tpu.dma_semaphore, #tpu.memory_space<semaphore_mem>>) src(%dma_wait3A_389 : memref<64xi32, #tpu.memory_space<vmem>>) dst(%dma_wait3A_394 : memref<18688xi32, #tpu.memory_space<vmem_shared>>)
      tpu.yield
    }) : () -> ()
    %scan3A_338 = arith.constant 0 : i32
    %scan3A_339 = arith.constant 0 : i32
    %scan3A_340 = arith.constant 4 : i32
    %scan3A_341 = arith.addi %scan3A_339, %scan3A_340 : i32
    %scan3A_342 = arith.constant 1 : i32
    %scan3A_343 = scf.for %scan3A_378 = %scan3A_339 to %scan3A_341 step %scan3A_342 iter_args(%scan3A_379 = %scan3A_338) -> (i32)  : i32 {
      %add3A_380 = arith.constant 192 : i32
      %add3A_381 = arith.addi %mul3A_0, %add3A_380 : i32
      %mul3A_382 = arith.constant 16 : i32
      %mul3A_383 = arith.muli %scan3A_378, %mul3A_382 : i32
      %add3A_384 = arith.addi %add3A_381, %mul3A_383 : i32
      %add3A_385 = vector.broadcast %add3A_384 : i32 to vector<16xi32>
      %add3A_386 = arith.addi %add3A_385, %iota3A : vector<16xi32>
      %mul3A_387 = arith.constant 16 : i32
      %mul3A_388 = arith.muli %scan3A_378, %mul3A_387 : i32
      %swap3A_389 = arith.constant 3 : i32
      %swap3A_390 = arith.index_cast %swap3A_389 : i32 to index
      %swap3A_391 = arith.index_cast %mul3A_388 : i32 to index
      %swap3A_392 = tpu.vector_load %arg18[%swap3A_390, %swap3A_391] {strides = array<i32>} : memref<4x64xi32, #tpu.memory_space<vmem>>, vector<16xi32>,
      tpu.vector_store %arg18[%swap3A_390, %swap3A_391], %add3A_386 {strides = array<i32>} : memref<4x64xi32, #tpu.memory_space<vmem>>, vector<16xi32>,
      %scan3A_393 = arith.constant 0 : i32
      scf.yield %scan3A_393 : i32
    }
    %scan3A_344 = arith.constant 4 : i32
    %run_scoped3A_345 = arith.constant 3 : i32
    %run_scoped3A_346 = arith.constant 3 : i32
    "tpu.region"() ({
      %run_scoped3A_378 = tpu.sem_alloc : memref<!tpu.dma_semaphore, #tpu.memory_space<semaphore_mem>>
      %dma_start3A_379 = arith.constant 0 : i32
      %dma_start3A_380 = tpu.memref_slice %arg18[%run_scoped3A_345, %dma_start3A_379] : memref<4x64xi32, #tpu.memory_space<vmem>> -> memref<1x64xi32, #tpu.memory_space<vmem>>
      %dma_start3A_381 = tpu.memref_squeeze %dma_start3A_380 : memref<1x64xi32, #tpu.memory_space<vmem>> -> memref<64xi32, #tpu.memory_space<vmem>>
      %dma_start3A_382 = arith.constant 0 : i32
      %dma_start3A_383 = tpu.memref_slice %arg19[%run_scoped3A_346, %dma_start3A_382] : memref<4x64xi32, #tpu.memory_space<vmem>> -> memref<1x64xi32, #tpu.memory_space<vmem>>
      %dma_start3A_384 = tpu.memref_squeeze %dma_start3A_383 : memref<1x64xi32, #tpu.memory_space<vmem>> -> memref<64xi32, #tpu.memory_space<vmem>>
      %dma_start3A_385 = arith.constant 0 : i32
      %dma_start3A_386 = tpu.memref_slice %arg9[%dma_start3A_385] : memref<18688xi32, #tpu.memory_space<vmem_shared>> -> memref<18688xi32, #tpu.memory_space<vmem_shared>>
      tpu.enqueue_indirect_dma source(%dma_start3A_381 : memref<64xi32, #tpu.memory_space<vmem>>) target(%dma_start3A_386 : memref<18688xi32, #tpu.memory_space<vmem_shared>>) offsets(%dma_start3A_384 : memref<64xi32, #tpu.memory_space<vmem>>) semaphore(%run_scoped3A_378 : memref<!tpu.dma_semaphore, #tpu.memory_space<semaphore_mem>>)
      %dma_wait3A_387 = arith.constant 0 : i32
      %dma_wait3A_388 = tpu.memref_slice %arg18[%run_scoped3A_345, %dma_wait3A_387] : memref<4x64xi32, #tpu.memory_space<vmem>> -> memref<1x64xi32, #tpu.memory_space<vmem>>
      %dma_wait3A_389 = tpu.memref_squeeze %dma_wait3A_388 : memref<1x64xi32, #tpu.memory_space<vmem>> -> memref<64xi32, #tpu.memory_space<vmem>>
      %dma_wait3A_390 = arith.constant 0 : i32
      %dma_wait3A_391 = tpu.memref_slice %arg19[%run_scoped3A_346, %dma_wait3A_390] : memref<4x64xi32, #tpu.memory_space<vmem>> -> memref<1x64xi32, #tpu.memory_space<vmem>>
      %dma_wait3A_392 = tpu.memref_squeeze %dma_wait3A_391 : memref<1x64xi32, #tpu.memory_space<vmem>> -> memref<64xi32, #tpu.memory_space<vmem>>
      %dma_wait3A_393 = arith.constant 0 : i32
      %dma_wait3A_394 = tpu.memref_slice %arg9[%dma_wait3A_393] : memref<18688xi32, #tpu.memory_space<vmem_shared>> -> memref<18688xi32, #tpu.memory_space<vmem_shared>>
      tpu.wait_indirect_dma semaphore(%run_scoped3A_378 : memref<!tpu.dma_semaphore, #tpu.memory_space<semaphore_mem>>) src(%dma_wait3A_389 : memref<64xi32, #tpu.memory_space<vmem>>) dst(%dma_wait3A_394 : memref<18688xi32, #tpu.memory_space<vmem_shared>>)
      tpu.yield
    }) : () -> ()
    %barrier3A_347 = arith.constant 0 : index
    tpu.barrier barrier_id(%barrier3A_347)
    %eq3A_348 = arith.constant 0 : i32
    %eq3A_349 = arith.cmpi eq, %arg0, %eq3A_348 : i32
    %convert_element_type3A_350 = arith.extui %eq3A_349 : i1 to i32
    %cond3A_351 = arith.constant 0 : i32
    %cond3A_352 = arith.cmpi ne, %convert_element_type3A_350, %cond3A_351 : i32
    scf.if %cond3A_352 {
      %mul3A_378 = arith.constant 384 : i32
      %mul3A_379 = arith.muli %arg1, %mul3A_378 : i32
      %add3A_380 = arith.constant 12544 : i32
      %add3A_381 = arith.addi %add3A_380, %mul3A_379 : i32
      "tpu.region"() ({
        %run_scoped3A_397 = tpu.sem_alloc : memref<!tpu.dma_semaphore, #tpu.memory_space<semaphore_mem>>
        %dma_start3A_398 = tpu.memref_slice %arg9[%add3A_381] : memref<18688xi32, #tpu.memory_space<vmem_shared>> -> memref<384xi32, #tpu.memory_space<vmem_shared>>
        %dma_start3A_399 = tpu.memref_slice %arg9[%add3A_381] : memref<18688xi32, #tpu.memory_space<vmem_shared>> -> memref<384xi32, #tpu.memory_space<vmem_shared>>
        tpu.enqueue_dma source(%dma_start3A_399 : memref<384xi32, #tpu.memory_space<vmem_shared>>) target(%arg21 : memref<384xi32, #tpu.memory_space<vmem>>) target_semaphore(%run_scoped3A_397 : memref<!tpu.dma_semaphore, #tpu.memory_space<semaphore_mem>>)
        %dma_wait3A_400 = tpu.memref_slice %arg9[%add3A_381] : memref<18688xi32, #tpu.memory_space<vmem_shared>> -> memref<384xi32, #tpu.memory_space<vmem_shared>>
        %dma_wait3A_401 = tpu.memref_slice %arg9[%add3A_381] : memref<18688xi32, #tpu.memory_space<vmem_shared>> -> memref<384xi32, #tpu.memory_space<vmem_shared>>
        tpu.wait_dma2 semaphore(%run_scoped3A_397 : memref<!tpu.dma_semaphore, #tpu.memory_space<semaphore_mem>>) src(%dma_wait3A_401 : memref<384xi32, #tpu.memory_space<vmem_shared>>) dst(%arg21 : memref<384xi32, #tpu.memory_space<vmem>>)
        tpu.yield
      }) : () -> ()
      %scan3A_382 = arith.constant 0 : i32
      %scan3A_383 = arith.constant 0 : i32
      %scan3A_384 = arith.constant 24 : i32
      %scan3A_385 = arith.addi %scan3A_383, %scan3A_384 : i32
      %scan3A_386 = arith.constant 1 : i32
      %scan3A_387 = scf.for %scan3A_397 = %scan3A_383 to %scan3A_385 step %scan3A_386 iter_args(%scan3A_398 = %scan3A_382) -> (i32)  : i32 {
        %mul3A_399 = arith.constant 16 : i32
        %mul3A_400 = arith.muli %scan3A_397, %mul3A_399 : i32
        %get3A_401 = arith.index_cast %mul3A_400 : i32 to index
        %get3A_402 = tpu.vector_load %arg21[%get3A_401] {strides = array<i32>} : memref<384xi32, #tpu.memory_space<vmem>>, vector<16xi32>,
        %bitcast3A = vector.bitcast %get3A_402 : vector<16xi32> to vector<16xf32>
        %mul3A_403 = arith.constant 16 : i32
        %mul3A_404 = arith.muli %scan3A_397, %mul3A_403 : i32
        %swap3A_405 = arith.index_cast %mul3A_404 : i32 to index
        %swap3A_406 = tpu.vector_load %arg22[%swap3A_405] {strides = array<i32>} : memref<384xf32, #tpu.memory_space<vmem>>, vector<16xf32>,
        tpu.vector_store %arg22[%swap3A_405], %bitcast3A {strides = array<i32>} : memref<384xf32, #tpu.memory_space<vmem>>, vector<16xf32>,
        %scan3A_407 = arith.constant 0 : i32
        scf.yield %scan3A_407 : i32
      }
      %scan3A_388 = arith.constant 24 : i32
      %mul3A_389 = arith.constant 384 : i32
      %mul3A_390 = arith.muli %arg1, %mul3A_389 : i32
      "tpu.region"() ({
        %run_scoped3A_397 = tpu.sem_alloc : memref<!tpu.dma_semaphore, #tpu.memory_space<semaphore_mem>>
        %dma_start3A_398 = tpu.memref_slice %arg5[%mul3A_390] : memref<6144xf32, #tpu.memory_space<hbm>> -> memref<384xf32, #tpu.memory_space<hbm>>
        %dma_start3A_399 = tpu.memref_slice %arg5[%mul3A_390] : memref<6144xf32, #tpu.memory_space<hbm>> -> memref<384xf32, #tpu.memory_space<hbm>>
        tpu.enqueue_dma source(%arg22 : memref<384xf32, #tpu.memory_space<vmem>>) target(%dma_start3A_399 : memref<384xf32, #tpu.memory_space<hbm>>) target_semaphore(%run_scoped3A_397 : memref<!tpu.dma_semaphore, #tpu.memory_space<semaphore_mem>>)
        %dma_wait3A_400 = tpu.memref_slice %arg5[%mul3A_390] : memref<6144xf32, #tpu.memory_space<hbm>> -> memref<384xf32, #tpu.memory_space<hbm>>
        %dma_wait3A_401 = tpu.memref_slice %arg5[%mul3A_390] : memref<6144xf32, #tpu.memory_space<hbm>> -> memref<384xf32, #tpu.memory_space<hbm>>
        tpu.wait_dma2 semaphore(%run_scoped3A_397 : memref<!tpu.dma_semaphore, #tpu.memory_space<semaphore_mem>>) src(%arg22 : memref<384xf32, #tpu.memory_space<vmem>>) dst(%dma_wait3A_401 : memref<384xf32, #tpu.memory_space<hbm>>)
        tpu.yield
      }) : () -> ()
      %mul3A_391 = arith.constant 384 : i32
      %mul3A_392 = arith.muli %arg1, %mul3A_391 : i32
      %add3A_393 = arith.constant 6400 : i32
      %add3A_394 = arith.addi %add3A_393, %mul3A_392 : i32
      "tpu.region"() ({
        %run_scoped3A_397 = tpu.sem_alloc : memref<!tpu.dma_semaphore, #tpu.memory_space<semaphore_mem>>
        %dma_start3A_398 = tpu.memref_slice %arg9[%add3A_394] : memref<18688xi32, #tpu.memory_space<vmem_shared>> -> memref<384xi32, #tpu.memory_space<vmem_shared>>
        %dma_start3A_399 = tpu.memref_slice %arg9[%add3A_394] : memref<18688xi32, #tpu.memory_space<vmem_shared>> -> memref<384xi32, #tpu.memory_space<vmem_shared>>
        tpu.enqueue_dma source(%dma_start3A_399 : memref<384xi32, #tpu.memory_space<vmem_shared>>) target(%arg21 : memref<384xi32, #tpu.memory_space<vmem>>) target_semaphore(%run_scoped3A_397 : memref<!tpu.dma_semaphore, #tpu.memory_space<semaphore_mem>>)
        %dma_wait3A_400 = tpu.memref_slice %arg9[%add3A_394] : memref<18688xi32, #tpu.memory_space<vmem_shared>> -> memref<384xi32, #tpu.memory_space<vmem_shared>>
        %dma_wait3A_401 = tpu.memref_slice %arg9[%add3A_394] : memref<18688xi32, #tpu.memory_space<vmem_shared>> -> memref<384xi32, #tpu.memory_space<vmem_shared>>
        tpu.wait_dma2 semaphore(%run_scoped3A_397 : memref<!tpu.dma_semaphore, #tpu.memory_space<semaphore_mem>>) src(%dma_wait3A_401 : memref<384xi32, #tpu.memory_space<vmem_shared>>) dst(%arg21 : memref<384xi32, #tpu.memory_space<vmem>>)
        tpu.yield
      }) : () -> ()
      %mul3A_395 = arith.constant 384 : i32
      %mul3A_396 = arith.muli %arg1, %mul3A_395 : i32
      "tpu.region"() ({
        %run_scoped3A_397 = tpu.sem_alloc : memref<!tpu.dma_semaphore, #tpu.memory_space<semaphore_mem>>
        %dma_start3A_398 = tpu.memref_slice %arg6[%mul3A_396] : memref<6144xi32, #tpu.memory_space<hbm>> -> memref<384xi32, #tpu.memory_space<hbm>>
        %dma_start3A_399 = tpu.memref_slice %arg6[%mul3A_396] : memref<6144xi32, #tpu.memory_space<hbm>> -> memref<384xi32, #tpu.memory_space<hbm>>
        tpu.enqueue_dma source(%arg21 : memref<384xi32, #tpu.memory_space<vmem>>) target(%dma_start3A_399 : memref<384xi32, #tpu.memory_space<hbm>>) target_semaphore(%run_scoped3A_397 : memref<!tpu.dma_semaphore, #tpu.memory_space<semaphore_mem>>)
        %dma_wait3A_400 = tpu.memref_slice %arg6[%mul3A_396] : memref<6144xi32, #tpu.memory_space<hbm>> -> memref<384xi32, #tpu.memory_space<hbm>>
        %dma_wait3A_401 = tpu.memref_slice %arg6[%mul3A_396] : memref<6144xi32, #tpu.memory_space<hbm>> -> memref<384xi32, #tpu.memory_space<hbm>>
        tpu.wait_dma2 semaphore(%run_scoped3A_397 : memref<!tpu.dma_semaphore, #tpu.memory_space<semaphore_mem>>) src(%arg21 : memref<384xi32, #tpu.memory_space<vmem>>) dst(%dma_wait3A_401 : memref<384xi32, #tpu.memory_space<hbm>>)
        tpu.yield
      }) : () -> ()
    } else {
    }
    %mul3A_353 = arith.constant 2 : i32
    %mul3A_354 = arith.muli %arg1, %mul3A_353 : i32
    %add3A_355 = arith.addi %mul3A_354, %arg0 : i32
    %mul3A_356 = arith.constant 192 : i32
    %mul3A_357 = arith.muli %add3A_355, %mul3A_356 : i32
    %add3A_358 = arith.constant 0 : i32
    %add3A_359 = arith.addi %mul3A_357, %add3A_358 : i32
    %add3A_360 = arith.constant 256 : i32
    %add3A_361 = arith.addi %add3A_360, %add3A_359 : i32
    "tpu.region"() ({
      %run_scoped3A_378 = tpu.sem_alloc : memref<!tpu.dma_semaphore, #tpu.memory_space<semaphore_mem>>
      %dma_start3A_379 = tpu.memref_slice %arg9[%add3A_361] : memref<18688xi32, #tpu.memory_space<vmem_shared>> -> memref<96xi32, #tpu.memory_space<vmem_shared>>
      %dma_start3A_380 = tpu.memref_slice %arg9[%add3A_361] : memref<18688xi32, #tpu.memory_space<vmem_shared>> -> memref<96xi32, #tpu.memory_space<vmem_shared>>
      tpu.enqueue_dma source(%dma_start3A_380 : memref<96xi32, #tpu.memory_space<vmem_shared>>) target(%arg24 : memref<96xi32, #tpu.memory_space<vmem>>) target_semaphore(%run_scoped3A_378 : memref<!tpu.dma_semaphore, #tpu.memory_space<semaphore_mem>>)
      %dma_wait3A_381 = tpu.memref_slice %arg9[%add3A_361] : memref<18688xi32, #tpu.memory_space<vmem_shared>> -> memref<96xi32, #tpu.memory_space<vmem_shared>>
      %dma_wait3A_382 = tpu.memref_slice %arg9[%add3A_361] : memref<18688xi32, #tpu.memory_space<vmem_shared>> -> memref<96xi32, #tpu.memory_space<vmem_shared>>
      tpu.wait_dma2 semaphore(%run_scoped3A_378 : memref<!tpu.dma_semaphore, #tpu.memory_space<semaphore_mem>>) src(%dma_wait3A_382 : memref<96xi32, #tpu.memory_space<vmem_shared>>) dst(%arg24 : memref<96xi32, #tpu.memory_space<vmem>>)
      tpu.yield
    }) : () -> ()
    %dma_start3A = arith.constant 0 : i32
    %dma_start3A_362 = arith.constant 0 : i32
    %dma_start3A_363 = tpu.memref_slice %arg4[%dma_start3A, %dma_start3A_362] : memref<2048x1024xf32, #tpu.memory_space<hbm>> -> memref<2048x1024xf32, #tpu.memory_space<hbm>>
    tpu.enqueue_indirect_dma source(%dma_start3A_363 : memref<2048x1024xf32, #tpu.memory_space<hbm>>) target(%arg25 : memref<96x1024xf32, #tpu.memory_space<vmem>>) offsets(%arg24 : memref<96xi32, #tpu.memory_space<vmem>>) semaphore(%arg26 : memref<!tpu.dma_semaphore, #tpu.memory_space<semaphore_mem>>)
    %dma_wait3A = arith.constant 0 : i32
    %dma_wait3A_364 = arith.constant 0 : i32
    %dma_wait3A_365 = tpu.memref_slice %arg4[%dma_wait3A, %dma_wait3A_364] : memref<2048x1024xf32, #tpu.memory_space<hbm>> -> memref<2048x1024xf32, #tpu.memory_space<hbm>>
    tpu.wait_indirect_dma semaphore(%arg26 : memref<!tpu.dma_semaphore, #tpu.memory_space<semaphore_mem>>) src(%dma_wait3A_365 : memref<2048x1024xf32, #tpu.memory_space<hbm>>) dst(%arg25 : memref<96x1024xf32, #tpu.memory_space<vmem>>)
    "tpu.region"() ({
      %run_scoped3A_378 = tpu.sem_alloc : memref<!tpu.dma_semaphore, #tpu.memory_space<semaphore_mem>>
      %dma_start3A_379 = arith.constant 0 : i32
      %dma_start3A_380 = tpu.memref_slice %arg8[%add3A_359, %dma_start3A_379] : memref<6144x1024xf32, #tpu.memory_space<hbm>> -> memref<96x1024xf32, #tpu.memory_space<hbm>>
      %dma_start3A_381 = arith.constant 0 : i32
      %dma_start3A_382 = tpu.memref_slice %arg8[%add3A_359, %dma_start3A_381] : memref<6144x1024xf32, #tpu.memory_space<hbm>> -> memref<96x1024xf32, #tpu.memory_space<hbm>>
      tpu.enqueue_dma source(%arg25 : memref<96x1024xf32, #tpu.memory_space<vmem>>) target(%dma_start3A_382 : memref<96x1024xf32, #tpu.memory_space<hbm>>) target_semaphore(%run_scoped3A_378 : memref<!tpu.dma_semaphore, #tpu.memory_space<semaphore_mem>>)
      %dma_wait3A_383 = arith.constant 0 : i32
      %dma_wait3A_384 = tpu.memref_slice %arg8[%add3A_359, %dma_wait3A_383] : memref<6144x1024xf32, #tpu.memory_space<hbm>> -> memref<96x1024xf32, #tpu.memory_space<hbm>>
      %dma_wait3A_385 = arith.constant 0 : i32
      %dma_wait3A_386 = tpu.memref_slice %arg8[%add3A_359, %dma_wait3A_385] : memref<6144x1024xf32, #tpu.memory_space<hbm>> -> memref<96x1024xf32, #tpu.memory_space<hbm>>
      tpu.wait_dma2 semaphore(%run_scoped3A_378 : memref<!tpu.dma_semaphore, #tpu.memory_space<semaphore_mem>>) src(%arg25 : memref<96x1024xf32, #tpu.memory_space<vmem>>) dst(%dma_wait3A_386 : memref<96x1024xf32, #tpu.memory_space<hbm>>)
      tpu.yield
    }) : () -> ()
    %mul3A_366 = arith.constant 192 : i32
    %mul3A_367 = arith.muli %add3A_355, %mul3A_366 : i32
    %add3A_368 = arith.constant 96 : i32
    %add3A_369 = arith.addi %mul3A_367, %add3A_368 : i32
    %add3A_370 = arith.constant 256 : i32
    %add3A_371 = arith.addi %add3A_370, %add3A_369 : i32
    "tpu.region"() ({
      %run_scoped3A_378 = tpu.sem_alloc : memref<!tpu.dma_semaphore, #tpu.memory_space<semaphore_mem>>
      %dma_start3A_379 = tpu.memref_slice %arg9[%add3A_371] : memref<18688xi32, #tpu.memory_space<vmem_shared>> -> memref<96xi32, #tpu.memory_space<vmem_shared>>
      %dma_start3A_380 = tpu.memref_slice %arg9[%add3A_371] : memref<18688xi32, #tpu.memory_space<vmem_shared>> -> memref<96xi32, #tpu.memory_space<vmem_shared>>
      tpu.enqueue_dma source(%dma_start3A_380 : memref<96xi32, #tpu.memory_space<vmem_shared>>) target(%arg24 : memref<96xi32, #tpu.memory_space<vmem>>) target_semaphore(%run_scoped3A_378 : memref<!tpu.dma_semaphore, #tpu.memory_space<semaphore_mem>>)
      %dma_wait3A_381 = tpu.memref_slice %arg9[%add3A_371] : memref<18688xi32, #tpu.memory_space<vmem_shared>> -> memref<96xi32, #tpu.memory_space<vmem_shared>>
      %dma_wait3A_382 = tpu.memref_slice %arg9[%add3A_371] : memref<18688xi32, #tpu.memory_space<vmem_shared>> -> memref<96xi32, #tpu.memory_space<vmem_shared>>
      tpu.wait_dma2 semaphore(%run_scoped3A_378 : memref<!tpu.dma_semaphore, #tpu.memory_space<semaphore_mem>>) src(%dma_wait3A_382 : memref<96xi32, #tpu.memory_space<vmem_shared>>) dst(%arg24 : memref<96xi32, #tpu.memory_space<vmem>>)
      tpu.yield
    }) : () -> ()
    %dma_start3A_372 = arith.constant 0 : i32
    %dma_start3A_373 = arith.constant 0 : i32
    %dma_start3A_374 = tpu.memref_slice %arg4[%dma_start3A_372, %dma_start3A_373] : memref<2048x1024xf32, #tpu.memory_space<hbm>> -> memref<2048x1024xf32, #tpu.memory_space<hbm>>
    tpu.enqueue_indirect_dma source(%dma_start3A_374 : memref<2048x1024xf32, #tpu.memory_space<hbm>>) target(%arg25 : memref<96x1024xf32, #tpu.memory_space<vmem>>) offsets(%arg24 : memref<96xi32, #tpu.memory_space<vmem>>) semaphore(%arg26 : memref<!tpu.dma_semaphore, #tpu.memory_space<semaphore_mem>>)
    %dma_wait3A_375 = arith.constant 0 : i32
    %dma_wait3A_376 = arith.constant 0 : i32
    %dma_wait3A_377 = tpu.memref_slice %arg4[%dma_wait3A_375, %dma_wait3A_376] : memref<2048x1024xf32, #tpu.memory_space<hbm>> -> memref<2048x1024xf32, #tpu.memory_space<hbm>>
    tpu.wait_indirect_dma semaphore(%arg26 : memref<!tpu.dma_semaphore, #tpu.memory_space<semaphore_mem>>) src(%dma_wait3A_377 : memref<2048x1024xf32, #tpu.memory_space<hbm>>) dst(%arg25 : memref<96x1024xf32, #tpu.memory_space<vmem>>)
    "tpu.region"() ({
      %run_scoped3A_378 = tpu.sem_alloc : memref<!tpu.dma_semaphore, #tpu.memory_space<semaphore_mem>>
      %dma_start3A_379 = arith.constant 0 : i32
      %dma_start3A_380 = tpu.memref_slice %arg8[%add3A_369, %dma_start3A_379] : memref<6144x1024xf32, #tpu.memory_space<hbm>> -> memref<96x1024xf32, #tpu.memory_space<hbm>>
      %dma_start3A_381 = arith.constant 0 : i32
      %dma_start3A_382 = tpu.memref_slice %arg8[%add3A_369, %dma_start3A_381] : memref<6144x1024xf32, #tpu.memory_space<hbm>> -> memref<96x1024xf32, #tpu.memory_space<hbm>>
      tpu.enqueue_dma source(%arg25 : memref<96x1024xf32, #tpu.memory_space<vmem>>) target(%dma_start3A_382 : memref<96x1024xf32, #tpu.memory_space<hbm>>) target_semaphore(%run_scoped3A_378 : memref<!tpu.dma_semaphore, #tpu.memory_space<semaphore_mem>>)
      %dma_wait3A_383 = arith.constant 0 : i32
      %dma_wait3A_384 = tpu.memref_slice %arg8[%add3A_369, %dma_wait3A_383] : memref<6144x1024xf32, #tpu.memory_space<hbm>> -> memref<96x1024xf32, #tpu.memory_space<hbm>>
      %dma_wait3A_385 = arith.constant 0 : i32
      %dma_wait3A_386 = tpu.memref_slice %arg8[%add3A_369, %dma_wait3A_385] : memref<6144x1024xf32, #tpu.memory_space<hbm>> -> memref<96x1024xf32, #tpu.memory_space<hbm>>
      tpu.wait_dma2 semaphore(%run_scoped3A_378 : memref<!tpu.dma_semaphore, #tpu.memory_space<semaphore_mem>>) src(%arg25 : memref<96x1024xf32, #tpu.memory_space<vmem>>) dst(%dma_wait3A_386 : memref<96x1024xf32, #tpu.memory_space<hbm>>)
      tpu.yield
    }) : () -> ()
    return
  }
}

module attributes {stable_mosaic.version = 14 : i64} {
  func.func @_gmm_body(%arg0: i32, %arg1: memref<24xi32, #tpu.memory_space<smem>>, %arg2: memref<256x1024xf32, #tpu.memory_space<vmem>>, %arg3: memref<256x1xf32, #tpu.memory_space<vmem>>, %arg4: memref<1x1024x1024xf32, #tpu.memory_space<vmem>>, %arg5: memref<1x1x1024xf32, #tpu.memory_space<vmem>>, %arg6: memref<1x1024x1024xf32, #tpu.memory_space<vmem>>, %arg7: memref<1x1x1024xf32, #tpu.memory_space<vmem>>, %arg8: memref<256x1024xf32, #tpu.memory_space<vmem>>) attributes {dimension_semantics = [#tpu.dimension_semantics<arbitrary>], iteration_bounds = array<i64: 24>, scalar_prefetch = 1 : i64, scratch_operands = 0 : i64, tpu.core_type = #tpu.core_type<tc>, window_params = [{transform_indices = @transform_0, window_bounds = array<i64: 256, 1024>}, {transform_indices = @transform_1, window_bounds = array<i64: 256, 1>}, {transform_indices = @transform_2, window_bounds = array<i64: 1, 1024, 1024>}, {transform_indices = @transform_3, window_bounds = array<i64: 1, 1, 1024>}, {transform_indices = @transform_4, window_bounds = array<i64: 1, 1024, 1024>}, {transform_indices = @transform_5, window_bounds = array<i64: 1, 1, 1024>}, {transform_indices = @transform_6, window_bounds = array<i64: 256, 1024>}]} {
    %get3A = arith.index_cast %arg0 : i32 to index
    %get3A_0 = memref.load %arg1[%get3A] : memref<24xi32, #tpu.memory_space<smem>>
    %ge3A = arith.constant 0 : i32
    %ge3A_1 = arith.cmpi sge, %get3A_0, %ge3A : i32
    %convert_element_type3A = arith.extui %ge3A_1 : i1 to i32
    %cond3A = arith.constant 0 : i32
    %cond3A_2 = arith.cmpi ne, %convert_element_type3A, %cond3A : i32
    scf.if %cond3A_2 {
      %get3A_3 = arith.constant 0 : index
      %get3A_4 = arith.constant 0 : index
      %get3A_5 = vector.load %arg2[%get3A_3, %get3A_4] : memref<256x1024xf32, #tpu.memory_space<vmem>>, vector<256x1024xf32>
      %convert_element_type3A_6 = arith.truncf %get3A_5 : vector<256x1024xf32> to vector<256x1024xbf16>
      %get3A_7 = arith.constant 0 : index
      %get3A_8 = arith.constant 0 : index
      %get3A_9 = arith.constant 0 : index
      %get3A_10 = vector.load %arg4[%get3A_7, %get3A_8, %get3A_9] : memref<1x1024x1024xf32, #tpu.memory_space<vmem>>, vector<1x1024x1024xf32>
      %get3A_11 = vector.shape_cast %get3A_10 : vector<1x1024x1024xf32> to vector<1024x1024xf32>
      %convert_element_type3A_12 = arith.truncf %get3A_11 : vector<1024x1024xf32> to vector<1024x1024xbf16>
      %dot_general3A = arith.constant dense<0.000000e+00> : vector<256x1024xf32>
      %dot_general3A_13 = tpu.matmul %convert_element_type3A_6, %convert_element_type3A_12, %dot_general3A {dimension_numbers = #tpu.dot_dimension_numbers<[1], [0], [0], [1], [0, 0, 1, 1], [], []>, transpose_lhs_hint = false} : vector<256x1024xbf16>, vector<1024x1024xbf16>, vector<256x1024xf32> -> vector<256x1024xf32>
      %get3A_14 = arith.constant 0 : index
      %get3A_15 = arith.constant 0 : index
      %get3A_16 = arith.constant 0 : index
      %get3A_17 = vector.load %arg5[%get3A_14, %get3A_15, %get3A_16] : memref<1x1x1024xf32, #tpu.memory_space<vmem>>, vector<1x1x1024xf32>
      %get3A_18 = vector.shape_cast %get3A_17 : vector<1x1x1024xf32> to vector<1x1024xf32>
      %add3A = vector.broadcast %get3A_18 : vector<1x1024xf32> to vector<256x1024xf32>
      %add3A_19 = arith.addf %dot_general3A_13, %add3A : vector<256x1024xf32>
      %mul3A = arith.constant 5.000000e-01 : f32
      %mul3A_20 = vector.broadcast %mul3A : f32 to vector<256x1024xf32>
      %mul3A_21 = arith.mulf %mul3A_20, %add3A_19 : vector<256x1024xf32>
      %mul3A_22 = arith.constant 0.707106769 : f32
      %mul3A_23 = vector.broadcast %mul3A_22 : f32 to vector<256x1024xf32>
      %mul3A_24 = arith.mulf %add3A_19, %mul3A_23 : vector<256x1024xf32>
      %erf3A = math.erf %mul3A_24 : vector<256x1024xf32>
      %add3A_25 = arith.constant 1.000000e+00 : f32
      %add3A_26 = vector.broadcast %add3A_25 : f32 to vector<256x1024xf32>
      %add3A_27 = arith.addf %add3A_26, %erf3A : vector<256x1024xf32>
      %mul3A_28 = arith.mulf %mul3A_21, %add3A_27 : vector<256x1024xf32>
      %convert_element_type3A_29 = arith.truncf %mul3A_28 : vector<256x1024xf32> to vector<256x1024xbf16>
      %get3A_30 = arith.constant 0 : index
      %get3A_31 = arith.constant 0 : index
      %get3A_32 = arith.constant 0 : index
      %get3A_33 = vector.load %arg6[%get3A_30, %get3A_31, %get3A_32] : memref<1x1024x1024xf32, #tpu.memory_space<vmem>>, vector<1x1024x1024xf32>
      %get3A_34 = vector.shape_cast %get3A_33 : vector<1x1024x1024xf32> to vector<1024x1024xf32>
      %convert_element_type3A_35 = arith.truncf %get3A_34 : vector<1024x1024xf32> to vector<1024x1024xbf16>
      %dot_general3A_36 = arith.constant dense<0.000000e+00> : vector<256x1024xf32>
      %dot_general3A_37 = tpu.matmul %convert_element_type3A_29, %convert_element_type3A_35, %dot_general3A_36 {dimension_numbers = #tpu.dot_dimension_numbers<[1], [0], [0], [1], [0, 0, 1, 1], [], []>, transpose_lhs_hint = false} : vector<256x1024xbf16>, vector<1024x1024xbf16>, vector<256x1024xf32> -> vector<256x1024xf32>
      %get3A_38 = arith.constant 0 : index
      %get3A_39 = arith.constant 0 : index
      %get3A_40 = arith.constant 0 : index
      %get3A_41 = vector.load %arg7[%get3A_38, %get3A_39, %get3A_40] : memref<1x1x1024xf32, #tpu.memory_space<vmem>>, vector<1x1x1024xf32>
      %get3A_42 = vector.shape_cast %get3A_41 : vector<1x1x1024xf32> to vector<1x1024xf32>
      %add3A_43 = vector.broadcast %get3A_42 : vector<1x1024xf32> to vector<256x1024xf32>
      %add3A_44 = arith.addf %dot_general3A_37, %add3A_43 : vector<256x1024xf32>
      %get3A_45 = arith.constant 0 : index
      %get3A_46 = arith.constant 0 : index
      %get3A_47 = vector.load %arg3[%get3A_45, %get3A_46] : memref<256x1xf32, #tpu.memory_space<vmem>>, vector<256x1xf32>
      %mul3A_48 = vector.broadcast %get3A_47 : vector<256x1xf32> to vector<256x1024xf32>
      %mul3A_49 = arith.mulf %add3A_44, %mul3A_48 : vector<256x1024xf32>
      %swap3A = arith.constant 0 : index
      %swap3A_50 = arith.constant 0 : index
      %swap3A_51 = vector.load %arg8[%swap3A, %swap3A_50] : memref<256x1024xf32, #tpu.memory_space<vmem>>, vector<256x1024xf32>
      tpu.vector_store %arg8[%swap3A, %swap3A_50], %mul3A_49 {strides = array<i32>} : memref<256x1024xf32, #tpu.memory_space<vmem>>, vector<256x1024xf32>,
    } else {
    }
    return
  }
  func.func @transform_0(%arg0: i32, %arg1: memref<24xi32, #tpu.memory_space<smem>>) -> (i32, i32) {
    %c0_i32 = arith.constant 0 : i32
    %c0_i32_0 = arith.constant 0 : i32
    return %arg0, %c0_i32 : i32, i32
  }
  func.func @transform_1(%arg0: i32, %arg1: memref<24xi32, #tpu.memory_space<smem>>) -> (i32, i32) {
    %c0_i32 = arith.constant 0 : i32
    %c0_i32_0 = arith.constant 0 : i32
    return %arg0, %c0_i32 : i32, i32
  }
  func.func @transform_2(%arg0: i32, %arg1: memref<24xi32, #tpu.memory_space<smem>>) -> (i32, i32, i32) {
    %get3A = arith.index_cast %arg0 : i32 to index
    %get3A_0 = memref.load %arg1[%get3A] : memref<24xi32, #tpu.memory_space<smem>>
    %max3A = arith.constant 0 : i32
    %max3A_1 = arith.maxsi %get3A_0, %max3A : i32
    %c0_i32 = arith.constant 0 : i32
    %c0_i32_2 = arith.constant 0 : i32
    %c0_i32_3 = arith.constant 0 : i32
    return %max3A_1, %c0_i32, %c0_i32_2 : i32, i32, i32
  }
  func.func @transform_3(%arg0: i32, %arg1: memref<24xi32, #tpu.memory_space<smem>>) -> (i32, i32, i32) {
    %get3A = arith.index_cast %arg0 : i32 to index
    %get3A_0 = memref.load %arg1[%get3A] : memref<24xi32, #tpu.memory_space<smem>>
    %max3A = arith.constant 0 : i32
    %max3A_1 = arith.maxsi %get3A_0, %max3A : i32
    %c0_i32 = arith.constant 0 : i32
    %c0_i32_2 = arith.constant 0 : i32
    %c0_i32_3 = arith.constant 0 : i32
    return %max3A_1, %c0_i32, %c0_i32_2 : i32, i32, i32
  }
  func.func @transform_4(%arg0: i32, %arg1: memref<24xi32, #tpu.memory_space<smem>>) -> (i32, i32, i32) {
    %get3A = arith.index_cast %arg0 : i32 to index
    %get3A_0 = memref.load %arg1[%get3A] : memref<24xi32, #tpu.memory_space<smem>>
    %max3A = arith.constant 0 : i32
    %max3A_1 = arith.maxsi %get3A_0, %max3A : i32
    %c0_i32 = arith.constant 0 : i32
    %c0_i32_2 = arith.constant 0 : i32
    %c0_i32_3 = arith.constant 0 : i32
    return %max3A_1, %c0_i32, %c0_i32_2 : i32, i32, i32
  }
  func.func @transform_5(%arg0: i32, %arg1: memref<24xi32, #tpu.memory_space<smem>>) -> (i32, i32, i32) {
    %get3A = arith.index_cast %arg0 : i32 to index
    %get3A_0 = memref.load %arg1[%get3A] : memref<24xi32, #tpu.memory_space<smem>>
    %max3A = arith.constant 0 : i32
    %max3A_1 = arith.maxsi %get3A_0, %max3A : i32
    %c0_i32 = arith.constant 0 : i32
    %c0_i32_2 = arith.constant 0 : i32
    %c0_i32_3 = arith.constant 0 : i32
    return %max3A_1, %c0_i32, %c0_i32_2 : i32, i32, i32
  }
  func.func @transform_6(%arg0: i32, %arg1: memref<24xi32, #tpu.memory_space<smem>>) -> (i32, i32) {
    %c0_i32 = arith.constant 0 : i32
    %c0_i32_0 = arith.constant 0 : i32
    return %arg0, %c0_i32 : i32, i32
  }
}

module attributes {stable_mosaic.version = 14 : i64} {
  func.func @_comb_body(%arg0: i32, %arg1: memref<256x2048xf32, #tpu.memory_space<vmem>>, %arg2: memref<256x1024xf32, #tpu.memory_space<vmem>>) attributes {dimension_semantics = [#tpu.dimension_semantics<arbitrary>], iteration_bounds = array<i64: 8>, scalar_prefetch = 0 : i64, scratch_operands = 0 : i64, tpu.core_type = #tpu.core_type<tc>, window_params = [{transform_indices = @transform_0, window_bounds = array<i64: 256, 2048>}, {transform_indices = @transform_1, window_bounds = array<i64: 256, 1024>}]} {
    %get3A = arith.constant 0 : index
    %get3A_0 = arith.constant 0 : index
    %get3A_1 = vector.load %arg1[%get3A, %get3A_0] : memref<256x2048xf32, #tpu.memory_space<vmem>>, vector<256x2048xf32>
    %slice3A = vector.extract_strided_slice %get3A_1 {offsets = [0, 0], sizes = [256, 1024], strides = [1, 1]} : vector<256x2048xf32> to vector<256x1024xf32>
    %slice3A_2 = vector.extract_strided_slice %get3A_1 {offsets = [0, 1024], sizes = [256, 1024], strides = [1, 1]} : vector<256x2048xf32> to vector<256x1024xf32>
    %add3A = arith.addf %slice3A, %slice3A_2 : vector<256x1024xf32>
    %swap3A = arith.constant 0 : index
    %swap3A_3 = arith.constant 0 : index
    %swap3A_4 = vector.load %arg2[%swap3A, %swap3A_3] : memref<256x1024xf32, #tpu.memory_space<vmem>>, vector<256x1024xf32>
    tpu.vector_store %arg2[%swap3A, %swap3A_3], %add3A {strides = array<i32>} : memref<256x1024xf32, #tpu.memory_space<vmem>>, vector<256x1024xf32>,
    return
  }
  func.func @transform_0(%arg0: i32) -> (i32, i32) {
    %c0_i32 = arith.constant 0 : i32
    %c0_i32_0 = arith.constant 0 : i32
    return %arg0, %c0_i32 : i32, i32
  }
  func.func @transform_1(%arg0: i32) -> (i32, i32) {
    %c0_i32 = arith.constant 0 : i32
    %c0_i32_0 = arith.constant 0 : i32
    return %arg0, %c0_i32 : i32, i32
  }
}

</mosaic_0001>

<sc_bundles>
// kernel: kernel.6.cloned.1.call-start
scs
__scs_entry_jumppad:
0x0: {  	(pc) =	sbr.rel $0x88, $3  }
0x1: {  	(tag) =	ssettag $0x0;
	lr =	simm.s32 $0x1  }
0x2: {  	[smem:$0x3F9A] =	sst lr;
	_ =	strace $0xD0000000  }
0x3: {  	_ = 	snop  }
0x4: {  	_ = 	snop  }
0x5: {  	_ = 	snop  }
0x6: {  	_ = 	snop  }
0x7: {  	_ = 	snop  }
__scs_overlays_trampoline_lowered:
0x8: {  	[smem:$0x3FA9] =	sst s0  }
0x9: {  	[smem:$0x3FAA] =	sst s1  }
0xa: {  	[smem:$0x3FAB] =	sst s2  }
0xb: {  	[smem:$0x3FAC] =	sst s3  }
0xc: {  	[smem:$0x3FAD] =	sst s4  }
0xd: {  	[smem:$0x3FAE] =	sst s5  }
0xe: {  	[smem:$0x3FAF] =	sst s6  }
0xf: {  	[smem:$0x3FB0] =	sst s7  }
0x10: {  	[smem:$0x3FB1] =	sst s8  }
0x11: {  	[smem:$0x3FB2] =	sst s9;
	s0 =	simm.s32 @!p0 $0x0  }
0x12: {  	s1 =	sld [smem:$0x3F98];
	s0 =	simm.s32 @p0 $0x1  }
0x13: {  	[smem:$0x3FB3] =	sst s0;
	s0 =	simm.s32 @!p1 $0x0  }
0x14: {  	s2 =	sld [smem:$0x3F97];
	s0 =	simm.s32 @p1 $0x1  }
0x15: {  	[smem:$0x3FB4] =	sst s0;
	s0 =	simm.s32 @!p2 $0x0  }
0x16: {  	s3 =	sld [smem:$0x3FDB];
	s0 =	simm.s32 @p2 $0x1  }
0x17: {  	s4 =	simm.s32 $0x1BF5;
	[smem:$0x3FB6] =	sst s0  }
0x18: {  	s0 =	sld [smem:$0x3F99];
	_ =	swait.ge [sflag:s4], $0x0  }
0x19: {  	s7 =	sld [smem:$0x3F9A]  }
0x1a: {  	s8 =	sadd.s32 $0xFFFFE003, lr  }
0x1b: {  	s9 =	sadd.s32 $0xFFFFFEF7, lr;
	s5 =	simm.s32 $0xFFFFFFFF;
	p2 =	slt.u32 s8, $0xFFFFF086  }
0x1c: {  	p1 =	slt.u32 s9, $0xF7A;
	s5 =	simm.s32 @!p2 $0x0  }
0x1d: {  	s5 =	simm.s32 @p1 $0x1;
	p0 =	seq.s32 s7, s2  }
0x1e: {  	s7 =	smul.u32 @!p0 $0xF7A, s2;
	p2 =	seq.s32 @!p0 s5, $0x0  }
0x1f: {  	s9 =	smul.u32 $0xF7A, s1;
	s8 =	simm.s32 @!p0 $0x1BF5;
	p2 =	por !p2, p0  }
0x20: {  	[sflag:s8] =	ssyncset.s32 @!p0 $0xFFFFF086;
	s6 =	sadd.s32 @!p0 s3, s7;
	s7 =	simm.s32 @!p0 $0x108  }
0x21: {  	s3 =	sadd.s32 s3, s9;
	s6 =	sadd.s32 @!p0 $0x88, s6;
	s7 =	simm.s32 @p2 $0x1082  }
0x22: {  	[simem:s7], [sflag:s8] =	dma.local @!p0 [hbm:s6], $0xF7A  }
0x23: {  	s9 =	sor.u32 $0xD0000000, s2;
	s6 =	simm.s32 $0x108;
	_ =	swait.ge @!p0 [sflag:s8], $0x0  }
0x24: {  	s3 =	sadd.s32 $0x88, s3;
	s6 =	simm.s32 @!p1 $0x1082;
	[sflag:s4] =	ssyncset.s32 $0xFFFFF086  }
0x25: {  	[simem:s6], [sflag:s4] =	dma.local [hbm:s3], $0xF7A  }
0x26: {  	[smem:$0x3F9A] =	sst s1;
	(tag) =	ssettag s2;
	_ =	strace s9  }
0x27: {  	s1 =	sld [smem:$0x3FAA]  }
0x28: {  	s2 =	sld [smem:$0x3FAB]  }
0x29: {  	s4 =	sld [smem:$0x3FAD]  }
0x2a: {  	p0 =	seq.s32 s5, $0x0;
	s5 =	sld [smem:$0x3FAE]  }
0x2b: {  	s6 =	sld [smem:$0x3FAF]  }
0x2c: {  	s7 =	sld [smem:$0x3FB0]  }
0x2d: {  	s3 =	simm.s32 $0x108;
	s8 =	sld [smem:$0x3FB1]  }
0x2e: {  	s3 =	simm.s32 @!p0 $0x1082;
	s9 =	sld [smem:$0x3FB2]  }
0x2f: {  	lr =	sadd.s32 s0, s3;
	s0 =	sld [smem:$0x3FA9]  }
0x30: {  	s3 =	sld [smem:$0x3FAC]  }
0x31: {  	[smem:$0x3FB5] =	sst s10  }
0x32: {  	s10 =	sld [smem:$0x3FB3];
	_ =	sdelay $0x3  }
0x33: {  	p0 =	seq.s32 s10, $0x1;
	s10 =	sld [smem:$0x3FB5];
	_ =	sdelay $0x3  }
0x34: {  	[smem:$0x3FB5] =	sst s10  }
0x35: {  	s10 =	sld [smem:$0x3FB4];
	_ =	sdelay $0x3  }
0x36: {  	p1 =	seq.s32 s10, $0x1;
	s10 =	sld [smem:$0x3FB5];
	_ =	sdelay $0x3  }
0x37: {  	[smem:$0x3FB5] =	sst s10  }
0x38: {  	s10 =	sld [smem:$0x3FB6]  }
0x39: {  	_ = 	snop;
	(pc) =	sbr.ind lr, $3  }
0x3a: {  	_ = 	snop  }
0x3b: {  	_ = 	snop  }
0x3c: {  	p2 =	seq.s32 s10, $0x1;
	s10 =	sld [smem:$0x3FB5]  }
0x3d: {  	_ =	shalt  }
0x3e: {  	_ =	shalt  }
0x3f: {  	_ =	shalt  }
0x40: {  	_ =	shalt  }
0x41: {  	_ =	shalt  }
0x42: {  	_ =	shalt  }
0x43: {  	_ =	shalt  }
0x44: {  	_ =	shalt  }
0x45: {  	_ =	shalt  }
0x46: {  	_ =	shalt  }
0x47: {  	_ =	shalt  }
0x48: {  	_ =	shalt  }
0x49: {  	_ =	shalt  }
0x4a: {  	_ =	shalt  }
0x4b: {  	_ =	shalt  }
0x4c: {  	_ =	shalt  }
0x4d: {  	_ =	shalt  }
0x4e: {  	_ =	shalt  }
0x4f: {  	_ =	shalt  }
0x50: {  	_ =	shalt  }
0x51: {  	_ =	shalt  }
0x52: {  	_ =	shalt  }
0x53: {  	_ =	shalt  }
0x54: {  	_ =	shalt  }
0x55: {  	_ =	shalt  }
0x56: {  	_ =	shalt  }
0x57: {  	_ =	shalt  }
0x58: {  	_ =	shalt  }
0x59: {  	_ =	shalt  }
0x5a: {  	_ =	shalt  }
0x5b: {  	_ =	shalt  }
0x5c: {  	_ =	shalt  }
0x5d: {  	_ =	shalt  }
0x5e: {  	_ =	shalt  }
0x5f: {  	_ =	shalt  }
0x60: {  	_ =	shalt  }
0x61: {  	_ =	shalt  }
0x62: {  	_ =	shalt  }
0x63: {  	_ =	shalt  }
0x64: {  	_ =	shalt  }
0x65: {  	_ =	shalt  }
0x66: {  	_ =	shalt  }
0x67: {  	_ =	shalt  }
0x68: {  	_ =	shalt  }
0x69: {  	_ =	shalt  }
0x6a: {  	_ =	shalt  }
0x6b: {  	_ =	shalt  }
0x6c: {  	_ =	shalt  }
0x6d: {  	_ =	shalt  }
0x6e: {  	_ =	shalt  }
0x6f: {  	_ =	shalt  }
0x70: {  	_ =	shalt  }
0x71: {  	_ =	shalt  }
0x72: {  	_ =	shalt  }
0x73: {  	_ =	shalt  }
0x74: {  	_ =	shalt  }
0x75: {  	_ =	shalt  }
0x76: {  	_ =	shalt  }
0x77: {  	_ =	shalt  }
0x78: {  	_ =	shalt  }
0x79: {  	_ =	shalt  }
0x7a: {  	_ =	shalt  }
0x7b: {  	_ =	shalt  }
0x7c: {  	_ =	shalt  }
0x7d: {  	_ =	shalt  }
0x7e: {  	_ =	shalt  }
0x7f: {  	_ =	shalt  }
0x80: {  	_ =	shalt  }
0x81: {  	_ =	shalt  }
0x82: {  	_ =	shalt  }
0x83: {  	_ =	shalt  }
0x84: {  	_ =	shalt  }
0x85: {  	_ =	shalt  }
0x86: {  	_ =	shalt  }
0x87: {  	_ =	shalt  }
.Lfunc_end0:
.L_simem_size_0:
called_computation_lowered:
.L_overlay_start_0:
0x88: {  	s2 =	sld [smem:$0x3FD9]  }
0x89: {  	s3 =	sld [smem:$0x3FFE];
	_ =	sdelay $0x1  }
0x8a: {  	s1 =	srdreg.scid  }
0x8b: {  	s0 =	sand.u32 $0x1, s1  }
0x8c: {  	s17 =	sshll.u32 s0, $0xA;
	s2 =	sadd.s32 s3, s2  }
0x8d: {  	s2 =	sadd.s32 s2, s17  }
0x8e: {  	[smem:$0x3FC1] =	sst s2  }
0x8f: {  	_ = 	snop  }
0x90: {  	s2 =	sld [smem:$0x3FC9]  }
0x91: {  	s18 =	sld [smem:$0x3FD0];
	(tm) =	ssettm $0x1  }
0x92: {  	s4 =	sld [smem:$0x3FFB];
	_ =	sdelay $0x3  }
0x93: {  	_ =	strace s4  }
0x94: {  	s4 =	sld [smem:$0x3FFC];
	_ =	sdelay $0x3  }
0x95: {  	_ =	strace s4  }
0x96: {  	s4 =	sld [smem:$0x3FFD];
	_ =	sdelay $0x3  }
0x97: {  	_ =	strace s4  }
0x98: {  	_ =	strace $0x8FFFFFFF  }
0x99: {  	s19 =	sld [smem:$0x3FDB];
	_ =	sdelay $0x1  }
0x9a: {  	s5 =	simm.s32 $_scs_section_size  }
0x9b: {  	s6 =	simm.s32 $_size__tile_overlayer_lowered;
	s7 =	simm.s32 $_tile_overlayer_lowered  }
0x9c: {  	s22 =	simm.s32 $0x1BFF;
	s21 =	sshll.u32 s7, $0x1;
	s4 =	sadd.s32 s5, s19  }
0x9d: {  	s8 =	simm.s32 $0x0;
	s20 =	sshll.u32 s6, $0x1;
	s6 =	sadd.s32 s21, s4  }
0x9e: {  	[timem:s8], [sflag:s22] =	dma.local [hbm:s6], s20  }
0x9f: {  	_ =	swait.ge [sflag:s22], s20  }
0xa0: {  	s5 =	ssub.s32 $0x0, s20;
	[sflag:s22] =	ssyncset.done $0x0  }
0xa1: {  	[sflag:s22] =	ssyncadd.s32 s5;
	_ =	sdelay $0x1  }
0xa2: {  	s23 =	simm.s32 $0x1B8B  }
0xa3: {  	_ =	swait.ge [sflag:s23], $0x1  }
0xa4: {  	[sflag:s23] =	ssyncset.done $0x0  }
0xa5: {  	s25 =	simm.s32 $0x1B8E;
	s24 =	sld [smem:$0x3FFE];
	[sflag:s23] =	ssyncadd.s32 $0xFFFFFFFF  }
0xa6: {  	s26 =	simm.s32 $execute0_lowered;
	[smem:$0x3FD2] =	sst s25  }
0xa7: {  	s6 =	sshll.u32 s26, $0x1;
	_ =	strace $0x80000046;
	[dreg:$0x1] =	wrdreg $0xFFFFFFFF  }
0xa8: {  	s28 =	simm.s32 $_size_execute0_lowered;
	s4 =	sadd.s32 s4, s6;
	[dreg:$0x0] =	wrdreg $0x0  }
0xa9: {  	s6 =	sshll.u32 s28, $0x1;
	[dreg:$0x2] =	wrdreg s4  }
0xaa: {  	[dreg:$0x3] =	wrdreg s6  }
0xab: {  	[dreg:$0x4] =	wrdreg $0xC0  }
0xac: {  	_ =	task [dreg:s8], $0x5FFFF  }
0xad: {  	[dreg:$0x1] =	wrdreg $0xFFFFFFFF  }
0xae: {  	[dreg:$0x0] =	wrdreg $0x60  }
0xaf: {  	[dreg:$0x2] =	wrdreg s24  }
0xb0: {  	[dreg:$0x3] =	wrdreg s2  }
0xb1: {  	[dreg:$0x4] =	wrdreg s18  }
0xb2: {  	[dreg:$0x5] =	wrdreg $0x0  }
0xb3: {  	[dreg:$0x6] =	wrdreg $0x9  }
0xb4: {  	_ =	task.clear_ibuf [dreg:s8], $0x7FFFF;
	_ =	strace $0x90000046  }
0xb5: {  	s29 =	simm.s32 $0x9;
	_ =	strace $0x80000048  }
0xb6: {  	_ =	swait.ge [sflag:s29], $0x1  }
0xb7: {  	[sflag:s29] =	ssyncadd.s32 $0xFFFFFFFF  }
0xb8: {  	_ =	strace $0x90000048  }
0xb9: {  	_ =	sfence  }
0xba: {  	s30 =	sld [smem:$0x0];
	_ =	sdelay $0x2  }
0xbb: {  	s31 =	sshll.u32 s1, $0xD;
	s1 =	sshrl.u32 s1, $0x2  }
0xbc: {  	s3 =	sand.u32 $0x4000, s31;
	s1 =	sadd.s32 s1, s30  }
0xbd: {  	s0 =	sor.u32 s3, s0;
	s1 =	sshll.u32 s1, $0x11  }
0xbe: {  	s0 =	sor.u32 s1, s0  }
0xbf: {  	s0 =	sadd.s32 $0x8F2B, s0  }
0xc0: {  	[sflag:s0] =	ssyncadd.remote.s32 $0x1  }
0xc1: {  	_ =	sfence.sel $0xFFFF  }
0xc2: {  	[dreg:$0x0] =	wrdreg $0xFFFFFFFF;
	(pc) =	sbr.abs _section_cstart, $3  }
0xc3: {  	[dreg:$0x1] =	wrdreg $0xFFFFFFFF  }
0xc4: {  	_ =	task.clear_ibuf [dreg:s8], $0x2FFFF;
	_ =	strace $0x9FFFFFFF  }
0xc5: {  	(tm) =	ssettm $0x7FFFFFFF  }
tec
execute0_lowered:
.L_overlay_start_1:
0x0: {  	(tag) =	ssettag $0x1  }
0x1: {  	s7 =	rddreg [dreg:$0x0]  }
0x2: {  	s2 =	rddreg [dreg:$0x1]  }
0x3: {  	s17 =	rddreg [dreg:$0x2]  }
0x4: {  	s1 =	rddreg [dreg:$0x3];
	s3 =	simm.s32 $0x0;
	s12 =	stileid.u32  }
0x5: {  	s0 =	srdreg.scid;
	s5 =	simm.s32 $0x1;
	s28 =	simm.s32 $0x1  }
0x6: {  	s8 =	simm.s32 $0x1;
	s10 =	simm.s32 $0x1;
	s11 =	simm.s32 $0x1  }
0x7: {  	s15 =	simm.s32 $0x1;
	s14 =	simm.s32 $0x1;
	s16 =	simm.s32 $0x1  }
0x8: {  	s31 =	simm.s32 $0x1;
	s30 =	simm.s32 $0x790;
	s29 =	simm.s32 $0x910  }
0x9: {  	[smem:$0x7FF] =	sst s3;
	s9 =	smul.u32 $0x180, s12;
	s4 =	sshll.u32 s12, $0x5  }
0xa: {  	s19 =	sand.u32 $0x1, s0;
	s21 =	sadd.s32 $0x1800, s7;
	p0 =	sgt.u32 s12, $0x1  }
0xb: {  	p1 =	sgt.u32 s12, $0x2;
	s23 =	sshll.u32 s12, $0x1;
	_ =	strace $0x80000047  }
0xc: {  	s13 =	sadd.s32 s4, s7;
	s20 =	ssub.s32 $0x2, s19;
	s4 =	simm.s32 $0x1  }
0xd: {  	s5 =	simm.s32 @!p0 $0x0;
	p0 =	sgt.u32 s12, $0x3;
	s26 =	sor.u32 s19, s23  }
0xe: {  	s23 =	simm.s32 $0x1;
	s18 =	sshrl.u32 s9, $0x3;
	s22 =	sshrl.u32 s20, $0x1  }
0xf: {  	s4 =	simm.s32 @!p1 $0x0;
	p1 =	sgt.u32 s12, $0x4;
	s24 =	smul.u32 $0x30000, s26  }
0x10: {  	s28 =	simm.s32 @!p0 $0x0;
	p0 =	sgt.u32 s12, $0x5;
	s25 =	smul.u32 $0x6000, s26  }
0x11: {  	s26 =	smul.u32 $0x300, s26;
	s6 =	sadd.s32 $0x1200, s13;
	s13 =	sadd.s32 $0x1400, s13  }
0x12: {  	s9 =	sadd.s32 s9, s1;
	s0 =	sadd.s32 s18, s7;
	s8 =	simm.s32 @!p1 $0x0  }
0x13: {  	p1 =	sgt.u32 s12, $0x6;
	s10 =	simm.s32 @!p0 $0x0;
	p0 =	sgt.u32 s12, $0x7  }
0x14: {  	s20 =	ssub.s32 s20, s22;
	s17 =	sadd.s32 s17, s18;
	[dreg:$0x6] =	wrdreg s6  }
0x15: {  	s7 =	sadd.s32 $0x1600, s7;
	[dreg:$0x7] =	wrdreg s13;
	s6 =	sadd.s32 $0x100, s9  }
0x16: {  	s13 =	sadd.s32 $0x100, s2;
	s11 =	simm.s32 @!p1 $0x0;
	p1 =	sgt.u32 s12, $0x8  }
0x17: {  	s15 =	simm.s32 @!p0 $0x0;
	p0 =	sgt.u32 s12, $0x9;
	[dreg:$0x11] =	wrdreg s17  }
0x18: {  	s17 =	simm.s32 $0x1;
	s22 =	sshrl.u32 s24, $0x3;
	[dreg:$0x5] =	wrdreg s7  }
0x19: {  	s18 =	sadd.s32 s21, s25;
	s24 =	simm.s32 $0x1;
	[dreg:$0x9] =	wrdreg s6  }
0x1a: {  	s25 =	simm.s32 $0x1;
	s7 =	sshll.u32 s12, $0x8;
	[dreg:$0x17] =	wrdreg s13  }
0x1b: {  	s26 =	sshrl.u32 s26, $0x2;
	s0 =	sadd.s32 $0xC1800, s0;
	[dreg:$0x12] =	wrdreg s18  }
0x1c: {  	s16 =	simm.s32 @!p0 $0x0;
	p0 =	sgt.u32 s12, $0xA;
	[dreg:$0xc] =	wrdreg s0  }
0x1d: {  	s21 =	sadd.s32 s21, s22;
	s13 =	sor.u32 $0x90, s7;
	[dreg:$0x16] =	wrdreg s7  }
0x1e: {  	s0 =	sor.u32 $0x80, s7;
	s17 =	simm.s32 @!p0 $0x0;
	[dreg:$0x1b] =	wrdreg s13  }
0x1f: {  	p0 =	sne.s32 s19, $0x0;
	s19 =	sadd.s32 $0x3100, s9;
	[dreg:$0x14] =	wrdreg s0  }
0x20: {  	s22 =	sadd.s32 s26, s1;
	s9 =	sadd.s32 $0x1900, s9;
	[dreg:$0xa] =	wrdreg s19  }
0x21: {  	v4 =	vmov s8;
	s8 =	simm.s32 $0x4D90;
	s26 =	sadd.s32 $0x100, s22;
	[dreg:$0xb] =	wrdreg s9  }
0x22: {  	v5 =	vmov s10;
	s10 =	simm.s32 $0x5D90;
	s6 =	sadd.s32 $0x160, s22;
	[dreg:$0xd] =	wrdreg s26  }
0x23: {  	s14 =	simm.s32 @!p1 $0x0;
	s22 =	sor.u32 $0x20, s7;
	[dreg:$0xe] =	wrdreg s6  }
0x24: {  	p1 =	sgt.u32 s12, $0xB;
	s18 =	simm.s32 $0x1;
	[dreg:$0x1c] =	wrdreg s22  }
0x25: {  	v3 =	vmov s28;
	s18 =	simm.s32 @!p1 $0x0;
	s9 =	sadd.s32 $0x3000, s21;
	s28 =	rddreg [dreg:$0x1b]  }
0x26: {  	p1 =	sgt.u32 s12, $0xC;
	s19 =	sadd.s32 $0x200, s2;
	[dreg:$0xf] =	wrdreg s9  }
0x27: {  	v13 =	vlaneseq.u32;
	vm0 =	vcmask $0xF0C;
	s13 =	sor.u32 $0xF0, s7;
	s21 =	sor.u32 $0x10, s7;
	[dreg:$0x18] =	wrdreg s19  }
0x28: {  	vm1 =	vcmask $0x704;
	v32 =	vimm.s32 $0x0;
	v9 =	vmov s16;
	s16 =	simm.s32 $0x7D90;
	s26 =	sor.u32 $0x30, s7;
	[dreg:$0x1f] =	wrdreg s21  }
0x29: {  	v34 =	vimm.s32 $0x1000;
	vm2 =	vcmask $0x3F3C;
	v35 =	vimm.s32 $0xFFFFFFFF;
	s24 =	simm.s32 @!p1 $0x0;
	s6 =	sor.u32 $0x50, s7;
	[dreg:$0x1d] =	wrdreg s26  }
0x2a: {  	vm0 =	vmor vm1, vm0;
	vm1 =	vcmask $0x1714;
	v33 =	vmul.u32 $0xFFFFFFFF, v13;
	p1 =	sgt.u32 s12, $0xD;
	s22 =	sor.u32 $0x60, s7;
	[dreg:$0x1e] =	wrdreg s6  }
0x2b: {  	vm0 =	vmor vm0, vm1;
	vm1 =	vcmask $0x1F1C;
	v11 =	vmov s18;
	s23 =	simm.s32 @!p1 $0x0;
	p1 =	seq.s32 s12, $0xF;
	s18 =	rddreg [dreg:$0x1c]  }
0x2c: {  	v1 =	vmov s5;
	vm0 =	vmor vm0, vm1;
	v10 =	vmov s17;
	s9 =	sor.u32 $0x40, s7;
	s19 =	sor.u32 $0xA0, s7;
	s17 =	rddreg [dreg:$0x1f]  }
0x2d: {  	vm1 =	vcmask $0x2724;
	v33 =	vadd.s32 $0xF, v33;
	s21 =	sor.u32 $0xD0, s7;
	s6 =	simm.s32 $0x2;
	v14 =	vmov s23;
	s23 =	rddreg [dreg:$0x1d]  }
0x2e: {  	vm0 =	vmor vm0, vm1;
	vm1 =	vcmask $0x2F2C;
	s26 =	simm.s32 $0x1490;
	v12 =	vmov s24;
	s25 =	simm.s32 @!p1 $0x0;
	s24 =	rddreg [dreg:$0x1e]  }
0x2f: {  	v2 =	vmov s4;
	vm0 =	vmor vm0, vm1;
	vm1 =	vcmask $0x3734;
	p1 =	sne.s32 s12, $0x0;
	s12 =	sshll.u32 s12, $0x4;
	[dreg:$0x13] =	wrdreg s9  }
0x30: {  	v17 =	vor.u32 s18, v13;
	v23 =	vor.u32 s19, v13;
	v29 =	vor.u32 s9, v13;
	s18 =	simm.s32 $0x3D90;
	s9 =	simm.s32 $0x4590;
	s19 =	simm.s32 $0x9590  }
0x31: {  	v6 =	vmov s11;
	v7 =	vmov s15;
	s12 =	sadd.s32 s12, s1;
	s31 =	simm.s32 @!p1 $0x0;
	v18 =	vor.u32 s23, v13;
	s23 =	simm.s32 $0x5590  }
0x32: {  	v28 =	vor.u32 s7, v13;
	vm1 =	vmor vm0, vm1;
	vm0 =	vmmov $0xff;
	[dreg:$0x8] =	wrdreg s12;
	s12 =	smax.u32 s20, $0x1;
	s20 =	sadd.s32 $0x300, s2  }
.Ltmp0:
0x33: {  	v8 =	vmov s14;
	v30 =	vor.u32 s0, v13;
	vm1 =	vmor vm1, vm2;
	s2 =	sor.u32 $0xE0, s7;
	[dreg:$0x10] =	wrdreg s12;
	(pc) =	sbr.rel .LBB2_1-.Ltmp0, $4  }
0x34: {  	v27 =	vor.u32 s13, v13;
	v20 =	vor.u32 s22, v13;
	v0 =	vmov s31;
	s31 =	simm.s32 $0x6D90;
	[dreg:$0x19] =	wrdreg s20;
	s12 =	sor.u32 $0x70, s7  }
0x35: {  	v22 =	vor.u32 s28, v13;
	v25 =	vor.u32 s21, v13;
	s20 =	sor.u32 $0xB0, s7;
	v26 =	vor.u32 s2, v13;
	s2 =	simm.s32 $0x0;
	[dreg:$0x1a] =	wrdreg s12  }
0x36: {  	v15 =	vmov s25;
	v16 =	vor.u32 s17, v13;
	v19 =	vor.u32 s24, v13;
	s12 =	sor.u32 $0xC0, s7;
	s7 =	simm.s32 $0x8D90;
	s25 =	rddreg [dreg:$0x1a]  }
0x37: {  	v24 =	vor.u32 s20, v13;
	s20 =	simm.s32 $0xAD90;
	[dreg:$0x15] =	wrdreg s12;
	v31 =	vor.u32 s12, v13;
	v21 =	vor.u32 s25, v13;
	s25 =	simm.s32 $0x7590  }
.LBB2_15:
0x38: {  	s5 =	rddreg [dreg:$0xd];
	s0 =	simm.s32 $0x1510  }
0x39: {  	[tilespmem:s0], [sflag:$0x2] =	stream.linear.gather [spmem:s5], $0x60, $0x38;
	[tilespmem:$0x19590] =	vst v63  }
0x3a: {  	_ =	swait.ge [sflag:s6], $0x60  }
0x3b: {  	[sflag:s6] =	ssyncset.done $0x0  }
0x3c: {  	[sflag:s6] =	ssyncadd.s32 $0xFFFFFFA0  }
0x3d: {  	v36 =	vld [tilespmem:$0x1510];
	_ =	sdelay $0x4  }
0x3e: {  	v37 =	vshll.u32 v36, $0x3  }
0x3f: {  	v36 =	vand.u32 $0x7, v36;
	v37 =	vand.u32 $0xFFFFFFC0, v37  }
0x40: {  	v49 =	vand.u32 $0x7, v13;
	v50 =	vshrl.u32 v13, $0x3;
	v39 =	vor.u32 v36, v37  }
0x41: {  	v36 =	vmul.u32 $0x8, v50;
	v38 =	vperm.xlane v39, v49;
	_ =	sdelay $0x1  }
0x42: {  	v40 =	vadd.s32 v36, v38;
	_ =	sdelay $0x3  }
0x43: {  	vm2 =	vmmov $0xffff;
	s4 =	simm.s32 $0x1590;
	s24 =	rddreg [dreg:$0x1]  }
0x44: {  	v51 =	vor.u32 $0x8, v13;
	[tilespmem:s4], [sflag:$0x1] =	stream.indirect_vreg.gather [hbm4b:s24+s3], $0x80, v40, vm2, $0xb8;
	[tilespmem:$0x19590] =	vst v63  }
0x45: {  	s12 =	simm.s32 $0x1D90;
	s21 =	rddreg [dreg:$0x17];
	v39 =	vperm.xlane v39, v51  }
0x46: {  	[tilespmem:s12], [sflag:$0x1] =	stream.indirect_vreg.gather [hbm4b:s21+s3], $0x80, v40, vm2, $0xb8;
	[tilespmem:$0x19590] =	vst v63  }
0x47: {  	s14 =	simm.s32 $0x2590;
	s22 =	rddreg [dreg:$0x18];
	v39 =	vadd.s32 v36, v39  }
0x48: {  	[tilespmem:s14], [sflag:$0x1] =	stream.indirect_vreg.gather [hbm4b:s22+s3], $0x80, v40, vm2, $0xb8;
	[tilespmem:$0x19590] =	vst v63  }
0x49: {  	s15 =	simm.s32 $0x2D90;
	s28 =	rddreg [dreg:$0x19]  }
0x4a: {  	[tilespmem:s15], [sflag:$0x1] =	stream.indirect_vreg.gather [hbm4b:s28+s3], $0x80, v40, vm2, $0xb8;
	[tilespmem:$0x19590] =	vst v63  }
0x4b: {  	s17 =	simm.s32 $0x3590  }
0x4c: {  	[tilespmem:s17], [sflag:$0x1] =	stream.indirect_vreg.gather [hbm4b:s24+s3], $0x80, v39, vm2, $0xb8;
	[tilespmem:$0x19590] =	vst v63  }
0x4d: {  	_ = 	snop  }
0x4e: {  	[tilespmem:s18], [sflag:$0x1] =	stream.indirect_vreg.gather [hbm4b:s21+s3], $0x80, v39, vm2, $0xb8;
	[tilespmem:$0x19590] =	vst v63  }
0x4f: {  	_ = 	snop  }
0x50: {  	[tilespmem:s9], [sflag:$0x1] =	stream.indirect_vreg.gather [hbm4b:s22+s3], $0x80, v39, vm2, $0xb8;
	[tilespmem:$0x19590] =	vst v63  }
0x51: {  	_ = 	snop  }
0x52: {  	[tilespmem:s8], [sflag:$0x1] =	stream.indirect_vreg.gather [hbm4b:s28+s3], $0x80, v39, vm2, $0xb8;
	[tilespmem:$0x19590] =	vst v63  }
0x53: {  	v39 =	vld [tilespmem:$0x1520];
	_ =	sdelay $0x4  }
0x54: {  	v52 =	vshll.u32 v39, $0x3  }
0x55: {  	v39 =	vand.u32 $0x7, v39;
	v40 =	vand.u32 $0xFFFFFFC0, v52  }
0x56: {  	v39 =	vor.u32 v39, v40  }
0x57: {  	v40 =	vperm.xlane v39, v49;
	_ =	sdelay $0x1  }
0x58: {  	v40 =	vadd.s32 v36, v40;
	_ =	sdelay $0x4  }
0x59: {  	[tilespmem:s23], [sflag:$0x1] =	stream.indirect_vreg.gather [hbm4b:s24+s3], $0x80, v40, vm2, $0xb8;
	[tilespmem:$0x19590] =	vst v63  }
0x5a: {  	v39 =	vperm.xlane v39, v51  }
0x5b: {  	[tilespmem:s10], [sflag:$0x1] =	stream.indirect_vreg.gather [hbm4b:s21+s3], $0x80, v40, vm2, $0xb8;
	[tilespmem:$0x19590] =	vst v63  }
0x5c: {  	s4 =	simm.s32 $0x6590;
	v39 =	vadd.s32 v36, v39  }
0x5d: {  	[tilespmem:s4], [sflag:$0x1] =	stream.indirect_vreg.gather [hbm4b:s22+s3], $0x80, v40, vm2, $0xb8;
	[tilespmem:$0x19590] =	vst v63  }
0x5e: {  	_ = 	snop  }
0x5f: {  	[tilespmem:s31], [sflag:$0x1] =	stream.indirect_vreg.gather [hbm4b:s28+s3], $0x80, v40, vm2, $0xb8;
	[tilespmem:$0x19590] =	vst v63  }
0x60: {  	_ = 	snop  }
0x61: {  	[tilespmem:s25], [sflag:$0x1] =	stream.indirect_vreg.gather [hbm4b:s24+s3], $0x80, v39, vm2, $0xb8;
	[tilespmem:$0x19590] =	vst v63  }
0x62: {  	_ = 	snop  }
0x63: {  	[tilespmem:s16], [sflag:$0x1] =	stream.indirect_vreg.gather [hbm4b:s21+s3], $0x80, v39, vm2, $0xb8;
	[tilespmem:$0x19590] =	vst v63  }
0x64: {  	s5 =	simm.s32 $0x8590  }
0x65: {  	[tilespmem:s5], [sflag:$0x1] =	stream.indirect_vreg.gather [hbm4b:s22+s3], $0x80, v39, vm2, $0xb8;
	[tilespmem:$0x19590] =	vst v63  }
0x66: {  	_ = 	snop  }
0x67: {  	[tilespmem:s7], [sflag:$0x1] =	stream.indirect_vreg.gather [hbm4b:s28+s3], $0x80, v39, vm2, $0xb8;
	[tilespmem:$0x19590] =	vst v63  }
0x68: {  	v39 =	vld [tilespmem:$0x1530];
	_ =	sdelay $0x4  }
0x69: {  	v53 =	vshll.u32 v39, $0x3  }
0x6a: {  	v39 =	vand.u32 $0x7, v39;
	v40 =	vand.u32 $0xFFFFFFC0, v53  }
0x6b: {  	v39 =	vor.u32 v39, v40  }
0x6c: {  	v40 =	vperm.xlane v39, v49;
	_ =	sdelay $0x1  }
0x6d: {  	v40 =	vadd.s32 v36, v40;
	_ =	sdelay $0x4  }
0x6e: {  	[tilespmem:s19], [sflag:$0x1] =	stream.indirect_vreg.gather [hbm4b:s24+s3], $0x80, v40, vm2, $0xb8;
	[tilespmem:$0x19590] =	vst v63  }
0x6f: {  	s11 =	simm.s32 $0x9D90;
	v39 =	vperm.xlane v39, v51  }
0x70: {  	[tilespmem:s11], [sflag:$0x1] =	stream.indirect_vreg.gather [hbm4b:s21+s3], $0x80, v40, vm2, $0xb8;
	[tilespmem:$0x19590] =	vst v63  }
0x71: {  	s13 =	simm.s32 $0xA590;
	v39 =	vadd.s32 v36, v39  }
0x72: {  	[tilespmem:s13], [sflag:$0x1] =	stream.indirect_vreg.gather [hbm4b:s22+s3], $0x80, v40, vm2, $0xb8;
	[tilespmem:$0x19590] =	vst v63  }
0x73: {  	_ = 	snop  }
0x74: {  	[tilespmem:s20], [sflag:$0x1] =	stream.indirect_vreg.gather [hbm4b:s28+s3], $0x80, v40, vm2, $0xb8;
	[tilespmem:$0x19590] =	vst v63  }
0x75: {  	s11 =	simm.s32 $0xB590  }
0x76: {  	[tilespmem:s11], [sflag:$0x1] =	stream.indirect_vreg.gather [hbm4b:s24+s3], $0x80, v39, vm2, $0xb8;
	[tilespmem:$0x19590] =	vst v63  }
0x77: {  	s1 =	simm.s32 $0xBD90  }
0x78: {  	[tilespmem:s1], [sflag:$0x1] =	stream.indirect_vreg.gather [hbm4b:s21+s3], $0x80, v39, vm2, $0xb8;
	[tilespmem:$0x19590] =	vst v63  }
0x79: {  	s5 =	simm.s32 $0xC590  }
0x7a: {  	[tilespmem:s5], [sflag:$0x1] =	stream.indirect_vreg.gather [hbm4b:s22+s3], $0x80, v39, vm2, $0xb8;
	[tilespmem:$0x19590] =	vst v63  }
0x7b: {  	s13 =	simm.s32 $0xCD90  }
0x7c: {  	[tilespmem:s13], [sflag:$0x1] =	stream.indirect_vreg.gather [hbm4b:s28+s3], $0x80, v39, vm2, $0xb8;
	[tilespmem:$0x19590] =	vst v63  }
0x7d: {  	v39 =	vld [tilespmem:$0x1540];
	_ =	sdelay $0x4  }
0x7e: {  	v54 =	vshll.u32 v39, $0x3  }
0x7f: {  	v39 =	vand.u32 $0x7, v39;
	v40 =	vand.u32 $0xFFFFFFC0, v54  }
0x80: {  	v39 =	vor.u32 v39, v40  }
0x81: {  	v40 =	vperm.xlane v39, v49;
	_ =	sdelay $0x1  }
0x82: {  	v40 =	vadd.s32 v36, v40;
	_ =	sdelay $0x3  }
0x83: {  	s1 =	simm.s32 $0xD590  }
0x84: {  	[tilespmem:s1], [sflag:$0x1] =	stream.indirect_vreg.gather [hbm4b:s24+s3], $0x80, v40, vm2, $0xb8;
	[tilespmem:$0x19590] =	vst v63  }
0x85: {  	s5 =	simm.s32 $0xDD90;
	v39 =	vperm.xlane v39, v51  }
0x86: {  	[tilespmem:s5], [sflag:$0x1] =	stream.indirect_vreg.gather [hbm4b:s21+s3], $0x80, v40, vm2, $0xb8;
	[tilespmem:$0x19590] =	vst v63  }
0x87: {  	s13 =	simm.s32 $0xE590;
	v39 =	vadd.s32 v36, v39  }
0x88: {  	[tilespmem:s13], [sflag:$0x1] =	stream.indirect_vreg.gather [hbm4b:s22+s3], $0x80, v40, vm2, $0xb8;
	[tilespmem:$0x19590] =	vst v63  }
0x89: {  	s1 =	simm.s32 $0xED90  }
0x8a: {  	[tilespmem:s1], [sflag:$0x1] =	stream.indirect_vreg.gather [hbm4b:s28+s3], $0x80, v40, vm2, $0xb8;
	[tilespmem:$0x19590] =	vst v63  }
0x8b: {  	s5 =	simm.s32 $0xF590  }
0x8c: {  	[tilespmem:s5], [sflag:$0x1] =	stream.indirect_vreg.gather [hbm4b:s24+s3], $0x80, v39, vm2, $0xb8;
	[tilespmem:$0x19590] =	vst v63  }
0x8d: {  	s13 =	simm.s32 $0xFD90  }
0x8e: {  	[tilespmem:s13], [sflag:$0x1] =	stream.indirect_vreg.gather [hbm4b:s21+s3], $0x80, v39, vm2, $0xb8;
	[tilespmem:$0x19590] =	vst v63  }
0x8f: {  	s1 =	simm.s32 $0x10590  }
0x90: {  	[tilespmem:s1], [sflag:$0x1] =	stream.indirect_vreg.gather [hbm4b:s22+s3], $0x80, v39, vm2, $0xb8;
	[tilespmem:$0x19590] =	vst v63  }
0x91: {  	s5 =	simm.s32 $0x10D90  }
0x92: {  	[tilespmem:s5], [sflag:$0x1] =	stream.indirect_vreg.gather [hbm4b:s28+s3], $0x80, v39, vm2, $0xb8;
	[tilespmem:$0x19590] =	vst v63  }
0x93: {  	v39 =	vld [tilespmem:$0x1550];
	_ =	sdelay $0x4  }
0x94: {  	v55 =	vshll.u32 v39, $0x3  }
0x95: {  	v39 =	vand.u32 $0x7, v39;
	v40 =	vand.u32 $0xFFFFFFC0, v55  }
0x96: {  	v39 =	vor.u32 v39, v40  }
0x97: {  	v40 =	vperm.xlane v39, v49;
	_ =	sdelay $0x1  }
0x98: {  	v40 =	vadd.s32 v36, v40;
	_ =	sdelay $0x3  }
0x99: {  	s13 =	simm.s32 $0x11590  }
0x9a: {  	[tilespmem:s13], [sflag:$0x1] =	stream.indirect_vreg.gather [hbm4b:s24+s3], $0x80, v40, vm2, $0xb8;
	[tilespmem:$0x19590] =	vst v63  }
0x9b: {  	s1 =	simm.s32 $0x11D90;
	v39 =	vperm.xlane v39, v51  }
0x9c: {  	[tilespmem:s1], [sflag:$0x1] =	stream.indirect_vreg.gather [hbm4b:s21+s3], $0x80, v40, vm2, $0xb8;
	[tilespmem:$0x19590] =	vst v63  }
0x9d: {  	s5 =	simm.s32 $0x12590;
	v39 =	vadd.s32 v36, v39  }
0x9e: {  	[tilespmem:s5], [sflag:$0x1] =	stream.indirect_vreg.gather [hbm4b:s22+s3], $0x80, v40, vm2, $0xb8;
	[tilespmem:$0x19590] =	vst v63  }
0x9f: {  	s13 =	simm.s32 $0x12D90  }
0xa0: {  	[tilespmem:s13], [sflag:$0x1] =	stream.indirect_vreg.gather [hbm4b:s28+s3], $0x80, v40, vm2, $0xb8;
	[tilespmem:$0x19590] =	vst v63  }
0xa1: {  	s1 =	simm.s32 $0x13590  }
0xa2: {  	[tilespmem:s1], [sflag:$0x1] =	stream.indirect_vreg.gather [hbm4b:s24+s3], $0x80, v39, vm2, $0xb8;
	[tilespmem:$0x19590] =	vst v63  }
0xa3: {  	s5 =	simm.s32 $0x13D90  }
0xa4: {  	[tilespmem:s5], [sflag:$0x1] =	stream.indirect_vreg.gather [hbm4b:s21+s3], $0x80, v39, vm2, $0xb8;
	[tilespmem:$0x19590] =	vst v63  }
0xa5: {  	s13 =	simm.s32 $0x14590  }
0xa6: {  	[tilespmem:s13], [sflag:$0x1] =	stream.indirect_vreg.gather [hbm4b:s22+s3], $0x80, v39, vm2, $0xb8;
	[tilespmem:$0x19590] =	vst v63  }
0xa7: {  	s1 =	simm.s32 $0x14D90  }
0xa8: {  	[tilespmem:s1], [sflag:$0x1] =	stream.indirect_vreg.gather [hbm4b:s28+s3], $0x80, v39, vm2, $0xb8;
	[tilespmem:$0x19590] =	vst v63  }
0xa9: {  	v39 =	vld [tilespmem:$0x1560];
	_ =	sdelay $0x4  }
0xaa: {  	v56 =	vshll.u32 v39, $0x3  }
0xab: {  	v39 =	vand.u32 $0x7, v39;
	v40 =	vand.u32 $0xFFFFFFC0, v56  }
0xac: {  	v39 =	vor.u32 v39, v40  }
0xad: {  	v40 =	vperm.xlane v39, v49;
	_ =	sdelay $0x1  }
0xae: {  	v40 =	vadd.s32 v36, v40;
	_ =	sdelay $0x3  }
0xaf: {  	s5 =	simm.s32 $0x15590  }
0xb0: {  	[tilespmem:s5], [sflag:$0x1] =	stream.indirect_vreg.gather [hbm4b:s24+s3], $0x80, v40, vm2, $0xb8;
	[tilespmem:$0x19590] =	vst v63  }
0xb1: {  	s13 =	simm.s32 $0x15D90;
	v39 =	vperm.xlane v39, v51  }
0xb2: {  	[tilespmem:s13], [sflag:$0x1] =	stream.indirect_vreg.gather [hbm4b:s21+s3], $0x80, v40, vm2, $0xb8;
	[tilespmem:$0x19590] =	vst v63  }
0xb3: {  	s1 =	simm.s32 $0x16590;
	v39 =	vadd.s32 v36, v39  }
0xb4: {  	[tilespmem:s1], [sflag:$0x1] =	stream.indirect_vreg.gather [hbm4b:s22+s3], $0x80, v40, vm2, $0xb8;
	[tilespmem:$0x19590] =	vst v63  }
0xb5: {  	s5 =	simm.s32 $0x16D90  }
0xb6: {  	[tilespmem:s5], [sflag:$0x1] =	stream.indirect_vreg.gather [hbm4b:s28+s3], $0x80, v40, vm2, $0xb8;
	[tilespmem:$0x19590] =	vst v63  }
0xb7: {  	s13 =	simm.s32 $0x17590  }
0xb8: {  	[tilespmem:s13], [sflag:$0x1] =	stream.indirect_vreg.gather [hbm4b:s24+s3], $0x80, v39, vm2, $0xb8;
	[tilespmem:$0x19590] =	vst v63  }
0xb9: {  	s1 =	simm.s32 $0x17D90  }
0xba: {  	[tilespmem:s1], [sflag:$0x1] =	stream.indirect_vreg.gather [hbm4b:s21+s3], $0x80, v39, vm2, $0xb8;
	[tilespmem:$0x19590] =	vst v63  }
0xbb: {  	s5 =	simm.s32 $0x18590  }
0xbc: {  	[tilespmem:s5], [sflag:$0x1] =	stream.indirect_vreg.gather [hbm4b:s22+s3], $0x80, v39, vm2, $0xb8;
	[tilespmem:$0x19590] =	vst v63  }
0xbd: {  	s0 =	simm.s32 $0x1;
	s13 =	simm.s32 $0x18D90  }
0xbe: {  	[tilespmem:s13], [sflag:$0x1] =	stream.indirect_vreg.gather [hbm4b:s28+s3], $0x80, v39, vm2, $0xb8;
	[tilespmem:$0x19590] =	vst v63  }
0xbf: {  	_ =	swait.ge [sflag:s0], $0x18000  }
0xc0: {  	[sflag:s0] =	ssyncset.done $0x0  }
0xc1: {  	s13 =	simm.s32 $0x1590;
	s1 =	rddreg [dreg:$0x12];
	[sflag:s0] =	ssyncadd.s32 $0xFFFE8000  }
0xc2: {  	[hbm4b:s1+s3] =	stream.linear.scatter [tilespmem:s13], [sflag:$0x2], $0x18000, $0x38;
	[tilespmem:$0x19590] =	vst v63  }
0xc3: {  	_ =	swait.ge [sflag:s6], $0x18000  }
0xc4: {  	[sflag:s6] =	ssyncset.done $0x0  }
0xc5: {  	s1 =	simm.s32 $0x1510;
	s5 =	rddreg [dreg:$0xe];
	[sflag:s6] =	ssyncadd.s32 $0xFFFE8000  }
0xc6: {  	[tilespmem:s1], [sflag:$0x2] =	stream.linear.gather [spmem:s5], $0x60, $0x38;
	[tilespmem:$0x19590] =	vst v63  }
0xc7: {  	_ =	swait.ge [sflag:s6], $0x60  }
0xc8: {  	[sflag:s6] =	ssyncset.done $0x0  }
0xc9: {  	[sflag:s6] =	ssyncadd.s32 $0xFFFFFFA0  }
0xca: {  	v57 =	vld [tilespmem:$0x1510];
	_ =	sdelay $0x4  }
0xcb: {  	v58 =	vshll.u32 v57, $0x3  }
0xcc: {  	v39 =	vand.u32 $0x7, v57;
	v40 =	vand.u32 $0xFFFFFFC0, v58  }
0xcd: {  	v39 =	vor.u32 v39, v40  }
0xce: {  	v40 =	vperm.xlane v39, v49;
	_ =	sdelay $0x1  }
0xcf: {  	v40 =	vadd.s32 v36, v40;
	_ =	sdelay $0x4  }
0xd0: {  	[tilespmem:s13], [sflag:$0x1] =	stream.indirect_vreg.gather [hbm4b:s24+s3], $0x80, v40, vm2, $0xb8;
	[tilespmem:$0x19590] =	vst v63  }
0xd1: {  	v39 =	vperm.xlane v39, v51  }
0xd2: {  	[tilespmem:s12], [sflag:$0x1] =	stream.indirect_vreg.gather [hbm4b:s21+s3], $0x80, v40, vm2, $0xb8;
	[tilespmem:$0x19590] =	vst v63  }
0xd3: {  	v39 =	vadd.s32 v36, v39  }
0xd4: {  	[tilespmem:s14], [sflag:$0x1] =	stream.indirect_vreg.gather [hbm4b:s22+s3], $0x80, v40, vm2, $0xb8;
	[tilespmem:$0x19590] =	vst v63  }
0xd5: {  	_ = 	snop  }
0xd6: {  	[tilespmem:s15], [sflag:$0x1] =	stream.indirect_vreg.gather [hbm4b:s28+s3], $0x80, v40, vm2, $0xb8;
	[tilespmem:$0x19590] =	vst v63  }
0xd7: {  	_ = 	snop  }
0xd8: {  	[tilespmem:s17], [sflag:$0x1] =	stream.indirect_vreg.gather [hbm4b:s24+s3], $0x80, v39, vm2, $0xb8;
	[tilespmem:$0x19590] =	vst v63  }
0xd9: {  	_ = 	snop  }
0xda: {  	[tilespmem:s18], [sflag:$0x1] =	stream.indirect_vreg.gather [hbm4b:s21+s3], $0x80, v39, vm2, $0xb8;
	[tilespmem:$0x19590] =	vst v63  }
0xdb: {  	_ = 	snop  }
0xdc: {  	[tilespmem:s9], [sflag:$0x1] =	stream.indirect_vreg.gather [hbm4b:s22+s3], $0x80, v39, vm2, $0xb8;
	[tilespmem:$0x19590] =	vst v63  }
0xdd: {  	_ = 	snop  }
0xde: {  	[tilespmem:s8], [sflag:$0x1] =	stream.indirect_vreg.gather [hbm4b:s28+s3], $0x80, v39, vm2, $0xb8;
	[tilespmem:$0x19590] =	vst v63  }
0xdf: {  	v39 =	vld [tilespmem:$0x1520];
	_ =	sdelay $0x4  }
0xe0: {  	v59 =	vshll.u32 v39, $0x3  }
0xe1: {  	v39 =	vand.u32 $0x7, v39;
	v40 =	vand.u32 $0xFFFFFFC0, v59  }
0xe2: {  	v39 =	vor.u32 v39, v40  }
0xe3: {  	v40 =	vperm.xlane v39, v49;
	_ =	sdelay $0x1  }
0xe4: {  	v40 =	vadd.s32 v36, v40;
	_ =	sdelay $0x4  }
0xe5: {  	[tilespmem:s23], [sflag:$0x1] =	stream.indirect_vreg.gather [hbm4b:s24+s3], $0x80, v40, vm2, $0xb8;
	[tilespmem:$0x19590] =	vst v63  }
0xe6: {  	v39 =	vperm.xlane v39, v51  }
0xe7: {  	[tilespmem:s10], [sflag:$0x1] =	stream.indirect_vreg.gather [hbm4b:s21+s3], $0x80, v40, vm2, $0xb8;
	[tilespmem:$0x19590] =	vst v63  }
0xe8: {  	v39 =	vadd.s32 v36, v39  }
0xe9: {  	[tilespmem:s4], [sflag:$0x1] =	stream.indirect_vreg.gather [hbm4b:s22+s3], $0x80, v40, vm2, $0xb8;
	[tilespmem:$0x19590] =	vst v63  }
0xea: {  	_ = 	snop  }
0xeb: {  	[tilespmem:s31], [sflag:$0x1] =	stream.indirect_vreg.gather [hbm4b:s28+s3], $0x80, v40, vm2, $0xb8;
	[tilespmem:$0x19590] =	vst v63  }
0xec: {  	_ = 	snop  }
0xed: {  	[tilespmem:s25], [sflag:$0x1] =	stream.indirect_vreg.gather [hbm4b:s24+s3], $0x80, v39, vm2, $0xb8;
	[tilespmem:$0x19590] =	vst v63  }
0xee: {  	_ = 	snop  }
0xef: {  	[tilespmem:s16], [sflag:$0x1] =	stream.indirect_vreg.gather [hbm4b:s21+s3], $0x80, v39, vm2, $0xb8;
	[tilespmem:$0x19590] =	vst v63  }
0xf0: {  	s17 =	simm.s32 $0x8590  }
0xf1: {  	[tilespmem:s17], [sflag:$0x1] =	stream.indirect_vreg.gather [hbm4b:s22+s3], $0x80, v39, vm2, $0xb8;
	[tilespmem:$0x19590] =	vst v63  }
0xf2: {  	_ = 	snop  }
0xf3: {  	[tilespmem:s7], [sflag:$0x1] =	stream.indirect_vreg.gather [hbm4b:s28+s3], $0x80, v39, vm2, $0xb8;
	[tilespmem:$0x19590] =	vst v63  }
0xf4: {  	v39 =	vld [tilespmem:$0x1530];
	_ =	sdelay $0x4  }
0xf5: {  	v60 =	vshll.u32 v39, $0x3  }
0xf6: {  	v39 =	vand.u32 $0x7, v39;
	v40 =	vand.u32 $0xFFFFFFC0, v60  }
0xf7: {  	v39 =	vor.u32 v39, v40  }
0xf8: {  	v40 =	vperm.xlane v39, v49;
	_ =	sdelay $0x1  }
0xf9: {  	v40 =	vadd.s32 v36, v40;
	_ =	sdelay $0x4  }
0xfa: {  	[tilespmem:s19], [sflag:$0x1] =	stream.indirect_vreg.gather [hbm4b:s24+s3], $0x80, v40, vm2, $0xb8;
	[tilespmem:$0x19590] =	vst v63  }
0xfb: {  	s4 =	simm.s32 $0x9D90;
	v39 =	vperm.xlane v39, v51  }
0xfc: {  	[tilespmem:s4], [sflag:$0x1] =	stream.indirect_vreg.gather [hbm4b:s21+s3], $0x80, v40, vm2, $0xb8;
	[tilespmem:$0x19590] =	vst v63  }
0xfd: {  	s5 =	simm.s32 $0xA590;
	v39 =	vadd.s32 v36, v39  }
0xfe: {  	[tilespmem:s5], [sflag:$0x1] =	stream.indirect_vreg.gather [hbm4b:s22+s3], $0x80, v40, vm2, $0xb8;
	[tilespmem:$0x19590] =	vst v63  }
0xff: {  	_ = 	snop  }
0x100: {  	[tilespmem:s20], [sflag:$0x1] =	stream.indirect_vreg.gather [hbm4b:s28+s3], $0x80, v40, vm2, $0xb8;
	[tilespmem:$0x19590] =	vst v63  }
0x101: {  	_ = 	snop  }
0x102: {  	[tilespmem:s11], [sflag:$0x1] =	stream.indirect_vreg.gather [hbm4b:s24+s3], $0x80, v39, vm2, $0xb8;
	[tilespmem:$0x19590] =	vst v63  }
0x103: {  	s12 =	simm.s32 $0xBD90  }
0x104: {  	[tilespmem:s12], [sflag:$0x1] =	stream.indirect_vreg.gather [hbm4b:s21+s3], $0x80, v39, vm2, $0xb8;
	[tilespmem:$0x19590] =	vst v63  }
0x105: {  	s14 =	simm.s32 $0xC590  }
0x106: {  	[tilespmem:s14], [sflag:$0x1] =	stream.indirect_vreg.gather [hbm4b:s22+s3], $0x80, v39, vm2, $0xb8;
	[tilespmem:$0x19590] =	vst v63  }
0x107: {  	s15 =	simm.s32 $0xCD90  }
0x108: {  	[tilespmem:s15], [sflag:$0x1] =	stream.indirect_vreg.gather [hbm4b:s28+s3], $0x80, v39, vm2, $0xb8;
	[tilespmem:$0x19590] =	vst v63  }
0x109: {  	v39 =	vld [tilespmem:$0x1540];
	_ =	sdelay $0x4  }
0x10a: {  	v61 =	vshll.u32 v39, $0x3  }
0x10b: {  	v39 =	vand.u32 $0x7, v39;
	v40 =	vand.u32 $0xFFFFFFC0, v61  }
0x10c: {  	v39 =	vor.u32 v39, v40  }
0x10d: {  	v40 =	vperm.xlane v39, v49;
	_ =	sdelay $0x1  }
0x10e: {  	v40 =	vadd.s32 v36, v40;
	_ =	sdelay $0x3  }
0x10f: {  	s17 =	simm.s32 $0xD590  }
0x110: {  	[tilespmem:s17], [sflag:$0x1] =	stream.indirect_vreg.gather [hbm4b:s24+s3], $0x80, v40, vm2, $0xb8;
	[tilespmem:$0x19590] =	vst v63  }
0x111: {  	s4 =	simm.s32 $0xDD90;
	v39 =	vperm.xlane v39, v51  }
0x112: {  	[tilespmem:s4], [sflag:$0x1] =	stream.indirect_vreg.gather [hbm4b:s21+s3], $0x80, v40, vm2, $0xb8;
	[tilespmem:$0x19590] =	vst v63  }
0x113: {  	s5 =	simm.s32 $0xE590;
	v39 =	vadd.s32 v36, v39  }
0x114: {  	[tilespmem:s5], [sflag:$0x1] =	stream.indirect_vreg.gather [hbm4b:s22+s3], $0x80, v40, vm2, $0xb8;
	[tilespmem:$0x19590] =	vst v63  }
0x115: {  	s11 =	simm.s32 $0xED90  }
0x116: {  	[tilespmem:s11], [sflag:$0x1] =	stream.indirect_vreg.gather [hbm4b:s28+s3], $0x80, v40, vm2, $0xb8;
	[tilespmem:$0x19590] =	vst v63  }
0x117: {  	s12 =	simm.s32 $0xF590  }
0x118: {  	[tilespmem:s12], [sflag:$0x1] =	stream.indirect_vreg.gather [hbm4b:s24+s3], $0x80, v39, vm2, $0xb8;
	[tilespmem:$0x19590] =	vst v63  }
0x119: {  	s14 =	simm.s32 $0xFD90  }
0x11a: {  	[tilespmem:s14], [sflag:$0x1] =	stream.indirect_vreg.gather [hbm4b:s21+s3], $0x80, v39, vm2, $0xb8;
	[tilespmem:$0x19590] =	vst v63  }
0x11b: {  	s15 =	simm.s32 $0x10590  }
0x11c: {  	[tilespmem:s15], [sflag:$0x1] =	stream.indirect_vreg.gather [hbm4b:s22+s3], $0x80, v39, vm2, $0xb8;
	[tilespmem:$0x19590] =	vst v63  }
0x11d: {  	s17 =	simm.s32 $0x10D90  }
0x11e: {  	[tilespmem:s17], [sflag:$0x1] =	stream.indirect_vreg.gather [hbm4b:s28+s3], $0x80, v39, vm2, $0xb8;
	[tilespmem:$0x19590] =	vst v63  }
0x11f: {  	v39 =	vld [tilespmem:$0x1550];
	_ =	sdelay $0x4  }
0x120: {  	v62 =	vshll.u32 v39, $0x3  }
0x121: {  	v39 =	vand.u32 $0x7, v39;
	v40 =	vand.u32 $0xFFFFFFC0, v62  }
0x122: {  	v39 =	vor.u32 v39, v40  }
0x123: {  	v40 =	vperm.xlane v39, v49;
	_ =	sdelay $0x1  }
0x124: {  	v40 =	vadd.s32 v36, v40;
	_ =	sdelay $0x3  }
0x125: {  	s4 =	simm.s32 $0x11590  }
0x126: {  	[tilespmem:s4], [sflag:$0x1] =	stream.indirect_vreg.gather [hbm4b:s24+s3], $0x80, v40, vm2, $0xb8;
	[tilespmem:$0x19590] =	vst v63  }
0x127: {  	s5 =	simm.s32 $0x11D90;
	v39 =	vperm.xlane v39, v51  }
0x128: {  	[tilespmem:s5], [sflag:$0x1] =	stream.indirect_vreg.gather [hbm4b:s21+s3], $0x80, v40, vm2, $0xb8;
	[tilespmem:$0x19590] =	vst v63  }
0x129: {  	s11 =	simm.s32 $0x12590;
	v39 =	vadd.s32 v36, v39  }
0x12a: {  	[tilespmem:s11], [sflag:$0x1] =	stream.indirect_vreg.gather [hbm4b:s22+s3], $0x80, v40, vm2, $0xb8;
	[tilespmem:$0x19590] =	vst v63  }
0x12b: {  	s12 =	simm.s32 $0x12D90  }
0x12c: {  	[tilespmem:s12], [sflag:$0x1] =	stream.indirect_vreg.gather [hbm4b:s28+s3], $0x80, v40, vm2, $0xb8;
	[tilespmem:$0x19590] =	vst v63  }
0x12d: {  	s14 =	simm.s32 $0x13590  }
0x12e: {  	[tilespmem:s14], [sflag:$0x1] =	stream.indirect_vreg.gather [hbm4b:s24+s3], $0x80, v39, vm2, $0xb8;
	[tilespmem:$0x19590] =	vst v63  }
0x12f: {  	s15 =	simm.s32 $0x13D90  }
0x130: {  	[tilespmem:s15], [sflag:$0x1] =	stream.indirect_vreg.gather [hbm4b:s21+s3], $0x80, v39, vm2, $0xb8;
	[tilespmem:$0x19590] =	vst v63  }
0x131: {  	s17 =	simm.s32 $0x14590  }
0x132: {  	[tilespmem:s17], [sflag:$0x1] =	stream.indirect_vreg.gather [hbm4b:s22+s3], $0x80, v39, vm2, $0xb8;
	[tilespmem:$0x19590] =	vst v63  }
0x133: {  	s4 =	simm.s32 $0x14D90  }
0x134: {  	[tilespmem:s4], [sflag:$0x1] =	stream.indirect_vreg.gather [hbm4b:s28+s3], $0x80, v39, vm2, $0xb8;
	[tilespmem:$0x19590] =	vst v63  }
0x135: {  	v39 =	vld [tilespmem:$0x1560];
	_ =	sdelay $0x4  }
0x136: {  	v63 =	vshll.u32 v39, $0x3  }
0x137: {  	v39 =	vand.u32 $0x7, v39;
	v40 =	vand.u32 $0xFFFFFFC0, v63  }
0x138: {  	v39 =	vor.u32 v39, v40  }
0x139: {  	v37 =	vperm.xlane v39, v49;
	_ =	sdelay $0x1  }
0x13a: {  	v37 =	vadd.s32 v36, v37;
	_ =	sdelay $0x3  }
0x13b: {  	s5 =	simm.s32 $0x15590  }
0x13c: {  	[tilespmem:s5], [sflag:$0x1] =	stream.indirect_vreg.gather [hbm4b:s24+s3], $0x80, v37, vm2, $0xb8;
	[tilespmem:$0x19590] =	vst v63  }
0x13d: {  	s11 =	simm.s32 $0x15D90;
	v38 =	vperm.xlane v39, v51  }
0x13e: {  	[tilespmem:s11], [sflag:$0x1] =	stream.indirect_vreg.gather [hbm4b:s21+s3], $0x80, v37, vm2, $0xb8;
	[tilespmem:$0x19590] =	vst v63  }
0x13f: {  	s12 =	simm.s32 $0x16590;
	v36 =	vadd.s32 v36, v38  }
0x140: {  	[tilespmem:s12], [sflag:$0x1] =	stream.indirect_vreg.gather [hbm4b:s22+s3], $0x80, v37, vm2, $0xb8;
	[tilespmem:$0x19590] =	vst v63  }
0x141: {  	s14 =	simm.s32 $0x16D90  }
0x142: {  	[tilespmem:s14], [sflag:$0x1] =	stream.indirect_vreg.gather [hbm4b:s28+s3], $0x80, v37, vm2, $0xb8;
	[tilespmem:$0x19590] =	vst v63  }
0x143: {  	s15 =	simm.s32 $0x17590  }
0x144: {  	[tilespmem:s15], [sflag:$0x1] =	stream.indirect_vreg.gather [hbm4b:s24+s3], $0x80, v36, vm2, $0xb8;
	[tilespmem:$0x19590] =	vst v63  }
0x145: {  	s17 =	simm.s32 $0x17D90  }
0x146: {  	[tilespmem:s17], [sflag:$0x1] =	stream.indirect_vreg.gather [hbm4b:s21+s3], $0x80, v36, vm2, $0xb8;
	[tilespmem:$0x19590] =	vst v63  }
0x147: {  	s21 =	simm.s32 $0x18590  }
0x148: {  	[tilespmem:s21], [sflag:$0x1] =	stream.indirect_vreg.gather [hbm4b:s22+s3], $0x80, v36, vm2, $0xb8;
	[tilespmem:$0x19590] =	vst v63  }
0x149: {  	s22 =	simm.s32 $0x18D90  }
0x14a: {  	[tilespmem:s22], [sflag:$0x1] =	stream.indirect_vreg.gather [hbm4b:s28+s3], $0x80, v36, vm2, $0xb8;
	[tilespmem:$0x19590] =	vst v63  }
0x14b: {  	_ =	swait.ge [sflag:s0], $0x18000  }
0x14c: {  	[sflag:s0] =	ssyncset.done $0x0  }
0x14d: {  	s13 =	simm.s32 $0x1590;
	s24 =	rddreg [dreg:$0xf];
	[sflag:s0] =	ssyncadd.s32 $0xFFFE8000  }
0x14e: {  	[hbm4b:s24+s3] =	stream.linear.scatter [tilespmem:s13], [sflag:$0x2], $0x18000, $0x38;
	[tilespmem:$0x19590] =	vst v63  }
0x14f: {  	_ =	swait.ge [sflag:s6], $0x18000  }
0x150: {  	s2 =	sadd.s32 $0x1, s2;
	s28 =	rddreg [dreg:$0x10]  }
0x151: {  	p2 =	sne.s32 s2, s28  }
.Ltmp1:
0x152: {  	_ = 	snop;
	(pc) =	sbr.rel @!p2 .LBB2_16-.Ltmp1, $4  }
0x153: {  	_ = 	snop  }
0x154: {  	[sflag:s6] =	ssyncset.done $0x0  }
0x155: {  	[sflag:s6] =	ssyncadd.s32 $0xFFFE8000  }
0x156: {  	s1 =	rddreg [dreg:$0x3]  }
.LBB2_1:
0x157: {  	s5 =	rddreg [dreg:$0x6];
	s11 =	simm.s32 $0x490  }
0x158: {  	[tilespmem:s11], [sflag:$0x2] =	stream.linear.gather [hbm4b:s5+s3], $0x100, $0x38;
	[tilespmem:$0x19590] =	vst v63  }
0x159: {  	_ =	swait.ge [sflag:s6], $0x100  }
0x15a: {  	[sflag:s6] =	ssyncset.done $0x0  }
0x15b: {  	s28 =	simm.s32 $0x590;
	s24 =	rddreg [dreg:$0x7];
	[sflag:s6] =	ssyncadd.s32 $0xFFFFFF00  }
0x15c: {  	[tilespmem:s28], [sflag:$0x2] =	stream.linear.gather [hbm4b:s24+s3], $0x100, $0x38;
	[tilespmem:$0x19590] =	vst v63  }
0x15d: {  	_ =	swait.ge [sflag:s6], $0x100  }
0x15e: {  	[sflag:s6] =	ssyncset.done $0x0  }
0x15f: {  	[sflag:s6] =	ssyncadd.s32 $0xFFFFFF00  }
0x160: {  	s11 =	simm.s32 $0x0;
	[tilespmem:$0x790] =	vst v32  }
0x161: {  	v36 =	vld [tilespmem:s11+$0x490];
	_ =	sdelay $0x4  }
0x162: {  	vm9 =	veq.s32 v36, $0x0  }
0x163: {  	vm7 =	veq.s32 v36, $0x1;
	v37 =	vsel vm9, $0x1, v32  }
0x164: {  	vm8 =	veq.s32 v36, $0x2;
	v38 =	vsel vm7, $0x1, v32;
	(xrf0) =	vadd.scan.msk.s32 $0xffff, v37  }
0x165: {  	v39 =	vsel vm8, $0x1, v32;
	v37 =	vperm.xlane v37, v33;
	(xrf0) =	vadd.scan.msk.s32 $0xffff, v38  }
0x166: {  	vm6 =	veq.s32 v36, $0x3;
	v40 =	vperm.xlane v39, v33;
	(xrf0) =	vadd.scan.msk.s32 $0xffff, v39  }
0x167: {  	vm5 =	veq.s32 v36, $0x4;
	v62 =	vsel vm6, $0x1, v32;
	v38 =	vperm.xlane v38, v33;
	(xrf0) =	vadd.scan.msk.s32 $0xffff, v37  }
0x168: {  	v41 =	vsel vm5, $0x1, v32;
	v63 =	vperm.xlane v62, v33;
	(xrf0) =	vadd.scan.msk.s32 $0xffff, v40  }
0x169: {  	v48 =	vperm.xlane v41, v33;
	(xrf0) =	vadd.scan.msk.s32 $0xffff, v38  }
0x16a: {  	vm2 =	veq.s32 v36, $0x5;
	v44, _, _ =	vpop (xrf0);
	(xrf0) =	vadd.scan.msk.s32 $0xffff, v63  }
0x16b: {  	vm3 =	veq.s32 v36, $0x6;
	v42 =	vsel vm2, $0x1, v32;
	v46, _, _ =	vpop (xrf0);
	(xrf0) =	vadd.scan.msk.s32 $0xffff, v48  }
0x16c: {  	vm4 =	veq.s32 v36, $0x7;
	v43 =	vsel vm3, $0x1, v32;
	v49 =	vperm.xlane v42, v33;
	v47, _, _ =	vpop (xrf0)  }
0x16d: {  	v45 =	vsel vm4, $0x1, v32;
	v50 =	vperm.xlane v43, v33;
	v52, _, _ =	vpop (xrf0)  }
0x16e: {  	v51 =	vperm.xlane v45, v33;
	(xrf0) =	vadd.scan.msk.s32 $0xffff, v49;
	v55, _, _ =	vpop (xrf0)  }
0x16f: {  	(xrf0) =	vadd.scan.msk.s32 $0xffff, v50;
	v58, _, _ =	vpop (xrf0)  }
0x170: {  	v53 =	vnsel vm9, $0x0, v44;
	v54 =	vnsel vm7, $0x0, v46;
	v38 =	vperm.xlane v52, v33;
	(xrf0) =	vadd.scan.msk.s32 $0xffff, v51;
	v60, _, _ =	vpop (xrf0)  }
0x171: {  	v37 =	vadd.s32 v54, v53;
	v56 =	vnsel vm8, $0x0, v47;
	v57 =	vperm.xlane v55, v33;
	(xrf0) =	vadd.scan.msk.s32 $0xffff, v62;
	v61, _, _ =	vpop (xrf0)  }
0x172: {  	vm10 =	veq.s32 v38, $0x1;
	v59 =	vperm.xlane v58, v33;
	(xrf0) =	vadd.scan.msk.s32 $0xffff, v41;
	v40 =	vperm.xlane v61, v33  }
0x173: {  	vm9 =	vmand vm9, vm10;
	vm10 =	veq.s32 v57, $0x1;
	v39 =	vperm.xlane v60, v33;
	(xrf0) =	vadd.scan.msk.s32 $0xffff, v42  }
0x174: {  	v37 =	vadd.s32 v56, v37;
	vm11 =	veq.s32 v59, $0x1;
	vm8 =	vmand vm8, vm10;
	v62, _, _ =	vpop (xrf0);
	(xrf0) =	vadd.scan.msk.s32 $0xffff, v43  }
0x175: {  	vm7 =	vmand vm7, vm11;
	vm10 =	veq.s32 v39, $0x1;
	v38 =	vperm.xlane v62, v33;
	v63, _, _ =	vpop (xrf0);
	(xrf0) =	vadd.scan.msk.s32 $0xffff, v45  }
0x176: {  	vm9 =	vmor vm9, vm7;
	vm7 =	vmand vm6, vm10;
	vm10 =	veq.s32 v40, $0x1;
	v40, _, _ =	vpop (xrf0)  }
0x177: {  	s14 =	simm.s32 $0x80;
	s5 =	simm.s32 $0x10;
	v41 =	vperm.xlane v63, v33;
	vm9 =	vmor vm9, vm8;
	vm8 =	vmand vm5, vm10;
	v39, _, _ =	vpop (xrf0)  }
.LBB2_2:
0x178: {  	p2 =	sne.s32 s14, $0x3C0;
	vm7 =	vmor vm9, vm7;
	vm9 =	veq.s32 v38, $0x1;
	v42 =	vperm.xlane v40, v33;
	v40, _, _ =	vpop (xrf0);
	s15 =	smov.u32 s14;
	s14 =	sadd.s32 $0x40, s14  }
0x179: {  	vm7 =	vmor vm7, vm8;
	vm8 =	vmand vm2, vm9;
	vm9 =	veq.s32 v41, $0x1;
	v41, _, _ =	vpop (xrf0)  }
0x17a: {  	vm7 =	vmor vm7, vm8;
	vm8 =	vmand vm3, vm9;
	vm9 =	veq.s32 v42, $0x1;
	v38, _, _ =	vpop (xrf0)  }
0x17b: {  	v39 =	vnsel vm6, $0x0, v39;
	vm6 =	vmor vm7, vm8;
	vm7 =	vmand vm4, vm9;
	v42 =	vld.idx.msk [tilespmem:v36+s30+$0x0], $0xffff;
	v43, _, _ =	vpop (xrf0)  }
0x17c: {  	v37 =	vadd.s32 v39, v37;
	v39 =	vnsel vm5, $0x0, v40;
	vm5 =	vmor vm6, vm7  }
0x17d: {  	v37 =	vadd.s32 v39, v37;
	v39 =	vnsel vm2, $0x0, v41;
	v38 =	vnsel vm3, $0x0, v38  }
0x17e: {  	v37 =	vadd.s32 v39, v37;
	v39 =	vnsel vm4, $0x0, v43  }
0x17f: {  	v37 =	vadd.s32 v38, v37  }
0x180: {  	v37 =	vadd.s32 v39, v37  }
0x181: {  	v37 =	vadd.s32 v42, v37  }
0x182: {  	[tilespmem:v36+s30+$0x0] =	vst.idx.msk vm5, v37  }
0x183: {  	v36 =	vld [tilespmem:s5+$0x490]  }
0x184: {  	v37 =	vld [tilespmem:s11+$0x590];
	_ =	sdelay $0x3  }
0x185: {  	vm7 =	veq.s32 v36, $0x1;
	vm2 =	veq.s32 v36, $0x5;
	vm3 =	veq.s32 v36, $0x6  }
0x186: {  	vm9 =	veq.s32 v36, $0x0;
	vm4 =	veq.s32 v36, $0x7;
	[tilespmem:s11+$0x690] =	vst v37;
	s11 =	smov.u32 s5  }
0x187: {  	vm8 =	veq.s32 v36, $0x2;
	vm5 =	veq.s32 v36, $0x4;
	v37 =	vsel vm9, $0x1, v32  }
0x188: {  	vm6 =	veq.s32 v36, $0x3;
	v38 =	vsel vm7, $0x1, v32;
	v39 =	vsel vm8, $0x1, v32;
	(xrf0) =	vadd.scan.msk.s32 $0xffff, v37  }
0x189: {  	v41 =	vsel vm5, $0x1, v32;
	v40 =	vperm.xlane v38, v33;
	v37 =	vperm.xlane v37, v33;
	(xrf0) =	vadd.scan.msk.s32 $0xffff, v38  }
0x18a: {  	v43 =	vsel vm2, $0x1, v32;
	v42 =	vperm.xlane v41, v33;
	v38 =	vperm.xlane v39, v33;
	(xrf0) =	vadd.scan.msk.s32 $0xffff, v39  }
0x18b: {  	v45 =	vsel vm3, $0x1, v32;
	v44 =	vperm.xlane v43, v33;
	v39 =	vsel vm6, $0x1, v32;
	(xrf0) =	vadd.scan.msk.s32 $0xffff, v37  }
0x18c: {  	v47 =	vsel vm4, $0x1, v32;
	v46 =	vperm.xlane v45, v33;
	v37 =	vperm.xlane v39, v33;
	(xrf0) =	vadd.scan.msk.s32 $0xffff, v38  }
0x18d: {  	v38 =	vperm.xlane v47, v33;
	(xrf0) =	vadd.scan.msk.s32 $0xffff, v40  }
0x18e: {  	v40, _, _ =	vpop (xrf0);
	(xrf0) =	vadd.scan.msk.s32 $0xffff, v37  }
0x18f: {  	v37 =	vnsel vm9, $0x0, v40;
	v40, _, _ =	vpop (xrf0);
	(xrf0) =	vadd.scan.msk.s32 $0xffff, v42  }
0x190: {  	v40 =	vnsel vm7, $0x0, v40;
	v42, _, _ =	vpop (xrf0);
	(xrf0) =	vadd.scan.msk.s32 $0xffff, v44  }
0x191: {  	v37 =	vadd.s32 v40, v37;
	v40 =	vnsel vm8, $0x0, v42;
	v42, _, _ =	vpop (xrf0);
	(xrf0) =	vadd.scan.msk.s32 $0xffff, v46  }
0x192: {  	v42 =	vperm.xlane v42, v33;
	v44, _, _ =	vpop (xrf0);
	(xrf0) =	vadd.scan.msk.s32 $0xffff, v38  }
0x193: {  	v38 =	vperm.xlane v44, v33;
	v44, _, _ =	vpop (xrf0);
	(xrf0) =	vadd.scan.msk.s32 $0xffff, v39  }
0x194: {  	v37 =	vadd.s32 v40, v37;
	vm10 =	veq.s32 v42, $0x1;
	v39 =	vperm.xlane v44, v33;
	v40, _, _ =	vpop (xrf0);
	(xrf0) =	vadd.scan.msk.s32 $0xffff, v41  }
.Ltmp2:
0x195: {  	vm9 =	vmand vm9, vm10;
	vm10 =	veq.s32 v38, $0x1;
	v38 =	vperm.xlane v40, v33;
	v40, _, _ =	vpop (xrf0);
	(xrf0) =	vadd.scan.msk.s32 $0xffff, v43;
	(pc) =	sbr.rel @p2 .LBB2_2-.Ltmp2, $4  }
0x196: {  	vm11 =	veq.s32 v39, $0x1;
	vm8 =	vmand vm8, vm10;
	v42 =	vperm.xlane v40, v33;
	v40, _, _ =	vpop (xrf0);
	(xrf0) =	vadd.scan.msk.s32 $0xffff, v45  }
0x197: {  	vm7 =	vmand vm7, vm11;
	vm10 =	veq.s32 v38, $0x1;
	v38 =	vperm.xlane v40, v33;
	v41, _, _ =	vpop (xrf0);
	(xrf0) =	vadd.scan.msk.s32 $0xffff, v47  }
0x198: {  	s5 =	sshra.s32 s15, $0x2;
	vm9 =	vmor vm9, vm7;
	vm7 =	vmand vm6, vm10;
	vm10 =	veq.s32 v42, $0x1;
	v40, _, _ =	vpop (xrf0)  }
0x199: {  	v41 =	vperm.xlane v41, v33;
	vm9 =	vmor vm9, vm8;
	vm8 =	vmand vm5, vm10;
	v39, _, _ =	vpop (xrf0)  }
0x19a: {  	vm7 =	vmor vm9, vm7;
	vm15 =	veq.s32 v38, $0x1;
	v57 =	vperm.xlane v40, v33  }
0x19b: {  	vm7 =	vmor vm7, vm8;
	vm12 =	vmand vm2, vm15;
	vm13 =	veq.s32 v41, $0x1  }
0x19c: {  	vm7 =	vmor vm7, vm12;
	vm14 =	vmand vm3, vm13;
	vm15 =	veq.s32 v57, $0x1  }
0x19d: {  	v58, _, _ =	vpop (xrf0);
	v39 =	vnsel vm6, $0x0, v39;
	vm10 =	vmor vm7, vm14;
	vm11 =	vmand vm4, vm15  }
0x19e: {  	v60 =	vld.idx.msk [tilespmem:v36+s30+$0x0], $0xffff;
	v59, _, _ =	vpop (xrf0);
	v37 =	vadd.s32 v39, v37;
	v38 =	vnsel vm5, $0x0, v58;
	vm12 =	vmor vm10, vm11  }
0x19f: {  	v61, _, _ =	vpop (xrf0);
	v37 =	vadd.s32 v38, v37;
	v62 =	vnsel vm2, $0x0, v59  }
0x1a0: {  	v63, _, _ =	vpop (xrf0);
	v39 =	vnsel vm3, $0x0, v61;
	v37 =	vadd.s32 v62, v37  }
0x1a1: {  	v44 =	vnsel vm4, $0x0, v63;
	v37 =	vadd.s32 v39, v37  }
0x1a2: {  	v37 =	vadd.s32 v44, v37  }
0x1a3: {  	v37 =	vadd.s32 v60, v37  }
0x1a4: {  	[tilespmem:v36+s30+$0x0] =	vst.idx.msk vm12, v37  }
0x1a5: {  	v36 =	vld [tilespmem:s5+$0x490];
	_ =	sdelay $0x4  }
0x1a6: {  	vm13 =	veq.s32 v36, $0x0  }
0x1a7: {  	vm14 =	veq.s32 v36, $0x1;
	v45 =	vsel vm13, $0x1, v32  }
0x1a8: {  	vm15 =	veq.s32 v36, $0x2;
	v46 =	vsel vm14, $0x1, v32;
	(xrf0) =	vadd.scan.msk.s32 $0xffff, v45  }
0x1a9: {  	v47 =	vsel vm15, $0x1, v32;
	v37 =	vperm.xlane v45, v33;
	(xrf0) =	vadd.scan.msk.s32 $0xffff, v46  }
0x1aa: {  	vm4 =	veq.s32 v36, $0x3;
	v48 =	vperm.xlane v47, v33;
	(xrf0) =	vadd.scan.msk.s32 $0xffff, v47  }
0x1ab: {  	vm3 =	veq.s32 v36, $0x4;
	v49 =	vsel vm4, $0x1, v32;
	v38 =	vperm.xlane v46, v33;
	(xrf0) =	vadd.scan.msk.s32 $0xffff, v37  }
0x1ac: {  	vm2 =	veq.s32 v36, $0x5;
	v50 =	vperm.xlane v49, v33;
	v37 =	vsel vm3, $0x1, v32;
	(xrf0) =	vadd.scan.msk.s32 $0xffff, v48  }
0x1ad: {  	v42 =	vsel vm2, $0x1, v32;
	v51 =	vperm.xlane v37, v33;
	(xrf0) =	vadd.scan.msk.s32 $0xffff, v38  }
0x1ae: {  	vm5 =	veq.s32 v36, $0x6;
	v52 =	vperm.xlane v42, v33;
	v43, _, _ =	vpop (xrf0);
	(xrf0) =	vadd.scan.msk.s32 $0xffff, v50  }
0x1af: {  	vm6 =	veq.s32 v36, $0x7;
	v41 =	vsel vm5, $0x1, v32;
	v44, _, _ =	vpop (xrf0);
	(xrf0) =	vadd.scan.msk.s32 $0xffff, v51  }
0x1b0: {  	v53 =	vperm.xlane v41, v33;
	v45 =	vsel vm6, $0x1, v32;
	v46, _, _ =	vpop (xrf0);
	(xrf0) =	vadd.scan.msk.s32 $0xffff, v52  }
0x1b1: {  	v54 =	vperm.xlane v45, v33;
	v47, _, _ =	vpop (xrf0)  }
0x1b2: {  	v43 =	vnsel vm13, $0x0, v43;
	v44 =	vnsel vm14, $0x0, v44;
	(xrf0) =	vadd.scan.msk.s32 $0xffff, v53;
	v55 =	vperm.xlane v47, v33;
	v56, _, _ =	vpop (xrf0)  }
0x1b3: {  	v43 =	vadd.s32 v44, v43;
	v57 =	vnsel vm15, $0x0, v46;
	(xrf0) =	vadd.scan.msk.s32 $0xffff, v54;
	v58 =	vperm.xlane v56, v33;
	v59, _, _ =	vpop (xrf0)  }
0x1b4: {  	v43 =	vadd.s32 v57, v43;
	vm10 =	veq.s32 v55, $0x1;
	v60 =	vperm.xlane v59, v33;
	v61, _, _ =	vpop (xrf0)  }
0x1b5: {  	vm9 =	vmand vm13, vm10;
	vm12 =	veq.s32 v58, $0x1;
	v62 =	vperm.xlane v61, v33;
	v63, _, _ =	vpop (xrf0)  }
0x1b6: {  	(xrf0) =	vadd.scan.msk.s32 $0xffff, v49;
	vm11 =	veq.s32 v60, $0x1;
	vm8 =	vmand vm15, vm12;
	v48 =	vperm.xlane v63, v33;
	v49, _, _ =	vpop (xrf0)  }
0x1b7: {  	(xrf0) =	vadd.scan.msk.s32 $0xffff, v37;
	vm7 =	vmand vm14, vm11;
	vm13 =	veq.s32 v62, $0x1;
	v50 =	vperm.xlane v49, v33  }
0x1b8: {  	v51 =	vld [tilespmem:s11+$0x590];
	(xrf0) =	vadd.scan.msk.s32 $0xffff, v42;
	v52, _, _ =	vpop (xrf0);
	vm7 =	vmor vm9, vm7;
	vm14 =	vmand vm4, vm13;
	vm15 =	veq.s32 v48, $0x1  }
0x1b9: {  	(xrf0) =	vadd.scan.msk.s32 $0xffff, v41;
	v53, _, _ =	vpop (xrf0);
	v40 =	vperm.xlane v52, v33;
	vm7 =	vmor vm7, vm8;
	vm12 =	vmand vm3, vm15  }
0x1ba: {  	(xrf0) =	vadd.scan.msk.s32 $0xffff, v45;
	vm13 =	veq.s32 v50, $0x1;
	v54 =	vperm.xlane v53, v33;
	vm7 =	vmor vm7, vm14  }
0x1bb: {  	vm14 =	vmand vm2, vm13;
	vm15 =	veq.s32 v40, $0x1;
	vm7 =	vmor vm7, vm12  }
0x1bc: {  	v55, _, _ =	vpop (xrf0);
	vm12 =	vmand vm5, vm15;
	vm13 =	veq.s32 v54, $0x1;
	vm7 =	vmor vm7, vm14  }
0x1bd: {  	[tilespmem:s11+$0x690] =	vst v51;
	v56, _, _ =	vpop (xrf0);
	v57 =	vnsel vm4, $0x0, v55;
	vm15 =	vmand vm6, vm13;
	vm14 =	vmor vm7, vm12  }
0x1be: {  	v59 =	vld.idx.msk [tilespmem:v36+s30+$0x0], $0xffff;
	v58, _, _ =	vpop (xrf0);
	v38 =	vadd.s32 v57, v43;
	v37 =	vnsel vm3, $0x0, v56;
	vm3 =	vmor vm14, vm15  }
0x1bf: {  	v41, _, _ =	vpop (xrf0);
	v37 =	vadd.s32 v37, v38;
	v60 =	vnsel vm2, $0x0, v58  }
0x1c0: {  	v61, _, _ =	vpop (xrf0);
	v41 =	vnsel vm5, $0x0, v41;
	v37 =	vadd.s32 v60, v37  }
0x1c1: {  	v62 =	vnsel vm6, $0x0, v61;
	v37 =	vadd.s32 v41, v37  }
0x1c2: {  	v37 =	vadd.s32 v62, v37  }
0x1c3: {  	v37 =	vadd.s32 v59, v37  }
0x1c4: {  	[tilespmem:v36+s30+$0x0] =	vst.idx.msk vm3, v37  }
0x1c5: {  	v36 =	vld [tilespmem:s5+$0x590];
	_ =	sdelay $0x4  }
0x1c6: {  	s15 =	rddreg [dreg:$0x8];
	[tilespmem:s5+$0x690] =	vst v36  }
0x1c7: {  	[spmem:s15] =	stream.linear.scatter [tilespmem:s30], [sflag:$0x2], $0x10, $0x38;
	[tilespmem:$0x19590] =	vst v63  }
0x1c8: {  	_ =	swait.ge [sflag:s6], $0x10  }
0x1c9: {  	[sflag:s6] =	ssyncset.done $0x0  }
0x1ca: {  	[sflag:s6] =	ssyncadd.s32 $0xFFFFFFF0  }
0x1cb: {  	[tilespmem:$0x1190] =	vst v32  }
0x1cc: {  	[tilespmem:$0x11A0] =	vst v32  }
0x1cd: {  	[tilespmem:$0x11B0] =	vst v32  }
0x1ce: {  	[tilespmem:$0x11C0] =	vst v32  }
0x1cf: {  	[tilespmem:$0x11D0] =	vst v32  }
0x1d0: {  	[tilespmem:$0x11E0] =	vst v32  }
0x1d1: {  	[tilespmem:$0x11F0] =	vst v32  }
0x1d2: {  	[tilespmem:$0x1200] =	vst v32  }
0x1d3: {  	[tilespmem:$0x1210] =	vst v32  }
0x1d4: {  	[tilespmem:$0x1220] =	vst v32  }
0x1d5: {  	[tilespmem:$0x1230] =	vst v32  }
0x1d6: {  	[tilespmem:$0x1240] =	vst v32  }
0x1d7: {  	[tilespmem:$0x1250] =	vst v32  }
0x1d8: {  	[tilespmem:$0x1260] =	vst v32  }
0x1d9: {  	[tilespmem:$0x1270] =	vst v32  }
0x1da: {  	[tilespmem:$0x1280] =	vst v32  }
0x1db: {  	[tilespmem:$0x1290] =	vst v32  }
0x1dc: {  	[tilespmem:$0x12A0] =	vst v32  }
0x1dd: {  	[tilespmem:$0x12B0] =	vst v32  }
0x1de: {  	[tilespmem:$0x12C0] =	vst v32  }
0x1df: {  	[tilespmem:$0x12D0] =	vst v32  }
0x1e0: {  	[tilespmem:$0x12E0] =	vst v32  }
0x1e1: {  	[tilespmem:$0x12F0] =	vst v32  }
0x1e2: {  	s4 =	simm.s32 $0x1190;
	s17 =	rddreg [dreg:$0x9];
	[tilespmem:$0x1300] =	vst v32  }
0x1e3: {  	[spmem:s17] =	stream.linear.scatter [tilespmem:s4], [sflag:$0x2], $0x180, $0x38;
	[tilespmem:$0x19590] =	vst v63  }
0x1e4: {  	_ =	swait.ge [sflag:s6], $0x180  }
0x1e5: {  	[sflag:s6] =	ssyncset.done $0x0  }
0x1e6: {  	s21 =	rddreg [dreg:$0xa];
	[sflag:s6] =	ssyncadd.s32 $0xFFFFFE80  }
0x1e7: {  	[spmem:s21] =	stream.linear.scatter [tilespmem:s4], [sflag:$0x2], $0x180, $0x38;
	[tilespmem:$0x19590] =	vst v63  }
0x1e8: {  	_ =	swait.ge [sflag:s6], $0x180  }
0x1e9: {  	[sflag:s6] =	ssyncset.done $0x0  }
0x1ea: {  	[sflag:s6] =	ssyncadd.s32 $0xFFFFFE80  }
0x1eb: {  	[tilespmem:$0x1190] =	vst v34  }
0x1ec: {  	[tilespmem:$0x11A0] =	vst v34  }
0x1ed: {  	[tilespmem:$0x11B0] =	vst v34  }
0x1ee: {  	[tilespmem:$0x11C0] =	vst v34  }
0x1ef: {  	[tilespmem:$0x11D0] =	vst v34  }
0x1f0: {  	[tilespmem:$0x11E0] =	vst v34  }
0x1f1: {  	[tilespmem:$0x11F0] =	vst v34  }
0x1f2: {  	[tilespmem:$0x1200] =	vst v34  }
0x1f3: {  	[tilespmem:$0x1210] =	vst v34  }
0x1f4: {  	[tilespmem:$0x1220] =	vst v34  }
0x1f5: {  	[tilespmem:$0x1230] =	vst v34  }
0x1f6: {  	[tilespmem:$0x1240] =	vst v34  }
0x1f7: {  	[tilespmem:$0x1250] =	vst v34  }
0x1f8: {  	[tilespmem:$0x1260] =	vst v34  }
0x1f9: {  	[tilespmem:$0x1270] =	vst v34  }
0x1fa: {  	[tilespmem:$0x1280] =	vst v34  }
0x1fb: {  	[tilespmem:$0x1290] =	vst v34  }
0x1fc: {  	[tilespmem:$0x12A0] =	vst v34  }
0x1fd: {  	[tilespmem:$0x12B0] =	vst v34  }
0x1fe: {  	[tilespmem:$0x12C0] =	vst v34  }
0x1ff: {  	[tilespmem:$0x12D0] =	vst v34  }
0x200: {  	[tilespmem:$0x12E0] =	vst v34  }
0x201: {  	[tilespmem:$0x12F0] =	vst v34  }
0x202: {  	s22 =	rddreg [dreg:$0xb];
	[tilespmem:$0x1300] =	vst v34  }
0x203: {  	[spmem:s22] =	stream.linear.scatter [tilespmem:s4], [sflag:$0x2], $0x180, $0x38;
	[tilespmem:$0x19590] =	vst v63  }
0x204: {  	_ =	swait.ge [sflag:s6], $0x180  }
0x205: {  	[sflag:s6] =	ssyncset.done $0x0  }
0x206: {  	[sflag:s6] =	ssyncadd.s32 $0xFFFFFE80  }
0x207: {  	s24 =	simm.s32 $0x810;
	[bflag:$0x0] =	sbarrier.arrive $0xFFFF  }
0x208: {  	[tilespmem:s24], [sflag:$0x2] =	stream.linear.gather [spmem:s1], $0x100, $0x38;
	[tilespmem:$0x19590] =	vst v63  }
0x209: {  	_ =	swait.ge [sflag:s6], $0x100  }
0x20a: {  	[sflag:s6] =	ssyncset.done $0x0  }
0x20b: {  	[sflag:s6] =	ssyncadd.s32 $0xFFFFFF00  }
0x20c: {  	v36 =	vld [tilespmem:$0x810]  }
0x20d: {  	v37 =	vld [tilespmem:$0x820]  }
0x20e: {  	v38 =	vld [tilespmem:$0x830]  }
0x20f: {  	v39 =	vld [tilespmem:$0x840]  }
0x210: {  	v63 =	vld [tilespmem:$0x850]  }
0x211: {  	v56 =	vld [tilespmem:$0x860]  }
0x212: {  	v57 =	vld [tilespmem:$0x870];
	v58 =	vadd.s32 v37, v36  }
0x213: {  	v59 =	vld [tilespmem:$0x880];
	v43 =	vadd.s32 v38, v58  }
0x214: {  	v60 =	vld [tilespmem:$0x890];
	v43 =	vadd.s32 v39, v43  }
0x215: {  	v61 =	vld [tilespmem:$0x8A0];
	v43 =	vadd.s32 v63, v43  }
0x216: {  	v62 =	vld [tilespmem:$0x8B0];
	v43 =	vadd.s32 v56, v43  }
0x217: {  	v48 =	vld [tilespmem:$0x8C0];
	v43 =	vadd.s32 v57, v43  }
0x218: {  	v49 =	vld [tilespmem:$0x8D0];
	v43 =	vadd.s32 v59, v43  }
0x219: {  	v50 =	vld [tilespmem:$0x8E0];
	v43 =	vadd.s32 v60, v43  }
0x21a: {  	v51 =	vld [tilespmem:$0x8F0];
	v43 =	vadd.s32 v61, v43  }
0x21b: {  	v52 =	vld [tilespmem:$0x900];
	v36 =	vmul.u32 v0, v36;
	v37 =	vmul.u32 v1, v37;
	v43 =	vadd.s32 v62, v43  }
0x21c: {  	v40 =	vmul.u32 v4, v63;
	v41 =	vmul.u32 v5, v56;
	v43 =	vadd.s32 v48, v43  }
0x21d: {  	v42 =	vmul.u32 v6, v57;
	v38 =	vmul.u32 v2, v38;
	v43 =	vadd.s32 v49, v43  }
0x21e: {  	v39 =	vmul.u32 v3, v39;
	v36 =	vadd.s32 v36, v37;
	v43 =	vadd.s32 v50, v43  }
0x21f: {  	v44 =	vmul.u32 v7, v59;
	v36 =	vadd.s32 v38, v36;
	v43 =	vadd.s32 v51, v43  }
0x220: {  	v63 =	vmul.u32 v8, v60;
	v36 =	vadd.s32 v39, v36;
	v43 =	vadd.s32 v52, v43  }
0x221: {  	v56 =	vmul.u32 v9, v61;
	v36 =	vadd.s32 v40, v36;
	v43 =	vadd.s32 $0xFF, v43  }
0x222: {  	v36 =	vadd.s32 v41, v36;
	v52 =	vshra.s32 v43, $0x1F;
	v54 =	vand.u32 $0xFF, v43  }
0x223: {  	vm2 =	vlt.s32 v43, $0x1;
	v53 =	vshrl.u32 v52, $0x18;
	vm3 =	vne.s32 v54, $0x0  }
0x224: {  	v36 =	vadd.s32 v42, v36;
	v38 =	vadd.s32 v53, v43;
	vm2 =	vmand vm2, vm3  }
0x225: {  	v36 =	vadd.s32 v44, v36;
	v38 =	vshrl.u32 v38, $0x8;
	v55 =	vsel vm2, $0xFFFFFFFF, v32  }
0x226: {  	v57 =	vmul.u32 v10, v62;
	v36 =	vadd.s32 v63, v36;
	v38 =	vadd.s32 v55, v38  }
0x227: {  	v36 =	vadd.s32 v56, v36;
	v38 =	vshll.u32 v38, $0x8  }
0x228: {  	v58 =	vmul.u32 v11, v48;
	v39 =	vadd.s32 v57, v36;
	(xrf0) =	vadd.scan.msk.s32 $0xffff, v38;
	v36 =	vshra.s32 v38, $0x8  }
0x229: {  	v59 =	vmul.u32 v12, v49;
	(xrf0) =	vadd.scan.msk.s32 $0xffff, v36  }
0x22a: {  	v60 =	vmul.u32 v14, v50;
	v37 =	vadd.s32 v58, v39  }
0x22b: {  	v61 =	vmul.u32 v15, v51;
	v37 =	vadd.s32 v59, v37  }
0x22c: {  	v37 =	vadd.s32 v60, v37  }
0x22d: {  	v37 =	vadd.s32 v61, v37  }
0x22e: {  	s28 =	simm.s32 $0x0;
	v37 =	vsub.s32 v37, v38;
	v62, _, _ =	vpop (xrf0)  }
0x22f: {  	[tilespmem:$0x1490] =	vst v35;
	vm2 =	vgt.s32 v36, s28;
	v37 =	vadd.s32 v62, v37;
	v63, _, _ =	vpop (xrf0)  }
0x230: {  	vm2 =	vmand vm2, vm0;
	[tilespmem:$0x910] =	vst v37;
	v37 =	vsub.s32 v63, v36  }
0x231: {  	s5 =	simm.s32 $0x1;
	[tilespmem:$0x14A0] =	vst v35;
	v38 =	vadd.s32 s28, v37  }
.LBB2_4:
0x232: {  	p2 =	sne.s32 s5, $0xF  }
.Ltmp3:
0x233: {  	_ = 	snop;
	(pc) =	sbr.rel @p2 .LBB2_4-.Ltmp3, $4  }
0x234: {  	_ = 	snop  }
0x235: {  	vm3 =	vgt.s32 v36, s5;
	s11 =	smov.u32 s5;
	s5 =	sadd.s32 $0x1, s5  }
0x236: {  	[tilespmem:v38+s26+$0x0] =	vst.idx.msk vm2, v13;
	vm2 =	vmand vm3, vm0  }
0x237: {  	v38 =	vadd.s32 s11, v37  }
0x238: {  	_ =	sdelay $0x4  }
0x239: {  	[tilespmem:v38+s26+$0x0] =	vst.idx.msk vm2, v13;
	s5 =	simm.s32 @!p1 $0x0;
	s11 =	simm.s32 @!p1 $0x1490;
	s12 =	rddreg [dreg:$0x5]  }
0x23a: {  	[hbm4b:s12+s5] =	stream.linear.scatter @!p1 [tilespmem:s11], [sflag:$0x2], $0x80, $0x38;
	[tilespmem:$0x19590] =	vst v63  }
0x23b: {  	s5 =	simm.s32 @!p1 $0x2  }
0x23c: {  	_ =	swait.ge @!p1 [sflag:s5], $0x80  }
0x23d: {  	[sflag:s5] =	ssyncset.done @!p1 $0x0  }
0x23e: {  	s11 =	simm.s32 $0x0;
	[sflag:s5] =	ssyncadd.s32 @!p1 $0xFFFFFF80  }
0x23f: {  	v37 =	vld [tilespmem:s11+$0x490];
	_ =	sdelay $0x4  }
0x240: {  	vm8 =	veq.s32 v37, $0x1;
	vm2 =	veq.s32 v37, $0x5  }
0x241: {  	s4 =	rddreg [dreg:$0x16];
	vm9 =	veq.s32 v37, $0x0;
	v60 =	vsel vm8, $0x1, v32;
	v39 =	vsel vm2, $0x1, v32  }
0x242: {  	v36 =	vmov s4;
	v61 =	vsel vm9, $0x1, v32;
	v40 =	vperm.xlane v39, v33;
	(xrf0) =	vadd.scan.msk.s32 $0xffff, v60  }
0x243: {  	v55 =	vshrl.u32 v28, $0x1;
	s5 =	sadd.s32 $0x10, s4;
	vm3 =	veq.s32 v36, v13;
	v41 =	vperm.xlane v61, v33;
	(xrf0) =	vadd.scan.msk.s32 $0xffff, v61  }
0x244: {  	v48 =	vmov s5;
	vm7 =	veq.s32 v37, $0x2;
	v62 =	vperm.xlane v60, v33;
	(xrf0) =	vadd.scan.msk.s32 $0xffff, v40  }
0x245: {  	vm10 =	vmand vm3, vm1;
	vm6 =	veq.s32 v37, $0x3;
	v63 =	vsel vm7, $0x1, v32;
	(xrf0) =	vadd.scan.msk.s32 $0xffff, v41  }
0x246: {  	vm4 =	veq.s32 v37, $0x4;
	v42 =	vsel vm6, $0x1, v32;
	v52 =	vperm.xlane v63, v33;
	(xrf0) =	vadd.scan.msk.s32 $0xffff, v62  }
0x247: {  	vm3 =	veq.s32 v37, $0x7;
	v43 =	vsel vm4, $0x1, v32;
	v53 =	vperm.xlane v42, v33  }
0x248: {  	vm5 =	veq.s32 v37, $0x6;
	v44 =	vsel vm3, $0x1, v32;
	v54 =	vperm.xlane v43, v33;
	(xrf0) =	vadd.scan.msk.s32 $0xffff, v52;
	v47, _, _ =	vpop (xrf0)  }
0x249: {  	v57 =	vor.u32 s5, v13;
	v46 =	vsel vm5, $0x1, v32;
	v45 =	vperm.xlane v44, v33;
	(xrf0) =	vadd.scan.msk.s32 $0xffff, v53;
	v50, _, _ =	vpop (xrf0)  }
0x24a: {  	vm12 =	veq.s32 v48, v13;
	v56 =	vsel vm10, $0xFFFFFFFF, v32;
	v49 =	vperm.xlane v46, v33;
	(xrf0) =	vadd.scan.msk.s32 $0xffff, v54;
	v58, _, _ =	vpop (xrf0)  }
0x24b: {  	vm10 =	vmand vm12, vm1;
	v36 =	vadd.s32 v56, v55;
	v40 =	vshrl.u32 v57, $0x1;
	(xrf0) =	vadd.scan.msk.s32 $0xffff, v45;
	v60, _, _ =	vpop (xrf0)  }
0x24c: {  	v59 =	vnsel vm8, $0x0, v47;
	(xrf0) =	vadd.scan.msk.s32 $0xffff, v49;
	v41 =	vperm.xlane v58, v33;
	v47 =	vperm.xlane v60, v33;
	v62, _, _ =	vpop (xrf0)  }
0x24d: {  	v61 =	vnsel vm9, $0x0, v50;
	v49 =	vsel vm10, $0xFFFFFFFF, v32;
	(xrf0) =	vadd.scan.msk.s32 $0xffff, v63;
	v38 =	vperm.xlane v62, v33  }
0x24e: {  	v45 =	vadd.s32 v59, v61;
	v63, _, _ =	vpop (xrf0);
	(xrf0) =	vadd.scan.msk.s32 $0xffff, v42;
	vm13 =	veq.s32 v41, $0x1;
	vm11 =	veq.s32 v47, $0x1  }
0x24f: {  	v50 =	vperm.xlane v63, v33;
	v51, _, _ =	vpop (xrf0);
	(xrf0) =	vadd.scan.msk.s32 $0xffff, v43;
	vm10 =	vmand vm2, vm13;
	vm14 =	veq.s32 v38, $0x1  }
0x250: {  	vm9 =	vmand vm9, vm11;
	v52, _, _ =	vpop (xrf0);
	(xrf0) =	vadd.scan.msk.s32 $0xffff, v46;
	v42 =	vperm.xlane v51, v33;
	vm8 =	vmand vm8, vm14  }
0x251: {  	vm15 =	veq.s32 v50, $0x1;
	(xrf0) =	vadd.scan.msk.s32 $0xffff, v39;
	v53, _, _ =	vpop (xrf0);
	v38 =	vperm.xlane v52, v33;
	vm8 =	vmor vm9, vm8  }
0x252: {  	vm12 =	vmand vm7, vm15;
	v54, _, _ =	vpop (xrf0);
	vm13 =	veq.s32 v42, $0x1;
	(xrf0) =	vadd.scan.msk.s32 $0xffff, v44;
	v39 =	vperm.xlane v53, v33  }
0x253: {  	vm8 =	vmor vm8, vm12;
	v41 =	vperm.xlane v54, v33;
	v55, _, _ =	vpop (xrf0);
	vm14 =	vmand vm6, vm13  }
0x254: {  	v42 =	vnsel vm7, $0x0, v55;
	vm7 =	veq.s32 v38, $0x1;
	v56, _, _ =	vpop (xrf0);
	vm8 =	vmor vm8, vm14  }
0x255: {  	vm7 =	vmand vm4, vm7;
	v57, _, _ =	vpop (xrf0);
	v38 =	vnsel vm6, $0x0, v56;
	v42 =	vadd.s32 v42, v45  }
0x256: {  	vm15 =	veq.s32 v41, $0x1;
	v58, _, _ =	vpop (xrf0);
	vm6 =	vmor vm8, vm7;
	v38 =	vadd.s32 v38, v42  }
0x257: {  	v41 =	vnsel vm4, $0x0, v57;
	vm4 =	vmand vm5, vm15;
	v59, _, _ =	vpop (xrf0);
	v43 =	vnsel vm5, $0x0, v58  }
0x258: {  	vm5 =	veq.s32 v39, $0x1;
	v61 =	vnsel vm2, $0x0, v59;
	vm2 =	vmor vm6, vm10;
	v62, _, _ =	vpop (xrf0)  }
0x259: {  	v60 =	vld.idx.msk [tilespmem:v37+s29+$0x0], $0xffff;
	v63 =	vnsel vm3, $0x0, v62;
	vm2 =	vmor vm2, vm4;
	vm3 =	vmand vm3, vm5  }
0x25a: {  	v38 =	vadd.s32 v41, v38;
	vm4 =	vmor vm2, vm3  }
0x25b: {  	v38 =	vadd.s32 v61, v38  }
0x25c: {  	v38 =	vadd.s32 v43, v38  }
0x25d: {  	v39 =	vadd.s32 v63, v38  }
0x25e: {  	s15 =	simm.s32 $0x80;
	s14 =	simm.s32 $0x10;
	v38 =	vadd.s32 v49, v40;
	v39 =	vadd.s32 v60, v39  }
.LBB2_6:
0x25f: {  	p2 =	sne.s32 s15, $0xC0  }
0x260: {  	s5 =	sadd.s32 $0x10, s5;
	[tilespmem:v37+s29+$0x0] =	vst.idx.msk vm4, v39;
	s12 =	smov.u32 s15;
	s15 =	sadd.s32 $0x40, s15  }
0x261: {  	v40 =	vmov s5;
	v41 =	vor.u32 s5, v13;
	v37 =	vld [tilespmem:s14+$0x490];
	[tilespmem:s11+$0xB90] =	vst v36;
	v36 =	vmov v38  }
0x262: {  	s12 =	sshra.s32 s12, $0x2;
	vm2 =	veq.s32 v40, v13  }
0x263: {  	v38 =	vadd.s32 $0xFF, v39;
	v40 =	vadd.s32 $0x18FF, v39;
	v39 =	vadd.s32 $0x30FF, v39  }
0x264: {  	vm2 =	vmand vm2, vm1;
	[tilespmem:s11+$0x990] =	vst v38  }
0x265: {  	v38 =	vshrl.u32 v41, $0x1;
	v41 =	vsel vm2, $0xFFFFFFFF, v32;
	[tilespmem:s11+$0xF90] =	vst v39  }
0x266: {  	vm9 =	veq.s32 v37, $0x0;
	vm8 =	veq.s32 v37, $0x1;
	vm2 =	veq.s32 v37, $0x5;
	[tilespmem:s11+$0xD90] =	vst v40;
	s11 =	smov.u32 s14;
	s14 =	smov.u32 s12  }
0x267: {  	vm5 =	veq.s32 v37, $0x2;
	v39 =	vsel vm8, $0x1, v32;
	v40 =	vsel vm2, $0x1, v32  }
0x268: {  	vm3 =	veq.s32 v37, $0x7;
	v42 =	vsel vm9, $0x1, v32;
	v43 =	vperm.xlane v40, v33;
	(xrf0) =	vadd.scan.msk.s32 $0xffff, v39  }
0x269: {  	v45 =	vsel vm3, $0x1, v32;
	v44 =	vperm.xlane v42, v33;
	v39 =	vperm.xlane v39, v33;
	(xrf0) =	vadd.scan.msk.s32 $0xffff, v42  }
0x26a: {  	vm7 =	veq.s32 v37, $0x3;
	v46 =	vperm.xlane v45, v33;
	v42 =	vsel vm5, $0x1, v32;
	(xrf0) =	vadd.scan.msk.s32 $0xffff, v43  }
0x26b: {  	vm4 =	veq.s32 v37, $0x4;
	v47 =	vsel vm7, $0x1, v32;
	v43 =	vperm.xlane v42, v33;
	(xrf0) =	vadd.scan.msk.s32 $0xffff, v44  }
0x26c: {  	v38 =	vadd.s32 v41, v38;
	v41 =	vperm.xlane v47, v33;
	v44 =	vsel vm4, $0x1, v32;
	(xrf0) =	vadd.scan.msk.s32 $0xffff, v39  }
0x26d: {  	vm6 =	veq.s32 v37, $0x6;
	v39 =	vperm.xlane v44, v33;
	(xrf0) =	vadd.scan.msk.s32 $0xffff, v43  }
0x26e: {  	v43 =	vsel vm6, $0x1, v32;
	v48, _, _ =	vpop (xrf0);
	(xrf0) =	vadd.scan.msk.s32 $0xffff, v41  }
0x26f: {  	v41 =	vnsel vm8, $0x0, v48;
	v48 =	vperm.xlane v43, v33;
	v49, _, _ =	vpop (xrf0);
	(xrf0) =	vadd.scan.msk.s32 $0xffff, v39  }
0x270: {  	v39 =	vnsel vm9, $0x0, v49;
	v49, _, _ =	vpop (xrf0);
	(xrf0) =	vadd.scan.msk.s32 $0xffff, v46  }
0x271: {  	v50 =	vperm.xlane v49, v33;
	v49, _, _ =	vpop (xrf0);
	(xrf0) =	vadd.scan.msk.s32 $0xffff, v48  }
0x272: {  	v48 =	vperm.xlane v49, v33;
	v49, _, _ =	vpop (xrf0);
	(xrf0) =	vadd.scan.msk.s32 $0xffff, v42  }
0x273: {  	v39 =	vadd.s32 v41, v39;
	v42 =	vperm.xlane v49, v33;
	vm10 =	veq.s32 v50, $0x1;
	v41, _, _ =	vpop (xrf0);
	(xrf0) =	vadd.scan.msk.s32 $0xffff, v47  }
0x274: {  	vm11 =	veq.s32 v48, $0x1;
	v41 =	vperm.xlane v41, v33;
	vm10 =	vmand vm2, vm10;
	v46, _, _ =	vpop (xrf0);
	(xrf0) =	vadd.scan.msk.s32 $0xffff, v44  }
0x275: {  	vm9 =	vmand vm9, vm11;
	vm11 =	veq.s32 v42, $0x1;
	v46 =	vperm.xlane v46, v33;
	v44, _, _ =	vpop (xrf0);
	(xrf0) =	vadd.scan.msk.s32 $0xffff, v43  }
0x276: {  	vm8 =	vmand vm8, vm11;
	vm11 =	veq.s32 v41, $0x1;
	v44 =	vperm.xlane v44, v33;
	(xrf0) =	vadd.scan.msk.s32 $0xffff, v40;
	v40, _, _ =	vpop (xrf0)  }
0x277: {  	vm8 =	vmor vm9, vm8;
	vm9 =	vmand vm5, vm11;
	vm11 =	veq.s32 v46, $0x1;
	v42, _, _ =	vpop (xrf0);
	(xrf0) =	vadd.scan.msk.s32 $0xffff, v45  }
0x278: {  	vm8 =	vmor vm8, vm9;
	vm9 =	vmand vm7, vm11;
	v45 =	vperm.xlane v42, v33;
	v43, _, _ =	vpop (xrf0)  }
0x279: {  	v43 =	vnsel vm5, $0x0, v43;
	vm5 =	vmor vm8, vm9;
	vm8 =	veq.s32 v44, $0x1;
	v41, _, _ =	vpop (xrf0)  }
0x27a: {  	vm8 =	vmand vm4, vm8;
	vm9 =	veq.s32 v45, $0x1;
	v45 =	vperm.xlane v40, v33;
	v42, _, _ =	vpop (xrf0)  }
0x27b: {  	v41 =	vnsel vm7, $0x0, v41;
	vm5 =	vmor vm5, vm8;
	vm7 =	vmand vm6, vm9;
	v44, _, _ =	vpop (xrf0)  }
0x27c: {  	v39 =	vadd.s32 v43, v39;
	vm5 =	vmor vm5, vm10;
	vm8 =	veq.s32 v45, $0x1;
	v40, _, _ =	vpop (xrf0)  }
0x27d: {  	v39 =	vadd.s32 v41, v39;
	vm5 =	vmor vm5, vm7;
	vm7 =	vmand vm3, vm8;
	v41 =	vld.idx.msk [tilespmem:v37+s29+$0x0], $0xffff;
	v43, _, _ =	vpop (xrf0)  }
0x27e: {  	v42 =	vnsel vm4, $0x0, v42;
	v44 =	vnsel vm6, $0x0, v44;
	vm4 =	vmor vm5, vm7  }
.Ltmp4:
0x27f: {  	v39 =	vadd.s32 v42, v39;
	v40 =	vnsel vm2, $0x0, v40;
	v42 =	vnsel vm3, $0x0, v43;
	(pc) =	sbr.rel @p2 .LBB2_6-.Ltmp4, $4  }
0x280: {  	v39 =	vadd.s32 v40, v39  }
0x281: {  	v39 =	vadd.s32 v44, v39  }
0x282: {  	v39 =	vadd.s32 v42, v39  }
0x283: {  	v39 =	vadd.s32 v41, v39  }
0x284: {  	_ =	sdelay $0x4  }
0x285: {  	[tilespmem:v37+s29+$0x0] =	vst.idx.msk vm4, v39  }
0x286: {  	v37 =	vld [tilespmem:s14+$0x490];
	_ =	sdelay $0x4  }
0x287: {  	vm8 =	veq.s32 v37, $0x1;
	vm2 =	veq.s32 v37, $0x5  }
0x288: {  	vm9 =	veq.s32 v37, $0x0;
	v40 =	vsel vm8, $0x1, v32;
	v41 =	vsel vm2, $0x1, v32  }
0x289: {  	v42 =	vsel vm9, $0x1, v32;
	v43 =	vperm.xlane v41, v33;
	(xrf0) =	vadd.scan.msk.s32 $0xffff, v40  }
0x28a: {  	vm7 =	veq.s32 v37, $0x2;
	v44 =	vperm.xlane v42, v33;
	(xrf0) =	vadd.scan.msk.s32 $0xffff, v42  }
0x28b: {  	v54 =	vsel vm7, $0x1, v32;
	v40 =	vperm.xlane v40, v33;
	(xrf0) =	vadd.scan.msk.s32 $0xffff, v43  }
0x28c: {  	vm6 =	veq.s32 v37, $0x3;
	v55 =	vperm.xlane v54, v33;
	(xrf0) =	vadd.scan.msk.s32 $0xffff, v44  }
0x28d: {  	vm4 =	veq.s32 v37, $0x4;
	v45 =	vsel vm6, $0x1, v32;
	(xrf0) =	vadd.scan.msk.s32 $0xffff, v40  }
0x28e: {  	vm3 =	veq.s32 v37, $0x7;
	v46 =	vsel vm4, $0x1, v32;
	v56 =	vperm.xlane v45, v33;
	(xrf0) =	vadd.scan.msk.s32 $0xffff, v55  }
0x28f: {  	vm5 =	veq.s32 v37, $0x6;
	v47 =	vperm.xlane v46, v33;
	v40 =	vsel vm3, $0x1, v32;
	v49, _, _ =	vpop (xrf0)  }
0x290: {  	v48 =	vsel vm5, $0x1, v32;
	v57 =	vperm.xlane v40, v33;
	(xrf0) =	vadd.scan.msk.s32 $0xffff, v56;
	v50, _, _ =	vpop (xrf0)  }
0x291: {  	v58 =	vperm.xlane v48, v33;
	(xrf0) =	vadd.scan.msk.s32 $0xffff, v47;
	v59, _, _ =	vpop (xrf0)  }
0x292: {  	v52 =	vadd.s32 $0x18FF, v39;
	v44 =	vadd.s32 $0xFF, v39;
	v60 =	vnsel vm8, $0x0, v49;
	(xrf0) =	vadd.scan.msk.s32 $0xffff, v57;
	v62, _, _ =	vpop (xrf0)  }
0x293: {  	v61 =	vnsel vm9, $0x0, v50;
	v47 =	vperm.xlane v59, v33;
	(xrf0) =	vadd.scan.msk.s32 $0xffff, v58;
	v50 =	vperm.xlane v62, v33;
	v63, _, _ =	vpop (xrf0)  }
0x294: {  	v43 =	vadd.s32 v60, v61;
	(xrf0) =	vadd.scan.msk.s32 $0xffff, v54;
	v54 =	vadd.s32 $0x30FF, v39;
	v42 =	vperm.xlane v63, v33;
	v53, _, _ =	vpop (xrf0)  }
0x295: {  	vm10 =	veq.s32 v47, $0x1;
	vm11 =	veq.s32 v50, $0x1;
	v55 =	vperm.xlane v53, v33  }
0x296: {  	(xrf0) =	vadd.scan.msk.s32 $0xffff, v45;
	v56, _, _ =	vpop (xrf0);
	vm10 =	vmand vm2, vm10;
	vm9 =	vmand vm9, vm11;
	vm14 =	veq.s32 v42, $0x1  }
0x297: {  	v57 =	vperm.xlane v56, v33;
	v58, _, _ =	vpop (xrf0);
	(xrf0) =	vadd.scan.msk.s32 $0xffff, v46;
	vm8 =	vmand vm8, vm14;
	vm15 =	veq.s32 v55, $0x1  }
0x298: {  	v59 =	vperm.xlane v58, v33;
	v60, _, _ =	vpop (xrf0);
	(xrf0) =	vadd.scan.msk.s32 $0xffff, v48;
	vm8 =	vmor vm9, vm8;
	vm12 =	vmand vm7, vm15  }
0x299: {  	vm13 =	veq.s32 v57, $0x1;
	v61, _, _ =	vpop (xrf0);
	(xrf0) =	vadd.scan.msk.s32 $0xffff, v41;
	v46 =	vperm.xlane v60, v33;
	vm8 =	vmor vm8, vm12  }
0x29a: {  	[tilespmem:s11+$0xB90] =	vst v36;
	vm14 =	vmand vm6, vm13;
	v62, _, _ =	vpop (xrf0);
	v63 =	vperm.xlane v61, v33;
	vm15 =	veq.s32 v59, $0x1  }
0x29b: {  	(xrf0) =	vadd.scan.msk.s32 $0xffff, v40;
	v41 =	vnsel vm7, $0x0, v62;
	vm8 =	vmor vm8, vm14;
	vm7 =	vmand vm4, vm15  }
0x29c: {  	[tilespmem:s11+$0xD90] =	vst v52;
	v45, _, _ =	vpop (xrf0);
	vm15 =	veq.s32 v46, $0x1;
	vm12 =	veq.s32 v63, $0x1;
	vm13 =	vmor vm8, vm7  }
0x29d: {  	[tilespmem:s11+$0x990] =	vst v44;
	v47 =	vnsel vm6, $0x0, v45;
	v48, _, _ =	vpop (xrf0);
	vm14 =	vmand vm5, vm12;
	vm6 =	vmor vm13, vm10  }
0x29e: {  	[tilespmem:s11+$0xF90] =	vst v54;
	v41 =	vadd.s32 v41, v43;
	vm11 =	vmand vm3, vm15;
	v50, _, _ =	vpop (xrf0);
	vm6 =	vmor vm6, vm14  }
0x29f: {  	v52 =	vld.idx.msk [tilespmem:v37+s29+$0x0], $0xffff;
	v36 =	vadd.s32 v47, v41;
	v39 =	vnsel vm4, $0x0, v48;
	v51, _, _ =	vpop (xrf0);
	vm12 =	vmor vm6, vm11  }
0x2a0: {  	v36 =	vadd.s32 v39, v36;
	v53 =	vnsel vm2, $0x0, v51  }
0x2a1: {  	v40 =	vnsel vm5, $0x0, v50;
	v54, _, _ =	vpop (xrf0);
	v36 =	vadd.s32 v53, v36  }
0x2a2: {  	v55 =	vnsel vm3, $0x0, v54;
	v36 =	vadd.s32 v40, v36  }
0x2a3: {  	v36 =	vadd.s32 v55, v36  }
0x2a4: {  	v36 =	vadd.s32 v52, v36  }
0x2a5: {  	[tilespmem:v37+s29+$0x0] =	vst.idx.msk vm12, v36  }
0x2a6: {  	v56 =	vadd.s32 $0xFF, v36;
	[tilespmem:s14+$0xB90] =	vst v38  }
0x2a7: {  	v57 =	vadd.s32 $0x30FF, v36;
	[tilespmem:s14+$0x990] =	vst v56  }
0x2a8: {  	v36 =	vadd.s32 $0x18FF, v36;
	[tilespmem:s14+$0xF90] =	vst v57  }
0x2a9: {  	s11 =	simm.s32 $0x80;
	[tilespmem:s14+$0xD90] =	vst v36  }
0x2aa: {  	v36 =	vld [tilespmem:s11+$0x450];
	_ =	sdelay $0x4  }
0x2ab: {  	vm13 =	veq.s32 v36, $0x1  }
0x2ac: {  	vm14 =	veq.s32 v36, $0x0;
	v58 =	vsel vm13, $0x1, v32  }
0x2ad: {  	vm2 =	veq.s32 v36, $0x6;
	v59 =	vsel vm14, $0x1, v32;
	v60 =	vperm.xlane v58, v33;
	(xrf0) =	vadd.scan.msk.s32 $0xffff, v58  }
0x2ae: {  	vm4 =	veq.s32 v36, $0x3;
	v40 =	vsel vm2, $0x1, v32;
	v61 =	vperm.xlane v59, v33;
	(xrf0) =	vadd.scan.msk.s32 $0xffff, v59  }
0x2af: {  	v38 =	vsel vm4, $0x1, v32;
	v62 =	vperm.xlane v40, v33;
	(xrf0) =	vadd.scan.msk.s32 $0xffff, v60  }
0x2b0: {  	vm7 =	veq.s32 v36, $0x2;
	v50 =	vperm.xlane v38, v33;
	(xrf0) =	vadd.scan.msk.s32 $0xffff, v61  }
0x2b1: {  	vm3 =	veq.s32 v36, $0x5;
	v63 =	vsel vm7, $0x1, v32;
	(xrf0) =	vadd.scan.msk.s32 $0xffff, v62  }
0x2b2: {  	vm5 =	veq.s32 v36, $0x4;
	v37 =	vsel vm3, $0x1, v32;
	v51 =	vperm.xlane v63, v33;
	(xrf0) =	vadd.scan.msk.s32 $0xffff, v50  }
0x2b3: {  	vm6 =	veq.s32 v36, $0x7;
	v41 =	vsel vm5, $0x1, v32;
	v52 =	vperm.xlane v37, v33;
	v54, _, _ =	vpop (xrf0)  }
0x2b4: {  	v56 =	vsel vm6, $0x1, v32;
	v53 =	vperm.xlane v41, v33;
	(xrf0) =	vadd.scan.msk.s32 $0xffff, v51;
	v55, _, _ =	vpop (xrf0)  }
0x2b5: {  	v58 =	vperm.xlane v56, v33;
	(xrf0) =	vadd.scan.msk.s32 $0xffff, v52;
	v57, _, _ =	vpop (xrf0)  }
0x2b6: {  	(xrf0) =	vadd.scan.msk.s32 $0xffff, v53;
	v46 =	vperm.xlane v57, v33;
	v59, _, _ =	vpop (xrf0)  }
0x2b7: {  	v45 =	vnsel vm13, $0x0, v54;
	v43 =	vnsel vm14, $0x0, v55;
	(xrf0) =	vadd.scan.msk.s32 $0xffff, v58;
	v47 =	vperm.xlane v59, v33;
	v60, _, _ =	vpop (xrf0)  }
0x2b8: {  	v61 =	vadd.s32 v45, v43;
	vm15 =	veq.s32 v46, $0x1;
	v62, _, _ =	vpop (xrf0)  }
0x2b9: {  	(xrf0) =	vadd.scan.msk.s32 $0xffff, v63;
	v63 =	vperm.xlane v60, v33;
	vm12 =	veq.s32 v47, $0x1;
	v43 =	vperm.xlane v62, v33  }
0x2ba: {  	v48, _, _ =	vpop (xrf0);
	(xrf0) =	vadd.scan.msk.s32 $0xffff, v38;
	vm9 =	vmand vm13, vm15;
	vm8 =	vmand vm14, vm12  }
0x2bb: {  	v49 =	vperm.xlane v48, v33;
	v50, _, _ =	vpop (xrf0);
	(xrf0) =	vadd.scan.msk.s32 $0xffff, v41;
	vm13 =	veq.s32 v63, $0x1;
	vm11 =	veq.s32 v43, $0x1  }
0x2bc: {  	v51 =	vperm.xlane v50, v33;
	v52, _, _ =	vpop (xrf0);
	(xrf0) =	vadd.scan.msk.s32 $0xffff, v37;
	vm10 =	vmand vm2, vm13;
	vm8 =	vmor vm8, vm9  }
0x2bd: {  	vm12 =	veq.s32 v49, $0x1;
	v53 =	vperm.xlane v52, v33;
	(xrf0) =	vadd.scan.msk.s32 $0xffff, v56;
	vm11 =	vmand vm4, vm11;
	v54, _, _ =	vpop (xrf0)  }
0x2be: {  	vm9 =	vmand vm7, vm12;
	(xrf0) =	vadd.scan.msk.s32 $0xffff, v40;
	vm12 =	veq.s32 v51, $0x1;
	v38 =	vperm.xlane v54, v33  }
0x2bf: {  	v55, _, _ =	vpop (xrf0);
	vm8 =	vmor vm8, vm9;
	vm14 =	veq.s32 v53, $0x1;
	vm15 =	vmand vm3, vm12  }
0x2c0: {  	v37 =	vnsel vm7, $0x0, v55;
	vm8 =	vmor vm8, vm11;
	vm9 =	vmand vm5, vm14;
	v56, _, _ =	vpop (xrf0)  }
0x2c1: {  	v37 =	vadd.s32 v37, v61;
	vm13 =	veq.s32 v38, $0x1;
	vm12 =	vmor vm8, vm9;
	v57, _, _ =	vpop (xrf0)  }
0x2c2: {  	v39 =	vnsel vm4, $0x0, v56;
	vm7 =	vmor vm12, vm15;
	v58, _, _ =	vpop (xrf0);
	vm15 =	vmand vm6, vm13  }
0x2c3: {  	v60 =	vld.idx.msk [tilespmem:v36+s29+$0x0], $0xffff;
	v40 =	vnsel vm5, $0x0, v57;
	v37 =	vadd.s32 v39, v37;
	vm14 =	vmor vm7, vm10;
	v59, _, _ =	vpop (xrf0)  }
0x2c4: {  	v38 =	vnsel vm3, $0x0, v58;
	v37 =	vadd.s32 v40, v37;
	vm4 =	vmor vm14, vm15;
	v61, _, _ =	vpop (xrf0)  }
0x2c5: {  	v37 =	vadd.s32 v38, v37;
	v39 =	vnsel vm2, $0x0, v61  }
0x2c6: {  	v62 =	vnsel vm6, $0x0, v59;
	v37 =	vadd.s32 v39, v37  }
0x2c7: {  	v37 =	vadd.s32 v62, v37  }
0x2c8: {  	v38 =	vadd.s32 v60, v37  }
0x2c9: {  	s4 =	rddreg [dreg:$0x13]  }
0x2ca: {  	s5 =	sadd.s32 $0x10, s4;
	s14 =	simm.s32 $0x90;
	v63 =	vadd.s32 $0xFF, v38;
	[tilespmem:v36+s29+$0x0] =	vst.idx.msk vm4, v38  }
0x2cb: {  	s15 =	simm.s32 $0x280;
	v40 =	vadd.s32 $0x18FF, v38;
	v39 =	vadd.s32 $0x30FF, v38;
	v36 =	vor.u32 s5, v13;
	v37 =	vld [tilespmem:s14+$0x450];
	[tilespmem:s11+$0x990] =	vst v63;
	v38 =	vmovc v29  }
.LBB2_8:
0x2cc: {  	p2 =	sne.s32 s15, $0x2C0  }
0x2cd: {  	s5 =	sadd.s32 $0x10, s5;
	[tilespmem:s11+$0xD90] =	vst v40;
	s12 =	smov.u32 s15;
	s15 =	sadd.s32 $0x40, s15  }
0x2ce: {  	v40 =	vshrl.u32 v38, $0x1;
	v38 =	vmov v36;
	[tilespmem:s11+$0xF90] =	vst v39;
	v36 =	vor.u32 s5, v13  }
0x2cf: {  	[tilespmem:s11+$0xB90] =	vst v40;
	s11 =	smov.u32 s14;
	s14 =	sshra.s32 s12, $0x2;
	_ =	sdelay $0x1  }
0x2d0: {  	vm8 =	veq.s32 v37, $0x0;
	vm9 =	veq.s32 v37, $0x1;
	vm5 =	veq.s32 v37, $0x4  }
0x2d1: {  	vm4 =	veq.s32 v37, $0x3;
	vm2 =	veq.s32 v37, $0x7;
	v39 =	vsel vm9, $0x1, v32  }
0x2d2: {  	vm3 =	veq.s32 v37, $0x6;
	v40 =	vsel vm8, $0x1, v32;
	v41 =	vperm.xlane v39, v33;
	(xrf0) =	vadd.scan.msk.s32 $0xffff, v39  }
0x2d3: {  	vm7 =	veq.s32 v37, $0x2;
	v42 =	vsel vm3, $0x1, v32;
	v39 =	vperm.xlane v40, v33;
	(xrf0) =	vadd.scan.msk.s32 $0xffff, v40  }
0x2d4: {  	vm6 =	veq.s32 v37, $0x5;
	v43 =	vperm.xlane v42, v33;
	v40 =	vsel vm4, $0x1, v32;
	(xrf0) =	vadd.scan.msk.s32 $0xffff, v41  }
0x2d5: {  	v45 =	vsel vm6, $0x1, v32;
	v41 =	vsel vm7, $0x1, v32;
	v44 =	vperm.xlane v40, v33;
	(xrf0) =	vadd.scan.msk.s32 $0xffff, v39  }
0x2d6: {  	v46 =	vsel vm5, $0x1, v32;
	v47 =	vperm.xlane v45, v33;
	v39 =	vperm.xlane v41, v33;
	(xrf0) =	vadd.scan.msk.s32 $0xffff, v43  }
0x2d7: {  	v48 =	vsel vm2, $0x1, v32;
	v43 =	vperm.xlane v46, v33;
	(xrf0) =	vadd.scan.msk.s32 $0xffff, v44  }
0x2d8: {  	v44 =	vperm.xlane v48, v33;
	v49, _, _ =	vpop (xrf0);
	(xrf0) =	vadd.scan.msk.s32 $0xffff, v39  }
0x2d9: {  	v39 =	vnsel vm9, $0x0, v49;
	v49, _, _ =	vpop (xrf0);
	(xrf0) =	vadd.scan.msk.s32 $0xffff, v47  }
0x2da: {  	v47 =	vnsel vm8, $0x0, v49;
	v49, _, _ =	vpop (xrf0);
	(xrf0) =	vadd.scan.msk.s32 $0xffff, v43  }
0x2db: {  	v50 =	vperm.xlane v49, v33;
	v49, _, _ =	vpop (xrf0);
	(xrf0) =	vadd.scan.msk.s32 $0xffff, v44  }
0x2dc: {  	v44 =	vperm.xlane v49, v33;
	(xrf0) =	vadd.scan.msk.s32 $0xffff, v41;
	v41, _, _ =	vpop (xrf0)  }
0x2dd: {  	v39 =	vadd.s32 v39, v47;
	vm10 =	veq.s32 v50, $0x1;
	v47 =	vperm.xlane v41, v33;
	(xrf0) =	vadd.scan.msk.s32 $0xffff, v40;
	v40, _, _ =	vpop (xrf0)  }
0x2de: {  	vm11 =	veq.s32 v44, $0x1;
	vm9 =	vmand vm9, vm10;
	v40 =	vperm.xlane v40, v33;
	v43, _, _ =	vpop (xrf0);
	(xrf0) =	vadd.scan.msk.s32 $0xffff, v46  }
0x2df: {  	vm10 =	vmand vm8, vm11;
	v43 =	vperm.xlane v43, v33;
	vm8 =	veq.s32 v47, $0x1;
	(xrf0) =	vadd.scan.msk.s32 $0xffff, v45;
	v41, _, _ =	vpop (xrf0)  }
0x2e0: {  	vm11 =	veq.s32 v40, $0x1;
	v44 =	vperm.xlane v41, v33;
	vm8 =	vmand vm3, vm8;
	v41, _, _ =	vpop (xrf0);
	(xrf0) =	vadd.scan.msk.s32 $0xffff, v48  }
0x2e1: {  	vm12 =	veq.s32 v43, $0x1;
	vm11 =	vmand vm4, vm11;
	v45 =	vperm.xlane v41, v33;
	(xrf0) =	vadd.scan.msk.s32 $0xffff, v42;
	v42, _, _ =	vpop (xrf0)  }
0x2e2: {  	vm9 =	vmor vm10, vm9;
	vm10 =	vmand vm7, vm12;
	vm12 =	veq.s32 v44, $0x1;
	v40, _, _ =	vpop (xrf0)  }
0x2e3: {  	vm9 =	vmor vm9, vm10;
	vm10 =	veq.s32 v45, $0x1;
	vm12 =	vmand vm6, vm12;
	v41, _, _ =	vpop (xrf0)  }
0x2e4: {  	v42 =	vperm.xlane v42, v33;
	vm9 =	vmor vm9, vm11;
	vm10 =	vmand vm5, vm10;
	v43, _, _ =	vpop (xrf0)  }
0x2e5: {  	v46 =	vnsel vm7, $0x0, v40;
	v43 =	vnsel vm5, $0x0, v43;
	vm5 =	vmor vm9, vm10;
	v44, _, _ =	vpop (xrf0)  }
0x2e6: {  	v39 =	vadd.s32 v46, v39;
	vm7 =	veq.s32 v42, $0x1;
	vm5 =	vmor vm5, vm12;
	v40, _, _ =	vpop (xrf0)  }
0x2e7: {  	v41 =	vnsel vm4, $0x0, v41;
	vm4 =	vmor vm5, vm8;
	vm5 =	vmand vm2, vm7;
	v42 =	vld.idx.msk [tilespmem:v37+s29+$0x0], $0xffff;
	v45, _, _ =	vpop (xrf0)  }
0x2e8: {  	v39 =	vadd.s32 v41, v39;
	v41 =	vnsel vm6, $0x0, v44;
	vm4 =	vmor vm4, vm5  }
0x2e9: {  	v39 =	vadd.s32 v43, v39;
	v40 =	vnsel vm2, $0x0, v40;
	v43 =	vnsel vm3, $0x0, v45  }
0x2ea: {  	v39 =	vadd.s32 v41, v39  }
.Ltmp5:
0x2eb: {  	v39 =	vadd.s32 v43, v39;
	(pc) =	sbr.rel @p2 .LBB2_8-.Ltmp5, $4  }
0x2ec: {  	v39 =	vadd.s32 v40, v39  }
0x2ed: {  	v39 =	vadd.s32 v42, v39  }
0x2ee: {  	v41 =	vadd.s32 $0xFF, v39;
	v40 =	vadd.s32 $0x18FF, v39;
	[tilespmem:v37+s29+$0x0] =	vst.idx.msk vm4, v39;
	v39 =	vadd.s32 $0x30FF, v39  }
0x2ef: {  	v37 =	vld [tilespmem:s14+$0x450];
	[tilespmem:s11+$0x990] =	vst v41  }
0x2f0: {  	_ =	sdelay $0x3  }
0x2f1: {  	vm9 =	veq.s32 v37, $0x1  }
0x2f2: {  	vm8 =	veq.s32 v37, $0x0;
	v41 =	vsel vm9, $0x1, v32  }
0x2f3: {  	vm2 =	veq.s32 v37, $0x6;
	v42 =	vsel vm8, $0x1, v32;
	v43 =	vperm.xlane v41, v33;
	(xrf0) =	vadd.scan.msk.s32 $0xffff, v41  }
0x2f4: {  	vm4 =	veq.s32 v37, $0x3;
	v44 =	vsel vm2, $0x1, v32;
	v57 =	vperm.xlane v42, v33;
	(xrf0) =	vadd.scan.msk.s32 $0xffff, v42  }
0x2f5: {  	vm7 =	veq.s32 v37, $0x2;
	v58 =	vsel vm4, $0x1, v32;
	v45 =	vperm.xlane v44, v33;
	(xrf0) =	vadd.scan.msk.s32 $0xffff, v43  }
0x2f6: {  	vm3 =	veq.s32 v37, $0x5;
	v59 =	vsel vm7, $0x1, v32;
	v46 =	vperm.xlane v58, v33;
	(xrf0) =	vadd.scan.msk.s32 $0xffff, v57  }
0x2f7: {  	vm5 =	veq.s32 v37, $0x4;
	v41 =	vsel vm3, $0x1, v32;
	v47 =	vperm.xlane v59, v33;
	(xrf0) =	vadd.scan.msk.s32 $0xffff, v45  }
0x2f8: {  	v60 =	vsel vm5, $0x1, v32;
	v48 =	vperm.xlane v41, v33;
	(xrf0) =	vadd.scan.msk.s32 $0xffff, v46  }
0x2f9: {  	v61 =	vperm.xlane v60, v33;
	v49, _, _ =	vpop (xrf0);
	(xrf0) =	vadd.scan.msk.s32 $0xffff, v47  }
0x2fa: {  	vm6 =	veq.s32 v37, $0x7;
	v62, _, _ =	vpop (xrf0);
	(xrf0) =	vadd.scan.msk.s32 $0xffff, v48  }
0x2fb: {  	v48 =	vsel vm6, $0x1, v32;
	v50, _, _ =	vpop (xrf0);
	(xrf0) =	vadd.scan.msk.s32 $0xffff, v61  }
0x2fc: {  	v63 =	vperm.xlane v48, v33;
	v50 =	vperm.xlane v50, v33;
	v51, _, _ =	vpop (xrf0)  }
0x2fd: {  	v49 =	vnsel vm9, $0x0, v49;
	v47 =	vnsel vm8, $0x0, v62;
	v51 =	vperm.xlane v51, v33;
	v52, _, _ =	vpop (xrf0)  }
0x2fe: {  	v38 =	vshrl.u32 v38, $0x1;
	v53 =	vadd.s32 v49, v47;
	(xrf0) =	vadd.scan.msk.s32 $0xffff, v63;
	vm10 =	veq.s32 v50, $0x1;
	v55, _, _ =	vpop (xrf0)  }
0x2ff: {  	v54 =	vperm.xlane v52, v33;
	(xrf0) =	vadd.scan.msk.s32 $0xffff, v59;
	vm11 =	veq.s32 v51, $0x1;
	v56 =	vperm.xlane v55, v33;
	v57, _, _ =	vpop (xrf0)  }
0x300: {  	vm9 =	vmand vm9, vm10;
	(xrf0) =	vadd.scan.msk.s32 $0xffff, v58;
	vm8 =	vmand vm8, vm11;
	v58 =	vperm.xlane v57, v33;
	v59, _, _ =	vpop (xrf0)  }
0x301: {  	(xrf0) =	vadd.scan.msk.s32 $0xffff, v60;
	vm14 =	veq.s32 v54, $0x1;
	vm11 =	veq.s32 v56, $0x1;
	v60 =	vperm.xlane v59, v33;
	v61, _, _ =	vpop (xrf0)  }
0x302: {  	(xrf0) =	vadd.scan.msk.s32 $0xffff, v41;
	vm10 =	vmand vm2, vm14;
	vm12 =	veq.s32 v58, $0x1;
	v62 =	vperm.xlane v61, v33  }
0x303: {  	vm8 =	vmor vm8, vm9;
	(xrf0) =	vadd.scan.msk.s32 $0xffff, v48;
	vm11 =	vmand vm4, vm11;
	vm9 =	vmand vm7, vm12  }
0x304: {  	(xrf0) =	vadd.scan.msk.s32 $0xffff, v44;
	v63, _, _ =	vpop (xrf0);
	vm12 =	veq.s32 v60, $0x1;
	vm8 =	vmor vm8, vm9;
	vm15 =	veq.s32 v62, $0x1  }
0x305: {  	v45, _, _ =	vpop (xrf0);
	v42 =	vperm.xlane v63, v33;
	vm8 =	vmor vm8, vm11;
	vm9 =	vmand vm5, vm15  }
0x306: {  	[tilespmem:s11+$0xD90] =	vst v40;
	vm13 =	vmand vm3, vm12;
	v47, _, _ =	vpop (xrf0);
	v41 =	vnsel vm7, $0x0, v45;
	vm14 =	vmor vm8, vm9  }
0x307: {  	[tilespmem:s11+$0xF90] =	vst v39;
	v48, _, _ =	vpop (xrf0);
	v41 =	vadd.s32 v41, v53;
	vm15 =	veq.s32 v42, $0x1;
	vm7 =	vmor vm14, vm13  }
0x308: {  	[tilespmem:s11+$0xB90] =	vst v38;
	v40 =	vnsel vm4, $0x0, v47;
	v49, _, _ =	vpop (xrf0);
	vm12 =	vmand vm6, vm15;
	vm11 =	vmor vm7, vm10  }
0x309: {  	v51 =	vld.idx.msk [tilespmem:v37+s29+$0x0], $0xffff;
	v39 =	vnsel vm5, $0x0, v48;
	v40 =	vadd.s32 v40, v41;
	v50, _, _ =	vpop (xrf0);
	vm4 =	vmor vm11, vm12  }
0x30a: {  	v38 =	vnsel vm3, $0x0, v49;
	v39 =	vadd.s32 v39, v40;
	v52, _, _ =	vpop (xrf0)  }
0x30b: {  	v38 =	vadd.s32 v38, v39;
	v53 =	vnsel vm2, $0x0, v52  }
0x30c: {  	v54 =	vnsel vm6, $0x0, v50;
	v38 =	vadd.s32 v53, v38  }
0x30d: {  	v38 =	vadd.s32 v54, v38  }
0x30e: {  	v38 =	vadd.s32 v51, v38  }
0x30f: {  	v55 =	vadd.s32 $0xFF, v38;
	[tilespmem:v37+s29+$0x0] =	vst.idx.msk vm4, v38  }
0x310: {  	v56 =	vadd.s32 $0x18FF, v38;
	[tilespmem:s14+$0x990] =	vst v55  }
0x311: {  	v57 =	vadd.s32 $0x30FF, v38;
	[tilespmem:s14+$0xD90] =	vst v56  }
0x312: {  	v36 =	vshrl.u32 v36, $0x1;
	[tilespmem:s14+$0xF90] =	vst v57  }
0x313: {  	s11 =	simm.s32 $0x100;
	[tilespmem:s14+$0xB90] =	vst v36  }
0x314: {  	v36 =	vld [tilespmem:s11+$0x410];
	_ =	sdelay $0x4  }
0x315: {  	vm13 =	veq.s32 v36, $0x1  }
0x316: {  	vm14 =	veq.s32 v36, $0x0;
	v58 =	vsel vm13, $0x1, v32  }
0x317: {  	vm2 =	veq.s32 v36, $0x6;
	v59 =	vsel vm14, $0x1, v32;
	v60 =	vperm.xlane v58, v33;
	(xrf0) =	vadd.scan.msk.s32 $0xffff, v58  }
0x318: {  	vm4 =	veq.s32 v36, $0x3;
	v40 =	vsel vm2, $0x1, v32;
	v61 =	vperm.xlane v59, v33;
	(xrf0) =	vadd.scan.msk.s32 $0xffff, v59  }
0x319: {  	v38 =	vsel vm4, $0x1, v32;
	v62 =	vperm.xlane v40, v33;
	(xrf0) =	vadd.scan.msk.s32 $0xffff, v60  }
0x31a: {  	vm7 =	veq.s32 v36, $0x2;
	v50 =	vperm.xlane v38, v33;
	(xrf0) =	vadd.scan.msk.s32 $0xffff, v61  }
0x31b: {  	vm3 =	veq.s32 v36, $0x5;
	v63 =	vsel vm7, $0x1, v32;
	(xrf0) =	vadd.scan.msk.s32 $0xffff, v62  }
0x31c: {  	vm5 =	veq.s32 v36, $0x4;
	v37 =	vsel vm3, $0x1, v32;
	v51 =	vperm.xlane v63, v33;
	(xrf0) =	vadd.scan.msk.s32 $0xffff, v50  }
0x31d: {  	vm6 =	veq.s32 v36, $0x7;
	v41 =	vsel vm5, $0x1, v32;
	v52 =	vperm.xlane v37, v33;
	v54, _, _ =	vpop (xrf0)  }
0x31e: {  	v56 =	vsel vm6, $0x1, v32;
	v53 =	vperm.xlane v41, v33;
	(xrf0) =	vadd.scan.msk.s32 $0xffff, v51;
	v55, _, _ =	vpop (xrf0)  }
0x31f: {  	v58 =	vperm.xlane v56, v33;
	(xrf0) =	vadd.scan.msk.s32 $0xffff, v52;
	v57, _, _ =	vpop (xrf0)  }
0x320: {  	(xrf0) =	vadd.scan.msk.s32 $0xffff, v53;
	v46 =	vperm.xlane v57, v33;
	v59, _, _ =	vpop (xrf0)  }
0x321: {  	v45 =	vnsel vm13, $0x0, v54;
	v43 =	vnsel vm14, $0x0, v55;
	(xrf0) =	vadd.scan.msk.s32 $0xffff, v58;
	v47 =	vperm.xlane v59, v33;
	v60, _, _ =	vpop (xrf0)  }
0x322: {  	v61 =	vadd.s32 v45, v43;
	vm15 =	veq.s32 v46, $0x1;
	v62, _, _ =	vpop (xrf0)  }
0x323: {  	(xrf0) =	vadd.scan.msk.s32 $0xffff, v63;
	v63 =	vperm.xlane v60, v33;
	vm12 =	veq.s32 v47, $0x1;
	v43 =	vperm.xlane v62, v33  }
0x324: {  	v48, _, _ =	vpop (xrf0);
	(xrf0) =	vadd.scan.msk.s32 $0xffff, v38;
	vm9 =	vmand vm13, vm15;
	vm8 =	vmand vm14, vm12  }
0x325: {  	v49 =	vperm.xlane v48, v33;
	v50, _, _ =	vpop (xrf0);
	(xrf0) =	vadd.scan.msk.s32 $0xffff, v41;
	vm13 =	veq.s32 v63, $0x1;
	vm11 =	veq.s32 v43, $0x1  }
0x326: {  	v51 =	vperm.xlane v50, v33;
	v52, _, _ =	vpop (xrf0);
	(xrf0) =	vadd.scan.msk.s32 $0xffff, v37;
	vm10 =	vmand vm2, vm13;
	vm8 =	vmor vm8, vm9  }
0x327: {  	vm12 =	veq.s32 v49, $0x1;
	v53 =	vperm.xlane v52, v33;
	(xrf0) =	vadd.scan.msk.s32 $0xffff, v56;
	vm11 =	vmand vm4, vm11;
	v54, _, _ =	vpop (xrf0)  }
0x328: {  	vm9 =	vmand vm7, vm12;
	(xrf0) =	vadd.scan.msk.s32 $0xffff, v40;
	vm12 =	veq.s32 v51, $0x1;
	v38 =	vperm.xlane v54, v33  }
0x329: {  	v55, _, _ =	vpop (xrf0);
	vm8 =	vmor vm8, vm9;
	vm14 =	veq.s32 v53, $0x1;
	vm15 =	vmand vm3, vm12  }
0x32a: {  	v37 =	vnsel vm7, $0x0, v55;
	vm8 =	vmor vm8, vm11;
	vm9 =	vmand vm5, vm14;
	v56, _, _ =	vpop (xrf0)  }
0x32b: {  	v37 =	vadd.s32 v37, v61;
	vm13 =	veq.s32 v38, $0x1;
	vm12 =	vmor vm8, vm9;
	v57, _, _ =	vpop (xrf0)  }
0x32c: {  	v39 =	vnsel vm4, $0x0, v56;
	vm7 =	vmor vm12, vm15;
	v58, _, _ =	vpop (xrf0);
	vm15 =	vmand vm6, vm13  }
0x32d: {  	v60 =	vld.idx.msk [tilespmem:v36+s29+$0x0], $0xffff;
	v40 =	vnsel vm5, $0x0, v57;
	v37 =	vadd.s32 v39, v37;
	vm14 =	vmor vm7, vm10;
	v59, _, _ =	vpop (xrf0)  }
0x32e: {  	v38 =	vnsel vm3, $0x0, v58;
	v37 =	vadd.s32 v40, v37;
	vm4 =	vmor vm14, vm15;
	v61, _, _ =	vpop (xrf0)  }
0x32f: {  	v37 =	vadd.s32 v38, v37;
	v39 =	vnsel vm2, $0x0, v61  }
0x330: {  	v62 =	vnsel vm6, $0x0, v59;
	v37 =	vadd.s32 v39, v37  }
0x331: {  	v37 =	vadd.s32 v62, v37  }
0x332: {  	v38 =	vadd.s32 v60, v37  }
0x333: {  	s4 =	rddreg [dreg:$0x14]  }
0x334: {  	s5 =	sadd.s32 $0x10, s4;
	s14 =	simm.s32 $0x110;
	v63 =	vadd.s32 $0xFF, v38;
	[tilespmem:v36+s29+$0x0] =	vst.idx.msk vm4, v38  }
0x335: {  	s15 =	simm.s32 $0x480;
	v40 =	vadd.s32 $0x18FF, v38;
	v39 =	vadd.s32 $0x30FF, v38;
	v36 =	vor.u32 s5, v13;
	v37 =	vld [tilespmem:s14+$0x410];
	[tilespmem:s11+$0x990] =	vst v63;
	v38 =	vmovc v30  }
.LBB2_10:
0x336: {  	p2 =	sne.s32 s15, $0x4C0  }
0x337: {  	s5 =	sadd.s32 $0x10, s5;
	[tilespmem:s11+$0xD90] =	vst v40;
	s12 =	smov.u32 s15;
	s15 =	sadd.s32 $0x40, s15  }
0x338: {  	v40 =	vshrl.u32 v38, $0x1;
	v38 =	vmov v36;
	[tilespmem:s11+$0xF90] =	vst v39;
	v36 =	vor.u32 s5, v13  }
0x339: {  	[tilespmem:s11+$0xB90] =	vst v40;
	s11 =	smov.u32 s14;
	s14 =	sshra.s32 s12, $0x2;
	_ =	sdelay $0x1  }
0x33a: {  	vm8 =	veq.s32 v37, $0x0;
	vm9 =	veq.s32 v37, $0x1;
	vm5 =	veq.s32 v37, $0x4  }
0x33b: {  	vm4 =	veq.s32 v37, $0x3;
	vm2 =	veq.s32 v37, $0x7;
	v39 =	vsel vm9, $0x1, v32  }
0x33c: {  	vm3 =	veq.s32 v37, $0x6;
	v40 =	vsel vm8, $0x1, v32;
	v41 =	vperm.xlane v39, v33;
	(xrf0) =	vadd.scan.msk.s32 $0xffff, v39  }
0x33d: {  	vm7 =	veq.s32 v37, $0x2;
	v42 =	vsel vm3, $0x1, v32;
	v39 =	vperm.xlane v40, v33;
	(xrf0) =	vadd.scan.msk.s32 $0xffff, v40  }
0x33e: {  	vm6 =	veq.s32 v37, $0x5;
	v43 =	vperm.xlane v42, v33;
	v40 =	vsel vm4, $0x1, v32;
	(xrf0) =	vadd.scan.msk.s32 $0xffff, v41  }
0x33f: {  	v45 =	vsel vm6, $0x1, v32;
	v41 =	vsel vm7, $0x1, v32;
	v44 =	vperm.xlane v40, v33;
	(xrf0) =	vadd.scan.msk.s32 $0xffff, v39  }
0x340: {  	v46 =	vsel vm5, $0x1, v32;
	v47 =	vperm.xlane v45, v33;
	v39 =	vperm.xlane v41, v33;
	(xrf0) =	vadd.scan.msk.s32 $0xffff, v43  }
0x341: {  	v48 =	vsel vm2, $0x1, v32;
	v43 =	vperm.xlane v46, v33;
	(xrf0) =	vadd.scan.msk.s32 $0xffff, v44  }
0x342: {  	v44 =	vperm.xlane v48, v33;
	v49, _, _ =	vpop (xrf0);
	(xrf0) =	vadd.scan.msk.s32 $0xffff, v39  }
0x343: {  	v39 =	vnsel vm9, $0x0, v49;
	v49, _, _ =	vpop (xrf0);
	(xrf0) =	vadd.scan.msk.s32 $0xffff, v47  }
0x344: {  	v47 =	vnsel vm8, $0x0, v49;
	v49, _, _ =	vpop (xrf0);
	(xrf0) =	vadd.scan.msk.s32 $0xffff, v43  }
0x345: {  	v50 =	vperm.xlane v49, v33;
	v49, _, _ =	vpop (xrf0);
	(xrf0) =	vadd.scan.msk.s32 $0xffff, v44  }
0x346: {  	v44 =	vperm.xlane v49, v33;
	(xrf0) =	vadd.scan.msk.s32 $0xffff, v41;
	v41, _, _ =	vpop (xrf0)  }
0x347: {  	v39 =	vadd.s32 v39, v47;
	vm10 =	veq.s32 v50, $0x1;
	v47 =	vperm.xlane v41, v33;
	(xrf0) =	vadd.scan.msk.s32 $0xffff, v40;
	v40, _, _ =	vpop (xrf0)  }
0x348: {  	vm11 =	veq.s32 v44, $0x1;
	vm9 =	vmand vm9, vm10;
	v40 =	vperm.xlane v40, v33;
	v43, _, _ =	vpop (xrf0);
	(xrf0) =	vadd.scan.msk.s32 $0xffff, v46  }
0x349: {  	vm10 =	vmand vm8, vm11;
	v43 =	vperm.xlane v43, v33;
	vm8 =	veq.s32 v47, $0x1;
	(xrf0) =	vadd.scan.msk.s32 $0xffff, v45;
	v41, _, _ =	vpop (xrf0)  }
0x34a: {  	vm11 =	veq.s32 v40, $0x1;
	v44 =	vperm.xlane v41, v33;
	vm8 =	vmand vm3, vm8;
	v41, _, _ =	vpop (xrf0);
	(xrf0) =	vadd.scan.msk.s32 $0xffff, v48  }
0x34b: {  	vm12 =	veq.s32 v43, $0x1;
	vm11 =	vmand vm4, vm11;
	v45 =	vperm.xlane v41, v33;
	(xrf0) =	vadd.scan.msk.s32 $0xffff, v42;
	v42, _, _ =	vpop (xrf0)  }
0x34c: {  	vm9 =	vmor vm10, vm9;
	vm10 =	vmand vm7, vm12;
	vm12 =	veq.s32 v44, $0x1;
	v40, _, _ =	vpop (xrf0)  }
0x34d: {  	vm9 =	vmor vm9, vm10;
	vm10 =	veq.s32 v45, $0x1;
	vm12 =	vmand vm6, vm12;
	v41, _, _ =	vpop (xrf0)  }
0x34e: {  	v42 =	vperm.xlane v42, v33;
	vm9 =	vmor vm9, vm11;
	vm10 =	vmand vm5, vm10;
	v43, _, _ =	vpop (xrf0)  }
0x34f: {  	v46 =	vnsel vm7, $0x0, v40;
	v43 =	vnsel vm5, $0x0, v43;
	vm5 =	vmor vm9, vm10;
	v44, _, _ =	vpop (xrf0)  }
0x350: {  	v39 =	vadd.s32 v46, v39;
	vm7 =	veq.s32 v42, $0x1;
	vm5 =	vmor vm5, vm12;
	v40, _, _ =	vpop (xrf0)  }
0x351: {  	v41 =	vnsel vm4, $0x0, v41;
	vm4 =	vmor vm5, vm8;
	vm5 =	vmand vm2, vm7;
	v42 =	vld.idx.msk [tilespmem:v37+s29+$0x0], $0xffff;
	v45, _, _ =	vpop (xrf0)  }
0x352: {  	v39 =	vadd.s32 v41, v39;
	v41 =	vnsel vm6, $0x0, v44;
	vm4 =	vmor vm4, vm5  }
0x353: {  	v39 =	vadd.s32 v43, v39;
	v40 =	vnsel vm2, $0x0, v40;
	v43 =	vnsel vm3, $0x0, v45  }
0x354: {  	v39 =	vadd.s32 v41, v39  }
.Ltmp6:
0x355: {  	v39 =	vadd.s32 v43, v39;
	(pc) =	sbr.rel @p2 .LBB2_10-.Ltmp6, $4  }
0x356: {  	v39 =	vadd.s32 v40, v39  }
0x357: {  	v39 =	vadd.s32 v42, v39  }
0x358: {  	v41 =	vadd.s32 $0xFF, v39;
	v40 =	vadd.s32 $0x18FF, v39;
	[tilespmem:v37+s29+$0x0] =	vst.idx.msk vm4, v39;
	v39 =	vadd.s32 $0x30FF, v39  }
0x359: {  	v37 =	vld [tilespmem:s14+$0x410];
	[tilespmem:s11+$0x990] =	vst v41  }
0x35a: {  	_ =	sdelay $0x3  }
0x35b: {  	vm9 =	veq.s32 v37, $0x1  }
0x35c: {  	vm8 =	veq.s32 v37, $0x0;
	v41 =	vsel vm9, $0x1, v32  }
0x35d: {  	vm2 =	veq.s32 v37, $0x6;
	v42 =	vsel vm8, $0x1, v32;
	v43 =	vperm.xlane v41, v33;
	(xrf0) =	vadd.scan.msk.s32 $0xffff, v41  }
0x35e: {  	vm4 =	veq.s32 v37, $0x3;
	v44 =	vsel vm2, $0x1, v32;
	v57 =	vperm.xlane v42, v33;
	(xrf0) =	vadd.scan.msk.s32 $0xffff, v42  }
0x35f: {  	vm7 =	veq.s32 v37, $0x2;
	v58 =	vsel vm4, $0x1, v32;
	v45 =	vperm.xlane v44, v33;
	(xrf0) =	vadd.scan.msk.s32 $0xffff, v43  }
0x360: {  	vm3 =	veq.s32 v37, $0x5;
	v59 =	vsel vm7, $0x1, v32;
	v46 =	vperm.xlane v58, v33;
	(xrf0) =	vadd.scan.msk.s32 $0xffff, v57  }
0x361: {  	vm5 =	veq.s32 v37, $0x4;
	v41 =	vsel vm3, $0x1, v32;
	v47 =	vperm.xlane v59, v33;
	(xrf0) =	vadd.scan.msk.s32 $0xffff, v45  }
0x362: {  	v60 =	vsel vm5, $0x1, v32;
	v48 =	vperm.xlane v41, v33;
	(xrf0) =	vadd.scan.msk.s32 $0xffff, v46  }
0x363: {  	v61 =	vperm.xlane v60, v33;
	v49, _, _ =	vpop (xrf0);
	(xrf0) =	vadd.scan.msk.s32 $0xffff, v47  }
0x364: {  	vm6 =	veq.s32 v37, $0x7;
	v62, _, _ =	vpop (xrf0);
	(xrf0) =	vadd.scan.msk.s32 $0xffff, v48  }
0x365: {  	v48 =	vsel vm6, $0x1, v32;
	v50, _, _ =	vpop (xrf0);
	(xrf0) =	vadd.scan.msk.s32 $0xffff, v61  }
0x366: {  	v63 =	vperm.xlane v48, v33;
	v50 =	vperm.xlane v50, v33;
	v51, _, _ =	vpop (xrf0)  }
0x367: {  	v49 =	vnsel vm9, $0x0, v49;
	v47 =	vnsel vm8, $0x0, v62;
	v51 =	vperm.xlane v51, v33;
	v52, _, _ =	vpop (xrf0)  }
0x368: {  	v38 =	vshrl.u32 v38, $0x1;
	v53 =	vadd.s32 v49, v47;
	(xrf0) =	vadd.scan.msk.s32 $0xffff, v63;
	vm10 =	veq.s32 v50, $0x1;
	v55, _, _ =	vpop (xrf0)  }
0x369: {  	v54 =	vperm.xlane v52, v33;
	(xrf0) =	vadd.scan.msk.s32 $0xffff, v59;
	vm11 =	veq.s32 v51, $0x1;
	v56 =	vperm.xlane v55, v33;
	v57, _, _ =	vpop (xrf0)  }
0x36a: {  	vm9 =	vmand vm9, vm10;
	(xrf0) =	vadd.scan.msk.s32 $0xffff, v58;
	vm8 =	vmand vm8, vm11;
	v58 =	vperm.xlane v57, v33;
	v59, _, _ =	vpop (xrf0)  }
0x36b: {  	(xrf0) =	vadd.scan.msk.s32 $0xffff, v60;
	vm14 =	veq.s32 v54, $0x1;
	vm11 =	veq.s32 v56, $0x1;
	v60 =	vperm.xlane v59, v33;
	v61, _, _ =	vpop (xrf0)  }
0x36c: {  	(xrf0) =	vadd.scan.msk.s32 $0xffff, v41;
	vm10 =	vmand vm2, vm14;
	vm12 =	veq.s32 v58, $0x1;
	v62 =	vperm.xlane v61, v33  }
0x36d: {  	vm8 =	vmor vm8, vm9;
	(xrf0) =	vadd.scan.msk.s32 $0xffff, v48;
	vm11 =	vmand vm4, vm11;
	vm9 =	vmand vm7, vm12  }
0x36e: {  	(xrf0) =	vadd.scan.msk.s32 $0xffff, v44;
	v63, _, _ =	vpop (xrf0);
	vm12 =	veq.s32 v60, $0x1;
	vm8 =	vmor vm8, vm9;
	vm15 =	veq.s32 v62, $0x1  }
0x36f: {  	v45, _, _ =	vpop (xrf0);
	v42 =	vperm.xlane v63, v33;
	vm8 =	vmor vm8, vm11;
	vm9 =	vmand vm5, vm15  }
0x370: {  	[tilespmem:s11+$0xD90] =	vst v40;
	vm13 =	vmand vm3, vm12;
	v47, _, _ =	vpop (xrf0);
	v41 =	vnsel vm7, $0x0, v45;
	vm14 =	vmor vm8, vm9  }
0x371: {  	[tilespmem:s11+$0xF90] =	vst v39;
	v48, _, _ =	vpop (xrf0);
	v41 =	vadd.s32 v41, v53;
	vm15 =	veq.s32 v42, $0x1;
	vm7 =	vmor vm14, vm13  }
0x372: {  	[tilespmem:s11+$0xB90] =	vst v38;
	v40 =	vnsel vm4, $0x0, v47;
	v49, _, _ =	vpop (xrf0);
	vm12 =	vmand vm6, vm15;
	vm11 =	vmor vm7, vm10  }
0x373: {  	v51 =	vld.idx.msk [tilespmem:v37+s29+$0x0], $0xffff;
	v39 =	vnsel vm5, $0x0, v48;
	v40 =	vadd.s32 v40, v41;
	v50, _, _ =	vpop (xrf0);
	vm4 =	vmor vm11, vm12  }
0x374: {  	v38 =	vnsel vm3, $0x0, v49;
	v39 =	vadd.s32 v39, v40;
	v52, _, _ =	vpop (xrf0)  }
0x375: {  	v38 =	vadd.s32 v38, v39;
	v53 =	vnsel vm2, $0x0, v52  }
0x376: {  	v54 =	vnsel vm6, $0x0, v50;
	v38 =	vadd.s32 v53, v38  }
0x377: {  	v38 =	vadd.s32 v54, v38  }
0x378: {  	v38 =	vadd.s32 v51, v38  }
0x379: {  	v55 =	vadd.s32 $0xFF, v38;
	[tilespmem:v37+s29+$0x0] =	vst.idx.msk vm4, v38  }
0x37a: {  	v56 =	vadd.s32 $0x18FF, v38;
	[tilespmem:s14+$0x990] =	vst v55  }
0x37b: {  	v57 =	vadd.s32 $0x30FF, v38;
	[tilespmem:s14+$0xD90] =	vst v56  }
0x37c: {  	v36 =	vshrl.u32 v36, $0x1;
	[tilespmem:s14+$0xF90] =	vst v57  }
0x37d: {  	s11 =	simm.s32 $0x180;
	[tilespmem:s14+$0xB90] =	vst v36  }
0x37e: {  	v36 =	vld [tilespmem:s11+$0x3D0];
	_ =	sdelay $0x4  }
0x37f: {  	vm13 =	veq.s32 v36, $0x1  }
0x380: {  	vm14 =	veq.s32 v36, $0x0;
	v58 =	vsel vm13, $0x1, v32  }
0x381: {  	vm2 =	veq.s32 v36, $0x6;
	v59 =	vsel vm14, $0x1, v32;
	v60 =	vperm.xlane v58, v33;
	(xrf0) =	vadd.scan.msk.s32 $0xffff, v58  }
0x382: {  	vm4 =	veq.s32 v36, $0x3;
	v40 =	vsel vm2, $0x1, v32;
	v61 =	vperm.xlane v59, v33;
	(xrf0) =	vadd.scan.msk.s32 $0xffff, v59  }
0x383: {  	v38 =	vsel vm4, $0x1, v32;
	v62 =	vperm.xlane v40, v33;
	(xrf0) =	vadd.scan.msk.s32 $0xffff, v60  }
0x384: {  	vm7 =	veq.s32 v36, $0x2;
	v50 =	vperm.xlane v38, v33;
	(xrf0) =	vadd.scan.msk.s32 $0xffff, v61  }
0x385: {  	vm3 =	veq.s32 v36, $0x5;
	v63 =	vsel vm7, $0x1, v32;
	(xrf0) =	vadd.scan.msk.s32 $0xffff, v62  }
0x386: {  	vm5 =	veq.s32 v36, $0x4;
	v37 =	vsel vm3, $0x1, v32;
	v51 =	vperm.xlane v63, v33;
	(xrf0) =	vadd.scan.msk.s32 $0xffff, v50  }
0x387: {  	vm6 =	veq.s32 v36, $0x7;
	v41 =	vsel vm5, $0x1, v32;
	v52 =	vperm.xlane v37, v33;
	v54, _, _ =	vpop (xrf0)  }
0x388: {  	v56 =	vsel vm6, $0x1, v32;
	v53 =	vperm.xlane v41, v33;
	(xrf0) =	vadd.scan.msk.s32 $0xffff, v51;
	v55, _, _ =	vpop (xrf0)  }
0x389: {  	v58 =	vperm.xlane v56, v33;
	(xrf0) =	vadd.scan.msk.s32 $0xffff, v52;
	v57, _, _ =	vpop (xrf0)  }
0x38a: {  	(xrf0) =	vadd.scan.msk.s32 $0xffff, v53;
	v46 =	vperm.xlane v57, v33;
	v59, _, _ =	vpop (xrf0)  }
0x38b: {  	v45 =	vnsel vm13, $0x0, v54;
	v43 =	vnsel vm14, $0x0, v55;
	(xrf0) =	vadd.scan.msk.s32 $0xffff, v58;
	v47 =	vperm.xlane v59, v33;
	v60, _, _ =	vpop (xrf0)  }
0x38c: {  	v61 =	vadd.s32 v45, v43;
	vm15 =	veq.s32 v46, $0x1;
	v62, _, _ =	vpop (xrf0)  }
0x38d: {  	(xrf0) =	vadd.scan.msk.s32 $0xffff, v63;
	v63 =	vperm.xlane v60, v33;
	vm12 =	veq.s32 v47, $0x1;
	v43 =	vperm.xlane v62, v33  }
0x38e: {  	v48, _, _ =	vpop (xrf0);
	(xrf0) =	vadd.scan.msk.s32 $0xffff, v38;
	vm9 =	vmand vm13, vm15;
	vm8 =	vmand vm14, vm12  }
0x38f: {  	v49 =	vperm.xlane v48, v33;
	v50, _, _ =	vpop (xrf0);
	(xrf0) =	vadd.scan.msk.s32 $0xffff, v41;
	vm13 =	veq.s32 v63, $0x1;
	vm11 =	veq.s32 v43, $0x1  }
0x390: {  	v51 =	vperm.xlane v50, v33;
	v52, _, _ =	vpop (xrf0);
	(xrf0) =	vadd.scan.msk.s32 $0xffff, v37;
	vm10 =	vmand vm2, vm13;
	vm8 =	vmor vm8, vm9  }
0x391: {  	vm12 =	veq.s32 v49, $0x1;
	v53 =	vperm.xlane v52, v33;
	(xrf0) =	vadd.scan.msk.s32 $0xffff, v56;
	vm11 =	vmand vm4, vm11;
	v54, _, _ =	vpop (xrf0)  }
0x392: {  	vm9 =	vmand vm7, vm12;
	(xrf0) =	vadd.scan.msk.s32 $0xffff, v40;
	vm12 =	veq.s32 v51, $0x1;
	v38 =	vperm.xlane v54, v33  }
0x393: {  	v55, _, _ =	vpop (xrf0);
	vm8 =	vmor vm8, vm9;
	vm14 =	veq.s32 v53, $0x1;
	vm15 =	vmand vm3, vm12  }
0x394: {  	v37 =	vnsel vm7, $0x0, v55;
	vm8 =	vmor vm8, vm11;
	vm9 =	vmand vm5, vm14;
	v56, _, _ =	vpop (xrf0)  }
0x395: {  	v37 =	vadd.s32 v37, v61;
	vm13 =	veq.s32 v38, $0x1;
	vm12 =	vmor vm8, vm9;
	v57, _, _ =	vpop (xrf0)  }
0x396: {  	v39 =	vnsel vm4, $0x0, v56;
	vm7 =	vmor vm12, vm15;
	v58, _, _ =	vpop (xrf0);
	vm15 =	vmand vm6, vm13  }
0x397: {  	v60 =	vld.idx.msk [tilespmem:v36+s29+$0x0], $0xffff;
	v40 =	vnsel vm5, $0x0, v57;
	v37 =	vadd.s32 v39, v37;
	vm14 =	vmor vm7, vm10;
	v59, _, _ =	vpop (xrf0)  }
0x398: {  	v38 =	vnsel vm3, $0x0, v58;
	v37 =	vadd.s32 v40, v37;
	vm4 =	vmor vm14, vm15;
	v61, _, _ =	vpop (xrf0)  }
0x399: {  	v37 =	vadd.s32 v38, v37;
	v39 =	vnsel vm2, $0x0, v61  }
0x39a: {  	v62 =	vnsel vm6, $0x0, v59;
	v37 =	vadd.s32 v39, v37  }
0x39b: {  	v37 =	vadd.s32 v62, v37  }
0x39c: {  	v38 =	vadd.s32 v60, v37  }
0x39d: {  	s4 =	rddreg [dreg:$0x15]  }
0x39e: {  	s5 =	sadd.s32 $0x10, s4;
	s14 =	simm.s32 $0x190;
	v63 =	vadd.s32 $0xFF, v38;
	[tilespmem:v36+s29+$0x0] =	vst.idx.msk vm4, v38  }
0x39f: {  	s15 =	simm.s32 $0x680;
	v40 =	vadd.s32 $0x18FF, v38;
	v39 =	vadd.s32 $0x30FF, v38;
	v36 =	vor.u32 s5, v13;
	v37 =	vld [tilespmem:s14+$0x3D0];
	[tilespmem:s11+$0x990] =	vst v63;
	v38 =	vmovc v31  }
.LBB2_12:
0x3a0: {  	p2 =	sne.s32 s15, $0x6C0  }
0x3a1: {  	s5 =	sadd.s32 $0x10, s5;
	[tilespmem:s11+$0xD90] =	vst v40;
	s12 =	smov.u32 s15;
	s15 =	sadd.s32 $0x40, s15  }
0x3a2: {  	v40 =	vshrl.u32 v38, $0x1;
	v38 =	vmov v36;
	[tilespmem:s11+$0xF90] =	vst v39;
	v36 =	vor.u32 s5, v13  }
0x3a3: {  	[tilespmem:s11+$0xB90] =	vst v40;
	s11 =	smov.u32 s14;
	s14 =	sshra.s32 s12, $0x2;
	_ =	sdelay $0x1  }
0x3a4: {  	vm8 =	veq.s32 v37, $0x0;
	vm9 =	veq.s32 v37, $0x1;
	vm5 =	veq.s32 v37, $0x4  }
0x3a5: {  	vm4 =	veq.s32 v37, $0x3;
	vm2 =	veq.s32 v37, $0x7;
	v39 =	vsel vm9, $0x1, v32  }
0x3a6: {  	vm3 =	veq.s32 v37, $0x6;
	v40 =	vsel vm8, $0x1, v32;
	v41 =	vperm.xlane v39, v33;
	(xrf0) =	vadd.scan.msk.s32 $0xffff, v39  }
0x3a7: {  	vm7 =	veq.s32 v37, $0x2;
	v42 =	vsel vm3, $0x1, v32;
	v39 =	vperm.xlane v40, v33;
	(xrf0) =	vadd.scan.msk.s32 $0xffff, v40  }
0x3a8: {  	vm6 =	veq.s32 v37, $0x5;
	v43 =	vperm.xlane v42, v33;
	v40 =	vsel vm4, $0x1, v32;
	(xrf0) =	vadd.scan.msk.s32 $0xffff, v41  }
0x3a9: {  	v45 =	vsel vm6, $0x1, v32;
	v41 =	vsel vm7, $0x1, v32;
	v44 =	vperm.xlane v40, v33;
	(xrf0) =	vadd.scan.msk.s32 $0xffff, v39  }
0x3aa: {  	v46 =	vsel vm5, $0x1, v32;
	v47 =	vperm.xlane v45, v33;
	v39 =	vperm.xlane v41, v33;
	(xrf0) =	vadd.scan.msk.s32 $0xffff, v43  }
0x3ab: {  	v48 =	vsel vm2, $0x1, v32;
	v43 =	vperm.xlane v46, v33;
	(xrf0) =	vadd.scan.msk.s32 $0xffff, v44  }
0x3ac: {  	v44 =	vperm.xlane v48, v33;
	v49, _, _ =	vpop (xrf0);
	(xrf0) =	vadd.scan.msk.s32 $0xffff, v39  }
0x3ad: {  	v39 =	vnsel vm9, $0x0, v49;
	v49, _, _ =	vpop (xrf0);
	(xrf0) =	vadd.scan.msk.s32 $0xffff, v47  }
0x3ae: {  	v47 =	vnsel vm8, $0x0, v49;
	v49, _, _ =	vpop (xrf0);
	(xrf0) =	vadd.scan.msk.s32 $0xffff, v43  }
0x3af: {  	v50 =	vperm.xlane v49, v33;
	v49, _, _ =	vpop (xrf0);
	(xrf0) =	vadd.scan.msk.s32 $0xffff, v44  }
0x3b0: {  	v44 =	vperm.xlane v49, v33;
	(xrf0) =	vadd.scan.msk.s32 $0xffff, v41;
	v41, _, _ =	vpop (xrf0)  }
0x3b1: {  	v39 =	vadd.s32 v39, v47;
	vm10 =	veq.s32 v50, $0x1;
	v47 =	vperm.xlane v41, v33;
	(xrf0) =	vadd.scan.msk.s32 $0xffff, v40;
	v40, _, _ =	vpop (xrf0)  }
0x3b2: {  	vm11 =	veq.s32 v44, $0x1;
	vm9 =	vmand vm9, vm10;
	v40 =	vperm.xlane v40, v33;
	v43, _, _ =	vpop (xrf0);
	(xrf0) =	vadd.scan.msk.s32 $0xffff, v46  }
0x3b3: {  	vm10 =	vmand vm8, vm11;
	v43 =	vperm.xlane v43, v33;
	vm8 =	veq.s32 v47, $0x1;
	(xrf0) =	vadd.scan.msk.s32 $0xffff, v45;
	v41, _, _ =	vpop (xrf0)  }
0x3b4: {  	vm11 =	veq.s32 v40, $0x1;
	v44 =	vperm.xlane v41, v33;
	vm8 =	vmand vm3, vm8;
	v41, _, _ =	vpop (xrf0);
	(xrf0) =	vadd.scan.msk.s32 $0xffff, v48  }
0x3b5: {  	vm12 =	veq.s32 v43, $0x1;
	vm11 =	vmand vm4, vm11;
	v45 =	vperm.xlane v41, v33;
	(xrf0) =	vadd.scan.msk.s32 $0xffff, v42;
	v42, _, _ =	vpop (xrf0)  }
0x3b6: {  	vm9 =	vmor vm10, vm9;
	vm10 =	vmand vm7, vm12;
	vm12 =	veq.s32 v44, $0x1;
	v40, _, _ =	vpop (xrf0)  }
0x3b7: {  	vm9 =	vmor vm9, vm10;
	vm10 =	veq.s32 v45, $0x1;
	vm12 =	vmand vm6, vm12;
	v41, _, _ =	vpop (xrf0)  }
0x3b8: {  	v42 =	vperm.xlane v42, v33;
	vm9 =	vmor vm9, vm11;
	vm10 =	vmand vm5, vm10;
	v43, _, _ =	vpop (xrf0)  }
0x3b9: {  	v46 =	vnsel vm7, $0x0, v40;
	v43 =	vnsel vm5, $0x0, v43;
	vm5 =	vmor vm9, vm10;
	v44, _, _ =	vpop (xrf0)  }
0x3ba: {  	v39 =	vadd.s32 v46, v39;
	vm7 =	veq.s32 v42, $0x1;
	vm5 =	vmor vm5, vm12;
	v40, _, _ =	vpop (xrf0)  }
0x3bb: {  	v41 =	vnsel vm4, $0x0, v41;
	vm4 =	vmor vm5, vm8;
	vm5 =	vmand vm2, vm7;
	v42 =	vld.idx.msk [tilespmem:v37+s29+$0x0], $0xffff;
	v45, _, _ =	vpop (xrf0)  }
0x3bc: {  	v39 =	vadd.s32 v41, v39;
	v41 =	vnsel vm6, $0x0, v44;
	vm4 =	vmor vm4, vm5  }
0x3bd: {  	v39 =	vadd.s32 v43, v39;
	v40 =	vnsel vm2, $0x0, v40;
	v43 =	vnsel vm3, $0x0, v45  }
0x3be: {  	v39 =	vadd.s32 v41, v39  }
.Ltmp7:
0x3bf: {  	v39 =	vadd.s32 v43, v39;
	(pc) =	sbr.rel @p2 .LBB2_12-.Ltmp7, $4  }
0x3c0: {  	v39 =	vadd.s32 v40, v39  }
0x3c1: {  	v39 =	vadd.s32 v42, v39  }
0x3c2: {  	v41 =	vadd.s32 $0xFF, v39;
	v40 =	vadd.s32 $0x18FF, v39;
	[tilespmem:v37+s29+$0x0] =	vst.idx.msk vm4, v39;
	v39 =	vadd.s32 $0x30FF, v39  }
0x3c3: {  	v37 =	vld [tilespmem:s14+$0x3D0];
	[tilespmem:s11+$0x990] =	vst v41  }
0x3c4: {  	_ =	sdelay $0x3  }
0x3c5: {  	vm9 =	veq.s32 v37, $0x1  }
0x3c6: {  	vm8 =	veq.s32 v37, $0x0;
	v41 =	vsel vm9, $0x1, v32  }
0x3c7: {  	vm2 =	veq.s32 v37, $0x6;
	v42 =	vsel vm8, $0x1, v32;
	v43 =	vperm.xlane v41, v33;
	(xrf0) =	vadd.scan.msk.s32 $0xffff, v41  }
0x3c8: {  	vm4 =	veq.s32 v37, $0x3;
	v44 =	vsel vm2, $0x1, v32;
	v59 =	vperm.xlane v42, v33;
	(xrf0) =	vadd.scan.msk.s32 $0xffff, v42  }
0x3c9: {  	vm7 =	veq.s32 v37, $0x2;
	v45 =	vperm.xlane v44, v33;
	v42 =	vsel vm4, $0x1, v32;
	(xrf0) =	vadd.scan.msk.s32 $0xffff, v43  }
0x3ca: {  	vm3 =	veq.s32 v37, $0x5;
	v60 =	vsel vm7, $0x1, v32;
	v46 =	vperm.xlane v42, v33;
	(xrf0) =	vadd.scan.msk.s32 $0xffff, v59  }
0x3cb: {  	vm5 =	veq.s32 v37, $0x4;
	v41 =	vsel vm3, $0x1, v32;
	v47 =	vperm.xlane v60, v33;
	(xrf0) =	vadd.scan.msk.s32 $0xffff, v45  }
0x3cc: {  	v48 =	vperm.xlane v41, v33;
	v45 =	vsel vm5, $0x1, v32;
	(xrf0) =	vadd.scan.msk.s32 $0xffff, v46  }
0x3cd: {  	v61 =	vperm.xlane v45, v33;
	v49, _, _ =	vpop (xrf0);
	(xrf0) =	vadd.scan.msk.s32 $0xffff, v47  }
0x3ce: {  	vm6 =	veq.s32 v37, $0x7;
	v62, _, _ =	vpop (xrf0);
	(xrf0) =	vadd.scan.msk.s32 $0xffff, v48  }
0x3cf: {  	v48 =	vsel vm6, $0x1, v32;
	v50, _, _ =	vpop (xrf0);
	(xrf0) =	vadd.scan.msk.s32 $0xffff, v61  }
0x3d0: {  	v63 =	vperm.xlane v48, v33;
	v50 =	vperm.xlane v50, v33;
	v51, _, _ =	vpop (xrf0)  }
0x3d1: {  	v49 =	vnsel vm9, $0x0, v49;
	v47 =	vnsel vm8, $0x0, v62;
	v51 =	vperm.xlane v51, v33;
	v52, _, _ =	vpop (xrf0)  }
0x3d2: {  	v38 =	vshrl.u32 v38, $0x1;
	v56 =	vadd.s32 v49, v47;
	(xrf0) =	vadd.scan.msk.s32 $0xffff, v63;
	vm10 =	veq.s32 v50, $0x1;
	v58, _, _ =	vpop (xrf0)  }
0x3d3: {  	v57 =	vperm.xlane v52, v33;
	(xrf0) =	vadd.scan.msk.s32 $0xffff, v60;
	vm11 =	veq.s32 v51, $0x1;
	v59 =	vperm.xlane v58, v33;
	v60, _, _ =	vpop (xrf0)  }
0x3d4: {  	vm9 =	vmand vm9, vm10;
	(xrf0) =	vadd.scan.msk.s32 $0xffff, v42;
	vm8 =	vmand vm8, vm11;
	v61 =	vperm.xlane v60, v33;
	v62, _, _ =	vpop (xrf0)  }
0x3d5: {  	(xrf0) =	vadd.scan.msk.s32 $0xffff, v45;
	vm13 =	veq.s32 v57, $0x1;
	vm11 =	veq.s32 v59, $0x1;
	v63 =	vperm.xlane v62, v33;
	v49, _, _ =	vpop (xrf0)  }
0x3d6: {  	(xrf0) =	vadd.scan.msk.s32 $0xffff, v41;
	vm10 =	vmand vm2, vm13;
	vm12 =	veq.s32 v61, $0x1;
	v50 =	vperm.xlane v49, v33  }
0x3d7: {  	vm8 =	vmor vm8, vm9;
	(xrf0) =	vadd.scan.msk.s32 $0xffff, v48;
	vm11 =	vmand vm4, vm11;
	vm9 =	vmand vm7, vm12  }
0x3d8: {  	(xrf0) =	vadd.scan.msk.s32 $0xffff, v44;
	v51, _, _ =	vpop (xrf0);
	vm12 =	veq.s32 v63, $0x1;
	vm8 =	vmor vm8, vm9;
	vm14 =	veq.s32 v50, $0x1  }
0x3d9: {  	v52, _, _ =	vpop (xrf0);
	v42 =	vperm.xlane v51, v33;
	vm8 =	vmor vm8, vm11;
	vm9 =	vmand vm5, vm14  }
0x3da: {  	[tilespmem:s11+$0xD90] =	vst v40;
	vm15 =	vmand vm3, vm12;
	v53, _, _ =	vpop (xrf0);
	v41 =	vnsel vm7, $0x0, v52;
	vm12 =	vmor vm8, vm9  }
0x3db: {  	[tilespmem:s11+$0xF90] =	vst v39;
	v54, _, _ =	vpop (xrf0);
	v41 =	vadd.s32 v41, v56;
	vm13 =	veq.s32 v42, $0x1;
	vm7 =	vmor vm12, vm15  }
0x3dc: {  	[tilespmem:s11+$0xB90] =	vst v38;
	v40 =	vnsel vm4, $0x0, v53;
	v55, _, _ =	vpop (xrf0);
	vm15 =	vmand vm6, vm13;
	vm14 =	vmor vm7, vm10  }
0x3dd: {  	v57 =	vld.idx.msk [tilespmem:v37+s29+$0x0], $0xffff;
	v39 =	vnsel vm5, $0x0, v54;
	v40 =	vadd.s32 v40, v41;
	v56, _, _ =	vpop (xrf0);
	vm4 =	vmor vm14, vm15  }
0x3de: {  	v38 =	vnsel vm3, $0x0, v55;
	v39 =	vadd.s32 v39, v40;
	v58, _, _ =	vpop (xrf0)  }
0x3df: {  	v38 =	vadd.s32 v38, v39;
	v59 =	vnsel vm2, $0x0, v58  }
0x3e0: {  	v60 =	vnsel vm6, $0x0, v56;
	v38 =	vadd.s32 v59, v38  }
0x3e1: {  	v38 =	vadd.s32 v60, v38  }
0x3e2: {  	v38 =	vadd.s32 v57, v38  }
0x3e3: {  	v61 =	vadd.s32 $0xFF, v38;
	[tilespmem:v37+s29+$0x0] =	vst.idx.msk vm4, v38  }
0x3e4: {  	v62 =	vadd.s32 $0x18FF, v38;
	[tilespmem:s14+$0x990] =	vst v61  }
0x3e5: {  	v63 =	vadd.s32 $0x30FF, v38;
	[tilespmem:s14+$0xD90] =	vst v62  }
0x3e6: {  	v36 =	vshrl.u32 v36, $0x1;
	[tilespmem:s14+$0xF90] =	vst v63  }
0x3e7: {  	s5 =	simm.s32 $0x990;
	[tilespmem:s14+$0xB90] =	vst v36  }
0x3e8: {  	s0 =	simm.s32 $0x40;
	s11 =	simm.s32 $0xB90;
	[bflag:$0x0] =	sbarrier.arrive $0xFFFF  }
0x3e9: {  	[spmem:s1] =	stream.indirect.scatter [tilespmem:s11], [sflag:$0x2], $0x1, s5, s0, $0xb8;
	[tilespmem:$0x19590] =	vst v63  }
0x3ea: {  	_ =	swait.ge [sflag:s6], $0x40  }
0x3eb: {  	[sflag:s6] =	ssyncset.done $0x0  }
0x3ec: {  	s12 =	simm.s32 $0x690;
	s14 =	simm.s32 $0xF90;
	[sflag:s6] =	ssyncadd.s32 $0xFFFFFFC0  }
0x3ed: {  	[spmem:s1] =	stream.indirect.scatter [tilespmem:s12], [sflag:$0x2], $0x1, s14, s0, $0xb8;
	[tilespmem:$0x19590] =	vst v63  }
0x3ee: {  	_ =	swait.ge [sflag:s6], $0x40  }
0x3ef: {  	[sflag:s6] =	ssyncset.done $0x0  }
0x3f0: {  	s15 =	simm.s32 $0xA10;
	s12 =	simm.s32 $0xC10;
	[sflag:s6] =	ssyncadd.s32 $0xFFFFFFC0  }
0x3f1: {  	[spmem:s1] =	stream.indirect.scatter [tilespmem:s12], [sflag:$0x2], $0x1, s15, s0, $0xb8;
	[tilespmem:$0x19590] =	vst v63  }
0x3f2: {  	_ =	swait.ge [sflag:s6], $0x40  }
0x3f3: {  	[sflag:s6] =	ssyncset.done $0x0  }
0x3f4: {  	s17 =	simm.s32 $0x1010;
	s21 =	simm.s32 $0x6D0;
	[sflag:s6] =	ssyncadd.s32 $0xFFFFFFC0  }
0x3f5: {  	[spmem:s1] =	stream.indirect.scatter [tilespmem:s21], [sflag:$0x2], $0x1, s17, s0, $0xb8;
	[tilespmem:$0x19590] =	vst v63  }
0x3f6: {  	_ =	swait.ge [sflag:s6], $0x40  }
0x3f7: {  	[sflag:s6] =	ssyncset.done $0x0  }
0x3f8: {  	s22 =	simm.s32 $0xA90;
	s14 =	simm.s32 $0xC90;
	[sflag:s6] =	ssyncadd.s32 $0xFFFFFFC0  }
0x3f9: {  	[spmem:s1] =	stream.indirect.scatter [tilespmem:s14], [sflag:$0x2], $0x1, s22, s0, $0xb8;
	[tilespmem:$0x19590] =	vst v63  }
0x3fa: {  	_ =	swait.ge [sflag:s6], $0x40  }
0x3fb: {  	[sflag:s6] =	ssyncset.done $0x0  }
0x3fc: {  	s24 =	simm.s32 $0x1090;
	s15 =	simm.s32 $0x710;
	[sflag:s6] =	ssyncadd.s32 $0xFFFFFFC0  }
0x3fd: {  	[spmem:s1] =	stream.indirect.scatter [tilespmem:s15], [sflag:$0x2], $0x1, s24, s0, $0xb8;
	[tilespmem:$0x19590] =	vst v63  }
0x3fe: {  	_ =	swait.ge [sflag:s6], $0x40  }
0x3ff: {  	[sflag:s6] =	ssyncset.done $0x0  }
0x400: {  	s28 =	simm.s32 $0xB10;
	s4 =	simm.s32 $0xD10;
	[sflag:s6] =	ssyncadd.s32 $0xFFFFFFC0  }
0x401: {  	[spmem:s1] =	stream.indirect.scatter [tilespmem:s4], [sflag:$0x2], $0x1, s28, s0, $0xb8;
	[tilespmem:$0x19590] =	vst v63  }
0x402: {  	_ =	swait.ge [sflag:s6], $0x40  }
0x403: {  	[sflag:s6] =	ssyncset.done $0x0  }
0x404: {  	s13 =	simm.s32 $0x1110;
	s17 =	simm.s32 $0x750;
	[sflag:s6] =	ssyncadd.s32 $0xFFFFFFC0  }
0x405: {  	[spmem:s1] =	stream.indirect.scatter [tilespmem:s17], [sflag:$0x2], $0x1, s13, s0, $0xb8;
	[tilespmem:$0x19590] =	vst v63  }
0x406: {  	_ =	swait.ge [sflag:s6], $0x40  }
0x407: {  	[sflag:s6] =	ssyncset.done $0x0  }
0x408: {  	[sflag:s6] =	ssyncadd.s32 $0xFFFFFFC0  }
0x409: {  	[tilespmem:$0xB90] =	vst v28  }
0x40a: {  	[tilespmem:$0xBA0] =	vst v16  }
0x40b: {  	[tilespmem:$0xBB0] =	vst v17  }
0x40c: {  	s21 =	simm.s32 $0xD90;
	[tilespmem:$0xBC0] =	vst v18  }
0x40d: {  	[spmem:s1] =	stream.indirect.scatter [tilespmem:s11], [sflag:$0x2], $0x1, s21, s0, $0xb8;
	[tilespmem:$0x19590] =	vst v63  }
0x40e: {  	_ =	swait.ge [sflag:s6], $0x40  }
0x40f: {  	[sflag:s6] =	ssyncset.done $0x0  }
0x410: {  	[sflag:s6] =	ssyncadd.s32 $0xFFFFFFC0  }
0x411: {  	[tilespmem:$0xC10] =	vst v29  }
0x412: {  	[tilespmem:$0xC20] =	vst v19  }
0x413: {  	[tilespmem:$0xC30] =	vst v20  }
0x414: {  	s22 =	simm.s32 $0xE10;
	[tilespmem:$0xC40] =	vst v21  }
0x415: {  	[spmem:s1] =	stream.indirect.scatter [tilespmem:s12], [sflag:$0x2], $0x1, s22, s0, $0xb8;
	[tilespmem:$0x19590] =	vst v63  }
0x416: {  	_ =	swait.ge [sflag:s6], $0x40  }
0x417: {  	[sflag:s6] =	ssyncset.done $0x0  }
0x418: {  	[sflag:s6] =	ssyncadd.s32 $0xFFFFFFC0  }
0x419: {  	[tilespmem:$0xC90] =	vst v30  }
0x41a: {  	[tilespmem:$0xCA0] =	vst v22  }
0x41b: {  	[tilespmem:$0xCB0] =	vst v23  }
0x41c: {  	s24 =	simm.s32 $0xE90;
	[tilespmem:$0xCC0] =	vst v24  }
0x41d: {  	[spmem:s1] =	stream.indirect.scatter [tilespmem:s14], [sflag:$0x2], $0x1, s24, s0, $0xb8;
	[tilespmem:$0x19590] =	vst v63  }
0x41e: {  	_ =	swait.ge [sflag:s6], $0x40  }
0x41f: {  	[sflag:s6] =	ssyncset.done $0x0  }
0x420: {  	[sflag:s6] =	ssyncadd.s32 $0xFFFFFFC0  }
0x421: {  	[tilespmem:$0xD10] =	vst v31  }
0x422: {  	[tilespmem:$0xD20] =	vst v25  }
0x423: {  	[tilespmem:$0xD30] =	vst v26  }
0x424: {  	s28 =	simm.s32 $0xF10;
	[tilespmem:$0xD40] =	vst v27  }
0x425: {  	[spmem:s1] =	stream.indirect.scatter [tilespmem:s4], [sflag:$0x2], $0x1, s28, s0, $0xb8;
	[tilespmem:$0x19590] =	vst v63  }
.Ltmp8:
0x426: {  	_ =	swait.ge [sflag:s6], $0x40;
	(pc) =	sbr.rel @p0 .LBB2_15-.Ltmp8, $3  }
0x427: {  	[sflag:s6] =	ssyncset.done $0x0  }
0x428: {  	[sflag:s6] =	ssyncadd.s32 $0xFFFFFFC0  }
0x429: {  	[bflag:$0x0] =	sbarrier.arrive $0xFFFF;
	_ =	sdelay $0x1  }
0x42a: {  	s5 =	rddreg [dreg:$0xa];
	s4 =	simm.s32 $0x1190  }
0x42b: {  	[tilespmem:s4], [sflag:$0x2] =	stream.linear.gather [spmem:s5], $0x180, $0x38;
	[tilespmem:$0x19590] =	vst v63  }
0x42c: {  	_ =	swait.ge [sflag:s6], $0x180  }
0x42d: {  	[sflag:s6] =	ssyncset.done $0x0  }
0x42e: {  	[sflag:s6] =	ssyncadd.s32 $0xFFFFFE80  }
0x42f: {  	v36 =	vld [tilespmem:$0x1190]  }
0x430: {  	v37 =	vld [tilespmem:$0x11A0]  }
0x431: {  	v38 =	vld [tilespmem:$0x11B0]  }
0x432: {  	v39 =	vld [tilespmem:$0x11C0]  }
0x433: {  	v40 =	vld [tilespmem:$0x11D0]  }
0x434: {  	v45 =	vld [tilespmem:$0x11E0];
	[tilespmem:$0x1310] =	vst v36  }
0x435: {  	v46 =	vld [tilespmem:$0x11F0];
	[tilespmem:$0x1320] =	vst v37  }
0x436: {  	v47 =	vld [tilespmem:$0x1200];
	[tilespmem:$0x1330] =	vst v38  }
0x437: {  	v48 =	vld [tilespmem:$0x1210];
	[tilespmem:$0x1340] =	vst v39  }
0x438: {  	v49 =	vld [tilespmem:$0x1220];
	[tilespmem:$0x1350] =	vst v40  }
0x439: {  	v50 =	vld [tilespmem:$0x1230];
	[tilespmem:$0x1360] =	vst v45  }
0x43a: {  	v51 =	vld [tilespmem:$0x1240];
	[tilespmem:$0x1370] =	vst v46  }
0x43b: {  	v52 =	vld [tilespmem:$0x1250];
	[tilespmem:$0x1380] =	vst v47  }
0x43c: {  	v53 =	vld [tilespmem:$0x1260];
	[tilespmem:$0x1390] =	vst v48  }
0x43d: {  	v54 =	vld [tilespmem:$0x1270];
	[tilespmem:$0x13A0] =	vst v49  }
0x43e: {  	v55 =	vld [tilespmem:$0x1280];
	[tilespmem:$0x13B0] =	vst v50  }
0x43f: {  	v56 =	vld [tilespmem:$0x1290];
	[tilespmem:$0x13C0] =	vst v51  }
0x440: {  	v57 =	vld [tilespmem:$0x12A0];
	[tilespmem:$0x13D0] =	vst v52  }
0x441: {  	v58 =	vld [tilespmem:$0x12B0];
	[tilespmem:$0x13E0] =	vst v53  }
0x442: {  	v59 =	vld [tilespmem:$0x12C0];
	[tilespmem:$0x13F0] =	vst v54  }
0x443: {  	v60 =	vld [tilespmem:$0x12D0];
	[tilespmem:$0x1400] =	vst v55  }
0x444: {  	v61 =	vld [tilespmem:$0x12E0];
	[tilespmem:$0x1410] =	vst v56  }
0x445: {  	v62 =	vld [tilespmem:$0x12F0];
	[tilespmem:$0x1420] =	vst v57  }
0x446: {  	v63 =	vld [tilespmem:$0x1300];
	[tilespmem:$0x1430] =	vst v58  }
0x447: {  	[tilespmem:$0x1440] =	vst v59  }
0x448: {  	[tilespmem:$0x1450] =	vst v60  }
0x449: {  	[tilespmem:$0x1460] =	vst v61  }
0x44a: {  	[tilespmem:$0x1470] =	vst v62  }
0x44b: {  	s11 =	simm.s32 $0x1310;
	s22 =	rddreg [dreg:$0x11];
	[tilespmem:$0x1480] =	vst v63  }
0x44c: {  	[hbm4b:s22+s3] =	stream.linear.scatter [tilespmem:s11], [sflag:$0x2], $0x180, $0x38;
	[tilespmem:$0x19590] =	vst v63  }
0x44d: {  	_ =	swait.ge [sflag:s6], $0x180  }
0x44e: {  	[sflag:s6] =	ssyncset.done $0x0  }
0x44f: {  	s24 =	rddreg [dreg:$0xb];
	[sflag:s6] =	ssyncadd.s32 $0xFFFFFE80  }
0x450: {  	[tilespmem:s4], [sflag:$0x2] =	stream.linear.gather [spmem:s24], $0x180, $0x38;
	[tilespmem:$0x19590] =	vst v63  }
0x451: {  	_ =	swait.ge [sflag:s6], $0x180  }
0x452: {  	[sflag:s6] =	ssyncset.done $0x0  }
.Ltmp9:
0x453: {  	s28 =	rddreg [dreg:$0xc];
	[sflag:s6] =	ssyncadd.s32 $0xFFFFFE80;
	(pc) =	sbr.rel .LBB2_15-.Ltmp9, $4  }
0x454: {  	[hbm4b:s28+s3] =	stream.linear.scatter [tilespmem:s4], [sflag:$0x2], $0x180, $0x38;
	[tilespmem:$0x19590] =	vst v63  }
0x455: {  	_ =	swait.ge [sflag:s6], $0x180  }
0x456: {  	[sflag:s6] =	ssyncset.done $0x0  }
0x457: {  	[sflag:s6] =	ssyncadd.s32 $0xFFFFFE80  }
.LBB2_16:
0x458: {  	_ =	sfence.sel $0x180000  }
0x459: {  	[bflag:$0x0] =	sbarrier.arrive $0xFFFF  }
0x45a: {  	_ =	strace $0x90000047  }
0x45b: {  	[bflag:$0x2] =	sbarrier.arrive $0xFFFF  }
0x45c: {  	s0 =	rddreg [dreg:$0x4]  }
0x45d: {  	s0 =	sadd.s32 @!p1 $0x100000, s0  }
0x45e: {  	[sflag:s0] =	ssyncadd.tile.s32 @!p1 $0x1;
	_ =	shalt  }
.Lfunc_end2:
_tile_overlayer_lowered:
.L_overlay_start_2:
0x45f: {  	(tag) =	ssettag $0x2  }
0x460: {  	s0 =	rddreg [dreg:$0x0];
	s2 =	stileid.u32  }
0x461: {  	s1 =	rddreg [dreg:$0x1];
	p0 =	sne.s32 s2, $0x0  }
0x462: {  	s3 =	rddreg [dreg:$0x2];
	[bflag:$0x3] =	sbarrier.arrive $0xFFFF;
	s2 =	simm.s32 @!p0 $0x1C02  }
0x463: {  	[timem:s3], [sflag:s2] =	dma.local @!p0 [hbm:s0], s1  }
0x464: {  	s0 =	simm.s32 @!p0 $0x2  }
0x465: {  	_ =	swait.ge @!p0 [sflag:s0], s1  }
0x466: {  	s1 =	ssub.s32 @!p0 $0x0, s1;
	[sflag:s0] =	ssyncset.done @!p0 $0x0  }
0x467: {  	[sflag:s0] =	ssyncadd.s32 @!p0 s1  }
0x468: {  	[bflag:$0x3] =	sbarrier.arrive $0xFFFF  }
0x469: {  	_ =	shalt  }

// kernel: kernel.9.cloned.1.call-start
scs
__scs_entry_jumppad:
0x0: {  	(pc) =	sbr.rel $0x88, $3  }
0x1: {  	(tag) =	ssettag $0x0;
	lr =	simm.s32 $0x1  }
0x2: {  	[smem:$0x3F9A] =	sst lr;
	_ =	strace $0xD0000000  }
0x3: {  	_ = 	snop  }
0x4: {  	_ = 	snop  }
0x5: {  	_ = 	snop  }
0x6: {  	_ = 	snop  }
0x7: {  	_ = 	snop  }
__scs_overlays_trampoline_lowered:
0x8: {  	[smem:$0x3FA9] =	sst s0  }
0x9: {  	[smem:$0x3FAA] =	sst s1  }
0xa: {  	[smem:$0x3FAB] =	sst s2  }
0xb: {  	[smem:$0x3FAC] =	sst s3  }
0xc: {  	[smem:$0x3FAD] =	sst s4  }
0xd: {  	[smem:$0x3FAE] =	sst s5  }
0xe: {  	[smem:$0x3FAF] =	sst s6  }
0xf: {  	[smem:$0x3FB0] =	sst s7  }
0x10: {  	[smem:$0x3FB1] =	sst s8  }
0x11: {  	[smem:$0x3FB2] =	sst s9;
	s0 =	simm.s32 @!p0 $0x0  }
0x12: {  	s1 =	sld [smem:$0x3F98];
	s0 =	simm.s32 @p0 $0x1  }
0x13: {  	[smem:$0x3FB3] =	sst s0;
	s0 =	simm.s32 @!p1 $0x0  }
0x14: {  	s2 =	sld [smem:$0x3F97];
	s0 =	simm.s32 @p1 $0x1  }
0x15: {  	[smem:$0x3FB4] =	sst s0;
	s0 =	simm.s32 @!p2 $0x0  }
0x16: {  	s3 =	sld [smem:$0x3FDB];
	s0 =	simm.s32 @p2 $0x1  }
0x17: {  	s4 =	simm.s32 $0x1BF5;
	[smem:$0x3FB6] =	sst s0  }
0x18: {  	s0 =	sld [smem:$0x3F99];
	_ =	swait.ge [sflag:s4], $0x0  }
0x19: {  	s7 =	sld [smem:$0x3F9A]  }
0x1a: {  	s8 =	sadd.s32 $0xFFFFE003, lr  }
0x1b: {  	s9 =	sadd.s32 $0xFFFFFEF7, lr;
	s5 =	simm.s32 $0xFFFFFFFF;
	p2 =	slt.u32 s8, $0xFFFFF086  }
0x1c: {  	p1 =	slt.u32 s9, $0xF7A;
	s5 =	simm.s32 @!p2 $0x0  }
0x1d: {  	s5 =	simm.s32 @p1 $0x1;
	p0 =	seq.s32 s7, s2  }
0x1e: {  	s7 =	smul.u32 @!p0 $0xF7A, s2;
	p2 =	seq.s32 @!p0 s5, $0x0  }
0x1f: {  	s9 =	smul.u32 $0xF7A, s1;
	s8 =	simm.s32 @!p0 $0x1BF5;
	p2 =	por !p2, p0  }
0x20: {  	[sflag:s8] =	ssyncset.s32 @!p0 $0xFFFFF086;
	s6 =	sadd.s32 @!p0 s3, s7;
	s7 =	simm.s32 @!p0 $0x108  }
0x21: {  	s3 =	sadd.s32 s3, s9;
	s6 =	sadd.s32 @!p0 $0x88, s6;
	s7 =	simm.s32 @p2 $0x1082  }
0x22: {  	[simem:s7], [sflag:s8] =	dma.local @!p0 [hbm:s6], $0xF7A  }
0x23: {  	s9 =	sor.u32 $0xD0000000, s2;
	s6 =	simm.s32 $0x108;
	_ =	swait.ge @!p0 [sflag:s8], $0x0  }
0x24: {  	s3 =	sadd.s32 $0x88, s3;
	s6 =	simm.s32 @!p1 $0x1082;
	[sflag:s4] =	ssyncset.s32 $0xFFFFF086  }
0x25: {  	[simem:s6], [sflag:s4] =	dma.local [hbm:s3], $0xF7A  }
0x26: {  	[smem:$0x3F9A] =	sst s1;
	(tag) =	ssettag s2;
	_ =	strace s9  }
0x27: {  	s1 =	sld [smem:$0x3FAA]  }
0x28: {  	s2 =	sld [smem:$0x3FAB]  }
0x29: {  	s4 =	sld [smem:$0x3FAD]  }
0x2a: {  	p0 =	seq.s32 s5, $0x0;
	s5 =	sld [smem:$0x3FAE]  }
0x2b: {  	s6 =	sld [smem:$0x3FAF]  }
0x2c: {  	s7 =	sld [smem:$0x3FB0]  }
0x2d: {  	s3 =	simm.s32 $0x108;
	s8 =	sld [smem:$0x3FB1]  }
0x2e: {  	s3 =	simm.s32 @!p0 $0x1082;
	s9 =	sld [smem:$0x3FB2]  }
0x2f: {  	lr =	sadd.s32 s0, s3;
	s0 =	sld [smem:$0x3FA9]  }
0x30: {  	s3 =	sld [smem:$0x3FAC]  }
0x31: {  	[smem:$0x3FB5] =	sst s10  }
0x32: {  	s10 =	sld [smem:$0x3FB3];
	_ =	sdelay $0x3  }
0x33: {  	p0 =	seq.s32 s10, $0x1;
	s10 =	sld [smem:$0x3FB5];
	_ =	sdelay $0x3  }
0x34: {  	[smem:$0x3FB5] =	sst s10  }
0x35: {  	s10 =	sld [smem:$0x3FB4];
	_ =	sdelay $0x3  }
0x36: {  	p1 =	seq.s32 s10, $0x1;
	s10 =	sld [smem:$0x3FB5];
	_ =	sdelay $0x3  }
0x37: {  	[smem:$0x3FB5] =	sst s10  }
0x38: {  	s10 =	sld [smem:$0x3FB6]  }
0x39: {  	_ = 	snop;
	(pc) =	sbr.ind lr, $3  }
0x3a: {  	_ = 	snop  }
0x3b: {  	_ = 	snop  }
0x3c: {  	p2 =	seq.s32 s10, $0x1;
	s10 =	sld [smem:$0x3FB5]  }
0x3d: {  	_ =	shalt  }
0x3e: {  	_ =	shalt  }
0x3f: {  	_ =	shalt  }
0x40: {  	_ =	shalt  }
0x41: {  	_ =	shalt  }
0x42: {  	_ =	shalt  }
0x43: {  	_ =	shalt  }
0x44: {  	_ =	shalt  }
0x45: {  	_ =	shalt  }
0x46: {  	_ =	shalt  }
0x47: {  	_ =	shalt  }
0x48: {  	_ =	shalt  }
0x49: {  	_ =	shalt  }
0x4a: {  	_ =	shalt  }
0x4b: {  	_ =	shalt  }
0x4c: {  	_ =	shalt  }
0x4d: {  	_ =	shalt  }
0x4e: {  	_ =	shalt  }
0x4f: {  	_ =	shalt  }
0x50: {  	_ =	shalt  }
0x51: {  	_ =	shalt  }
0x52: {  	_ =	shalt  }
0x53: {  	_ =	shalt  }
0x54: {  	_ =	shalt  }
0x55: {  	_ =	shalt  }
0x56: {  	_ =	shalt  }
0x57: {  	_ =	shalt  }
0x58: {  	_ =	shalt  }
0x59: {  	_ =	shalt  }
0x5a: {  	_ =	shalt  }
0x5b: {  	_ =	shalt  }
0x5c: {  	_ =	shalt  }
0x5d: {  	_ =	shalt  }
0x5e: {  	_ =	shalt  }
0x5f: {  	_ =	shalt  }
0x60: {  	_ =	shalt  }
0x61: {  	_ =	shalt  }
0x62: {  	_ =	shalt  }
0x63: {  	_ =	shalt  }
0x64: {  	_ =	shalt  }
0x65: {  	_ =	shalt  }
0x66: {  	_ =	shalt  }
0x67: {  	_ =	shalt  }
0x68: {  	_ =	shalt  }
0x69: {  	_ =	shalt  }
0x6a: {  	_ =	shalt  }
0x6b: {  	_ =	shalt  }
0x6c: {  	_ =	shalt  }
0x6d: {  	_ =	shalt  }
0x6e: {  	_ =	shalt  }
0x6f: {  	_ =	shalt  }
0x70: {  	_ =	shalt  }
0x71: {  	_ =	shalt  }
0x72: {  	_ =	shalt  }
0x73: {  	_ =	shalt  }
0x74: {  	_ =	shalt  }
0x75: {  	_ =	shalt  }
0x76: {  	_ =	shalt  }
0x77: {  	_ =	shalt  }
0x78: {  	_ =	shalt  }
0x79: {  	_ =	shalt  }
0x7a: {  	_ =	shalt  }
0x7b: {  	_ =	shalt  }
0x7c: {  	_ =	shalt  }
0x7d: {  	_ =	shalt  }
0x7e: {  	_ =	shalt  }
0x7f: {  	_ =	shalt  }
0x80: {  	_ =	shalt  }
0x81: {  	_ =	shalt  }
0x82: {  	_ =	shalt  }
0x83: {  	_ =	shalt  }
0x84: {  	_ =	shalt  }
0x85: {  	_ =	shalt  }
0x86: {  	_ =	shalt  }
0x87: {  	_ =	shalt  }
.Lfunc_end0:
.L_simem_size_0:
called_computation.1_lowered:
.L_overlay_start_0:
0x88: {  	s2 =	sld [smem:$0x3FD9]  }
0x89: {  	s3 =	sld [smem:$0x3FFE];
	_ =	sdelay $0x1  }
0x8a: {  	s1 =	srdreg.scid  }
0x8b: {  	s0 =	sand.u32 $0x1, s1  }
0x8c: {  	s16 =	sshll.u32 s0, $0xA;
	s2 =	sadd.s32 s3, s2  }
0x8d: {  	s2 =	sadd.s32 s2, s16  }
0x8e: {  	[smem:$0x3FC1] =	sst s2  }
0x8f: {  	_ = 	snop  }
0x90: {  	(tm) =	ssettm $0x1  }
0x91: {  	s17 =	sld [smem:$0x3FFB];
	_ =	sdelay $0x3  }
0x92: {  	_ =	strace s17  }
0x93: {  	s2 =	sld [smem:$0x3FFC];
	_ =	sdelay $0x3  }
0x94: {  	_ =	strace s2  }
0x95: {  	s2 =	sld [smem:$0x3FFD];
	_ =	sdelay $0x3  }
0x96: {  	_ =	strace s2  }
0x97: {  	_ =	strace $0x8FFFFFFF  }
0x98: {  	s18 =	sld [smem:$0x3FDB];
	_ =	sdelay $0x1  }
0x99: {  	s19 =	simm.s32 $_scs_section_size  }
0x9a: {  	s4 =	simm.s32 $_size__tile_overlayer_lowered;
	s5 =	simm.s32 $_tile_overlayer_lowered  }
0x9b: {  	s22 =	simm.s32 $0x1BFF;
	s21 =	sshll.u32 s5, $0x1;
	s2 =	sadd.s32 s19, s18  }
0x9c: {  	s6 =	simm.s32 $0x0;
	s20 =	sshll.u32 s4, $0x1;
	s4 =	sadd.s32 s21, s2  }
0x9d: {  	[timem:s6], [sflag:s22] =	dma.local [hbm:s4], s20  }
0x9e: {  	_ =	swait.ge [sflag:s22], s20  }
0x9f: {  	s3 =	ssub.s32 $0x0, s20;
	[sflag:s22] =	ssyncset.done $0x0  }
0xa0: {  	[sflag:s22] =	ssyncadd.s32 s3;
	_ =	sdelay $0x1  }
0xa1: {  	s23 =	simm.s32 $0x1B8B  }
0xa2: {  	_ =	swait.ge [sflag:s23], $0x1  }
0xa3: {  	[sflag:s23] =	ssyncset.done $0x0  }
0xa4: {  	s25 =	simm.s32 $0x1B8E;
	s24 =	sld [smem:$0x3FFE];
	[sflag:s23] =	ssyncadd.s32 $0xFFFFFFFF  }
0xa5: {  	s26 =	simm.s32 $execute0_lowered;
	[smem:$0x3FD2] =	sst s25  }
0xa6: {  	s4 =	sshll.u32 s26, $0x1;
	_ =	strace $0x80000049;
	[dreg:$0x1] =	wrdreg $0xFFFFFFFF  }
0xa7: {  	s28 =	simm.s32 $_size_execute0_lowered;
	s2 =	sadd.s32 s2, s4;
	[dreg:$0x0] =	wrdreg $0x0  }
0xa8: {  	s4 =	sshll.u32 s28, $0x1;
	[dreg:$0x2] =	wrdreg s2  }
0xa9: {  	[dreg:$0x3] =	wrdreg s4  }
0xaa: {  	[dreg:$0x4] =	wrdreg $0xC0  }
0xab: {  	_ =	task [dreg:s6], $0x5FFFF  }
0xac: {  	[dreg:$0x1] =	wrdreg $0xFFFFFFFF  }
0xad: {  	[dreg:$0x0] =	wrdreg $0x60  }
0xae: {  	[dreg:$0x2] =	wrdreg s24  }
0xaf: {  	[dreg:$0x3] =	wrdreg $0x9  }
0xb0: {  	_ =	task.clear_ibuf [dreg:s6], $0x4FFFF;
	_ =	strace $0x90000049  }
0xb1: {  	s29 =	simm.s32 $0x9;
	_ =	strace $0x8000004B  }
0xb2: {  	_ =	swait.ge [sflag:s29], $0x1  }
0xb3: {  	[sflag:s29] =	ssyncadd.s32 $0xFFFFFFFF  }
0xb4: {  	_ =	strace $0x9000004B  }
0xb5: {  	_ =	sfence  }
0xb6: {  	s30 =	sld [smem:$0x0];
	_ =	sdelay $0x2  }
0xb7: {  	s31 =	sshll.u32 s1, $0xD;
	s1 =	sshrl.u32 s1, $0x2  }
0xb8: {  	s3 =	sand.u32 $0x4000, s31;
	s1 =	sadd.s32 s1, s30  }
0xb9: {  	s0 =	sor.u32 s3, s0;
	s1 =	sshll.u32 s1, $0x11  }
0xba: {  	s0 =	sor.u32 s1, s0  }
0xbb: {  	s0 =	sadd.s32 $0x8F2B, s0  }
0xbc: {  	[sflag:s0] =	ssyncadd.remote.s32 $0x1  }
0xbd: {  	_ =	sfence.sel $0xFFFF  }
0xbe: {  	[dreg:$0x0] =	wrdreg $0xFFFFFFFF;
	(pc) =	sbr.abs _section_cstart, $3  }
0xbf: {  	[dreg:$0x1] =	wrdreg $0xFFFFFFFF  }
0xc0: {  	_ =	task.clear_ibuf [dreg:s6], $0x2FFFF;
	_ =	strace $0x9FFFFFFF  }
0xc1: {  	(tm) =	ssettm $0x7FFFFFFF  }
tec
execute0_lowered:
.L_overlay_start_1:
0x0: {  	(tag) =	ssettag $0x1  }
0x1: {  	s0 =	rddreg [dreg:$0x0]  }
0x2: {  	s1 =	srdreg.scid;
	s3 =	stileid.u32;
	s2 =	simm.s32 $0x0  }
0x3: {  	s12 =	simm.s32 $0x880;
	s13 =	simm.s32 $0x1080;
	s14 =	simm.s32 $0x1880  }
0x4: {  	s15 =	simm.s32 $0x2080;
	s16 =	simm.s32 $0x2880;
	s17 =	simm.s32 $0x3080  }
0x5: {  	s18 =	simm.s32 $0x3880;
	s19 =	simm.s32 $0x4080;
	s20 =	simm.s32 $0x4880  }
0x6: {  	s21 =	simm.s32 $0x5080;
	s28 =	simm.s32 $0x8080;
	s29 =	simm.s32 $0x8880  }
0x7: {  	s30 =	simm.s32 $0x9080;
	s31 =	simm.s32 $0x9880;
	s10 =	simm.s32 $0xB080  }
0x8: {  	s1 =	sand.u32 $0x1, s1;
	s3 =	sshll.u32 s3, $0x1;
	[smem:$0x7FF] =	sst s2  }
0x9: {  	s7 =	sadd.s32 $0xC1C00, s0;
	s6 =	sadd.s32 $0xC1800, s0;
	s3 =	sor.u32 s1, s3  }
0xa: {  	_ =	strace $0x8000004A;
	s1 =	ssub.s32 $0x2, s1;
	s4 =	smul.u32 $0xC0, s3  }
0xb: {  	s5 =	sshrl.u32 s1, $0x1;
	s9 =	smul.u32 $0x6000, s3;
	s3 =	sadd.s32 $0x1200, s0  }
0xc: {  	s1 =	ssub.s32 s1, s5;
	s5 =	sadd.s32 $0x1400, s0;
	s8 =	sshrl.u32 s4, $0x3  }
0xd: {  	s23 =	sadd.s32 s7, s9;
	s24 =	sadd.s32 $0x60, s4;
	s4 =	sadd.s32 $0x1300, s0  }
0xe: {  	s22 =	sadd.s32 s6, s8;
	[dreg:$0x3] =	wrdreg s23;
	s25 =	sshrl.u32 s24, $0x3  }
0xf: {  	s8 =	sshll.u32 s24, $0x7;
	s23 =	simm.s32 $0x6080;
	s24 =	simm.s32 $0x6880  }
0x10: {  	[dreg:$0x2] =	wrdreg s22;
	s9 =	sadd.s32 s6, s25;
	s6 =	sadd.s32 $0x1500, s0  }
0x11: {  	v2 =	vlaneseq.u32;
	s26 =	sadd.s32 s7, s8;
	s7 =	smax.u32 s1, $0x1;
	s8 =	simm.s32 $0x1  }
0x12: {  	vm0 =	vmmov $0xffff;
	v1 =	vshrl.u32 v2, $0x3;
	s22 =	simm.s32 $0x5880;
	s25 =	simm.s32 $0x7080;
	[dreg:$0x4] =	wrdreg s9  }
0x13: {  	v0 =	vand.u32 $0x7, v2;
	v2 =	vor.u32 $0x8, v2;
	v1 =	vmul.u32 $0x8, v1;
	[dreg:$0x5] =	wrdreg s26;
	s26 =	simm.s32 $0x7880;
	s9 =	simm.s32 $0xB880  }
.LBB2_1:
0x14: {  	s11 =	rddreg [dreg:$0x2]  }
0x15: {  	[tilespmem:s2], [sflag:$0x1] =	stream.linear.gather [hbm4b:s11+s2], $0x60, $0x38;
	[tilespmem:$0x18080] =	vst v63  }
0x16: {  	_ =	swait.ge [sflag:s8], $0x60  }
0x17: {  	[sflag:s8] =	ssyncset.done $0x0  }
0x18: {  	s0 =	simm.s32 $0x80;
	s1 =	rddreg [dreg:$0x3];
	[sflag:s8] =	ssyncadd.s32 $0xFFFFFFA0  }
0x19: {  	[tilespmem:s0], [sflag:$0x1] =	stream.linear.gather [hbm4b:s1+s2], $0x18000, $0x38;
	[tilespmem:$0x18080] =	vst v63  }
0x1a: {  	_ =	swait.ge [sflag:s8], $0x18000  }
0x1b: {  	[sflag:s8] =	ssyncset.done $0x0  }
0x1c: {  	[sflag:s8] =	ssyncadd.s32 $0xFFFE8000  }
0x1d: {  	v3 =	vld [tilespmem:$0x0];
	_ =	sdelay $0x4  }
0x1e: {  	v4 =	vshll.u32 v3, $0x3  }
0x1f: {  	v3 =	vand.u32 $0x7, v3;
	v4 =	vand.u32 $0xFFFFFFC0, v4  }
0x20: {  	v3 =	vor.u32 v3, v4  }
0x21: {  	v4 =	vperm.xlane v3, v0;
	_ =	sdelay $0x1  }
0x22: {  	v4 =	vadd.s32 v1, v4;
	_ =	sdelay $0x4  }
0x23: {  	[hbm4b:s3+s2] =	stream.indirect_vreg.scatter [tilespmem:s0], [sflag:$0x1], $0x80, v4, vm0, $0xb8;
	[tilespmem:$0x18080] =	vst v63  }
0x24: {  	v3 =	vperm.xlane v3, v2  }
0x25: {  	[hbm4b:s4+s2] =	stream.indirect_vreg.scatter [tilespmem:s12], [sflag:$0x1], $0x80, v4, vm0, $0xb8;
	[tilespmem:$0x18080] =	vst v63  }
0x26: {  	v3 =	vadd.s32 v1, v3  }
0x27: {  	[hbm4b:s5+s2] =	stream.indirect_vreg.scatter [tilespmem:s13], [sflag:$0x1], $0x80, v4, vm0, $0xb8;
	[tilespmem:$0x18080] =	vst v63  }
0x28: {  	_ = 	snop  }
0x29: {  	[hbm4b:s6+s2] =	stream.indirect_vreg.scatter [tilespmem:s14], [sflag:$0x1], $0x80, v4, vm0, $0xb8;
	[tilespmem:$0x18080] =	vst v63  }
0x2a: {  	_ = 	snop  }
0x2b: {  	[hbm4b:s3+s2] =	stream.indirect_vreg.scatter [tilespmem:s15], [sflag:$0x1], $0x80, v3, vm0, $0xb8;
	[tilespmem:$0x18080] =	vst v63  }
0x2c: {  	_ = 	snop  }
0x2d: {  	[hbm4b:s4+s2] =	stream.indirect_vreg.scatter [tilespmem:s16], [sflag:$0x1], $0x80, v3, vm0, $0xb8;
	[tilespmem:$0x18080] =	vst v63  }
0x2e: {  	_ = 	snop  }
0x2f: {  	[hbm4b:s5+s2] =	stream.indirect_vreg.scatter [tilespmem:s17], [sflag:$0x1], $0x80, v3, vm0, $0xb8;
	[tilespmem:$0x18080] =	vst v63  }
0x30: {  	_ = 	snop  }
0x31: {  	[hbm4b:s6+s2] =	stream.indirect_vreg.scatter [tilespmem:s18], [sflag:$0x1], $0x80, v3, vm0, $0xb8;
	[tilespmem:$0x18080] =	vst v63  }
0x32: {  	v3 =	vld [tilespmem:$0x10];
	_ =	sdelay $0x4  }
0x33: {  	v53 =	vshll.u32 v3, $0x3  }
0x34: {  	v3 =	vand.u32 $0x7, v3;
	v4 =	vand.u32 $0xFFFFFFC0, v53  }
0x35: {  	v3 =	vor.u32 v3, v4  }
0x36: {  	v4 =	vperm.xlane v3, v0;
	_ =	sdelay $0x1  }
0x37: {  	v4 =	vadd.s32 v1, v4;
	_ =	sdelay $0x4  }
0x38: {  	[hbm4b:s3+s2] =	stream.indirect_vreg.scatter [tilespmem:s19], [sflag:$0x1], $0x80, v4, vm0, $0xb8;
	[tilespmem:$0x18080] =	vst v63  }
0x39: {  	v3 =	vperm.xlane v3, v2  }
0x3a: {  	[hbm4b:s4+s2] =	stream.indirect_vreg.scatter [tilespmem:s20], [sflag:$0x1], $0x80, v4, vm0, $0xb8;
	[tilespmem:$0x18080] =	vst v63  }
0x3b: {  	v3 =	vadd.s32 v1, v3  }
0x3c: {  	[hbm4b:s5+s2] =	stream.indirect_vreg.scatter [tilespmem:s21], [sflag:$0x1], $0x80, v4, vm0, $0xb8;
	[tilespmem:$0x18080] =	vst v63  }
0x3d: {  	_ = 	snop  }
0x3e: {  	[hbm4b:s6+s2] =	stream.indirect_vreg.scatter [tilespmem:s22], [sflag:$0x1], $0x80, v4, vm0, $0xb8;
	[tilespmem:$0x18080] =	vst v63  }
0x3f: {  	_ = 	snop  }
0x40: {  	[hbm4b:s3+s2] =	stream.indirect_vreg.scatter [tilespmem:s23], [sflag:$0x1], $0x80, v3, vm0, $0xb8;
	[tilespmem:$0x18080] =	vst v63  }
0x41: {  	_ = 	snop  }
0x42: {  	[hbm4b:s4+s2] =	stream.indirect_vreg.scatter [tilespmem:s24], [sflag:$0x1], $0x80, v3, vm0, $0xb8;
	[tilespmem:$0x18080] =	vst v63  }
0x43: {  	_ = 	snop  }
0x44: {  	[hbm4b:s5+s2] =	stream.indirect_vreg.scatter [tilespmem:s25], [sflag:$0x1], $0x80, v3, vm0, $0xb8;
	[tilespmem:$0x18080] =	vst v63  }
0x45: {  	_ = 	snop  }
0x46: {  	[hbm4b:s6+s2] =	stream.indirect_vreg.scatter [tilespmem:s26], [sflag:$0x1], $0x80, v3, vm0, $0xb8;
	[tilespmem:$0x18080] =	vst v63  }
0x47: {  	v3 =	vld [tilespmem:$0x20];
	_ =	sdelay $0x4  }
0x48: {  	v54 =	vshll.u32 v3, $0x3  }
0x49: {  	v3 =	vand.u32 $0x7, v3;
	v4 =	vand.u32 $0xFFFFFFC0, v54  }
0x4a: {  	v3 =	vor.u32 v3, v4  }
0x4b: {  	v4 =	vperm.xlane v3, v0;
	_ =	sdelay $0x1  }
0x4c: {  	v4 =	vadd.s32 v1, v4;
	_ =	sdelay $0x4  }
0x4d: {  	[hbm4b:s3+s2] =	stream.indirect_vreg.scatter [tilespmem:s28], [sflag:$0x1], $0x80, v4, vm0, $0xb8;
	[tilespmem:$0x18080] =	vst v63  }
0x4e: {  	v3 =	vperm.xlane v3, v2  }
0x4f: {  	[hbm4b:s4+s2] =	stream.indirect_vreg.scatter [tilespmem:s29], [sflag:$0x1], $0x80, v4, vm0, $0xb8;
	[tilespmem:$0x18080] =	vst v63  }
0x50: {  	v3 =	vadd.s32 v1, v3  }
0x51: {  	[hbm4b:s5+s2] =	stream.indirect_vreg.scatter [tilespmem:s30], [sflag:$0x1], $0x80, v4, vm0, $0xb8;
	[tilespmem:$0x18080] =	vst v63  }
0x52: {  	_ = 	snop  }
0x53: {  	[hbm4b:s6+s2] =	stream.indirect_vreg.scatter [tilespmem:s31], [sflag:$0x1], $0x80, v4, vm0, $0xb8;
	[tilespmem:$0x18080] =	vst v63  }
0x54: {  	s1 =	simm.s32 $0xA080  }
0x55: {  	[hbm4b:s3+s2] =	stream.indirect_vreg.scatter [tilespmem:s1], [sflag:$0x1], $0x80, v3, vm0, $0xb8;
	[tilespmem:$0x18080] =	vst v63  }
0x56: {  	s1 =	simm.s32 $0xA880  }
0x57: {  	[hbm4b:s4+s2] =	stream.indirect_vreg.scatter [tilespmem:s1], [sflag:$0x1], $0x80, v3, vm0, $0xb8;
	[tilespmem:$0x18080] =	vst v63  }
0x58: {  	_ = 	snop  }
0x59: {  	[hbm4b:s5+s2] =	stream.indirect_vreg.scatter [tilespmem:s10], [sflag:$0x1], $0x80, v3, vm0, $0xb8;
	[tilespmem:$0x18080] =	vst v63  }
0x5a: {  	_ = 	snop  }
0x5b: {  	[hbm4b:s6+s2] =	stream.indirect_vreg.scatter [tilespmem:s9], [sflag:$0x1], $0x80, v3, vm0, $0xb8;
	[tilespmem:$0x18080] =	vst v63  }
0x5c: {  	v3 =	vld [tilespmem:$0x30];
	_ =	sdelay $0x4  }
0x5d: {  	v55 =	vshll.u32 v3, $0x3  }
0x5e: {  	v3 =	vand.u32 $0x7, v3;
	v4 =	vand.u32 $0xFFFFFFC0, v55  }
0x5f: {  	v3 =	vor.u32 v3, v4  }
0x60: {  	v4 =	vperm.xlane v3, v0;
	_ =	sdelay $0x1  }
0x61: {  	v4 =	vadd.s32 v1, v4;
	_ =	sdelay $0x3  }
0x62: {  	s11 =	simm.s32 $0xC080  }
0x63: {  	[hbm4b:s3+s2] =	stream.indirect_vreg.scatter [tilespmem:s11], [sflag:$0x1], $0x80, v4, vm0, $0xb8;
	[tilespmem:$0x18080] =	vst v63  }
0x64: {  	v3 =	vperm.xlane v3, v2;
	s11 =	simm.s32 $0xC880  }
0x65: {  	[hbm4b:s4+s2] =	stream.indirect_vreg.scatter [tilespmem:s11], [sflag:$0x1], $0x80, v4, vm0, $0xb8;
	[tilespmem:$0x18080] =	vst v63  }
0x66: {  	v3 =	vadd.s32 v1, v3;
	s11 =	simm.s32 $0xD080  }
0x67: {  	[hbm4b:s5+s2] =	stream.indirect_vreg.scatter [tilespmem:s11], [sflag:$0x1], $0x80, v4, vm0, $0xb8;
	[tilespmem:$0x18080] =	vst v63  }
0x68: {  	s11 =	simm.s32 $0xD880  }
0x69: {  	[hbm4b:s6+s2] =	stream.indirect_vreg.scatter [tilespmem:s11], [sflag:$0x1], $0x80, v4, vm0, $0xb8;
	[tilespmem:$0x18080] =	vst v63  }
0x6a: {  	s11 =	simm.s32 $0xE080  }
0x6b: {  	[hbm4b:s3+s2] =	stream.indirect_vreg.scatter [tilespmem:s11], [sflag:$0x1], $0x80, v3, vm0, $0xb8;
	[tilespmem:$0x18080] =	vst v63  }
0x6c: {  	s11 =	simm.s32 $0xE880  }
0x6d: {  	[hbm4b:s4+s2] =	stream.indirect_vreg.scatter [tilespmem:s11], [sflag:$0x1], $0x80, v3, vm0, $0xb8;
	[tilespmem:$0x18080] =	vst v63  }
0x6e: {  	s11 =	simm.s32 $0xF080  }
0x6f: {  	[hbm4b:s5+s2] =	stream.indirect_vreg.scatter [tilespmem:s11], [sflag:$0x1], $0x80, v3, vm0, $0xb8;
	[tilespmem:$0x18080] =	vst v63  }
0x70: {  	s11 =	simm.s32 $0xF880  }
0x71: {  	[hbm4b:s6+s2] =	stream.indirect_vreg.scatter [tilespmem:s11], [sflag:$0x1], $0x80, v3, vm0, $0xb8;
	[tilespmem:$0x18080] =	vst v63  }
0x72: {  	v3 =	vld [tilespmem:$0x40];
	_ =	sdelay $0x4  }
0x73: {  	v56 =	vshll.u32 v3, $0x3  }
0x74: {  	v3 =	vand.u32 $0x7, v3;
	v4 =	vand.u32 $0xFFFFFFC0, v56  }
0x75: {  	v3 =	vor.u32 v3, v4  }
0x76: {  	v4 =	vperm.xlane v3, v0;
	_ =	sdelay $0x1  }
0x77: {  	v4 =	vadd.s32 v1, v4;
	_ =	sdelay $0x3  }
0x78: {  	s11 =	simm.s32 $0x10080  }
0x79: {  	[hbm4b:s3+s2] =	stream.indirect_vreg.scatter [tilespmem:s11], [sflag:$0x1], $0x80, v4, vm0, $0xb8;
	[tilespmem:$0x18080] =	vst v63  }
0x7a: {  	v3 =	vperm.xlane v3, v2;
	s11 =	simm.s32 $0x10880  }
0x7b: {  	[hbm4b:s4+s2] =	stream.indirect_vreg.scatter [tilespmem:s11], [sflag:$0x1], $0x80, v4, vm0, $0xb8;
	[tilespmem:$0x18080] =	vst v63  }
0x7c: {  	v3 =	vadd.s32 v1, v3;
	s11 =	simm.s32 $0x11080  }
0x7d: {  	[hbm4b:s5+s2] =	stream.indirect_vreg.scatter [tilespmem:s11], [sflag:$0x1], $0x80, v4, vm0, $0xb8;
	[tilespmem:$0x18080] =	vst v63  }
0x7e: {  	s11 =	simm.s32 $0x11880  }
0x7f: {  	[hbm4b:s6+s2] =	stream.indirect_vreg.scatter [tilespmem:s11], [sflag:$0x1], $0x80, v4, vm0, $0xb8;
	[tilespmem:$0x18080] =	vst v63  }
0x80: {  	s11 =	simm.s32 $0x12080  }
0x81: {  	[hbm4b:s3+s2] =	stream.indirect_vreg.scatter [tilespmem:s11], [sflag:$0x1], $0x80, v3, vm0, $0xb8;
	[tilespmem:$0x18080] =	vst v63  }
0x82: {  	s11 =	simm.s32 $0x12880  }
0x83: {  	[hbm4b:s4+s2] =	stream.indirect_vreg.scatter [tilespmem:s11], [sflag:$0x1], $0x80, v3, vm0, $0xb8;
	[tilespmem:$0x18080] =	vst v63  }
0x84: {  	s11 =	simm.s32 $0x13080  }
0x85: {  	[hbm4b:s5+s2] =	stream.indirect_vreg.scatter [tilespmem:s11], [sflag:$0x1], $0x80, v3, vm0, $0xb8;
	[tilespmem:$0x18080] =	vst v63  }
0x86: {  	s11 =	simm.s32 $0x13880  }
0x87: {  	[hbm4b:s6+s2] =	stream.indirect_vreg.scatter [tilespmem:s11], [sflag:$0x1], $0x80, v3, vm0, $0xb8;
	[tilespmem:$0x18080] =	vst v63  }
0x88: {  	v3 =	vld [tilespmem:$0x50];
	_ =	sdelay $0x4  }
0x89: {  	v57 =	vshll.u32 v3, $0x3  }
0x8a: {  	v3 =	vand.u32 $0x7, v3;
	v4 =	vand.u32 $0xFFFFFFC0, v57  }
0x8b: {  	v3 =	vor.u32 v3, v4  }
0x8c: {  	v4 =	vperm.xlane v3, v0;
	_ =	sdelay $0x1  }
0x8d: {  	v4 =	vadd.s32 v1, v4;
	_ =	sdelay $0x3  }
0x8e: {  	s11 =	simm.s32 $0x14080  }
0x8f: {  	[hbm4b:s3+s2] =	stream.indirect_vreg.scatter [tilespmem:s11], [sflag:$0x1], $0x80, v4, vm0, $0xb8;
	[tilespmem:$0x18080] =	vst v63  }
0x90: {  	v3 =	vperm.xlane v3, v2;
	s11 =	simm.s32 $0x14880  }
0x91: {  	[hbm4b:s4+s2] =	stream.indirect_vreg.scatter [tilespmem:s11], [sflag:$0x1], $0x80, v4, vm0, $0xb8;
	[tilespmem:$0x18080] =	vst v63  }
0x92: {  	v3 =	vadd.s32 v1, v3;
	s11 =	simm.s32 $0x15080  }
0x93: {  	[hbm4b:s5+s2] =	stream.indirect_vreg.scatter [tilespmem:s11], [sflag:$0x1], $0x80, v4, vm0, $0xb8;
	[tilespmem:$0x18080] =	vst v63  }
0x94: {  	s11 =	simm.s32 $0x15880  }
0x95: {  	[hbm4b:s6+s2] =	stream.indirect_vreg.scatter [tilespmem:s11], [sflag:$0x1], $0x80, v4, vm0, $0xb8;
	[tilespmem:$0x18080] =	vst v63  }
0x96: {  	s11 =	simm.s32 $0x16080  }
0x97: {  	[hbm4b:s3+s2] =	stream.indirect_vreg.scatter [tilespmem:s11], [sflag:$0x1], $0x80, v3, vm0, $0xb8;
	[tilespmem:$0x18080] =	vst v63  }
0x98: {  	s11 =	simm.s32 $0x16880  }
0x99: {  	[hbm4b:s4+s2] =	stream.indirect_vreg.scatter [tilespmem:s11], [sflag:$0x1], $0x80, v3, vm0, $0xb8;
	[tilespmem:$0x18080] =	vst v63  }
0x9a: {  	s11 =	simm.s32 $0x17080  }
0x9b: {  	[hbm4b:s5+s2] =	stream.indirect_vreg.scatter [tilespmem:s11], [sflag:$0x1], $0x80, v3, vm0, $0xb8;
	[tilespmem:$0x18080] =	vst v63  }
0x9c: {  	s11 =	simm.s32 $0x17880  }
0x9d: {  	[hbm4b:s6+s2] =	stream.indirect_vreg.scatter [tilespmem:s11], [sflag:$0x1], $0x80, v3, vm0, $0xb8;
	[tilespmem:$0x18080] =	vst v63  }
0x9e: {  	_ =	swait.ge [sflag:s8], $0x18000  }
0x9f: {  	[sflag:s8] =	ssyncset.done $0x0  }
0xa0: {  	s11 =	rddreg [dreg:$0x4];
	[sflag:s8] =	ssyncadd.s32 $0xFFFE8000  }
0xa1: {  	[tilespmem:s2], [sflag:$0x1] =	stream.linear.gather [hbm4b:s11+s2], $0x60, $0x38;
	[tilespmem:$0x18080] =	vst v63  }
0xa2: {  	_ =	swait.ge [sflag:s8], $0x60  }
0xa3: {  	[sflag:s8] =	ssyncset.done $0x0  }
0xa4: {  	s11 =	rddreg [dreg:$0x5];
	[sflag:s8] =	ssyncadd.s32 $0xFFFFFFA0  }
0xa5: {  	[tilespmem:s0], [sflag:$0x1] =	stream.linear.gather [hbm4b:s11+s2], $0x18000, $0x38;
	[tilespmem:$0x18080] =	vst v63  }
0xa6: {  	_ =	swait.ge [sflag:s8], $0x18000  }
0xa7: {  	[sflag:s8] =	ssyncset.done $0x0  }
0xa8: {  	[sflag:s8] =	ssyncadd.s32 $0xFFFE8000  }
0xa9: {  	v3 =	vld [tilespmem:$0x0];
	_ =	sdelay $0x4  }
0xaa: {  	v58 =	vshll.u32 v3, $0x3  }
0xab: {  	v3 =	vand.u32 $0x7, v3;
	v4 =	vand.u32 $0xFFFFFFC0, v58  }
0xac: {  	v3 =	vor.u32 v3, v4  }
0xad: {  	v4 =	vperm.xlane v3, v0;
	_ =	sdelay $0x1  }
0xae: {  	v4 =	vadd.s32 v1, v4;
	_ =	sdelay $0x4  }
0xaf: {  	[hbm4b:s3+s2] =	stream.indirect_vreg.scatter [tilespmem:s0], [sflag:$0x1], $0x80, v4, vm0, $0xb8;
	[tilespmem:$0x18080] =	vst v63  }
0xb0: {  	v3 =	vperm.xlane v3, v2  }
0xb1: {  	[hbm4b:s4+s2] =	stream.indirect_vreg.scatter [tilespmem:s12], [sflag:$0x1], $0x80, v4, vm0, $0xb8;
	[tilespmem:$0x18080] =	vst v63  }
0xb2: {  	v3 =	vadd.s32 v1, v3  }
0xb3: {  	[hbm4b:s5+s2] =	stream.indirect_vreg.scatter [tilespmem:s13], [sflag:$0x1], $0x80, v4, vm0, $0xb8;
	[tilespmem:$0x18080] =	vst v63  }
0xb4: {  	_ = 	snop  }
0xb5: {  	[hbm4b:s6+s2] =	stream.indirect_vreg.scatter [tilespmem:s14], [sflag:$0x1], $0x80, v4, vm0, $0xb8;
	[tilespmem:$0x18080] =	vst v63  }
0xb6: {  	_ = 	snop  }
0xb7: {  	[hbm4b:s3+s2] =	stream.indirect_vreg.scatter [tilespmem:s15], [sflag:$0x1], $0x80, v3, vm0, $0xb8;
	[tilespmem:$0x18080] =	vst v63  }
0xb8: {  	_ = 	snop  }
0xb9: {  	[hbm4b:s4+s2] =	stream.indirect_vreg.scatter [tilespmem:s16], [sflag:$0x1], $0x80, v3, vm0, $0xb8;
	[tilespmem:$0x18080] =	vst v63  }
0xba: {  	_ = 	snop  }
0xbb: {  	[hbm4b:s5+s2] =	stream.indirect_vreg.scatter [tilespmem:s17], [sflag:$0x1], $0x80, v3, vm0, $0xb8;
	[tilespmem:$0x18080] =	vst v63  }
0xbc: {  	_ = 	snop  }
0xbd: {  	[hbm4b:s6+s2] =	stream.indirect_vreg.scatter [tilespmem:s18], [sflag:$0x1], $0x80, v3, vm0, $0xb8;
	[tilespmem:$0x18080] =	vst v63  }
0xbe: {  	v3 =	vld [tilespmem:$0x10];
	_ =	sdelay $0x4  }
0xbf: {  	v59 =	vshll.u32 v3, $0x3  }
0xc0: {  	v3 =	vand.u32 $0x7, v3;
	v4 =	vand.u32 $0xFFFFFFC0, v59  }
0xc1: {  	v3 =	vor.u32 v3, v4  }
0xc2: {  	v4 =	vperm.xlane v3, v0;
	_ =	sdelay $0x1  }
0xc3: {  	v4 =	vadd.s32 v1, v4;
	_ =	sdelay $0x4  }
0xc4: {  	[hbm4b:s3+s2] =	stream.indirect_vreg.scatter [tilespmem:s19], [sflag:$0x1], $0x80, v4, vm0, $0xb8;
	[tilespmem:$0x18080] =	vst v63  }
0xc5: {  	v3 =	vperm.xlane v3, v2  }
0xc6: {  	[hbm4b:s4+s2] =	stream.indirect_vreg.scatter [tilespmem:s20], [sflag:$0x1], $0x80, v4, vm0, $0xb8;
	[tilespmem:$0x18080] =	vst v63  }
0xc7: {  	v3 =	vadd.s32 v1, v3  }
0xc8: {  	[hbm4b:s5+s2] =	stream.indirect_vreg.scatter [tilespmem:s21], [sflag:$0x1], $0x80, v4, vm0, $0xb8;
	[tilespmem:$0x18080] =	vst v63  }
0xc9: {  	_ = 	snop  }
0xca: {  	[hbm4b:s6+s2] =	stream.indirect_vreg.scatter [tilespmem:s22], [sflag:$0x1], $0x80, v4, vm0, $0xb8;
	[tilespmem:$0x18080] =	vst v63  }
0xcb: {  	_ = 	snop  }
0xcc: {  	[hbm4b:s3+s2] =	stream.indirect_vreg.scatter [tilespmem:s23], [sflag:$0x1], $0x80, v3, vm0, $0xb8;
	[tilespmem:$0x18080] =	vst v63  }
0xcd: {  	_ = 	snop  }
0xce: {  	[hbm4b:s4+s2] =	stream.indirect_vreg.scatter [tilespmem:s24], [sflag:$0x1], $0x80, v3, vm0, $0xb8;
	[tilespmem:$0x18080] =	vst v63  }
0xcf: {  	_ = 	snop  }
0xd0: {  	[hbm4b:s5+s2] =	stream.indirect_vreg.scatter [tilespmem:s25], [sflag:$0x1], $0x80, v3, vm0, $0xb8;
	[tilespmem:$0x18080] =	vst v63  }
0xd1: {  	_ = 	snop  }
0xd2: {  	[hbm4b:s6+s2] =	stream.indirect_vreg.scatter [tilespmem:s26], [sflag:$0x1], $0x80, v3, vm0, $0xb8;
	[tilespmem:$0x18080] =	vst v63  }
0xd3: {  	v3 =	vld [tilespmem:$0x20];
	_ =	sdelay $0x4  }
0xd4: {  	v60 =	vshll.u32 v3, $0x3  }
0xd5: {  	v3 =	vand.u32 $0x7, v3;
	v4 =	vand.u32 $0xFFFFFFC0, v60  }
0xd6: {  	v3 =	vor.u32 v3, v4  }
0xd7: {  	v4 =	vperm.xlane v3, v0;
	_ =	sdelay $0x1  }
0xd8: {  	v4 =	vadd.s32 v1, v4;
	_ =	sdelay $0x4  }
0xd9: {  	[hbm4b:s3+s2] =	stream.indirect_vreg.scatter [tilespmem:s28], [sflag:$0x1], $0x80, v4, vm0, $0xb8;
	[tilespmem:$0x18080] =	vst v63  }
0xda: {  	v3 =	vperm.xlane v3, v2  }
0xdb: {  	[hbm4b:s4+s2] =	stream.indirect_vreg.scatter [tilespmem:s29], [sflag:$0x1], $0x80, v4, vm0, $0xb8;
	[tilespmem:$0x18080] =	vst v63  }
0xdc: {  	v3 =	vadd.s32 v1, v3  }
0xdd: {  	[hbm4b:s5+s2] =	stream.indirect_vreg.scatter [tilespmem:s30], [sflag:$0x1], $0x80, v4, vm0, $0xb8;
	[tilespmem:$0x18080] =	vst v63  }
0xde: {  	_ = 	snop  }
0xdf: {  	[hbm4b:s6+s2] =	stream.indirect_vreg.scatter [tilespmem:s31], [sflag:$0x1], $0x80, v4, vm0, $0xb8;
	[tilespmem:$0x18080] =	vst v63  }
0xe0: {  	s11 =	simm.s32 $0xA080  }
0xe1: {  	[hbm4b:s3+s2] =	stream.indirect_vreg.scatter [tilespmem:s11], [sflag:$0x1], $0x80, v3, vm0, $0xb8;
	[tilespmem:$0x18080] =	vst v63  }
0xe2: {  	_ = 	snop  }
0xe3: {  	[hbm4b:s4+s2] =	stream.indirect_vreg.scatter [tilespmem:s1], [sflag:$0x1], $0x80, v3, vm0, $0xb8;
	[tilespmem:$0x18080] =	vst v63  }
0xe4: {  	_ = 	snop  }
0xe5: {  	[hbm4b:s5+s2] =	stream.indirect_vreg.scatter [tilespmem:s10], [sflag:$0x1], $0x80, v3, vm0, $0xb8;
	[tilespmem:$0x18080] =	vst v63  }
0xe6: {  	_ = 	snop  }
0xe7: {  	[hbm4b:s6+s2] =	stream.indirect_vreg.scatter [tilespmem:s9], [sflag:$0x1], $0x80, v3, vm0, $0xb8;
	[tilespmem:$0x18080] =	vst v63  }
0xe8: {  	v3 =	vld [tilespmem:$0x30];
	_ =	sdelay $0x4  }
0xe9: {  	v61 =	vshll.u32 v3, $0x3  }
0xea: {  	v3 =	vand.u32 $0x7, v3;
	v4 =	vand.u32 $0xFFFFFFC0, v61  }
0xeb: {  	v3 =	vor.u32 v3, v4  }
0xec: {  	v4 =	vperm.xlane v3, v0;
	_ =	sdelay $0x1  }
0xed: {  	v4 =	vadd.s32 v1, v4;
	_ =	sdelay $0x3  }
0xee: {  	s1 =	simm.s32 $0xC080  }
0xef: {  	[hbm4b:s3+s2] =	stream.indirect_vreg.scatter [tilespmem:s1], [sflag:$0x1], $0x80, v4, vm0, $0xb8;
	[tilespmem:$0x18080] =	vst v63  }
0xf0: {  	s11 =	simm.s32 $0xC880;
	v3 =	vperm.xlane v3, v2  }
0xf1: {  	[hbm4b:s4+s2] =	stream.indirect_vreg.scatter [tilespmem:s11], [sflag:$0x1], $0x80, v4, vm0, $0xb8;
	[tilespmem:$0x18080] =	vst v63  }
0xf2: {  	v3 =	vadd.s32 v1, v3;
	s1 =	simm.s32 $0xD080  }
0xf3: {  	[hbm4b:s5+s2] =	stream.indirect_vreg.scatter [tilespmem:s1], [sflag:$0x1], $0x80, v4, vm0, $0xb8;
	[tilespmem:$0x18080] =	vst v63  }
0xf4: {  	s11 =	simm.s32 $0xD880  }
0xf5: {  	[hbm4b:s6+s2] =	stream.indirect_vreg.scatter [tilespmem:s11], [sflag:$0x1], $0x80, v4, vm0, $0xb8;
	[tilespmem:$0x18080] =	vst v63  }
0xf6: {  	s1 =	simm.s32 $0xE080  }
0xf7: {  	[hbm4b:s3+s2] =	stream.indirect_vreg.scatter [tilespmem:s1], [sflag:$0x1], $0x80, v3, vm0, $0xb8;
	[tilespmem:$0x18080] =	vst v63  }
0xf8: {  	s11 =	simm.s32 $0xE880  }
0xf9: {  	[hbm4b:s4+s2] =	stream.indirect_vreg.scatter [tilespmem:s11], [sflag:$0x1], $0x80, v3, vm0, $0xb8;
	[tilespmem:$0x18080] =	vst v63  }
0xfa: {  	s1 =	simm.s32 $0xF080  }
0xfb: {  	[hbm4b:s5+s2] =	stream.indirect_vreg.scatter [tilespmem:s1], [sflag:$0x1], $0x80, v3, vm0, $0xb8;
	[tilespmem:$0x18080] =	vst v63  }
0xfc: {  	s11 =	simm.s32 $0xF880  }
0xfd: {  	[hbm4b:s6+s2] =	stream.indirect_vreg.scatter [tilespmem:s11], [sflag:$0x1], $0x80, v3, vm0, $0xb8;
	[tilespmem:$0x18080] =	vst v63  }
0xfe: {  	v3 =	vld [tilespmem:$0x40];
	_ =	sdelay $0x4  }
0xff: {  	v62 =	vshll.u32 v3, $0x3  }
0x100: {  	v3 =	vand.u32 $0x7, v3;
	v4 =	vand.u32 $0xFFFFFFC0, v62  }
0x101: {  	v3 =	vor.u32 v3, v4  }
0x102: {  	v4 =	vperm.xlane v3, v0;
	_ =	sdelay $0x1  }
0x103: {  	v4 =	vadd.s32 v1, v4;
	_ =	sdelay $0x3  }
0x104: {  	s1 =	simm.s32 $0x10080  }
0x105: {  	[hbm4b:s3+s2] =	stream.indirect_vreg.scatter [tilespmem:s1], [sflag:$0x1], $0x80, v4, vm0, $0xb8;
	[tilespmem:$0x18080] =	vst v63  }
0x106: {  	s11 =	simm.s32 $0x10880;
	v3 =	vperm.xlane v3, v2  }
0x107: {  	[hbm4b:s4+s2] =	stream.indirect_vreg.scatter [tilespmem:s11], [sflag:$0x1], $0x80, v4, vm0, $0xb8;
	[tilespmem:$0x18080] =	vst v63  }
0x108: {  	v3 =	vadd.s32 v1, v3;
	s1 =	simm.s32 $0x11080  }
0x109: {  	[hbm4b:s5+s2] =	stream.indirect_vreg.scatter [tilespmem:s1], [sflag:$0x1], $0x80, v4, vm0, $0xb8;
	[tilespmem:$0x18080] =	vst v63  }
0x10a: {  	s11 =	simm.s32 $0x11880  }
0x10b: {  	[hbm4b:s6+s2] =	stream.indirect_vreg.scatter [tilespmem:s11], [sflag:$0x1], $0x80, v4, vm0, $0xb8;
	[tilespmem:$0x18080] =	vst v63  }
0x10c: {  	s1 =	simm.s32 $0x12080  }
0x10d: {  	[hbm4b:s3+s2] =	stream.indirect_vreg.scatter [tilespmem:s1], [sflag:$0x1], $0x80, v3, vm0, $0xb8;
	[tilespmem:$0x18080] =	vst v63  }
0x10e: {  	s11 =	simm.s32 $0x12880  }
0x10f: {  	[hbm4b:s4+s2] =	stream.indirect_vreg.scatter [tilespmem:s11], [sflag:$0x1], $0x80, v3, vm0, $0xb8;
	[tilespmem:$0x18080] =	vst v63  }
0x110: {  	s1 =	simm.s32 $0x13080  }
0x111: {  	[hbm4b:s5+s2] =	stream.indirect_vreg.scatter [tilespmem:s1], [sflag:$0x1], $0x80, v3, vm0, $0xb8;
	[tilespmem:$0x18080] =	vst v63  }
0x112: {  	s11 =	simm.s32 $0x13880  }
0x113: {  	[hbm4b:s6+s2] =	stream.indirect_vreg.scatter [tilespmem:s11], [sflag:$0x1], $0x80, v3, vm0, $0xb8;
	[tilespmem:$0x18080] =	vst v63  }
0x114: {  	v3 =	vld [tilespmem:$0x50];
	_ =	sdelay $0x4  }
0x115: {  	v63 =	vshll.u32 v3, $0x3  }
0x116: {  	v3 =	vand.u32 $0x7, v3;
	v4 =	vand.u32 $0xFFFFFFC0, v63  }
0x117: {  	v3 =	vor.u32 v3, v4  }
0x118: {  	v4 =	vperm.xlane v3, v0;
	_ =	sdelay $0x1  }
0x119: {  	v4 =	vadd.s32 v1, v4;
	_ =	sdelay $0x3  }
0x11a: {  	s1 =	simm.s32 $0x14080  }
0x11b: {  	[hbm4b:s3+s2] =	stream.indirect_vreg.scatter [tilespmem:s1], [sflag:$0x1], $0x80, v4, vm0, $0xb8;
	[tilespmem:$0x18080] =	vst v63  }
0x11c: {  	s11 =	simm.s32 $0x14880;
	v3 =	vperm.xlane v3, v2  }
0x11d: {  	[hbm4b:s4+s2] =	stream.indirect_vreg.scatter [tilespmem:s11], [sflag:$0x1], $0x80, v4, vm0, $0xb8;
	[tilespmem:$0x18080] =	vst v63  }
0x11e: {  	v3 =	vadd.s32 v1, v3;
	s1 =	simm.s32 $0x15080  }
0x11f: {  	[hbm4b:s5+s2] =	stream.indirect_vreg.scatter [tilespmem:s1], [sflag:$0x1], $0x80, v4, vm0, $0xb8;
	[tilespmem:$0x18080] =	vst v63  }
0x120: {  	s11 =	simm.s32 $0x15880  }
0x121: {  	[hbm4b:s6+s2] =	stream.indirect_vreg.scatter [tilespmem:s11], [sflag:$0x1], $0x80, v4, vm0, $0xb8;
	[tilespmem:$0x18080] =	vst v63  }
0x122: {  	s1 =	simm.s32 $0x16080  }
0x123: {  	[hbm4b:s3+s2] =	stream.indirect_vreg.scatter [tilespmem:s1], [sflag:$0x1], $0x80, v3, vm0, $0xb8;
	[tilespmem:$0x18080] =	vst v63  }
0x124: {  	s11 =	simm.s32 $0x16880  }
0x125: {  	[hbm4b:s4+s2] =	stream.indirect_vreg.scatter [tilespmem:s11], [sflag:$0x1], $0x80, v3, vm0, $0xb8;
	[tilespmem:$0x18080] =	vst v63  }
0x126: {  	p0 =	sne.s32 s7, $0x1;
	s1 =	simm.s32 $0x17080  }
0x127: {  	[hbm4b:s5+s2] =	stream.indirect_vreg.scatter [tilespmem:s1], [sflag:$0x1], $0x80, v3, vm0, $0xb8;
	[tilespmem:$0x18080] =	vst v63  }
.Ltmp0:
0x128: {  	s11 =	simm.s32 $0x17880;
	(pc) =	sbr.rel @p0 .LBB2_1-.Ltmp0, $4  }
0x129: {  	[hbm4b:s6+s2] =	stream.indirect_vreg.scatter [tilespmem:s11], [sflag:$0x1], $0x80, v3, vm0, $0xb8;
	[tilespmem:$0x18080] =	vst v63  }
0x12a: {  	_ =	swait.ge [sflag:s8], $0x18000  }
0x12b: {  	[sflag:s8] =	ssyncset.done $0x0  }
0x12c: {  	s7 =	sadd.s32 $0xFFFFFFFF, s7;
	[sflag:s8] =	ssyncadd.s32 $0xFFFE8000  }
0x12d: {  	_ =	sfence.sel $0x180000  }
0x12e: {  	[bflag:$0x0] =	sbarrier.arrive $0xFFFF  }
0x12f: {  	_ =	strace $0x9000004A  }
0x130: {  	s0 =	stileid.u32;
	[bflag:$0x2] =	sbarrier.arrive $0xFFFF  }
0x131: {  	p0 =	sne.s32 s0, $0x0;
	s0 =	rddreg [dreg:$0x1]  }
0x132: {  	s0 =	sadd.s32 @!p0 $0x100000, s0  }
0x133: {  	[sflag:s0] =	ssyncadd.tile.s32 @!p0 $0x1;
	_ =	shalt  }
.Lfunc_end2:
_tile_overlayer_lowered:
.L_overlay_start_2:
0x134: {  	(tag) =	ssettag $0x2  }
0x135: {  	s0 =	rddreg [dreg:$0x0];
	s2 =	stileid.u32  }
0x136: {  	s1 =	rddreg [dreg:$0x1];
	p0 =	sne.s32 s2, $0x0  }
0x137: {  	s3 =	rddreg [dreg:$0x2];
	[bflag:$0x3] =	sbarrier.arrive $0xFFFF;
	s2 =	simm.s32 @!p0 $0x1C01  }
0x138: {  	[timem:s3], [sflag:s2] =	dma.local @!p0 [hbm:s0], s1  }
0x139: {  	s0 =	simm.s32 @!p0 $0x1  }
0x13a: {  	_ =	swait.ge @!p0 [sflag:s0], s1  }
0x13b: {  	s1 =	ssub.s32 @!p0 $0x0, s1;
	[sflag:s0] =	ssyncset.done @!p0 $0x0  }
0x13c: {  	[sflag:s0] =	ssyncadd.s32 @!p0 s1  }
0x13d: {  	[bflag:$0x3] =	sbarrier.arrive $0xFFFF  }
0x13e: {  	_ =	shalt  }

</sc_bundles>
